<compile_context>
chip_gen: v7x
topology: tpu7x:2x2x1
jax: 0.10.2.dev20260603
libtpu: 0.0.44.dev20260713+nightly
codegen_flags: <defaults>
</compile_context>

<pallas_src>
import functools

import jax
import jax.numpy as jnp
from jax import lax
from jax.experimental import pallas as pl
from jax.experimental.pallas import tpu as pltpu
from jax.experimental.pallas import tpu_sc as plsc

N_EXP = 16
DM = 768
DF = 768
TOKENS = 2048
CHUNK = 256
XS_ROWS = 4480

NW = 32
TPW = TOKENS // NW


def _route_kernel(x_ref, gw_ref, pos0_ref, pos1_ref, p0_ref, p1_ref,
                  meta_ref, ohsum_scr, cum_scr):
    x = x_ref[...]
    logits = jnp.dot(x, gw_ref[...], preferred_element_type=jnp.float32)
    lanes = lax.broadcasted_iota(jnp.int32, logits.shape, 1)
    m1 = jnp.max(logits, axis=1, keepdims=True)
    a1 = jnp.min(jnp.where(logits == m1, lanes, N_EXP), axis=1, keepdims=True)
    masked = jnp.where(lanes == a1, -jnp.inf, logits)
    m2 = jnp.max(masked, axis=1, keepdims=True)
    a2 = jnp.min(jnp.where(masked == m2, lanes, N_EXP), axis=1, keepdims=True)
    q1 = 1.0 / (1.0 + jnp.exp(m2 - m1))
    q2 = 1.0 - q1

    oh0 = (lanes == a1).astype(jnp.float32)
    oh1 = (lanes == a2).astype(jnp.float32)
    ohsum_scr[...] = oh0 + oh1

    blk = TOKENS // 8
    r = lax.broadcasted_iota(jnp.int32, (blk, blk), 0)
    c = lax.broadcasted_iota(jnp.int32, (blk, blk), 1)
    tri = (c < r).astype(jnp.float32)
    carry = jnp.zeros((1, N_EXP), jnp.float32)
    for k in range(8):
        b = ohsum_scr[k * blk:(k + 1) * blk, :]
        cum_scr[k * blk:(k + 1) * blk, :] = (
            jnp.dot(tri, b, preferred_element_type=jnp.float32) + carry)
        carry = carry + jnp.sum(b, axis=0, keepdims=True)

    cnt = carry.astype(jnp.int32)
    cnt8 = ((cnt + 7) // 8) * 8
    ra = lax.broadcasted_iota(jnp.int32, (N_EXP, N_EXP), 0)
    cb = lax.broadcasted_iota(jnp.int32, (N_EXP, N_EXP), 1)
    upper = (ra < cb).astype(jnp.float32)
    poff = jnp.dot(cnt8.astype(jnp.float32), upper,
                   preferred_element_type=jnp.float32)

    cum = cum_scr[...]
    rank0 = jnp.sum(cum * oh0, axis=1, keepdims=True)
    rank1 = jnp.sum(cum * oh1, axis=1, keepdims=True)
    off0 = jnp.sum(poff * oh0, axis=1, keepdims=True)
    off1 = jnp.sum(poff * oh1, axis=1, keepdims=True)
    pos0_ref[...] = (off0 + rank0).astype(jnp.int32)
    pos1_ref[...] = (off1 + rank1).astype(jnp.int32)
    p0_ref[...] = jnp.broadcast_to(q1, (TOKENS, N_EXP))
    p1_ref[...] = jnp.broadcast_to(q2, (TOKENS, N_EXP))

    row = lax.broadcasted_iota(jnp.int32, (8, N_EXP), 0)
    poff_i = poff.astype(jnp.int32)
    meta_ref[...] = jnp.where(row == 0, jnp.broadcast_to(poff_i, (8, N_EXP)),
                              jnp.where(row == 1,
                                        jnp.broadcast_to(cnt, (8, N_EXP)), 0))


def _route(x, gate_w):
    return pl.pallas_call(
        _route_kernel,
        grid=(1,),
        in_specs=[
            pl.BlockSpec((TOKENS, DM), lambda i: (0, 0)),
            pl.BlockSpec((DM, N_EXP), lambda i: (0, 0)),
        ],
        out_specs=[
            pl.BlockSpec((TOKENS, 1), lambda i: (0, 0)),
            pl.BlockSpec((TOKENS, 1), lambda i: (0, 0)),
            pl.BlockSpec((TOKENS, N_EXP), lambda i: (0, 0)),
            pl.BlockSpec((TOKENS, N_EXP), lambda i: (0, 0)),
            pl.BlockSpec((8, N_EXP), lambda i: (0, 0)),
        ],
        out_shape=[
            jax.ShapeDtypeStruct((TOKENS, 1), jnp.int32),
            jax.ShapeDtypeStruct((TOKENS, 1), jnp.int32),
            jax.ShapeDtypeStruct((TOKENS, N_EXP), jnp.float32),
            jax.ShapeDtypeStruct((TOKENS, N_EXP), jnp.float32),
            jax.ShapeDtypeStruct((8, N_EXP), jnp.int32),
        ],
        scratch_shapes=[
            pltpu.VMEM((TOKENS, N_EXP), jnp.float32),
            pltpu.VMEM((TOKENS, N_EXP), jnp.float32),
        ],
    )(x, gate_w)


def _dispatch_body(x_hbm, pos0_hbm, pos1_hbm, xs_hbm, rows_v, idx0_v,
                   idx1_v, sem):
    wid = lax.axis_index("s") * 2 + lax.axis_index("c")
    base = wid * TPW
    a0 = pltpu.async_copy(x_hbm.at[pl.ds(base, TPW)], rows_v, sem)
    a1 = pltpu.async_copy(pos0_hbm.at[pl.ds(base, TPW)], idx0_v, sem)
    a2 = pltpu.async_copy(pos1_hbm.at[pl.ds(base, TPW)], idx1_v, sem)
    a0.wait()
    a1.wait()
    a2.wait()
    c0 = pltpu.async_copy(rows_v, xs_hbm.at[idx0_v], sem)
    c1 = pltpu.async_copy(rows_v, xs_hbm.at[idx1_v], sem)
    c0.wait()
    c1.wait()


@functools.lru_cache(maxsize=None)
def _make_dispatch():
    return functools.partial(
        pl.kernel,
        out_type=jax.ShapeDtypeStruct((XS_ROWS, DM), jnp.float32),
        mesh=plsc.VectorSubcoreMesh(core_axis_name="c", subcore_axis_name="s"),
        scratch_types=[
            pltpu.VMEM((TPW, DM), jnp.float32),
            pltpu.VMEM((TPW,), jnp.int32),
            pltpu.VMEM((TPW,), jnp.int32),
            pltpu.SemaphoreType.DMA,
        ],
    )(_dispatch_body)


def _dispatch(x, pos0, pos1):
    return _make_dispatch()(x, pos0, pos1)


def _gmm_kernel(poff_ref, cnt_ref, xs_ref, w1_ref, w2_ref, ys_ref, h_scr):
    e = pl.program_id(0)
    start = poff_ref[e]
    cnt = cnt_ref[e]
    w1 = w1_ref[0]
    w2 = w2_ref[0]

    def chunk(i, _):
        base = pl.multiple_of(start + i * CHUNK, 8)
        xblk = xs_ref[pl.ds(base, CHUNK), :]
        h = jnp.dot(xblk, w1, preferred_element_type=jnp.float32)
        h_scr[...] = h * jax.nn.sigmoid(h)
        ys_ref[pl.ds(base, CHUNK), :] = jnp.dot(
            h_scr[...], w2, preferred_element_type=jnp.float32)
        return 0

    nch = (cnt + CHUNK - 1) // CHUNK
    lax.fori_loop(0, nch, chunk, 0)


def _gmm(poff, cnt, xs, w1, w2):
    grid_spec = pltpu.PrefetchScalarGridSpec(
        num_scalar_prefetch=2,
        grid=(N_EXP,),
        in_specs=[
            pl.BlockSpec((XS_ROWS, DM), lambda e, po, cn: (0, 0)),
            pl.BlockSpec((1, DM, DF), lambda e, po, cn: (e, 0, 0)),
            pl.BlockSpec((1, DF, DM), lambda e, po, cn: (e, 0, 0)),
        ],
        out_specs=pl.BlockSpec((XS_ROWS, DM), lambda e, po, cn: (0, 0)),
        scratch_shapes=[pltpu.VMEM((CHUNK, DF), jnp.float32)],
    )
    return pl.pallas_call(
        _gmm_kernel,
        grid_spec=grid_spec,
        out_shape=jax.ShapeDtypeStruct((XS_ROWS, DM), jnp.float32),
    )(poff, cnt, xs, w1, w2)


HALF = TPW // 2


def _combine_body(ys_hbm, pos0_hbm, pos1_hbm, pb0_hbm, pb1_hbm, out_hbm,
                  buf0_v, buf1_v, idx0_v, idx1_v, pb0_v, pb1_v, sem):
    wid = lax.axis_index("s") * 2 + lax.axis_index("c")
    base = wid * TPW
    for h in range(2):
        b = base + h * HALF
        a0 = pltpu.async_copy(pos0_hbm.at[pl.ds(b, HALF)], idx0_v, sem)
        a1 = pltpu.async_copy(pos1_hbm.at[pl.ds(b, HALF)], idx1_v, sem)
        a2 = pltpu.async_copy(pb0_hbm.at[pl.ds(b, HALF)], pb0_v, sem)
        a3 = pltpu.async_copy(pb1_hbm.at[pl.ds(b, HALF)], pb1_v, sem)
        a0.wait()
        a1.wait()
        a2.wait()
        a3.wait()
        g0 = pltpu.async_copy(ys_hbm.at[idx0_v], buf0_v, sem)
        g1 = pltpu.async_copy(ys_hbm.at[idx1_v], buf1_v, sem)
        g0.wait()
        g1.wait()

        def tok(i, _):
            p0 = pb0_v[i, :]
            p1 = pb1_v[i, :]
            for k in range(DM // 16):
                sl = pl.ds(k * 16, 16)
                buf0_v[i, sl] = p0 * buf0_v[i, sl] + p1 * buf1_v[i, sl]
            return 0

        lax.fori_loop(0, HALF, tok, 0)
        pltpu.sync_copy(buf0_v, out_hbm.at[pl.ds(b, HALF)])


@functools.lru_cache(maxsize=None)
def _make_combine():
    return functools.partial(
        pl.kernel,
        out_type=jax.ShapeDtypeStruct((TOKENS, DM), jnp.float32),
        mesh=plsc.VectorSubcoreMesh(core_axis_name="c", subcore_axis_name="s"),
        scratch_types=[
            pltpu.VMEM((HALF, DM), jnp.float32),
            pltpu.VMEM((HALF, DM), jnp.float32),
            pltpu.VMEM((HALF,), jnp.int32),
            pltpu.VMEM((HALF,), jnp.int32),
            pltpu.VMEM((HALF, N_EXP), jnp.float32),
            pltpu.VMEM((HALF, N_EXP), jnp.float32),
            pltpu.SemaphoreType.DMA,
        ],
    )(_combine_body)


def _combine(ys, pos0, pos1, pb0, pb1):
    return _make_combine()(ys, pos0, pos1, pb0, pb1)


def kernel(inputs, gate_w, w1, w2):
    x = inputs.reshape(-1, inputs.shape[-1])
    pos0, pos1, pb0, pb1, meta = _route(x, gate_w)
    pos0 = pos0.reshape(TOKENS)
    pos1 = pos1.reshape(TOKENS)
    poff = meta[0]
    cnt = meta[1]
    xs = _dispatch(x, pos0, pos1)
    ys = _gmm(poff, cnt, xs, w1, w2)
    out = _combine(ys, pos0, pos1, pb0, pb1)
    return out.reshape(inputs.shape)

# --- scband reference (transcript-rebuilt; emitter-appended) ---
"""Pipeline reference for scband-moe-layer-45243185496541 (READ-ONLY COPY).

The authoritative reference and input builder live on the scoring server;
editing this copy changes nothing except your own understanding.
"""

import jax, jax.numpy as jnp
import numpy as np

NUM_EXPERTS = 16
TOP_K = 2
D_MODEL = 768
D_FF = 768
BATCH = 1
SEQ = 2048


def setup_inputs(seed: int = 0) -> dict:
    key = jax.random.key(seed)
    k1, k2, k3, k4 = jax.random.split(key, 4)
    inputs = jax.random.normal(k1, (BATCH, SEQ, D_MODEL), dtype=jnp.float32)
    gate_w = jax.random.normal(k2, (D_MODEL, NUM_EXPERTS), dtype=jnp.float32) * 0.02
    w1 = jax.random.normal(k3, (NUM_EXPERTS, D_MODEL, D_FF), dtype=jnp.float32) * 0.02
    w2 = jax.random.normal(k4, (NUM_EXPERTS, D_FF, D_MODEL), dtype=jnp.float32) * 0.02
    return {"inputs": inputs, "gate_w": gate_w, "w1": w1, "w2": w2}


def reference(inputs, gate_w, w1, w2):
    # inputs_squashed = inputs.view(-1, d_model)
    x = inputs.reshape(-1, inputs.shape[-1])
    # gate_logits = self.gate(inputs_squashed)  (Linear, no bias)
    gate_logits = x @ gate_w
    # weights, selected_experts = torch.topk(gate_logits, num_experts_per_tok)
    weights, selected_experts = jax.lax.top_k(gate_logits, TOP_K)
    # weights = softmax(weights, dim=1, dtype=float32).type_as(inputs)
    weights = jax.nn.softmax(weights.astype(jnp.float32), axis=1).astype(inputs.dtype)
    results = jnp.zeros_like(x)
    for i in range(NUM_EXPERTS):
        # per-token routing weight for expert i (sum over top-k slots where selected == i;
        # equivalent to torch's scatter of weights[batch_idx, nth_expert])
        w_i = jnp.sum(jnp.where(selected_experts == i, weights, 0.0), axis=1)
        # expert i: two-layer MLP with SiLU
        h = jax.nn.silu(x @ w1[i])
        expert_out = h @ w2[i]
        results = results + w_i[:, None] * expert_out
    return results.reshape(inputs.shape)

if __name__ == "__main__":
    import jax
    _d = setup_inputs()
    print(jax.jit(kernel)(*tuple(_d.values())))

</pallas_src>

<mosaic_0001>
#map = affine_map<(d0, d1) -> (0, 0)>
#map1 = affine_map<(d0, d1) -> (0)>
module attributes {stable_mosaic.version = 14 : i64} {
  func.func @_combine_body(%arg0: i32, %arg1: i32, %arg2: memref<4480x768xf32, #tpu.memory_space<hbm>>, %arg3: memref<2048xi32, #tpu.memory_space<hbm>>, %arg4: memref<2048xi32, #tpu.memory_space<hbm>>, %arg5: memref<2048x16xf32, #tpu.memory_space<hbm>>, %arg6: memref<2048x16xf32, #tpu.memory_space<hbm>>, %arg7: memref<2048x768xf32, #tpu.memory_space<hbm>>, %arg8: memref<32x768xf32, #tpu.memory_space<vmem>>, %arg9: memref<32x768xf32, #tpu.memory_space<vmem>>, %arg10: memref<32xi32, #tpu.memory_space<vmem>>, %arg11: memref<32xi32, #tpu.memory_space<vmem>>, %arg12: memref<32x16xf32, #tpu.memory_space<vmem>>, %arg13: memref<32x16xf32, #tpu.memory_space<vmem>>, %arg14: memref<!tpu.dma_semaphore, #tpu.memory_space<semaphore_mem>>) attributes {dimension_semantics = [#tpu.dimension_semantics<core_parallel>, #tpu.dimension_semantics<subcore_parallel>], iteration_bounds = array<i64: 2, 16>, scalar_prefetch = 0 : i64, scratch_operands = 7 : i64, tpu.core_type = #tpu.core_type<sc_vector_subcore>, window_params = [{transform_indices = #map}, {transform_indices = #map1}, {transform_indices = #map1}, {transform_indices = #map}, {transform_indices = #map}, {transform_indices = #map}]} {
    %mul3A = arith.constant 2 : i32
    %mul3A_0 = arith.muli %arg1, %mul3A : i32
    %add3A = arith.addi %mul3A_0, %arg0 : i32
    %mul3A_1 = arith.constant 64 : i32
    %mul3A_2 = arith.muli %add3A, %mul3A_1 : i32
    %add3A_3 = arith.constant 0 : i32
    %add3A_4 = arith.addi %mul3A_2, %add3A_3 : i32
    %dma_start3A = tpu.memref_slice %arg3[%add3A_4] : memref<2048xi32, #tpu.memory_space<hbm>> -> memref<32xi32, #tpu.memory_space<hbm>>
    %dma_start3A_5 = tpu.memref_slice %arg3[%add3A_4] : memref<2048xi32, #tpu.memory_space<hbm>> -> memref<32xi32, #tpu.memory_space<hbm>>
    tpu.enqueue_dma source(%dma_start3A_5 : memref<32xi32, #tpu.memory_space<hbm>>) target(%arg10 : memref<32xi32, #tpu.memory_space<vmem>>) target_semaphore(%arg14 : memref<!tpu.dma_semaphore, #tpu.memory_space<semaphore_mem>>)
    %dma_start3A_6 = tpu.memref_slice %arg4[%add3A_4] : memref<2048xi32, #tpu.memory_space<hbm>> -> memref<32xi32, #tpu.memory_space<hbm>>
    %dma_start3A_7 = tpu.memref_slice %arg4[%add3A_4] : memref<2048xi32, #tpu.memory_space<hbm>> -> memref<32xi32, #tpu.memory_space<hbm>>
    tpu.enqueue_dma source(%dma_start3A_7 : memref<32xi32, #tpu.memory_space<hbm>>) target(%arg11 : memref<32xi32, #tpu.memory_space<vmem>>) target_semaphore(%arg14 : memref<!tpu.dma_semaphore, #tpu.memory_space<semaphore_mem>>)
    %dma_start3A_8 = arith.constant 0 : i32
    %dma_start3A_9 = tpu.memref_slice %arg5[%add3A_4, %dma_start3A_8] : memref<2048x16xf32, #tpu.memory_space<hbm>> -> memref<32x16xf32, #tpu.memory_space<hbm>>
    %dma_start3A_10 = arith.constant 0 : i32
    %dma_start3A_11 = tpu.memref_slice %arg5[%add3A_4, %dma_start3A_10] : memref<2048x16xf32, #tpu.memory_space<hbm>> -> memref<32x16xf32, #tpu.memory_space<hbm>>
    tpu.enqueue_dma source(%dma_start3A_11 : memref<32x16xf32, #tpu.memory_space<hbm>>) target(%arg12 : memref<32x16xf32, #tpu.memory_space<vmem>>) target_semaphore(%arg14 : memref<!tpu.dma_semaphore, #tpu.memory_space<semaphore_mem>>)
    %dma_start3A_12 = arith.constant 0 : i32
    %dma_start3A_13 = tpu.memref_slice %arg6[%add3A_4, %dma_start3A_12] : memref<2048x16xf32, #tpu.memory_space<hbm>> -> memref<32x16xf32, #tpu.memory_space<hbm>>
    %dma_start3A_14 = arith.constant 0 : i32
    %dma_start3A_15 = tpu.memref_slice %arg6[%add3A_4, %dma_start3A_14] : memref<2048x16xf32, #tpu.memory_space<hbm>> -> memref<32x16xf32, #tpu.memory_space<hbm>>
    tpu.enqueue_dma source(%dma_start3A_15 : memref<32x16xf32, #tpu.memory_space<hbm>>) target(%arg13 : memref<32x16xf32, #tpu.memory_space<vmem>>) target_semaphore(%arg14 : memref<!tpu.dma_semaphore, #tpu.memory_space<semaphore_mem>>)
    %dma_wait3A = tpu.memref_slice %arg3[%add3A_4] : memref<2048xi32, #tpu.memory_space<hbm>> -> memref<32xi32, #tpu.memory_space<hbm>>
    %dma_wait3A_16 = tpu.memref_slice %arg3[%add3A_4] : memref<2048xi32, #tpu.memory_space<hbm>> -> memref<32xi32, #tpu.memory_space<hbm>>
    tpu.wait_dma2 semaphore(%arg14 : memref<!tpu.dma_semaphore, #tpu.memory_space<semaphore_mem>>) src(%dma_wait3A_16 : memref<32xi32, #tpu.memory_space<hbm>>) dst(%arg10 : memref<32xi32, #tpu.memory_space<vmem>>)
    %dma_wait3A_17 = tpu.memref_slice %arg4[%add3A_4] : memref<2048xi32, #tpu.memory_space<hbm>> -> memref<32xi32, #tpu.memory_space<hbm>>
    %dma_wait3A_18 = tpu.memref_slice %arg4[%add3A_4] : memref<2048xi32, #tpu.memory_space<hbm>> -> memref<32xi32, #tpu.memory_space<hbm>>
    tpu.wait_dma2 semaphore(%arg14 : memref<!tpu.dma_semaphore, #tpu.memory_space<semaphore_mem>>) src(%dma_wait3A_18 : memref<32xi32, #tpu.memory_space<hbm>>) dst(%arg11 : memref<32xi32, #tpu.memory_space<vmem>>)
    %dma_wait3A_19 = arith.constant 0 : i32
    %dma_wait3A_20 = tpu.memref_slice %arg5[%add3A_4, %dma_wait3A_19] : memref<2048x16xf32, #tpu.memory_space<hbm>> -> memref<32x16xf32, #tpu.memory_space<hbm>>
    %dma_wait3A_21 = arith.constant 0 : i32
    %dma_wait3A_22 = tpu.memref_slice %arg5[%add3A_4, %dma_wait3A_21] : memref<2048x16xf32, #tpu.memory_space<hbm>> -> memref<32x16xf32, #tpu.memory_space<hbm>>
    tpu.wait_dma2 semaphore(%arg14 : memref<!tpu.dma_semaphore, #tpu.memory_space<semaphore_mem>>) src(%dma_wait3A_22 : memref<32x16xf32, #tpu.memory_space<hbm>>) dst(%arg12 : memref<32x16xf32, #tpu.memory_space<vmem>>)
    %dma_wait3A_23 = arith.constant 0 : i32
    %dma_wait3A_24 = tpu.memref_slice %arg6[%add3A_4, %dma_wait3A_23] : memref<2048x16xf32, #tpu.memory_space<hbm>> -> memref<32x16xf32, #tpu.memory_space<hbm>>
    %dma_wait3A_25 = arith.constant 0 : i32
    %dma_wait3A_26 = tpu.memref_slice %arg6[%add3A_4, %dma_wait3A_25] : memref<2048x16xf32, #tpu.memory_space<hbm>> -> memref<32x16xf32, #tpu.memory_space<hbm>>
    tpu.wait_dma2 semaphore(%arg14 : memref<!tpu.dma_semaphore, #tpu.memory_space<semaphore_mem>>) src(%dma_wait3A_26 : memref<32x16xf32, #tpu.memory_space<hbm>>) dst(%arg13 : memref<32x16xf32, #tpu.memory_space<vmem>>)
    %dma_start3A_27 = arith.constant 0 : i32
    %dma_start3A_28 = arith.constant 0 : i32
    %dma_start3A_29 = tpu.memref_slice %arg2[%dma_start3A_27, %dma_start3A_28] : memref<4480x768xf32, #tpu.memory_space<hbm>> -> memref<4480x768xf32, #tpu.memory_space<hbm>>
    tpu.enqueue_indirect_dma source(%dma_start3A_29 : memref<4480x768xf32, #tpu.memory_space<hbm>>) target(%arg8 : memref<32x768xf32, #tpu.memory_space<vmem>>) offsets(%arg10 : memref<32xi32, #tpu.memory_space<vmem>>) semaphore(%arg14 : memref<!tpu.dma_semaphore, #tpu.memory_space<semaphore_mem>>)
    %dma_start3A_30 = arith.constant 0 : i32
    %dma_start3A_31 = arith.constant 0 : i32
    %dma_start3A_32 = tpu.memref_slice %arg2[%dma_start3A_30, %dma_start3A_31] : memref<4480x768xf32, #tpu.memory_space<hbm>> -> memref<4480x768xf32, #tpu.memory_space<hbm>>
    tpu.enqueue_indirect_dma source(%dma_start3A_32 : memref<4480x768xf32, #tpu.memory_space<hbm>>) target(%arg9 : memref<32x768xf32, #tpu.memory_space<vmem>>) offsets(%arg11 : memref<32xi32, #tpu.memory_space<vmem>>) semaphore(%arg14 : memref<!tpu.dma_semaphore, #tpu.memory_space<semaphore_mem>>)
    %dma_wait3A_33 = arith.constant 0 : i32
    %dma_wait3A_34 = arith.constant 0 : i32
    %dma_wait3A_35 = tpu.memref_slice %arg2[%dma_wait3A_33, %dma_wait3A_34] : memref<4480x768xf32, #tpu.memory_space<hbm>> -> memref<4480x768xf32, #tpu.memory_space<hbm>>
    tpu.wait_indirect_dma semaphore(%arg14 : memref<!tpu.dma_semaphore, #tpu.memory_space<semaphore_mem>>) src(%dma_wait3A_35 : memref<4480x768xf32, #tpu.memory_space<hbm>>) dst(%arg8 : memref<32x768xf32, #tpu.memory_space<vmem>>)
    %dma_wait3A_36 = arith.constant 0 : i32
    %dma_wait3A_37 = arith.constant 0 : i32
    %dma_wait3A_38 = tpu.memref_slice %arg2[%dma_wait3A_36, %dma_wait3A_37] : memref<4480x768xf32, #tpu.memory_space<hbm>> -> memref<4480x768xf32, #tpu.memory_space<hbm>>
    tpu.wait_indirect_dma semaphore(%arg14 : memref<!tpu.dma_semaphore, #tpu.memory_space<semaphore_mem>>) src(%dma_wait3A_38 : memref<4480x768xf32, #tpu.memory_space<hbm>>) dst(%arg9 : memref<32x768xf32, #tpu.memory_space<vmem>>)
    %scan3A = arith.constant 0 : i32
    %scan3A_39 = arith.constant 0 : i32
    %scan3A_40 = arith.constant 32 : i32
    %scan3A_41 = arith.addi %scan3A_39, %scan3A_40 : i32
    %scan3A_42 = arith.constant 1 : i32
    %scan3A_43 = scf.for %scan3A_90 = %scan3A_39 to %scan3A_41 step %scan3A_42 iter_args(%scan3A_91 = %scan3A) -> (i32)  : i32 {
      %get3A = arith.index_cast %scan3A_90 : i32 to index
      %get3A_92 = arith.constant 0 : index
      %get3A_93 = tpu.vector_load %arg12[%get3A, %get3A_92] {strides = array<i32>} : memref<32x16xf32, #tpu.memory_space<vmem>>, vector<1x16xf32>,
      %get3A_94 = vector.shape_cast %get3A_93 : vector<1x16xf32> to vector<16xf32>
      %get3A_95 = arith.index_cast %scan3A_90 : i32 to index
      %get3A_96 = arith.constant 0 : index
      %get3A_97 = tpu.vector_load %arg13[%get3A_95, %get3A_96] {strides = array<i32>} : memref<32x16xf32, #tpu.memory_space<vmem>>, vector<1x16xf32>,
      %get3A_98 = vector.shape_cast %get3A_97 : vector<1x16xf32> to vector<16xf32>
      %get3A_99 = arith.index_cast %scan3A_90 : i32 to index
      %get3A_100 = arith.constant 0 : index
      %get3A_101 = tpu.vector_load %arg8[%get3A_99, %get3A_100] {strides = array<i32>} : memref<32x768xf32, #tpu.memory_space<vmem>>, vector<1x16xf32>,
      %get3A_102 = vector.shape_cast %get3A_101 : vector<1x16xf32> to vector<16xf32>
      %mul3A_103 = arith.mulf %get3A_94, %get3A_102 : vector<16xf32>
      %get3A_104 = arith.index_cast %scan3A_90 : i32 to index
      %get3A_105 = arith.constant 0 : index
      %get3A_106 = tpu.vector_load %arg9[%get3A_104, %get3A_105] {strides = array<i32>} : memref<32x768xf32, #tpu.memory_space<vmem>>, vector<1x16xf32>,
      %get3A_107 = vector.shape_cast %get3A_106 : vector<1x16xf32> to vector<16xf32>
      %mul3A_108 = arith.mulf %get3A_98, %get3A_107 : vector<16xf32>
      %add3A_109 = arith.addf %mul3A_103, %mul3A_108 : vector<16xf32>
      %swap3A = arith.index_cast %scan3A_90 : i32 to index
      %swap3A_110 = arith.constant 0 : index
      %swap3A_111 = tpu.vector_load %arg8[%swap3A, %swap3A_110] {strides = array<i32>} : memref<32x768xf32, #tpu.memory_space<vmem>>, vector<1x16xf32>,
      %swap3A_112 = vector.shape_cast %swap3A_111 : vector<1x16xf32> to vector<16xf32>
      %swap3A_113 = vector.shape_cast %add3A_109 : vector<16xf32> to vector<1x16xf32>
      tpu.vector_store %arg8[%swap3A, %swap3A_110], %swap3A_113 {strides = array<i32>} : memref<32x768xf32, #tpu.memory_space<vmem>>, vector<1x16xf32>,
      %get3A_114 = arith.index_cast %scan3A_90 : i32 to index
      %get3A_115 = arith.constant 16 : index
      %get3A_116 = tpu.vector_load %arg8[%get3A_114, %get3A_115] {strides = array<i32>} : memref<32x768xf32, #tpu.memory_space<vmem>>, vector<1x16xf32>,
      %get3A_117 = vector.shape_cast %get3A_116 : vector<1x16xf32> to vector<16xf32>
      %mul3A_118 = arith.mulf %get3A_94, %get3A_117 : vector<16xf32>
      %get3A_119 = arith.index_cast %scan3A_90 : i32 to index
      %get3A_120 = arith.constant 16 : index
      %get3A_121 = tpu.vector_load %arg9[%get3A_119, %get3A_120] {strides = array<i32>} : memref<32x768xf32, #tpu.memory_space<vmem>>, vector<1x16xf32>,
      %get3A_122 = vector.shape_cast %get3A_121 : vector<1x16xf32> to vector<16xf32>
      %mul3A_123 = arith.mulf %get3A_98, %get3A_122 : vector<16xf32>
      %add3A_124 = arith.addf %mul3A_118, %mul3A_123 : vector<16xf32>
      %swap3A_125 = arith.index_cast %scan3A_90 : i32 to index
      %swap3A_126 = arith.constant 16 : index
      %swap3A_127 = tpu.vector_load %arg8[%swap3A_125, %swap3A_126] {strides = array<i32>} : memref<32x768xf32, #tpu.memory_space<vmem>>, vector<1x16xf32>,
      %swap3A_128 = vector.shape_cast %swap3A_127 : vector<1x16xf32> to vector<16xf32>
      %swap3A_129 = vector.shape_cast %add3A_124 : vector<16xf32> to vector<1x16xf32>
      tpu.vector_store %arg8[%swap3A_125, %swap3A_126], %swap3A_129 {strides = array<i32>} : memref<32x768xf32, #tpu.memory_space<vmem>>, vector<1x16xf32>,
      %get3A_130 = arith.index_cast %scan3A_90 : i32 to index
      %get3A_131 = arith.constant 32 : index
      %get3A_132 = tpu.vector_load %arg8[%get3A_130, %get3A_131] {strides = array<i32>} : memref<32x768xf32, #tpu.memory_space<vmem>>, vector<1x16xf32>,
      %get3A_133 = vector.shape_cast %get3A_132 : vector<1x16xf32> to vector<16xf32>
      %mul3A_134 = arith.mulf %get3A_94, %get3A_133 : vector<16xf32>
      %get3A_135 = arith.index_cast %scan3A_90 : i32 to index
      %get3A_136 = arith.constant 32 : index
      %get3A_137 = tpu.vector_load %arg9[%get3A_135, %get3A_136] {strides = array<i32>} : memref<32x768xf32, #tpu.memory_space<vmem>>, vector<1x16xf32>,
      %get3A_138 = vector.shape_cast %get3A_137 : vector<1x16xf32> to vector<16xf32>
      %mul3A_139 = arith.mulf %get3A_98, %get3A_138 : vector<16xf32>
      %add3A_140 = arith.addf %mul3A_134, %mul3A_139 : vector<16xf32>
      %swap3A_141 = arith.index_cast %scan3A_90 : i32 to index
      %swap3A_142 = arith.constant 32 : index
      %swap3A_143 = tpu.vector_load %arg8[%swap3A_141, %swap3A_142] {strides = array<i32>} : memref<32x768xf32, #tpu.memory_space<vmem>>, vector<1x16xf32>,
      %swap3A_144 = vector.shape_cast %swap3A_143 : vector<1x16xf32> to vector<16xf32>
      %swap3A_145 = vector.shape_cast %add3A_140 : vector<16xf32> to vector<1x16xf32>
      tpu.vector_store %arg8[%swap3A_141, %swap3A_142], %swap3A_145 {strides = array<i32>} : memref<32x768xf32, #tpu.memory_space<vmem>>, vector<1x16xf32>,
      %get3A_146 = arith.index_cast %scan3A_90 : i32 to index
      %get3A_147 = arith.constant 48 : index
      %get3A_148 = tpu.vector_load %arg8[%get3A_146, %get3A_147] {strides = array<i32>} : memref<32x768xf32, #tpu.memory_space<vmem>>, vector<1x16xf32>,
      %get3A_149 = vector.shape_cast %get3A_148 : vector<1x16xf32> to vector<16xf32>
      %mul3A_150 = arith.mulf %get3A_94, %get3A_149 : vector<16xf32>
      %get3A_151 = arith.index_cast %scan3A_90 : i32 to index
      %get3A_152 = arith.constant 48 : index
      %get3A_153 = tpu.vector_load %arg9[%get3A_151, %get3A_152] {strides = array<i32>} : memref<32x768xf32, #tpu.memory_space<vmem>>, vector<1x16xf32>,
      %get3A_154 = vector.shape_cast %get3A_153 : vector<1x16xf32> to vector<16xf32>
      %mul3A_155 = arith.mulf %get3A_98, %get3A_154 : vector<16xf32>
      %add3A_156 = arith.addf %mul3A_150, %mul3A_155 : vector<16xf32>
      %swap3A_157 = arith.index_cast %scan3A_90 : i32 to index
      %swap3A_158 = arith.constant 48 : index
      %swap3A_159 = tpu.vector_load %arg8[%swap3A_157, %swap3A_158] {strides = array<i32>} : memref<32x768xf32, #tpu.memory_space<vmem>>, vector<1x16xf32>,
      %swap3A_160 = vector.shape_cast %swap3A_159 : vector<1x16xf32> to vector<16xf32>
      %swap3A_161 = vector.shape_cast %add3A_156 : vector<16xf32> to vector<1x16xf32>
      tpu.vector_store %arg8[%swap3A_157, %swap3A_158], %swap3A_161 {strides = array<i32>} : memref<32x768xf32, #tpu.memory_space<vmem>>, vector<1x16xf32>,
      %get3A_162 = arith.index_cast %scan3A_90 : i32 to index
      %get3A_163 = arith.constant 64 : index
      %get3A_164 = tpu.vector_load %arg8[%get3A_162, %get3A_163] {strides = array<i32>} : memref<32x768xf32, #tpu.memory_space<vmem>>, vector<1x16xf32>,
      %get3A_165 = vector.shape_cast %get3A_164 : vector<1x16xf32> to vector<16xf32>
      %mul3A_166 = arith.mulf %get3A_94, %get3A_165 : vector<16xf32>
      %get3A_167 = arith.index_cast %scan3A_90 : i32 to index
      %get3A_168 = arith.constant 64 : index
      %get3A_169 = tpu.vector_load %arg9[%get3A_167, %get3A_168] {strides = array<i32>} : memref<32x768xf32, #tpu.memory_space<vmem>>, vector<1x16xf32>,
      %get3A_170 = vector.shape_cast %get3A_169 : vector<1x16xf32> to vector<16xf32>
      %mul3A_171 = arith.mulf %get3A_98, %get3A_170 : vector<16xf32>
      %add3A_172 = arith.addf %mul3A_166, %mul3A_171 : vector<16xf32>
      %swap3A_173 = arith.index_cast %scan3A_90 : i32 to index
      %swap3A_174 = arith.constant 64 : index
      %swap3A_175 = tpu.vector_load %arg8[%swap3A_173, %swap3A_174] {strides = array<i32>} : memref<32x768xf32, #tpu.memory_space<vmem>>, vector<1x16xf32>,
      %swap3A_176 = vector.shape_cast %swap3A_175 : vector<1x16xf32> to vector<16xf32>
      %swap3A_177 = vector.shape_cast %add3A_172 : vector<16xf32> to vector<1x16xf32>
      tpu.vector_store %arg8[%swap3A_173, %swap3A_174], %swap3A_177 {strides = array<i32>} : memref<32x768xf32, #tpu.memory_space<vmem>>, vector<1x16xf32>,
      %get3A_178 = arith.index_cast %scan3A_90 : i32 to index
      %get3A_179 = arith.constant 80 : index
      %get3A_180 = tpu.vector_load %arg8[%get3A_178, %get3A_179] {strides = array<i32>} : memref<32x768xf32, #tpu.memory_space<vmem>>, vector<1x16xf32>,
      %get3A_181 = vector.shape_cast %get3A_180 : vector<1x16xf32> to vector<16xf32>
      %mul3A_182 = arith.mulf %get3A_94, %get3A_181 : vector<16xf32>
      %get3A_183 = arith.index_cast %scan3A_90 : i32 to index
      %get3A_184 = arith.constant 80 : index
      %get3A_185 = tpu.vector_load %arg9[%get3A_183, %get3A_184] {strides = array<i32>} : memref<32x768xf32, #tpu.memory_space<vmem>>, vector<1x16xf32>,
      %get3A_186 = vector.shape_cast %get3A_185 : vector<1x16xf32> to vector<16xf32>
      %mul3A_187 = arith.mulf %get3A_98, %get3A_186 : vector<16xf32>
      %add3A_188 = arith.addf %mul3A_182, %mul3A_187 : vector<16xf32>
      %swap3A_189 = arith.index_cast %scan3A_90 : i32 to index
      %swap3A_190 = arith.constant 80 : index
      %swap3A_191 = tpu.vector_load %arg8[%swap3A_189, %swap3A_190] {strides = array<i32>} : memref<32x768xf32, #tpu.memory_space<vmem>>, vector<1x16xf32>,
      %swap3A_192 = vector.shape_cast %swap3A_191 : vector<1x16xf32> to vector<16xf32>
      %swap3A_193 = vector.shape_cast %add3A_188 : vector<16xf32> to vector<1x16xf32>
      tpu.vector_store %arg8[%swap3A_189, %swap3A_190], %swap3A_193 {strides = array<i32>} : memref<32x768xf32, #tpu.memory_space<vmem>>, vector<1x16xf32>,
      %get3A_194 = arith.index_cast %scan3A_90 : i32 to index
      %get3A_195 = arith.constant 96 : index
      %get3A_196 = tpu.vector_load %arg8[%get3A_194, %get3A_195] {strides = array<i32>} : memref<32x768xf32, #tpu.memory_space<vmem>>, vector<1x16xf32>,
      %get3A_197 = vector.shape_cast %get3A_196 : vector<1x16xf32> to vector<16xf32>
      %mul3A_198 = arith.mulf %get3A_94, %get3A_197 : vector<16xf32>
      %get3A_199 = arith.index_cast %scan3A_90 : i32 to index
      %get3A_200 = arith.constant 96 : index
      %get3A_201 = tpu.vector_load %arg9[%get3A_199, %get3A_200] {strides = array<i32>} : memref<32x768xf32, #tpu.memory_space<vmem>>, vector<1x16xf32>,
      %get3A_202 = vector.shape_cast %get3A_201 : vector<1x16xf32> to vector<16xf32>
      %mul3A_203 = arith.mulf %get3A_98, %get3A_202 : vector<16xf32>
      %add3A_204 = arith.addf %mul3A_198, %mul3A_203 : vector<16xf32>
      %swap3A_205 = arith.index_cast %scan3A_90 : i32 to index
      %swap3A_206 = arith.constant 96 : index
      %swap3A_207 = tpu.vector_load %arg8[%swap3A_205, %swap3A_206] {strides = array<i32>} : memref<32x768xf32, #tpu.memory_space<vmem>>, vector<1x16xf32>,
      %swap3A_208 = vector.shape_cast %swap3A_207 : vector<1x16xf32> to vector<16xf32>
      %swap3A_209 = vector.shape_cast %add3A_204 : vector<16xf32> to vector<1x16xf32>
      tpu.vector_store %arg8[%swap3A_205, %swap3A_206], %swap3A_209 {strides = array<i32>} : memref<32x768xf32, #tpu.memory_space<vmem>>, vector<1x16xf32>,
      %get3A_210 = arith.index_cast %scan3A_90 : i32 to index
      %get3A_211 = arith.constant 112 : index
      %get3A_212 = tpu.vector_load %arg8[%get3A_210, %get3A_211] {strides = array<i32>} : memref<32x768xf32, #tpu.memory_space<vmem>>, vector<1x16xf32>,
      %get3A_213 = vector.shape_cast %get3A_212 : vector<1x16xf32> to vector<16xf32>
      %mul3A_214 = arith.mulf %get3A_94, %get3A_213 : vector<16xf32>
      %get3A_215 = arith.index_cast %scan3A_90 : i32 to index
      %get3A_216 = arith.constant 112 : index
      %get3A_217 = tpu.vector_load %arg9[%get3A_215, %get3A_216] {strides = array<i32>} : memref<32x768xf32, #tpu.memory_space<vmem>>, vector<1x16xf32>,
      %get3A_218 = vector.shape_cast %get3A_217 : vector<1x16xf32> to vector<16xf32>
      %mul3A_219 = arith.mulf %get3A_98, %get3A_218 : vector<16xf32>
      %add3A_220 = arith.addf %mul3A_214, %mul3A_219 : vector<16xf32>
      %swap3A_221 = arith.index_cast %scan3A_90 : i32 to index
      %swap3A_222 = arith.constant 112 : index
      %swap3A_223 = tpu.vector_load %arg8[%swap3A_221, %swap3A_222] {strides = array<i32>} : memref<32x768xf32, #tpu.memory_space<vmem>>, vector<1x16xf32>,
      %swap3A_224 = vector.shape_cast %swap3A_223 : vector<1x16xf32> to vector<16xf32>
      %swap3A_225 = vector.shape_cast %add3A_220 : vector<16xf32> to vector<1x16xf32>
      tpu.vector_store %arg8[%swap3A_221, %swap3A_222], %swap3A_225 {strides = array<i32>} : memref<32x768xf32, #tpu.memory_space<vmem>>, vector<1x16xf32>,
      %get3A_226 = arith.index_cast %scan3A_90 : i32 to index
      %get3A_227 = arith.constant 128 : index
      %get3A_228 = tpu.vector_load %arg8[%get3A_226, %get3A_227] {strides = array<i32>} : memref<32x768xf32, #tpu.memory_space<vmem>>, vector<1x16xf32>,
      %get3A_229 = vector.shape_cast %get3A_228 : vector<1x16xf32> to vector<16xf32>
      %mul3A_230 = arith.mulf %get3A_94, %get3A_229 : vector<16xf32>
      %get3A_231 = arith.index_cast %scan3A_90 : i32 to index
      %get3A_232 = arith.constant 128 : index
      %get3A_233 = tpu.vector_load %arg9[%get3A_231, %get3A_232] {strides = array<i32>} : memref<32x768xf32, #tpu.memory_space<vmem>>, vector<1x16xf32>,
      %get3A_234 = vector.shape_cast %get3A_233 : vector<1x16xf32> to vector<16xf32>
      %mul3A_235 = arith.mulf %get3A_98, %get3A_234 : vector<16xf32>
      %add3A_236 = arith.addf %mul3A_230, %mul3A_235 : vector<16xf32>
      %swap3A_237 = arith.index_cast %scan3A_90 : i32 to index
      %swap3A_238 = arith.constant 128 : index
      %swap3A_239 = tpu.vector_load %arg8[%swap3A_237, %swap3A_238] {strides = array<i32>} : memref<32x768xf32, #tpu.memory_space<vmem>>, vector<1x16xf32>,
      %swap3A_240 = vector.shape_cast %swap3A_239 : vector<1x16xf32> to vector<16xf32>
      %swap3A_241 = vector.shape_cast %add3A_236 : vector<16xf32> to vector<1x16xf32>
      tpu.vector_store %arg8[%swap3A_237, %swap3A_238], %swap3A_241 {strides = array<i32>} : memref<32x768xf32, #tpu.memory_space<vmem>>, vector<1x16xf32>,
      %get3A_242 = arith.index_cast %scan3A_90 : i32 to index
      %get3A_243 = arith.constant 144 : index
      %get3A_244 = tpu.vector_load %arg8[%get3A_242, %get3A_243] {strides = array<i32>} : memref<32x768xf32, #tpu.memory_space<vmem>>, vector<1x16xf32>,
      %get3A_245 = vector.shape_cast %get3A_244 : vector<1x16xf32> to vector<16xf32>
      %mul3A_246 = arith.mulf %get3A_94, %get3A_245 : vector<16xf32>
      %get3A_247 = arith.index_cast %scan3A_90 : i32 to index
      %get3A_248 = arith.constant 144 : index
      %get3A_249 = tpu.vector_load %arg9[%get3A_247, %get3A_248] {strides = array<i32>} : memref<32x768xf32, #tpu.memory_space<vmem>>, vector<1x16xf32>,
      %get3A_250 = vector.shape_cast %get3A_249 : vector<1x16xf32> to vector<16xf32>
      %mul3A_251 = arith.mulf %get3A_98, %get3A_250 : vector<16xf32>
      %add3A_252 = arith.addf %mul3A_246, %mul3A_251 : vector<16xf32>
      %swap3A_253 = arith.index_cast %scan3A_90 : i32 to index
      %swap3A_254 = arith.constant 144 : index
      %swap3A_255 = tpu.vector_load %arg8[%swap3A_253, %swap3A_254] {strides = array<i32>} : memref<32x768xf32, #tpu.memory_space<vmem>>, vector<1x16xf32>,
      %swap3A_256 = vector.shape_cast %swap3A_255 : vector<1x16xf32> to vector<16xf32>
      %swap3A_257 = vector.shape_cast %add3A_252 : vector<16xf32> to vector<1x16xf32>
      tpu.vector_store %arg8[%swap3A_253, %swap3A_254], %swap3A_257 {strides = array<i32>} : memref<32x768xf32, #tpu.memory_space<vmem>>, vector<1x16xf32>,
      %get3A_258 = arith.index_cast %scan3A_90 : i32 to index
      %get3A_259 = arith.constant 160 : index
      %get3A_260 = tpu.vector_load %arg8[%get3A_258, %get3A_259] {strides = array<i32>} : memref<32x768xf32, #tpu.memory_space<vmem>>, vector<1x16xf32>,
      %get3A_261 = vector.shape_cast %get3A_260 : vector<1x16xf32> to vector<16xf32>
      %mul3A_262 = arith.mulf %get3A_94, %get3A_261 : vector<16xf32>
      %get3A_263 = arith.index_cast %scan3A_90 : i32 to index
      %get3A_264 = arith.constant 160 : index
      %get3A_265 = tpu.vector_load %arg9[%get3A_263, %get3A_264] {strides = array<i32>} : memref<32x768xf32, #tpu.memory_space<vmem>>, vector<1x16xf32>,
      %get3A_266 = vector.shape_cast %get3A_265 : vector<1x16xf32> to vector<16xf32>
      %mul3A_267 = arith.mulf %get3A_98, %get3A_266 : vector<16xf32>
      %add3A_268 = arith.addf %mul3A_262, %mul3A_267 : vector<16xf32>
      %swap3A_269 = arith.index_cast %scan3A_90 : i32 to index
      %swap3A_270 = arith.constant 160 : index
      %swap3A_271 = tpu.vector_load %arg8[%swap3A_269, %swap3A_270] {strides = array<i32>} : memref<32x768xf32, #tpu.memory_space<vmem>>, vector<1x16xf32>,
      %swap3A_272 = vector.shape_cast %swap3A_271 : vector<1x16xf32> to vector<16xf32>
      %swap3A_273 = vector.shape_cast %add3A_268 : vector<16xf32> to vector<1x16xf32>
      tpu.vector_store %arg8[%swap3A_269, %swap3A_270], %swap3A_273 {strides = array<i32>} : memref<32x768xf32, #tpu.memory_space<vmem>>, vector<1x16xf32>,
      %get3A_274 = arith.index_cast %scan3A_90 : i32 to index
      %get3A_275 = arith.constant 176 : index
      %get3A_276 = tpu.vector_load %arg8[%get3A_274, %get3A_275] {strides = array<i32>} : memref<32x768xf32, #tpu.memory_space<vmem>>, vector<1x16xf32>,
      %get3A_277 = vector.shape_cast %get3A_276 : vector<1x16xf32> to vector<16xf32>
      %mul3A_278 = arith.mulf %get3A_94, %get3A_277 : vector<16xf32>
      %get3A_279 = arith.index_cast %scan3A_90 : i32 to index
      %get3A_280 = arith.constant 176 : index
      %get3A_281 = tpu.vector_load %arg9[%get3A_279, %get3A_280] {strides = array<i32>} : memref<32x768xf32, #tpu.memory_space<vmem>>, vector<1x16xf32>,
      %get3A_282 = vector.shape_cast %get3A_281 : vector<1x16xf32> to vector<16xf32>
      %mul3A_283 = arith.mulf %get3A_98, %get3A_282 : vector<16xf32>
      %add3A_284 = arith.addf %mul3A_278, %mul3A_283 : vector<16xf32>
      %swap3A_285 = arith.index_cast %scan3A_90 : i32 to index
      %swap3A_286 = arith.constant 176 : index
      %swap3A_287 = tpu.vector_load %arg8[%swap3A_285, %swap3A_286] {strides = array<i32>} : memref<32x768xf32, #tpu.memory_space<vmem>>, vector<1x16xf32>,
      %swap3A_288 = vector.shape_cast %swap3A_287 : vector<1x16xf32> to vector<16xf32>
      %swap3A_289 = vector.shape_cast %add3A_284 : vector<16xf32> to vector<1x16xf32>
      tpu.vector_store %arg8[%swap3A_285, %swap3A_286], %swap3A_289 {strides = array<i32>} : memref<32x768xf32, #tpu.memory_space<vmem>>, vector<1x16xf32>,
      %get3A_290 = arith.index_cast %scan3A_90 : i32 to index
      %get3A_291 = arith.constant 192 : index
      %get3A_292 = tpu.vector_load %arg8[%get3A_290, %get3A_291] {strides = array<i32>} : memref<32x768xf32, #tpu.memory_space<vmem>>, vector<1x16xf32>,
      %get3A_293 = vector.shape_cast %get3A_292 : vector<1x16xf32> to vector<16xf32>
      %mul3A_294 = arith.mulf %get3A_94, %get3A_293 : vector<16xf32>
      %get3A_295 = arith.index_cast %scan3A_90 : i32 to index
      %get3A_296 = arith.constant 192 : index
      %get3A_297 = tpu.vector_load %arg9[%get3A_295, %get3A_296] {strides = array<i32>} : memref<32x768xf32, #tpu.memory_space<vmem>>, vector<1x16xf32>,
      %get3A_298 = vector.shape_cast %get3A_297 : vector<1x16xf32> to vector<16xf32>
      %mul3A_299 = arith.mulf %get3A_98, %get3A_298 : vector<16xf32>
      %add3A_300 = arith.addf %mul3A_294, %mul3A_299 : vector<16xf32>
      %swap3A_301 = arith.index_cast %scan3A_90 : i32 to index
      %swap3A_302 = arith.constant 192 : index
      %swap3A_303 = tpu.vector_load %arg8[%swap3A_301, %swap3A_302] {strides = array<i32>} : memref<32x768xf32, #tpu.memory_space<vmem>>, vector<1x16xf32>,
      %swap3A_304 = vector.shape_cast %swap3A_303 : vector<1x16xf32> to vector<16xf32>
      %swap3A_305 = vector.shape_cast %add3A_300 : vector<16xf32> to vector<1x16xf32>
      tpu.vector_store %arg8[%swap3A_301, %swap3A_302], %swap3A_305 {strides = array<i32>} : memref<32x768xf32, #tpu.memory_space<vmem>>, vector<1x16xf32>,
      %get3A_306 = arith.index_cast %scan3A_90 : i32 to index
      %get3A_307 = arith.constant 208 : index
      %get3A_308 = tpu.vector_load %arg8[%get3A_306, %get3A_307] {strides = array<i32>} : memref<32x768xf32, #tpu.memory_space<vmem>>, vector<1x16xf32>,
      %get3A_309 = vector.shape_cast %get3A_308 : vector<1x16xf32> to vector<16xf32>
      %mul3A_310 = arith.mulf %get3A_94, %get3A_309 : vector<16xf32>
      %get3A_311 = arith.index_cast %scan3A_90 : i32 to index
      %get3A_312 = arith.constant 208 : index
      %get3A_313 = tpu.vector_load %arg9[%get3A_311, %get3A_312] {strides = array<i32>} : memref<32x768xf32, #tpu.memory_space<vmem>>, vector<1x16xf32>,
      %get3A_314 = vector.shape_cast %get3A_313 : vector<1x16xf32> to vector<16xf32>
      %mul3A_315 = arith.mulf %get3A_98, %get3A_314 : vector<16xf32>
      %add3A_316 = arith.addf %mul3A_310, %mul3A_315 : vector<16xf32>
      %swap3A_317 = arith.index_cast %scan3A_90 : i32 to index
      %swap3A_318 = arith.constant 208 : index
      %swap3A_319 = tpu.vector_load %arg8[%swap3A_317, %swap3A_318] {strides = array<i32>} : memref<32x768xf32, #tpu.memory_space<vmem>>, vector<1x16xf32>,
      %swap3A_320 = vector.shape_cast %swap3A_319 : vector<1x16xf32> to vector<16xf32>
      %swap3A_321 = vector.shape_cast %add3A_316 : vector<16xf32> to vector<1x16xf32>
      tpu.vector_store %arg8[%swap3A_317, %swap3A_318], %swap3A_321 {strides = array<i32>} : memref<32x768xf32, #tpu.memory_space<vmem>>, vector<1x16xf32>,
      %get3A_322 = arith.index_cast %scan3A_90 : i32 to index
      %get3A_323 = arith.constant 224 : index
      %get3A_324 = tpu.vector_load %arg8[%get3A_322, %get3A_323] {strides = array<i32>} : memref<32x768xf32, #tpu.memory_space<vmem>>, vector<1x16xf32>,
      %get3A_325 = vector.shape_cast %get3A_324 : vector<1x16xf32> to vector<16xf32>
      %mul3A_326 = arith.mulf %get3A_94, %get3A_325 : vector<16xf32>
      %get3A_327 = arith.index_cast %scan3A_90 : i32 to index
      %get3A_328 = arith.constant 224 : index
      %get3A_329 = tpu.vector_load %arg9[%get3A_327, %get3A_328] {strides = array<i32>} : memref<32x768xf32, #tpu.memory_space<vmem>>, vector<1x16xf32>,
      %get3A_330 = vector.shape_cast %get3A_329 : vector<1x16xf32> to vector<16xf32>
      %mul3A_331 = arith.mulf %get3A_98, %get3A_330 : vector<16xf32>
      %add3A_332 = arith.addf %mul3A_326, %mul3A_331 : vector<16xf32>
      %swap3A_333 = arith.index_cast %scan3A_90 : i32 to index
      %swap3A_334 = arith.constant 224 : index
      %swap3A_335 = tpu.vector_load %arg8[%swap3A_333, %swap3A_334] {strides = array<i32>} : memref<32x768xf32, #tpu.memory_space<vmem>>, vector<1x16xf32>,
      %swap3A_336 = vector.shape_cast %swap3A_335 : vector<1x16xf32> to vector<16xf32>
      %swap3A_337 = vector.shape_cast %add3A_332 : vector<16xf32> to vector<1x16xf32>
      tpu.vector_store %arg8[%swap3A_333, %swap3A_334], %swap3A_337 {strides = array<i32>} : memref<32x768xf32, #tpu.memory_space<vmem>>, vector<1x16xf32>,
      %get3A_338 = arith.index_cast %scan3A_90 : i32 to index
      %get3A_339 = arith.constant 240 : index
      %get3A_340 = tpu.vector_load %arg8[%get3A_338, %get3A_339] {strides = array<i32>} : memref<32x768xf32, #tpu.memory_space<vmem>>, vector<1x16xf32>,
      %get3A_341 = vector.shape_cast %get3A_340 : vector<1x16xf32> to vector<16xf32>
      %mul3A_342 = arith.mulf %get3A_94, %get3A_341 : vector<16xf32>
      %get3A_343 = arith.index_cast %scan3A_90 : i32 to index
      %get3A_344 = arith.constant 240 : index
      %get3A_345 = tpu.vector_load %arg9[%get3A_343, %get3A_344] {strides = array<i32>} : memref<32x768xf32, #tpu.memory_space<vmem>>, vector<1x16xf32>,
      %get3A_346 = vector.shape_cast %get3A_345 : vector<1x16xf32> to vector<16xf32>
      %mul3A_347 = arith.mulf %get3A_98, %get3A_346 : vector<16xf32>
      %add3A_348 = arith.addf %mul3A_342, %mul3A_347 : vector<16xf32>
      %swap3A_349 = arith.index_cast %scan3A_90 : i32 to index
      %swap3A_350 = arith.constant 240 : index
      %swap3A_351 = tpu.vector_load %arg8[%swap3A_349, %swap3A_350] {strides = array<i32>} : memref<32x768xf32, #tpu.memory_space<vmem>>, vector<1x16xf32>,
      %swap3A_352 = vector.shape_cast %swap3A_351 : vector<1x16xf32> to vector<16xf32>
      %swap3A_353 = vector.shape_cast %add3A_348 : vector<16xf32> to vector<1x16xf32>
      tpu.vector_store %arg8[%swap3A_349, %swap3A_350], %swap3A_353 {strides = array<i32>} : memref<32x768xf32, #tpu.memory_space<vmem>>, vector<1x16xf32>,
      %get3A_354 = arith.index_cast %scan3A_90 : i32 to index
      %get3A_355 = arith.constant 256 : index
      %get3A_356 = tpu.vector_load %arg8[%get3A_354, %get3A_355] {strides = array<i32>} : memref<32x768xf32, #tpu.memory_space<vmem>>, vector<1x16xf32>,
      %get3A_357 = vector.shape_cast %get3A_356 : vector<1x16xf32> to vector<16xf32>
      %mul3A_358 = arith.mulf %get3A_94, %get3A_357 : vector<16xf32>
      %get3A_359 = arith.index_cast %scan3A_90 : i32 to index
      %get3A_360 = arith.constant 256 : index
      %get3A_361 = tpu.vector_load %arg9[%get3A_359, %get3A_360] {strides = array<i32>} : memref<32x768xf32, #tpu.memory_space<vmem>>, vector<1x16xf32>,
      %get3A_362 = vector.shape_cast %get3A_361 : vector<1x16xf32> to vector<16xf32>
      %mul3A_363 = arith.mulf %get3A_98, %get3A_362 : vector<16xf32>
      %add3A_364 = arith.addf %mul3A_358, %mul3A_363 : vector<16xf32>
      %swap3A_365 = arith.index_cast %scan3A_90 : i32 to index
      %swap3A_366 = arith.constant 256 : index
      %swap3A_367 = tpu.vector_load %arg8[%swap3A_365, %swap3A_366] {strides = array<i32>} : memref<32x768xf32, #tpu.memory_space<vmem>>, vector<1x16xf32>,
      %swap3A_368 = vector.shape_cast %swap3A_367 : vector<1x16xf32> to vector<16xf32>
      %swap3A_369 = vector.shape_cast %add3A_364 : vector<16xf32> to vector<1x16xf32>
      tpu.vector_store %arg8[%swap3A_365, %swap3A_366], %swap3A_369 {strides = array<i32>} : memref<32x768xf32, #tpu.memory_space<vmem>>, vector<1x16xf32>,
      %get3A_370 = arith.index_cast %scan3A_90 : i32 to index
      %get3A_371 = arith.constant 272 : index
      %get3A_372 = tpu.vector_load %arg8[%get3A_370, %get3A_371] {strides = array<i32>} : memref<32x768xf32, #tpu.memory_space<vmem>>, vector<1x16xf32>,
      %get3A_373 = vector.shape_cast %get3A_372 : vector<1x16xf32> to vector<16xf32>
      %mul3A_374 = arith.mulf %get3A_94, %get3A_373 : vector<16xf32>
      %get3A_375 = arith.index_cast %scan3A_90 : i32 to index
      %get3A_376 = arith.constant 272 : index
      %get3A_377 = tpu.vector_load %arg9[%get3A_375, %get3A_376] {strides = array<i32>} : memref<32x768xf32, #tpu.memory_space<vmem>>, vector<1x16xf32>,
      %get3A_378 = vector.shape_cast %get3A_377 : vector<1x16xf32> to vector<16xf32>
      %mul3A_379 = arith.mulf %get3A_98, %get3A_378 : vector<16xf32>
      %add3A_380 = arith.addf %mul3A_374, %mul3A_379 : vector<16xf32>
      %swap3A_381 = arith.index_cast %scan3A_90 : i32 to index
      %swap3A_382 = arith.constant 272 : index
      %swap3A_383 = tpu.vector_load %arg8[%swap3A_381, %swap3A_382] {strides = array<i32>} : memref<32x768xf32, #tpu.memory_space<vmem>>, vector<1x16xf32>,
      %swap3A_384 = vector.shape_cast %swap3A_383 : vector<1x16xf32> to vector<16xf32>
      %swap3A_385 = vector.shape_cast %add3A_380 : vector<16xf32> to vector<1x16xf32>
      tpu.vector_store %arg8[%swap3A_381, %swap3A_382], %swap3A_385 {strides = array<i32>} : memref<32x768xf32, #tpu.memory_space<vmem>>, vector<1x16xf32>,
      %get3A_386 = arith.index_cast %scan3A_90 : i32 to index
      %get3A_387 = arith.constant 288 : index
      %get3A_388 = tpu.vector_load %arg8[%get3A_386, %get3A_387] {strides = array<i32>} : memref<32x768xf32, #tpu.memory_space<vmem>>, vector<1x16xf32>,
      %get3A_389 = vector.shape_cast %get3A_388 : vector<1x16xf32> to vector<16xf32>
      %mul3A_390 = arith.mulf %get3A_94, %get3A_389 : vector<16xf32>
      %get3A_391 = arith.index_cast %scan3A_90 : i32 to index
      %get3A_392 = arith.constant 288 : index
      %get3A_393 = tpu.vector_load %arg9[%get3A_391, %get3A_392] {strides = array<i32>} : memref<32x768xf32, #tpu.memory_space<vmem>>, vector<1x16xf32>,
      %get3A_394 = vector.shape_cast %get3A_393 : vector<1x16xf32> to vector<16xf32>
      %mul3A_395 = arith.mulf %get3A_98, %get3A_394 : vector<16xf32>
      %add3A_396 = arith.addf %mul3A_390, %mul3A_395 : vector<16xf32>
      %swap3A_397 = arith.index_cast %scan3A_90 : i32 to index
      %swap3A_398 = arith.constant 288 : index
      %swap3A_399 = tpu.vector_load %arg8[%swap3A_397, %swap3A_398] {strides = array<i32>} : memref<32x768xf32, #tpu.memory_space<vmem>>, vector<1x16xf32>,
      %swap3A_400 = vector.shape_cast %swap3A_399 : vector<1x16xf32> to vector<16xf32>
      %swap3A_401 = vector.shape_cast %add3A_396 : vector<16xf32> to vector<1x16xf32>
      tpu.vector_store %arg8[%swap3A_397, %swap3A_398], %swap3A_401 {strides = array<i32>} : memref<32x768xf32, #tpu.memory_space<vmem>>, vector<1x16xf32>,
      %get3A_402 = arith.index_cast %scan3A_90 : i32 to index
      %get3A_403 = arith.constant 304 : index
      %get3A_404 = tpu.vector_load %arg8[%get3A_402, %get3A_403] {strides = array<i32>} : memref<32x768xf32, #tpu.memory_space<vmem>>, vector<1x16xf32>,
      %get3A_405 = vector.shape_cast %get3A_404 : vector<1x16xf32> to vector<16xf32>
      %mul3A_406 = arith.mulf %get3A_94, %get3A_405 : vector<16xf32>
      %get3A_407 = arith.index_cast %scan3A_90 : i32 to index
      %get3A_408 = arith.constant 304 : index
      %get3A_409 = tpu.vector_load %arg9[%get3A_407, %get3A_408] {strides = array<i32>} : memref<32x768xf32, #tpu.memory_space<vmem>>, vector<1x16xf32>,
      %get3A_410 = vector.shape_cast %get3A_409 : vector<1x16xf32> to vector<16xf32>
      %mul3A_411 = arith.mulf %get3A_98, %get3A_410 : vector<16xf32>
      %add3A_412 = arith.addf %mul3A_406, %mul3A_411 : vector<16xf32>
      %swap3A_413 = arith.index_cast %scan3A_90 : i32 to index
      %swap3A_414 = arith.constant 304 : index
      %swap3A_415 = tpu.vector_load %arg8[%swap3A_413, %swap3A_414] {strides = array<i32>} : memref<32x768xf32, #tpu.memory_space<vmem>>, vector<1x16xf32>,
      %swap3A_416 = vector.shape_cast %swap3A_415 : vector<1x16xf32> to vector<16xf32>
      %swap3A_417 = vector.shape_cast %add3A_412 : vector<16xf32> to vector<1x16xf32>
      tpu.vector_store %arg8[%swap3A_413, %swap3A_414], %swap3A_417 {strides = array<i32>} : memref<32x768xf32, #tpu.memory_space<vmem>>, vector<1x16xf32>,
      %get3A_418 = arith.index_cast %scan3A_90 : i32 to index
      %get3A_419 = arith.constant 320 : index
      %get3A_420 = tpu.vector_load %arg8[%get3A_418, %get3A_419] {strides = array<i32>} : memref<32x768xf32, #tpu.memory_space<vmem>>, vector<1x16xf32>,
      %get3A_421 = vector.shape_cast %get3A_420 : vector<1x16xf32> to vector<16xf32>
      %mul3A_422 = arith.mulf %get3A_94, %get3A_421 : vector<16xf32>
      %get3A_423 = arith.index_cast %scan3A_90 : i32 to index
      %get3A_424 = arith.constant 320 : index
      %get3A_425 = tpu.vector_load %arg9[%get3A_423, %get3A_424] {strides = array<i32>} : memref<32x768xf32, #tpu.memory_space<vmem>>, vector<1x16xf32>,
      %get3A_426 = vector.shape_cast %get3A_425 : vector<1x16xf32> to vector<16xf32>
      %mul3A_427 = arith.mulf %get3A_98, %get3A_426 : vector<16xf32>
      %add3A_428 = arith.addf %mul3A_422, %mul3A_427 : vector<16xf32>
      %swap3A_429 = arith.index_cast %scan3A_90 : i32 to index
      %swap3A_430 = arith.constant 320 : index
      %swap3A_431 = tpu.vector_load %arg8[%swap3A_429, %swap3A_430] {strides = array<i32>} : memref<32x768xf32, #tpu.memory_space<vmem>>, vector<1x16xf32>,
      %swap3A_432 = vector.shape_cast %swap3A_431 : vector<1x16xf32> to vector<16xf32>
      %swap3A_433 = vector.shape_cast %add3A_428 : vector<16xf32> to vector<1x16xf32>
      tpu.vector_store %arg8[%swap3A_429, %swap3A_430], %swap3A_433 {strides = array<i32>} : memref<32x768xf32, #tpu.memory_space<vmem>>, vector<1x16xf32>,
      %get3A_434 = arith.index_cast %scan3A_90 : i32 to index
      %get3A_435 = arith.constant 336 : index
      %get3A_436 = tpu.vector_load %arg8[%get3A_434, %get3A_435] {strides = array<i32>} : memref<32x768xf32, #tpu.memory_space<vmem>>, vector<1x16xf32>,
      %get3A_437 = vector.shape_cast %get3A_436 : vector<1x16xf32> to vector<16xf32>
      %mul3A_438 = arith.mulf %get3A_94, %get3A_437 : vector<16xf32>
      %get3A_439 = arith.index_cast %scan3A_90 : i32 to index
      %get3A_440 = arith.constant 336 : index
      %get3A_441 = tpu.vector_load %arg9[%get3A_439, %get3A_440] {strides = array<i32>} : memref<32x768xf32, #tpu.memory_space<vmem>>, vector<1x16xf32>,
      %get3A_442 = vector.shape_cast %get3A_441 : vector<1x16xf32> to vector<16xf32>
      %mul3A_443 = arith.mulf %get3A_98, %get3A_442 : vector<16xf32>
      %add3A_444 = arith.addf %mul3A_438, %mul3A_443 : vector<16xf32>
      %swap3A_445 = arith.index_cast %scan3A_90 : i32 to index
      %swap3A_446 = arith.constant 336 : index
      %swap3A_447 = tpu.vector_load %arg8[%swap3A_445, %swap3A_446] {strides = array<i32>} : memref<32x768xf32, #tpu.memory_space<vmem>>, vector<1x16xf32>,
      %swap3A_448 = vector.shape_cast %swap3A_447 : vector<1x16xf32> to vector<16xf32>
      %swap3A_449 = vector.shape_cast %add3A_444 : vector<16xf32> to vector<1x16xf32>
      tpu.vector_store %arg8[%swap3A_445, %swap3A_446], %swap3A_449 {strides = array<i32>} : memref<32x768xf32, #tpu.memory_space<vmem>>, vector<1x16xf32>,
      %get3A_450 = arith.index_cast %scan3A_90 : i32 to index
      %get3A_451 = arith.constant 352 : index
      %get3A_452 = tpu.vector_load %arg8[%get3A_450, %get3A_451] {strides = array<i32>} : memref<32x768xf32, #tpu.memory_space<vmem>>, vector<1x16xf32>,
      %get3A_453 = vector.shape_cast %get3A_452 : vector<1x16xf32> to vector<16xf32>
      %mul3A_454 = arith.mulf %get3A_94, %get3A_453 : vector<16xf32>
      %get3A_455 = arith.index_cast %scan3A_90 : i32 to index
      %get3A_456 = arith.constant 352 : index
      %get3A_457 = tpu.vector_load %arg9[%get3A_455, %get3A_456] {strides = array<i32>} : memref<32x768xf32, #tpu.memory_space<vmem>>, vector<1x16xf32>,
      %get3A_458 = vector.shape_cast %get3A_457 : vector<1x16xf32> to vector<16xf32>
      %mul3A_459 = arith.mulf %get3A_98, %get3A_458 : vector<16xf32>
      %add3A_460 = arith.addf %mul3A_454, %mul3A_459 : vector<16xf32>
      %swap3A_461 = arith.index_cast %scan3A_90 : i32 to index
      %swap3A_462 = arith.constant 352 : index
      %swap3A_463 = tpu.vector_load %arg8[%swap3A_461, %swap3A_462] {strides = array<i32>} : memref<32x768xf32, #tpu.memory_space<vmem>>, vector<1x16xf32>,
      %swap3A_464 = vector.shape_cast %swap3A_463 : vector<1x16xf32> to vector<16xf32>
      %swap3A_465 = vector.shape_cast %add3A_460 : vector<16xf32> to vector<1x16xf32>
      tpu.vector_store %arg8[%swap3A_461, %swap3A_462], %swap3A_465 {strides = array<i32>} : memref<32x768xf32, #tpu.memory_space<vmem>>, vector<1x16xf32>,
      %get3A_466 = arith.index_cast %scan3A_90 : i32 to index
      %get3A_467 = arith.constant 368 : index
      %get3A_468 = tpu.vector_load %arg8[%get3A_466, %get3A_467] {strides = array<i32>} : memref<32x768xf32, #tpu.memory_space<vmem>>, vector<1x16xf32>,
      %get3A_469 = vector.shape_cast %get3A_468 : vector<1x16xf32> to vector<16xf32>
      %mul3A_470 = arith.mulf %get3A_94, %get3A_469 : vector<16xf32>
      %get3A_471 = arith.index_cast %scan3A_90 : i32 to index
      %get3A_472 = arith.constant 368 : index
      %get3A_473 = tpu.vector_load %arg9[%get3A_471, %get3A_472] {strides = array<i32>} : memref<32x768xf32, #tpu.memory_space<vmem>>, vector<1x16xf32>,
      %get3A_474 = vector.shape_cast %get3A_473 : vector<1x16xf32> to vector<16xf32>
      %mul3A_475 = arith.mulf %get3A_98, %get3A_474 : vector<16xf32>
      %add3A_476 = arith.addf %mul3A_470, %mul3A_475 : vector<16xf32>
      %swap3A_477 = arith.index_cast %scan3A_90 : i32 to index
      %swap3A_478 = arith.constant 368 : index
      %swap3A_479 = tpu.vector_load %arg8[%swap3A_477, %swap3A_478] {strides = array<i32>} : memref<32x768xf32, #tpu.memory_space<vmem>>, vector<1x16xf32>,
      %swap3A_480 = vector.shape_cast %swap3A_479 : vector<1x16xf32> to vector<16xf32>
      %swap3A_481 = vector.shape_cast %add3A_476 : vector<16xf32> to vector<1x16xf32>
      tpu.vector_store %arg8[%swap3A_477, %swap3A_478], %swap3A_481 {strides = array<i32>} : memref<32x768xf32, #tpu.memory_space<vmem>>, vector<1x16xf32>,
      %get3A_482 = arith.index_cast %scan3A_90 : i32 to index
      %get3A_483 = arith.constant 384 : index
      %get3A_484 = tpu.vector_load %arg8[%get3A_482, %get3A_483] {strides = array<i32>} : memref<32x768xf32, #tpu.memory_space<vmem>>, vector<1x16xf32>,
      %get3A_485 = vector.shape_cast %get3A_484 : vector<1x16xf32> to vector<16xf32>
      %mul3A_486 = arith.mulf %get3A_94, %get3A_485 : vector<16xf32>
      %get3A_487 = arith.index_cast %scan3A_90 : i32 to index
      %get3A_488 = arith.constant 384 : index
      %get3A_489 = tpu.vector_load %arg9[%get3A_487, %get3A_488] {strides = array<i32>} : memref<32x768xf32, #tpu.memory_space<vmem>>, vector<1x16xf32>,
      %get3A_490 = vector.shape_cast %get3A_489 : vector<1x16xf32> to vector<16xf32>
      %mul3A_491 = arith.mulf %get3A_98, %get3A_490 : vector<16xf32>
      %add3A_492 = arith.addf %mul3A_486, %mul3A_491 : vector<16xf32>
      %swap3A_493 = arith.index_cast %scan3A_90 : i32 to index
      %swap3A_494 = arith.constant 384 : index
      %swap3A_495 = tpu.vector_load %arg8[%swap3A_493, %swap3A_494] {strides = array<i32>} : memref<32x768xf32, #tpu.memory_space<vmem>>, vector<1x16xf32>,
      %swap3A_496 = vector.shape_cast %swap3A_495 : vector<1x16xf32> to vector<16xf32>
      %swap3A_497 = vector.shape_cast %add3A_492 : vector<16xf32> to vector<1x16xf32>
      tpu.vector_store %arg8[%swap3A_493, %swap3A_494], %swap3A_497 {strides = array<i32>} : memref<32x768xf32, #tpu.memory_space<vmem>>, vector<1x16xf32>,
      %get3A_498 = arith.index_cast %scan3A_90 : i32 to index
      %get3A_499 = arith.constant 400 : index
      %get3A_500 = tpu.vector_load %arg8[%get3A_498, %get3A_499] {strides = array<i32>} : memref<32x768xf32, #tpu.memory_space<vmem>>, vector<1x16xf32>,
      %get3A_501 = vector.shape_cast %get3A_500 : vector<1x16xf32> to vector<16xf32>
      %mul3A_502 = arith.mulf %get3A_94, %get3A_501 : vector<16xf32>
      %get3A_503 = arith.index_cast %scan3A_90 : i32 to index
      %get3A_504 = arith.constant 400 : index
      %get3A_505 = tpu.vector_load %arg9[%get3A_503, %get3A_504] {strides = array<i32>} : memref<32x768xf32, #tpu.memory_space<vmem>>, vector<1x16xf32>,
      %get3A_506 = vector.shape_cast %get3A_505 : vector<1x16xf32> to vector<16xf32>
      %mul3A_507 = arith.mulf %get3A_98, %get3A_506 : vector<16xf32>
      %add3A_508 = arith.addf %mul3A_502, %mul3A_507 : vector<16xf32>
      %swap3A_509 = arith.index_cast %scan3A_90 : i32 to index
      %swap3A_510 = arith.constant 400 : index
      %swap3A_511 = tpu.vector_load %arg8[%swap3A_509, %swap3A_510] {strides = array<i32>} : memref<32x768xf32, #tpu.memory_space<vmem>>, vector<1x16xf32>,
      %swap3A_512 = vector.shape_cast %swap3A_511 : vector<1x16xf32> to vector<16xf32>
      %swap3A_513 = vector.shape_cast %add3A_508 : vector<16xf32> to vector<1x16xf32>
      tpu.vector_store %arg8[%swap3A_509, %swap3A_510], %swap3A_513 {strides = array<i32>} : memref<32x768xf32, #tpu.memory_space<vmem>>, vector<1x16xf32>,
      %get3A_514 = arith.index_cast %scan3A_90 : i32 to index
      %get3A_515 = arith.constant 416 : index
      %get3A_516 = tpu.vector_load %arg8[%get3A_514, %get3A_515] {strides = array<i32>} : memref<32x768xf32, #tpu.memory_space<vmem>>, vector<1x16xf32>,
      %get3A_517 = vector.shape_cast %get3A_516 : vector<1x16xf32> to vector<16xf32>
      %mul3A_518 = arith.mulf %get3A_94, %get3A_517 : vector<16xf32>
      %get3A_519 = arith.index_cast %scan3A_90 : i32 to index
      %get3A_520 = arith.constant 416 : index
      %get3A_521 = tpu.vector_load %arg9[%get3A_519, %get3A_520] {strides = array<i32>} : memref<32x768xf32, #tpu.memory_space<vmem>>, vector<1x16xf32>,
      %get3A_522 = vector.shape_cast %get3A_521 : vector<1x16xf32> to vector<16xf32>
      %mul3A_523 = arith.mulf %get3A_98, %get3A_522 : vector<16xf32>
      %add3A_524 = arith.addf %mul3A_518, %mul3A_523 : vector<16xf32>
      %swap3A_525 = arith.index_cast %scan3A_90 : i32 to index
      %swap3A_526 = arith.constant 416 : index
      %swap3A_527 = tpu.vector_load %arg8[%swap3A_525, %swap3A_526] {strides = array<i32>} : memref<32x768xf32, #tpu.memory_space<vmem>>, vector<1x16xf32>,
      %swap3A_528 = vector.shape_cast %swap3A_527 : vector<1x16xf32> to vector<16xf32>
      %swap3A_529 = vector.shape_cast %add3A_524 : vector<16xf32> to vector<1x16xf32>
      tpu.vector_store %arg8[%swap3A_525, %swap3A_526], %swap3A_529 {strides = array<i32>} : memref<32x768xf32, #tpu.memory_space<vmem>>, vector<1x16xf32>,
      %get3A_530 = arith.index_cast %scan3A_90 : i32 to index
      %get3A_531 = arith.constant 432 : index
      %get3A_532 = tpu.vector_load %arg8[%get3A_530, %get3A_531] {strides = array<i32>} : memref<32x768xf32, #tpu.memory_space<vmem>>, vector<1x16xf32>,
      %get3A_533 = vector.shape_cast %get3A_532 : vector<1x16xf32> to vector<16xf32>
      %mul3A_534 = arith.mulf %get3A_94, %get3A_533 : vector<16xf32>
      %get3A_535 = arith.index_cast %scan3A_90 : i32 to index
      %get3A_536 = arith.constant 432 : index
      %get3A_537 = tpu.vector_load %arg9[%get3A_535, %get3A_536] {strides = array<i32>} : memref<32x768xf32, #tpu.memory_space<vmem>>, vector<1x16xf32>,
      %get3A_538 = vector.shape_cast %get3A_537 : vector<1x16xf32> to vector<16xf32>
      %mul3A_539 = arith.mulf %get3A_98, %get3A_538 : vector<16xf32>
      %add3A_540 = arith.addf %mul3A_534, %mul3A_539 : vector<16xf32>
      %swap3A_541 = arith.index_cast %scan3A_90 : i32 to index
      %swap3A_542 = arith.constant 432 : index
      %swap3A_543 = tpu.vector_load %arg8[%swap3A_541, %swap3A_542] {strides = array<i32>} : memref<32x768xf32, #tpu.memory_space<vmem>>, vector<1x16xf32>,
      %swap3A_544 = vector.shape_cast %swap3A_543 : vector<1x16xf32> to vector<16xf32>
      %swap3A_545 = vector.shape_cast %add3A_540 : vector<16xf32> to vector<1x16xf32>
      tpu.vector_store %arg8[%swap3A_541, %swap3A_542], %swap3A_545 {strides = array<i32>} : memref<32x768xf32, #tpu.memory_space<vmem>>, vector<1x16xf32>,
      %get3A_546 = arith.index_cast %scan3A_90 : i32 to index
      %get3A_547 = arith.constant 448 : index
      %get3A_548 = tpu.vector_load %arg8[%get3A_546, %get3A_547] {strides = array<i32>} : memref<32x768xf32, #tpu.memory_space<vmem>>, vector<1x16xf32>,
      %get3A_549 = vector.shape_cast %get3A_548 : vector<1x16xf32> to vector<16xf32>
      %mul3A_550 = arith.mulf %get3A_94, %get3A_549 : vector<16xf32>
      %get3A_551 = arith.index_cast %scan3A_90 : i32 to index
      %get3A_552 = arith.constant 448 : index
      %get3A_553 = tpu.vector_load %arg9[%get3A_551, %get3A_552] {strides = array<i32>} : memref<32x768xf32, #tpu.memory_space<vmem>>, vector<1x16xf32>,
      %get3A_554 = vector.shape_cast %get3A_553 : vector<1x16xf32> to vector<16xf32>
      %mul3A_555 = arith.mulf %get3A_98, %get3A_554 : vector<16xf32>
      %add3A_556 = arith.addf %mul3A_550, %mul3A_555 : vector<16xf32>
      %swap3A_557 = arith.index_cast %scan3A_90 : i32 to index
      %swap3A_558 = arith.constant 448 : index
      %swap3A_559 = tpu.vector_load %arg8[%swap3A_557, %swap3A_558] {strides = array<i32>} : memref<32x768xf32, #tpu.memory_space<vmem>>, vector<1x16xf32>,
      %swap3A_560 = vector.shape_cast %swap3A_559 : vector<1x16xf32> to vector<16xf32>
      %swap3A_561 = vector.shape_cast %add3A_556 : vector<16xf32> to vector<1x16xf32>
      tpu.vector_store %arg8[%swap3A_557, %swap3A_558], %swap3A_561 {strides = array<i32>} : memref<32x768xf32, #tpu.memory_space<vmem>>, vector<1x16xf32>,
      %get3A_562 = arith.index_cast %scan3A_90 : i32 to index
      %get3A_563 = arith.constant 464 : index
      %get3A_564 = tpu.vector_load %arg8[%get3A_562, %get3A_563] {strides = array<i32>} : memref<32x768xf32, #tpu.memory_space<vmem>>, vector<1x16xf32>,
      %get3A_565 = vector.shape_cast %get3A_564 : vector<1x16xf32> to vector<16xf32>
      %mul3A_566 = arith.mulf %get3A_94, %get3A_565 : vector<16xf32>
      %get3A_567 = arith.index_cast %scan3A_90 : i32 to index
      %get3A_568 = arith.constant 464 : index
      %get3A_569 = tpu.vector_load %arg9[%get3A_567, %get3A_568] {strides = array<i32>} : memref<32x768xf32, #tpu.memory_space<vmem>>, vector<1x16xf32>,
      %get3A_570 = vector.shape_cast %get3A_569 : vector<1x16xf32> to vector<16xf32>
      %mul3A_571 = arith.mulf %get3A_98, %get3A_570 : vector<16xf32>
      %add3A_572 = arith.addf %mul3A_566, %mul3A_571 : vector<16xf32>
      %swap3A_573 = arith.index_cast %scan3A_90 : i32 to index
      %swap3A_574 = arith.constant 464 : index
      %swap3A_575 = tpu.vector_load %arg8[%swap3A_573, %swap3A_574] {strides = array<i32>} : memref<32x768xf32, #tpu.memory_space<vmem>>, vector<1x16xf32>,
      %swap3A_576 = vector.shape_cast %swap3A_575 : vector<1x16xf32> to vector<16xf32>
      %swap3A_577 = vector.shape_cast %add3A_572 : vector<16xf32> to vector<1x16xf32>
      tpu.vector_store %arg8[%swap3A_573, %swap3A_574], %swap3A_577 {strides = array<i32>} : memref<32x768xf32, #tpu.memory_space<vmem>>, vector<1x16xf32>,
      %get3A_578 = arith.index_cast %scan3A_90 : i32 to index
      %get3A_579 = arith.constant 480 : index
      %get3A_580 = tpu.vector_load %arg8[%get3A_578, %get3A_579] {strides = array<i32>} : memref<32x768xf32, #tpu.memory_space<vmem>>, vector<1x16xf32>,
      %get3A_581 = vector.shape_cast %get3A_580 : vector<1x16xf32> to vector<16xf32>
      %mul3A_582 = arith.mulf %get3A_94, %get3A_581 : vector<16xf32>
      %get3A_583 = arith.index_cast %scan3A_90 : i32 to index
      %get3A_584 = arith.constant 480 : index
      %get3A_585 = tpu.vector_load %arg9[%get3A_583, %get3A_584] {strides = array<i32>} : memref<32x768xf32, #tpu.memory_space<vmem>>, vector<1x16xf32>,
      %get3A_586 = vector.shape_cast %get3A_585 : vector<1x16xf32> to vector<16xf32>
      %mul3A_587 = arith.mulf %get3A_98, %get3A_586 : vector<16xf32>
      %add3A_588 = arith.addf %mul3A_582, %mul3A_587 : vector<16xf32>
      %swap3A_589 = arith.index_cast %scan3A_90 : i32 to index
      %swap3A_590 = arith.constant 480 : index
      %swap3A_591 = tpu.vector_load %arg8[%swap3A_589, %swap3A_590] {strides = array<i32>} : memref<32x768xf32, #tpu.memory_space<vmem>>, vector<1x16xf32>,
      %swap3A_592 = vector.shape_cast %swap3A_591 : vector<1x16xf32> to vector<16xf32>
      %swap3A_593 = vector.shape_cast %add3A_588 : vector<16xf32> to vector<1x16xf32>
      tpu.vector_store %arg8[%swap3A_589, %swap3A_590], %swap3A_593 {strides = array<i32>} : memref<32x768xf32, #tpu.memory_space<vmem>>, vector<1x16xf32>,
      %get3A_594 = arith.index_cast %scan3A_90 : i32 to index
      %get3A_595 = arith.constant 496 : index
      %get3A_596 = tpu.vector_load %arg8[%get3A_594, %get3A_595] {strides = array<i32>} : memref<32x768xf32, #tpu.memory_space<vmem>>, vector<1x16xf32>,
      %get3A_597 = vector.shape_cast %get3A_596 : vector<1x16xf32> to vector<16xf32>
      %mul3A_598 = arith.mulf %get3A_94, %get3A_597 : vector<16xf32>
      %get3A_599 = arith.index_cast %scan3A_90 : i32 to index
      %get3A_600 = arith.constant 496 : index
      %get3A_601 = tpu.vector_load %arg9[%get3A_599, %get3A_600] {strides = array<i32>} : memref<32x768xf32, #tpu.memory_space<vmem>>, vector<1x16xf32>,
      %get3A_602 = vector.shape_cast %get3A_601 : vector<1x16xf32> to vector<16xf32>
      %mul3A_603 = arith.mulf %get3A_98, %get3A_602 : vector<16xf32>
      %add3A_604 = arith.addf %mul3A_598, %mul3A_603 : vector<16xf32>
      %swap3A_605 = arith.index_cast %scan3A_90 : i32 to index
      %swap3A_606 = arith.constant 496 : index
      %swap3A_607 = tpu.vector_load %arg8[%swap3A_605, %swap3A_606] {strides = array<i32>} : memref<32x768xf32, #tpu.memory_space<vmem>>, vector<1x16xf32>,
      %swap3A_608 = vector.shape_cast %swap3A_607 : vector<1x16xf32> to vector<16xf32>
      %swap3A_609 = vector.shape_cast %add3A_604 : vector<16xf32> to vector<1x16xf32>
      tpu.vector_store %arg8[%swap3A_605, %swap3A_606], %swap3A_609 {strides = array<i32>} : memref<32x768xf32, #tpu.memory_space<vmem>>, vector<1x16xf32>,
      %get3A_610 = arith.index_cast %scan3A_90 : i32 to index
      %get3A_611 = arith.constant 512 : index
      %get3A_612 = tpu.vector_load %arg8[%get3A_610, %get3A_611] {strides = array<i32>} : memref<32x768xf32, #tpu.memory_space<vmem>>, vector<1x16xf32>,
      %get3A_613 = vector.shape_cast %get3A_612 : vector<1x16xf32> to vector<16xf32>
      %mul3A_614 = arith.mulf %get3A_94, %get3A_613 : vector<16xf32>
      %get3A_615 = arith.index_cast %scan3A_90 : i32 to index
      %get3A_616 = arith.constant 512 : index
      %get3A_617 = tpu.vector_load %arg9[%get3A_615, %get3A_616] {strides = array<i32>} : memref<32x768xf32, #tpu.memory_space<vmem>>, vector<1x16xf32>,
      %get3A_618 = vector.shape_cast %get3A_617 : vector<1x16xf32> to vector<16xf32>
      %mul3A_619 = arith.mulf %get3A_98, %get3A_618 : vector<16xf32>
      %add3A_620 = arith.addf %mul3A_614, %mul3A_619 : vector<16xf32>
      %swap3A_621 = arith.index_cast %scan3A_90 : i32 to index
      %swap3A_622 = arith.constant 512 : index
      %swap3A_623 = tpu.vector_load %arg8[%swap3A_621, %swap3A_622] {strides = array<i32>} : memref<32x768xf32, #tpu.memory_space<vmem>>, vector<1x16xf32>,
      %swap3A_624 = vector.shape_cast %swap3A_623 : vector<1x16xf32> to vector<16xf32>
      %swap3A_625 = vector.shape_cast %add3A_620 : vector<16xf32> to vector<1x16xf32>
      tpu.vector_store %arg8[%swap3A_621, %swap3A_622], %swap3A_625 {strides = array<i32>} : memref<32x768xf32, #tpu.memory_space<vmem>>, vector<1x16xf32>,
      %get3A_626 = arith.index_cast %scan3A_90 : i32 to index
      %get3A_627 = arith.constant 528 : index
      %get3A_628 = tpu.vector_load %arg8[%get3A_626, %get3A_627] {strides = array<i32>} : memref<32x768xf32, #tpu.memory_space<vmem>>, vector<1x16xf32>,
      %get3A_629 = vector.shape_cast %get3A_628 : vector<1x16xf32> to vector<16xf32>
      %mul3A_630 = arith.mulf %get3A_94, %get3A_629 : vector<16xf32>
      %get3A_631 = arith.index_cast %scan3A_90 : i32 to index
      %get3A_632 = arith.constant 528 : index
      %get3A_633 = tpu.vector_load %arg9[%get3A_631, %get3A_632] {strides = array<i32>} : memref<32x768xf32, #tpu.memory_space<vmem>>, vector<1x16xf32>,
      %get3A_634 = vector.shape_cast %get3A_633 : vector<1x16xf32> to vector<16xf32>
      %mul3A_635 = arith.mulf %get3A_98, %get3A_634 : vector<16xf32>
      %add3A_636 = arith.addf %mul3A_630, %mul3A_635 : vector<16xf32>
      %swap3A_637 = arith.index_cast %scan3A_90 : i32 to index
      %swap3A_638 = arith.constant 528 : index
      %swap3A_639 = tpu.vector_load %arg8[%swap3A_637, %swap3A_638] {strides = array<i32>} : memref<32x768xf32, #tpu.memory_space<vmem>>, vector<1x16xf32>,
      %swap3A_640 = vector.shape_cast %swap3A_639 : vector<1x16xf32> to vector<16xf32>
      %swap3A_641 = vector.shape_cast %add3A_636 : vector<16xf32> to vector<1x16xf32>
      tpu.vector_store %arg8[%swap3A_637, %swap3A_638], %swap3A_641 {strides = array<i32>} : memref<32x768xf32, #tpu.memory_space<vmem>>, vector<1x16xf32>,
      %get3A_642 = arith.index_cast %scan3A_90 : i32 to index
      %get3A_643 = arith.constant 544 : index
      %get3A_644 = tpu.vector_load %arg8[%get3A_642, %get3A_643] {strides = array<i32>} : memref<32x768xf32, #tpu.memory_space<vmem>>, vector<1x16xf32>,
      %get3A_645 = vector.shape_cast %get3A_644 : vector<1x16xf32> to vector<16xf32>
      %mul3A_646 = arith.mulf %get3A_94, %get3A_645 : vector<16xf32>
      %get3A_647 = arith.index_cast %scan3A_90 : i32 to index
      %get3A_648 = arith.constant 544 : index
      %get3A_649 = tpu.vector_load %arg9[%get3A_647, %get3A_648] {strides = array<i32>} : memref<32x768xf32, #tpu.memory_space<vmem>>, vector<1x16xf32>,
      %get3A_650 = vector.shape_cast %get3A_649 : vector<1x16xf32> to vector<16xf32>
      %mul3A_651 = arith.mulf %get3A_98, %get3A_650 : vector<16xf32>
      %add3A_652 = arith.addf %mul3A_646, %mul3A_651 : vector<16xf32>
      %swap3A_653 = arith.index_cast %scan3A_90 : i32 to index
      %swap3A_654 = arith.constant 544 : index
      %swap3A_655 = tpu.vector_load %arg8[%swap3A_653, %swap3A_654] {strides = array<i32>} : memref<32x768xf32, #tpu.memory_space<vmem>>, vector<1x16xf32>,
      %swap3A_656 = vector.shape_cast %swap3A_655 : vector<1x16xf32> to vector<16xf32>
      %swap3A_657 = vector.shape_cast %add3A_652 : vector<16xf32> to vector<1x16xf32>
      tpu.vector_store %arg8[%swap3A_653, %swap3A_654], %swap3A_657 {strides = array<i32>} : memref<32x768xf32, #tpu.memory_space<vmem>>, vector<1x16xf32>,
      %get3A_658 = arith.index_cast %scan3A_90 : i32 to index
      %get3A_659 = arith.constant 560 : index
      %get3A_660 = tpu.vector_load %arg8[%get3A_658, %get3A_659] {strides = array<i32>} : memref<32x768xf32, #tpu.memory_space<vmem>>, vector<1x16xf32>,
      %get3A_661 = vector.shape_cast %get3A_660 : vector<1x16xf32> to vector<16xf32>
      %mul3A_662 = arith.mulf %get3A_94, %get3A_661 : vector<16xf32>
      %get3A_663 = arith.index_cast %scan3A_90 : i32 to index
      %get3A_664 = arith.constant 560 : index
      %get3A_665 = tpu.vector_load %arg9[%get3A_663, %get3A_664] {strides = array<i32>} : memref<32x768xf32, #tpu.memory_space<vmem>>, vector<1x16xf32>,
      %get3A_666 = vector.shape_cast %get3A_665 : vector<1x16xf32> to vector<16xf32>
      %mul3A_667 = arith.mulf %get3A_98, %get3A_666 : vector<16xf32>
      %add3A_668 = arith.addf %mul3A_662, %mul3A_667 : vector<16xf32>
      %swap3A_669 = arith.index_cast %scan3A_90 : i32 to index
      %swap3A_670 = arith.constant 560 : index
      %swap3A_671 = tpu.vector_load %arg8[%swap3A_669, %swap3A_670] {strides = array<i32>} : memref<32x768xf32, #tpu.memory_space<vmem>>, vector<1x16xf32>,
      %swap3A_672 = vector.shape_cast %swap3A_671 : vector<1x16xf32> to vector<16xf32>
      %swap3A_673 = vector.shape_cast %add3A_668 : vector<16xf32> to vector<1x16xf32>
      tpu.vector_store %arg8[%swap3A_669, %swap3A_670], %swap3A_673 {strides = array<i32>} : memref<32x768xf32, #tpu.memory_space<vmem>>, vector<1x16xf32>,
      %get3A_674 = arith.index_cast %scan3A_90 : i32 to index
      %get3A_675 = arith.constant 576 : index
      %get3A_676 = tpu.vector_load %arg8[%get3A_674, %get3A_675] {strides = array<i32>} : memref<32x768xf32, #tpu.memory_space<vmem>>, vector<1x16xf32>,
      %get3A_677 = vector.shape_cast %get3A_676 : vector<1x16xf32> to vector<16xf32>
      %mul3A_678 = arith.mulf %get3A_94, %get3A_677 : vector<16xf32>
      %get3A_679 = arith.index_cast %scan3A_90 : i32 to index
      %get3A_680 = arith.constant 576 : index
      %get3A_681 = tpu.vector_load %arg9[%get3A_679, %get3A_680] {strides = array<i32>} : memref<32x768xf32, #tpu.memory_space<vmem>>, vector<1x16xf32>,
      %get3A_682 = vector.shape_cast %get3A_681 : vector<1x16xf32> to vector<16xf32>
      %mul3A_683 = arith.mulf %get3A_98, %get3A_682 : vector<16xf32>
      %add3A_684 = arith.addf %mul3A_678, %mul3A_683 : vector<16xf32>
      %swap3A_685 = arith.index_cast %scan3A_90 : i32 to index
      %swap3A_686 = arith.constant 576 : index
      %swap3A_687 = tpu.vector_load %arg8[%swap3A_685, %swap3A_686] {strides = array<i32>} : memref<32x768xf32, #tpu.memory_space<vmem>>, vector<1x16xf32>,
      %swap3A_688 = vector.shape_cast %swap3A_687 : vector<1x16xf32> to vector<16xf32>
      %swap3A_689 = vector.shape_cast %add3A_684 : vector<16xf32> to vector<1x16xf32>
      tpu.vector_store %arg8[%swap3A_685, %swap3A_686], %swap3A_689 {strides = array<i32>} : memref<32x768xf32, #tpu.memory_space<vmem>>, vector<1x16xf32>,
      %get3A_690 = arith.index_cast %scan3A_90 : i32 to index
      %get3A_691 = arith.constant 592 : index
      %get3A_692 = tpu.vector_load %arg8[%get3A_690, %get3A_691] {strides = array<i32>} : memref<32x768xf32, #tpu.memory_space<vmem>>, vector<1x16xf32>,
      %get3A_693 = vector.shape_cast %get3A_692 : vector<1x16xf32> to vector<16xf32>
      %mul3A_694 = arith.mulf %get3A_94, %get3A_693 : vector<16xf32>
      %get3A_695 = arith.index_cast %scan3A_90 : i32 to index
      %get3A_696 = arith.constant 592 : index
      %get3A_697 = tpu.vector_load %arg9[%get3A_695, %get3A_696] {strides = array<i32>} : memref<32x768xf32, #tpu.memory_space<vmem>>, vector<1x16xf32>,
      %get3A_698 = vector.shape_cast %get3A_697 : vector<1x16xf32> to vector<16xf32>
      %mul3A_699 = arith.mulf %get3A_98, %get3A_698 : vector<16xf32>
      %add3A_700 = arith.addf %mul3A_694, %mul3A_699 : vector<16xf32>
      %swap3A_701 = arith.index_cast %scan3A_90 : i32 to index
      %swap3A_702 = arith.constant 592 : index
      %swap3A_703 = tpu.vector_load %arg8[%swap3A_701, %swap3A_702] {strides = array<i32>} : memref<32x768xf32, #tpu.memory_space<vmem>>, vector<1x16xf32>,
      %swap3A_704 = vector.shape_cast %swap3A_703 : vector<1x16xf32> to vector<16xf32>
      %swap3A_705 = vector.shape_cast %add3A_700 : vector<16xf32> to vector<1x16xf32>
      tpu.vector_store %arg8[%swap3A_701, %swap3A_702], %swap3A_705 {strides = array<i32>} : memref<32x768xf32, #tpu.memory_space<vmem>>, vector<1x16xf32>,
      %get3A_706 = arith.index_cast %scan3A_90 : i32 to index
      %get3A_707 = arith.constant 608 : index
      %get3A_708 = tpu.vector_load %arg8[%get3A_706, %get3A_707] {strides = array<i32>} : memref<32x768xf32, #tpu.memory_space<vmem>>, vector<1x16xf32>,
      %get3A_709 = vector.shape_cast %get3A_708 : vector<1x16xf32> to vector<16xf32>
      %mul3A_710 = arith.mulf %get3A_94, %get3A_709 : vector<16xf32>
      %get3A_711 = arith.index_cast %scan3A_90 : i32 to index
      %get3A_712 = arith.constant 608 : index
      %get3A_713 = tpu.vector_load %arg9[%get3A_711, %get3A_712] {strides = array<i32>} : memref<32x768xf32, #tpu.memory_space<vmem>>, vector<1x16xf32>,
      %get3A_714 = vector.shape_cast %get3A_713 : vector<1x16xf32> to vector<16xf32>
      %mul3A_715 = arith.mulf %get3A_98, %get3A_714 : vector<16xf32>
      %add3A_716 = arith.addf %mul3A_710, %mul3A_715 : vector<16xf32>
      %swap3A_717 = arith.index_cast %scan3A_90 : i32 to index
      %swap3A_718 = arith.constant 608 : index
      %swap3A_719 = tpu.vector_load %arg8[%swap3A_717, %swap3A_718] {strides = array<i32>} : memref<32x768xf32, #tpu.memory_space<vmem>>, vector<1x16xf32>,
      %swap3A_720 = vector.shape_cast %swap3A_719 : vector<1x16xf32> to vector<16xf32>
      %swap3A_721 = vector.shape_cast %add3A_716 : vector<16xf32> to vector<1x16xf32>
      tpu.vector_store %arg8[%swap3A_717, %swap3A_718], %swap3A_721 {strides = array<i32>} : memref<32x768xf32, #tpu.memory_space<vmem>>, vector<1x16xf32>,
      %get3A_722 = arith.index_cast %scan3A_90 : i32 to index
      %get3A_723 = arith.constant 624 : index
      %get3A_724 = tpu.vector_load %arg8[%get3A_722, %get3A_723] {strides = array<i32>} : memref<32x768xf32, #tpu.memory_space<vmem>>, vector<1x16xf32>,
      %get3A_725 = vector.shape_cast %get3A_724 : vector<1x16xf32> to vector<16xf32>
      %mul3A_726 = arith.mulf %get3A_94, %get3A_725 : vector<16xf32>
      %get3A_727 = arith.index_cast %scan3A_90 : i32 to index
      %get3A_728 = arith.constant 624 : index
      %get3A_729 = tpu.vector_load %arg9[%get3A_727, %get3A_728] {strides = array<i32>} : memref<32x768xf32, #tpu.memory_space<vmem>>, vector<1x16xf32>,
      %get3A_730 = vector.shape_cast %get3A_729 : vector<1x16xf32> to vector<16xf32>
      %mul3A_731 = arith.mulf %get3A_98, %get3A_730 : vector<16xf32>
      %add3A_732 = arith.addf %mul3A_726, %mul3A_731 : vector<16xf32>
      %swap3A_733 = arith.index_cast %scan3A_90 : i32 to index
      %swap3A_734 = arith.constant 624 : index
      %swap3A_735 = tpu.vector_load %arg8[%swap3A_733, %swap3A_734] {strides = array<i32>} : memref<32x768xf32, #tpu.memory_space<vmem>>, vector<1x16xf32>,
      %swap3A_736 = vector.shape_cast %swap3A_735 : vector<1x16xf32> to vector<16xf32>
      %swap3A_737 = vector.shape_cast %add3A_732 : vector<16xf32> to vector<1x16xf32>
      tpu.vector_store %arg8[%swap3A_733, %swap3A_734], %swap3A_737 {strides = array<i32>} : memref<32x768xf32, #tpu.memory_space<vmem>>, vector<1x16xf32>,
      %get3A_738 = arith.index_cast %scan3A_90 : i32 to index
      %get3A_739 = arith.constant 640 : index
      %get3A_740 = tpu.vector_load %arg8[%get3A_738, %get3A_739] {strides = array<i32>} : memref<32x768xf32, #tpu.memory_space<vmem>>, vector<1x16xf32>,
      %get3A_741 = vector.shape_cast %get3A_740 : vector<1x16xf32> to vector<16xf32>
      %mul3A_742 = arith.mulf %get3A_94, %get3A_741 : vector<16xf32>
      %get3A_743 = arith.index_cast %scan3A_90 : i32 to index
      %get3A_744 = arith.constant 640 : index
      %get3A_745 = tpu.vector_load %arg9[%get3A_743, %get3A_744] {strides = array<i32>} : memref<32x768xf32, #tpu.memory_space<vmem>>, vector<1x16xf32>,
      %get3A_746 = vector.shape_cast %get3A_745 : vector<1x16xf32> to vector<16xf32>
      %mul3A_747 = arith.mulf %get3A_98, %get3A_746 : vector<16xf32>
      %add3A_748 = arith.addf %mul3A_742, %mul3A_747 : vector<16xf32>
      %swap3A_749 = arith.index_cast %scan3A_90 : i32 to index
      %swap3A_750 = arith.constant 640 : index
      %swap3A_751 = tpu.vector_load %arg8[%swap3A_749, %swap3A_750] {strides = array<i32>} : memref<32x768xf32, #tpu.memory_space<vmem>>, vector<1x16xf32>,
      %swap3A_752 = vector.shape_cast %swap3A_751 : vector<1x16xf32> to vector<16xf32>
      %swap3A_753 = vector.shape_cast %add3A_748 : vector<16xf32> to vector<1x16xf32>
      tpu.vector_store %arg8[%swap3A_749, %swap3A_750], %swap3A_753 {strides = array<i32>} : memref<32x768xf32, #tpu.memory_space<vmem>>, vector<1x16xf32>,
      %get3A_754 = arith.index_cast %scan3A_90 : i32 to index
      %get3A_755 = arith.constant 656 : index
      %get3A_756 = tpu.vector_load %arg8[%get3A_754, %get3A_755] {strides = array<i32>} : memref<32x768xf32, #tpu.memory_space<vmem>>, vector<1x16xf32>,
      %get3A_757 = vector.shape_cast %get3A_756 : vector<1x16xf32> to vector<16xf32>
      %mul3A_758 = arith.mulf %get3A_94, %get3A_757 : vector<16xf32>
      %get3A_759 = arith.index_cast %scan3A_90 : i32 to index
      %get3A_760 = arith.constant 656 : index
      %get3A_761 = tpu.vector_load %arg9[%get3A_759, %get3A_760] {strides = array<i32>} : memref<32x768xf32, #tpu.memory_space<vmem>>, vector<1x16xf32>,
      %get3A_762 = vector.shape_cast %get3A_761 : vector<1x16xf32> to vector<16xf32>
      %mul3A_763 = arith.mulf %get3A_98, %get3A_762 : vector<16xf32>
      %add3A_764 = arith.addf %mul3A_758, %mul3A_763 : vector<16xf32>
      %swap3A_765 = arith.index_cast %scan3A_90 : i32 to index
      %swap3A_766 = arith.constant 656 : index
      %swap3A_767 = tpu.vector_load %arg8[%swap3A_765, %swap3A_766] {strides = array<i32>} : memref<32x768xf32, #tpu.memory_space<vmem>>, vector<1x16xf32>,
      %swap3A_768 = vector.shape_cast %swap3A_767 : vector<1x16xf32> to vector<16xf32>
      %swap3A_769 = vector.shape_cast %add3A_764 : vector<16xf32> to vector<1x16xf32>
      tpu.vector_store %arg8[%swap3A_765, %swap3A_766], %swap3A_769 {strides = array<i32>} : memref<32x768xf32, #tpu.memory_space<vmem>>, vector<1x16xf32>,
      %get3A_770 = arith.index_cast %scan3A_90 : i32 to index
      %get3A_771 = arith.constant 672 : index
      %get3A_772 = tpu.vector_load %arg8[%get3A_770, %get3A_771] {strides = array<i32>} : memref<32x768xf32, #tpu.memory_space<vmem>>, vector<1x16xf32>,
      %get3A_773 = vector.shape_cast %get3A_772 : vector<1x16xf32> to vector<16xf32>
      %mul3A_774 = arith.mulf %get3A_94, %get3A_773 : vector<16xf32>
      %get3A_775 = arith.index_cast %scan3A_90 : i32 to index
      %get3A_776 = arith.constant 672 : index
      %get3A_777 = tpu.vector_load %arg9[%get3A_775, %get3A_776] {strides = array<i32>} : memref<32x768xf32, #tpu.memory_space<vmem>>, vector<1x16xf32>,
      %get3A_778 = vector.shape_cast %get3A_777 : vector<1x16xf32> to vector<16xf32>
      %mul3A_779 = arith.mulf %get3A_98, %get3A_778 : vector<16xf32>
      %add3A_780 = arith.addf %mul3A_774, %mul3A_779 : vector<16xf32>
      %swap3A_781 = arith.index_cast %scan3A_90 : i32 to index
      %swap3A_782 = arith.constant 672 : index
      %swap3A_783 = tpu.vector_load %arg8[%swap3A_781, %swap3A_782] {strides = array<i32>} : memref<32x768xf32, #tpu.memory_space<vmem>>, vector<1x16xf32>,
      %swap3A_784 = vector.shape_cast %swap3A_783 : vector<1x16xf32> to vector<16xf32>
      %swap3A_785 = vector.shape_cast %add3A_780 : vector<16xf32> to vector<1x16xf32>
      tpu.vector_store %arg8[%swap3A_781, %swap3A_782], %swap3A_785 {strides = array<i32>} : memref<32x768xf32, #tpu.memory_space<vmem>>, vector<1x16xf32>,
      %get3A_786 = arith.index_cast %scan3A_90 : i32 to index
      %get3A_787 = arith.constant 688 : index
      %get3A_788 = tpu.vector_load %arg8[%get3A_786, %get3A_787] {strides = array<i32>} : memref<32x768xf32, #tpu.memory_space<vmem>>, vector<1x16xf32>,
      %get3A_789 = vector.shape_cast %get3A_788 : vector<1x16xf32> to vector<16xf32>
      %mul3A_790 = arith.mulf %get3A_94, %get3A_789 : vector<16xf32>
      %get3A_791 = arith.index_cast %scan3A_90 : i32 to index
      %get3A_792 = arith.constant 688 : index
      %get3A_793 = tpu.vector_load %arg9[%get3A_791, %get3A_792] {strides = array<i32>} : memref<32x768xf32, #tpu.memory_space<vmem>>, vector<1x16xf32>,
      %get3A_794 = vector.shape_cast %get3A_793 : vector<1x16xf32> to vector<16xf32>
      %mul3A_795 = arith.mulf %get3A_98, %get3A_794 : vector<16xf32>
      %add3A_796 = arith.addf %mul3A_790, %mul3A_795 : vector<16xf32>
      %swap3A_797 = arith.index_cast %scan3A_90 : i32 to index
      %swap3A_798 = arith.constant 688 : index
      %swap3A_799 = tpu.vector_load %arg8[%swap3A_797, %swap3A_798] {strides = array<i32>} : memref<32x768xf32, #tpu.memory_space<vmem>>, vector<1x16xf32>,
      %swap3A_800 = vector.shape_cast %swap3A_799 : vector<1x16xf32> to vector<16xf32>
      %swap3A_801 = vector.shape_cast %add3A_796 : vector<16xf32> to vector<1x16xf32>
      tpu.vector_store %arg8[%swap3A_797, %swap3A_798], %swap3A_801 {strides = array<i32>} : memref<32x768xf32, #tpu.memory_space<vmem>>, vector<1x16xf32>,
      %get3A_802 = arith.index_cast %scan3A_90 : i32 to index
      %get3A_803 = arith.constant 704 : index
      %get3A_804 = tpu.vector_load %arg8[%get3A_802, %get3A_803] {strides = array<i32>} : memref<32x768xf32, #tpu.memory_space<vmem>>, vector<1x16xf32>,
      %get3A_805 = vector.shape_cast %get3A_804 : vector<1x16xf32> to vector<16xf32>
      %mul3A_806 = arith.mulf %get3A_94, %get3A_805 : vector<16xf32>
      %get3A_807 = arith.index_cast %scan3A_90 : i32 to index
      %get3A_808 = arith.constant 704 : index
      %get3A_809 = tpu.vector_load %arg9[%get3A_807, %get3A_808] {strides = array<i32>} : memref<32x768xf32, #tpu.memory_space<vmem>>, vector<1x16xf32>,
      %get3A_810 = vector.shape_cast %get3A_809 : vector<1x16xf32> to vector<16xf32>
      %mul3A_811 = arith.mulf %get3A_98, %get3A_810 : vector<16xf32>
      %add3A_812 = arith.addf %mul3A_806, %mul3A_811 : vector<16xf32>
      %swap3A_813 = arith.index_cast %scan3A_90 : i32 to index
      %swap3A_814 = arith.constant 704 : index
      %swap3A_815 = tpu.vector_load %arg8[%swap3A_813, %swap3A_814] {strides = array<i32>} : memref<32x768xf32, #tpu.memory_space<vmem>>, vector<1x16xf32>,
      %swap3A_816 = vector.shape_cast %swap3A_815 : vector<1x16xf32> to vector<16xf32>
      %swap3A_817 = vector.shape_cast %add3A_812 : vector<16xf32> to vector<1x16xf32>
      tpu.vector_store %arg8[%swap3A_813, %swap3A_814], %swap3A_817 {strides = array<i32>} : memref<32x768xf32, #tpu.memory_space<vmem>>, vector<1x16xf32>,
      %get3A_818 = arith.index_cast %scan3A_90 : i32 to index
      %get3A_819 = arith.constant 720 : index
      %get3A_820 = tpu.vector_load %arg8[%get3A_818, %get3A_819] {strides = array<i32>} : memref<32x768xf32, #tpu.memory_space<vmem>>, vector<1x16xf32>,
      %get3A_821 = vector.shape_cast %get3A_820 : vector<1x16xf32> to vector<16xf32>
      %mul3A_822 = arith.mulf %get3A_94, %get3A_821 : vector<16xf32>
      %get3A_823 = arith.index_cast %scan3A_90 : i32 to index
      %get3A_824 = arith.constant 720 : index
      %get3A_825 = tpu.vector_load %arg9[%get3A_823, %get3A_824] {strides = array<i32>} : memref<32x768xf32, #tpu.memory_space<vmem>>, vector<1x16xf32>,
      %get3A_826 = vector.shape_cast %get3A_825 : vector<1x16xf32> to vector<16xf32>
      %mul3A_827 = arith.mulf %get3A_98, %get3A_826 : vector<16xf32>
      %add3A_828 = arith.addf %mul3A_822, %mul3A_827 : vector<16xf32>
      %swap3A_829 = arith.index_cast %scan3A_90 : i32 to index
      %swap3A_830 = arith.constant 720 : index
      %swap3A_831 = tpu.vector_load %arg8[%swap3A_829, %swap3A_830] {strides = array<i32>} : memref<32x768xf32, #tpu.memory_space<vmem>>, vector<1x16xf32>,
      %swap3A_832 = vector.shape_cast %swap3A_831 : vector<1x16xf32> to vector<16xf32>
      %swap3A_833 = vector.shape_cast %add3A_828 : vector<16xf32> to vector<1x16xf32>
      tpu.vector_store %arg8[%swap3A_829, %swap3A_830], %swap3A_833 {strides = array<i32>} : memref<32x768xf32, #tpu.memory_space<vmem>>, vector<1x16xf32>,
      %get3A_834 = arith.index_cast %scan3A_90 : i32 to index
      %get3A_835 = arith.constant 736 : index
      %get3A_836 = tpu.vector_load %arg8[%get3A_834, %get3A_835] {strides = array<i32>} : memref<32x768xf32, #tpu.memory_space<vmem>>, vector<1x16xf32>,
      %get3A_837 = vector.shape_cast %get3A_836 : vector<1x16xf32> to vector<16xf32>
      %mul3A_838 = arith.mulf %get3A_94, %get3A_837 : vector<16xf32>
      %get3A_839 = arith.index_cast %scan3A_90 : i32 to index
      %get3A_840 = arith.constant 736 : index
      %get3A_841 = tpu.vector_load %arg9[%get3A_839, %get3A_840] {strides = array<i32>} : memref<32x768xf32, #tpu.memory_space<vmem>>, vector<1x16xf32>,
      %get3A_842 = vector.shape_cast %get3A_841 : vector<1x16xf32> to vector<16xf32>
      %mul3A_843 = arith.mulf %get3A_98, %get3A_842 : vector<16xf32>
      %add3A_844 = arith.addf %mul3A_838, %mul3A_843 : vector<16xf32>
      %swap3A_845 = arith.index_cast %scan3A_90 : i32 to index
      %swap3A_846 = arith.constant 736 : index
      %swap3A_847 = tpu.vector_load %arg8[%swap3A_845, %swap3A_846] {strides = array<i32>} : memref<32x768xf32, #tpu.memory_space<vmem>>, vector<1x16xf32>,
      %swap3A_848 = vector.shape_cast %swap3A_847 : vector<1x16xf32> to vector<16xf32>
      %swap3A_849 = vector.shape_cast %add3A_844 : vector<16xf32> to vector<1x16xf32>
      tpu.vector_store %arg8[%swap3A_845, %swap3A_846], %swap3A_849 {strides = array<i32>} : memref<32x768xf32, #tpu.memory_space<vmem>>, vector<1x16xf32>,
      %get3A_850 = arith.index_cast %scan3A_90 : i32 to index
      %get3A_851 = arith.constant 752 : index
      %get3A_852 = tpu.vector_load %arg8[%get3A_850, %get3A_851] {strides = array<i32>} : memref<32x768xf32, #tpu.memory_space<vmem>>, vector<1x16xf32>,
      %get3A_853 = vector.shape_cast %get3A_852 : vector<1x16xf32> to vector<16xf32>
      %mul3A_854 = arith.mulf %get3A_94, %get3A_853 : vector<16xf32>
      %get3A_855 = arith.index_cast %scan3A_90 : i32 to index
      %get3A_856 = arith.constant 752 : index
      %get3A_857 = tpu.vector_load %arg9[%get3A_855, %get3A_856] {strides = array<i32>} : memref<32x768xf32, #tpu.memory_space<vmem>>, vector<1x16xf32>,
      %get3A_858 = vector.shape_cast %get3A_857 : vector<1x16xf32> to vector<16xf32>
      %mul3A_859 = arith.mulf %get3A_98, %get3A_858 : vector<16xf32>
      %add3A_860 = arith.addf %mul3A_854, %mul3A_859 : vector<16xf32>
      %swap3A_861 = arith.index_cast %scan3A_90 : i32 to index
      %swap3A_862 = arith.constant 752 : index
      %swap3A_863 = tpu.vector_load %arg8[%swap3A_861, %swap3A_862] {strides = array<i32>} : memref<32x768xf32, #tpu.memory_space<vmem>>, vector<1x16xf32>,
      %swap3A_864 = vector.shape_cast %swap3A_863 : vector<1x16xf32> to vector<16xf32>
      %swap3A_865 = vector.shape_cast %add3A_860 : vector<16xf32> to vector<1x16xf32>
      tpu.vector_store %arg8[%swap3A_861, %swap3A_862], %swap3A_865 {strides = array<i32>} : memref<32x768xf32, #tpu.memory_space<vmem>>, vector<1x16xf32>,
      %scan3A_866 = arith.constant 0 : i32
      scf.yield %scan3A_866 : i32
    }
    %scan3A_44 = arith.constant 32 : i32
    "tpu.region"() ({
      %run_scoped3A = tpu.sem_alloc : memref<!tpu.dma_semaphore, #tpu.memory_space<semaphore_mem>>
      %dma_start3A_90 = arith.constant 0 : i32
      %dma_start3A_91 = tpu.memref_slice %arg7[%add3A_4, %dma_start3A_90] : memref<2048x768xf32, #tpu.memory_space<hbm>> -> memref<32x768xf32, #tpu.memory_space<hbm>>
      %dma_start3A_92 = arith.constant 0 : i32
      %dma_start3A_93 = tpu.memref_slice %arg7[%add3A_4, %dma_start3A_92] : memref<2048x768xf32, #tpu.memory_space<hbm>> -> memref<32x768xf32, #tpu.memory_space<hbm>>
      tpu.enqueue_dma source(%arg8 : memref<32x768xf32, #tpu.memory_space<vmem>>) target(%dma_start3A_93 : memref<32x768xf32, #tpu.memory_space<hbm>>) target_semaphore(%run_scoped3A : memref<!tpu.dma_semaphore, #tpu.memory_space<semaphore_mem>>)
      %dma_wait3A_94 = arith.constant 0 : i32
      %dma_wait3A_95 = tpu.memref_slice %arg7[%add3A_4, %dma_wait3A_94] : memref<2048x768xf32, #tpu.memory_space<hbm>> -> memref<32x768xf32, #tpu.memory_space<hbm>>
      %dma_wait3A_96 = arith.constant 0 : i32
      %dma_wait3A_97 = tpu.memref_slice %arg7[%add3A_4, %dma_wait3A_96] : memref<2048x768xf32, #tpu.memory_space<hbm>> -> memref<32x768xf32, #tpu.memory_space<hbm>>
      tpu.wait_dma2 semaphore(%run_scoped3A : memref<!tpu.dma_semaphore, #tpu.memory_space<semaphore_mem>>) src(%arg8 : memref<32x768xf32, #tpu.memory_space<vmem>>) dst(%dma_wait3A_97 : memref<32x768xf32, #tpu.memory_space<hbm>>)
      tpu.yield
    }) : () -> ()
    %add3A_45 = arith.constant 32 : i32
    %add3A_46 = arith.addi %mul3A_2, %add3A_45 : i32
    %dma_start3A_47 = tpu.memref_slice %arg3[%add3A_46] : memref<2048xi32, #tpu.memory_space<hbm>> -> memref<32xi32, #tpu.memory_space<hbm>>
    %dma_start3A_48 = tpu.memref_slice %arg3[%add3A_46] : memref<2048xi32, #tpu.memory_space<hbm>> -> memref<32xi32, #tpu.memory_space<hbm>>
    tpu.enqueue_dma source(%dma_start3A_48 : memref<32xi32, #tpu.memory_space<hbm>>) target(%arg10 : memref<32xi32, #tpu.memory_space<vmem>>) target_semaphore(%arg14 : memref<!tpu.dma_semaphore, #tpu.memory_space<semaphore_mem>>)
    %dma_start3A_49 = tpu.memref_slice %arg4[%add3A_46] : memref<2048xi32, #tpu.memory_space<hbm>> -> memref<32xi32, #tpu.memory_space<hbm>>
    %dma_start3A_50 = tpu.memref_slice %arg4[%add3A_46] : memref<2048xi32, #tpu.memory_space<hbm>> -> memref<32xi32, #tpu.memory_space<hbm>>
    tpu.enqueue_dma source(%dma_start3A_50 : memref<32xi32, #tpu.memory_space<hbm>>) target(%arg11 : memref<32xi32, #tpu.memory_space<vmem>>) target_semaphore(%arg14 : memref<!tpu.dma_semaphore, #tpu.memory_space<semaphore_mem>>)
    %dma_start3A_51 = arith.constant 0 : i32
    %dma_start3A_52 = tpu.memref_slice %arg5[%add3A_46, %dma_start3A_51] : memref<2048x16xf32, #tpu.memory_space<hbm>> -> memref<32x16xf32, #tpu.memory_space<hbm>>
    %dma_start3A_53 = arith.constant 0 : i32
    %dma_start3A_54 = tpu.memref_slice %arg5[%add3A_46, %dma_start3A_53] : memref<2048x16xf32, #tpu.memory_space<hbm>> -> memref<32x16xf32, #tpu.memory_space<hbm>>
    tpu.enqueue_dma source(%dma_start3A_54 : memref<32x16xf32, #tpu.memory_space<hbm>>) target(%arg12 : memref<32x16xf32, #tpu.memory_space<vmem>>) target_semaphore(%arg14 : memref<!tpu.dma_semaphore, #tpu.memory_space<semaphore_mem>>)
    %dma_start3A_55 = arith.constant 0 : i32
    %dma_start3A_56 = tpu.memref_slice %arg6[%add3A_46, %dma_start3A_55] : memref<2048x16xf32, #tpu.memory_space<hbm>> -> memref<32x16xf32, #tpu.memory_space<hbm>>
    %dma_start3A_57 = arith.constant 0 : i32
    %dma_start3A_58 = tpu.memref_slice %arg6[%add3A_46, %dma_start3A_57] : memref<2048x16xf32, #tpu.memory_space<hbm>> -> memref<32x16xf32, #tpu.memory_space<hbm>>
    tpu.enqueue_dma source(%dma_start3A_58 : memref<32x16xf32, #tpu.memory_space<hbm>>) target(%arg13 : memref<32x16xf32, #tpu.memory_space<vmem>>) target_semaphore(%arg14 : memref<!tpu.dma_semaphore, #tpu.memory_space<semaphore_mem>>)
    %dma_wait3A_59 = tpu.memref_slice %arg3[%add3A_46] : memref<2048xi32, #tpu.memory_space<hbm>> -> memref<32xi32, #tpu.memory_space<hbm>>
    %dma_wait3A_60 = tpu.memref_slice %arg3[%add3A_46] : memref<2048xi32, #tpu.memory_space<hbm>> -> memref<32xi32, #tpu.memory_space<hbm>>
    tpu.wait_dma2 semaphore(%arg14 : memref<!tpu.dma_semaphore, #tpu.memory_space<semaphore_mem>>) src(%dma_wait3A_60 : memref<32xi32, #tpu.memory_space<hbm>>) dst(%arg10 : memref<32xi32, #tpu.memory_space<vmem>>)
    %dma_wait3A_61 = tpu.memref_slice %arg4[%add3A_46] : memref<2048xi32, #tpu.memory_space<hbm>> -> memref<32xi32, #tpu.memory_space<hbm>>
    %dma_wait3A_62 = tpu.memref_slice %arg4[%add3A_46] : memref<2048xi32, #tpu.memory_space<hbm>> -> memref<32xi32, #tpu.memory_space<hbm>>
    tpu.wait_dma2 semaphore(%arg14 : memref<!tpu.dma_semaphore, #tpu.memory_space<semaphore_mem>>) src(%dma_wait3A_62 : memref<32xi32, #tpu.memory_space<hbm>>) dst(%arg11 : memref<32xi32, #tpu.memory_space<vmem>>)
    %dma_wait3A_63 = arith.constant 0 : i32
    %dma_wait3A_64 = tpu.memref_slice %arg5[%add3A_46, %dma_wait3A_63] : memref<2048x16xf32, #tpu.memory_space<hbm>> -> memref<32x16xf32, #tpu.memory_space<hbm>>
    %dma_wait3A_65 = arith.constant 0 : i32
    %dma_wait3A_66 = tpu.memref_slice %arg5[%add3A_46, %dma_wait3A_65] : memref<2048x16xf32, #tpu.memory_space<hbm>> -> memref<32x16xf32, #tpu.memory_space<hbm>>
    tpu.wait_dma2 semaphore(%arg14 : memref<!tpu.dma_semaphore, #tpu.memory_space<semaphore_mem>>) src(%dma_wait3A_66 : memref<32x16xf32, #tpu.memory_space<hbm>>) dst(%arg12 : memref<32x16xf32, #tpu.memory_space<vmem>>)
    %dma_wait3A_67 = arith.constant 0 : i32
    %dma_wait3A_68 = tpu.memref_slice %arg6[%add3A_46, %dma_wait3A_67] : memref<2048x16xf32, #tpu.memory_space<hbm>> -> memref<32x16xf32, #tpu.memory_space<hbm>>
    %dma_wait3A_69 = arith.constant 0 : i32
    %dma_wait3A_70 = tpu.memref_slice %arg6[%add3A_46, %dma_wait3A_69] : memref<2048x16xf32, #tpu.memory_space<hbm>> -> memref<32x16xf32, #tpu.memory_space<hbm>>
    tpu.wait_dma2 semaphore(%arg14 : memref<!tpu.dma_semaphore, #tpu.memory_space<semaphore_mem>>) src(%dma_wait3A_70 : memref<32x16xf32, #tpu.memory_space<hbm>>) dst(%arg13 : memref<32x16xf32, #tpu.memory_space<vmem>>)
    %dma_start3A_71 = arith.constant 0 : i32
    %dma_start3A_72 = arith.constant 0 : i32
    %dma_start3A_73 = tpu.memref_slice %arg2[%dma_start3A_71, %dma_start3A_72] : memref<4480x768xf32, #tpu.memory_space<hbm>> -> memref<4480x768xf32, #tpu.memory_space<hbm>>
    tpu.enqueue_indirect_dma source(%dma_start3A_73 : memref<4480x768xf32, #tpu.memory_space<hbm>>) target(%arg8 : memref<32x768xf32, #tpu.memory_space<vmem>>) offsets(%arg10 : memref<32xi32, #tpu.memory_space<vmem>>) semaphore(%arg14 : memref<!tpu.dma_semaphore, #tpu.memory_space<semaphore_mem>>)
    %dma_start3A_74 = arith.constant 0 : i32
    %dma_start3A_75 = arith.constant 0 : i32
    %dma_start3A_76 = tpu.memref_slice %arg2[%dma_start3A_74, %dma_start3A_75] : memref<4480x768xf32, #tpu.memory_space<hbm>> -> memref<4480x768xf32, #tpu.memory_space<hbm>>
    tpu.enqueue_indirect_dma source(%dma_start3A_76 : memref<4480x768xf32, #tpu.memory_space<hbm>>) target(%arg9 : memref<32x768xf32, #tpu.memory_space<vmem>>) offsets(%arg11 : memref<32xi32, #tpu.memory_space<vmem>>) semaphore(%arg14 : memref<!tpu.dma_semaphore, #tpu.memory_space<semaphore_mem>>)
    %dma_wait3A_77 = arith.constant 0 : i32
    %dma_wait3A_78 = arith.constant 0 : i32
    %dma_wait3A_79 = tpu.memref_slice %arg2[%dma_wait3A_77, %dma_wait3A_78] : memref<4480x768xf32, #tpu.memory_space<hbm>> -> memref<4480x768xf32, #tpu.memory_space<hbm>>
    tpu.wait_indirect_dma semaphore(%arg14 : memref<!tpu.dma_semaphore, #tpu.memory_space<semaphore_mem>>) src(%dma_wait3A_79 : memref<4480x768xf32, #tpu.memory_space<hbm>>) dst(%arg8 : memref<32x768xf32, #tpu.memory_space<vmem>>)
    %dma_wait3A_80 = arith.constant 0 : i32
    %dma_wait3A_81 = arith.constant 0 : i32
    %dma_wait3A_82 = tpu.memref_slice %arg2[%dma_wait3A_80, %dma_wait3A_81] : memref<4480x768xf32, #tpu.memory_space<hbm>> -> memref<4480x768xf32, #tpu.memory_space<hbm>>
    tpu.wait_indirect_dma semaphore(%arg14 : memref<!tpu.dma_semaphore, #tpu.memory_space<semaphore_mem>>) src(%dma_wait3A_82 : memref<4480x768xf32, #tpu.memory_space<hbm>>) dst(%arg9 : memref<32x768xf32, #tpu.memory_space<vmem>>)
    %scan3A_83 = arith.constant 0 : i32
    %scan3A_84 = arith.constant 0 : i32
    %scan3A_85 = arith.constant 32 : i32
    %scan3A_86 = arith.addi %scan3A_84, %scan3A_85 : i32
    %scan3A_87 = arith.constant 1 : i32
    %scan3A_88 = scf.for %scan3A_90 = %scan3A_84 to %scan3A_86 step %scan3A_87 iter_args(%scan3A_91 = %scan3A_83) -> (i32)  : i32 {
      %get3A = arith.index_cast %scan3A_90 : i32 to index
      %get3A_92 = arith.constant 0 : index
      %get3A_93 = tpu.vector_load %arg12[%get3A, %get3A_92] {strides = array<i32>} : memref<32x16xf32, #tpu.memory_space<vmem>>, vector<1x16xf32>,
      %get3A_94 = vector.shape_cast %get3A_93 : vector<1x16xf32> to vector<16xf32>
      %get3A_95 = arith.index_cast %scan3A_90 : i32 to index
      %get3A_96 = arith.constant 0 : index
      %get3A_97 = tpu.vector_load %arg13[%get3A_95, %get3A_96] {strides = array<i32>} : memref<32x16xf32, #tpu.memory_space<vmem>>, vector<1x16xf32>,
      %get3A_98 = vector.shape_cast %get3A_97 : vector<1x16xf32> to vector<16xf32>
      %get3A_99 = arith.index_cast %scan3A_90 : i32 to index
      %get3A_100 = arith.constant 0 : index
      %get3A_101 = tpu.vector_load %arg8[%get3A_99, %get3A_100] {strides = array<i32>} : memref<32x768xf32, #tpu.memory_space<vmem>>, vector<1x16xf32>,
      %get3A_102 = vector.shape_cast %get3A_101 : vector<1x16xf32> to vector<16xf32>
      %mul3A_103 = arith.mulf %get3A_94, %get3A_102 : vector<16xf32>
      %get3A_104 = arith.index_cast %scan3A_90 : i32 to index
      %get3A_105 = arith.constant 0 : index
      %get3A_106 = tpu.vector_load %arg9[%get3A_104, %get3A_105] {strides = array<i32>} : memref<32x768xf32, #tpu.memory_space<vmem>>, vector<1x16xf32>,
      %get3A_107 = vector.shape_cast %get3A_106 : vector<1x16xf32> to vector<16xf32>
      %mul3A_108 = arith.mulf %get3A_98, %get3A_107 : vector<16xf32>
      %add3A_109 = arith.addf %mul3A_103, %mul3A_108 : vector<16xf32>
      %swap3A = arith.index_cast %scan3A_90 : i32 to index
      %swap3A_110 = arith.constant 0 : index
      %swap3A_111 = tpu.vector_load %arg8[%swap3A, %swap3A_110] {strides = array<i32>} : memref<32x768xf32, #tpu.memory_space<vmem>>, vector<1x16xf32>,
      %swap3A_112 = vector.shape_cast %swap3A_111 : vector<1x16xf32> to vector<16xf32>
      %swap3A_113 = vector.shape_cast %add3A_109 : vector<16xf32> to vector<1x16xf32>
      tpu.vector_store %arg8[%swap3A, %swap3A_110], %swap3A_113 {strides = array<i32>} : memref<32x768xf32, #tpu.memory_space<vmem>>, vector<1x16xf32>,
      %get3A_114 = arith.index_cast %scan3A_90 : i32 to index
      %get3A_115 = arith.constant 16 : index
      %get3A_116 = tpu.vector_load %arg8[%get3A_114, %get3A_115] {strides = array<i32>} : memref<32x768xf32, #tpu.memory_space<vmem>>, vector<1x16xf32>,
      %get3A_117 = vector.shape_cast %get3A_116 : vector<1x16xf32> to vector<16xf32>
      %mul3A_118 = arith.mulf %get3A_94, %get3A_117 : vector<16xf32>
      %get3A_119 = arith.index_cast %scan3A_90 : i32 to index
      %get3A_120 = arith.constant 16 : index
      %get3A_121 = tpu.vector_load %arg9[%get3A_119, %get3A_120] {strides = array<i32>} : memref<32x768xf32, #tpu.memory_space<vmem>>, vector<1x16xf32>,
      %get3A_122 = vector.shape_cast %get3A_121 : vector<1x16xf32> to vector<16xf32>
      %mul3A_123 = arith.mulf %get3A_98, %get3A_122 : vector<16xf32>
      %add3A_124 = arith.addf %mul3A_118, %mul3A_123 : vector<16xf32>
      %swap3A_125 = arith.index_cast %scan3A_90 : i32 to index
      %swap3A_126 = arith.constant 16 : index
      %swap3A_127 = tpu.vector_load %arg8[%swap3A_125, %swap3A_126] {strides = array<i32>} : memref<32x768xf32, #tpu.memory_space<vmem>>, vector<1x16xf32>,
      %swap3A_128 = vector.shape_cast %swap3A_127 : vector<1x16xf32> to vector<16xf32>
      %swap3A_129 = vector.shape_cast %add3A_124 : vector<16xf32> to vector<1x16xf32>
      tpu.vector_store %arg8[%swap3A_125, %swap3A_126], %swap3A_129 {strides = array<i32>} : memref<32x768xf32, #tpu.memory_space<vmem>>, vector<1x16xf32>,
      %get3A_130 = arith.index_cast %scan3A_90 : i32 to index
      %get3A_131 = arith.constant 32 : index
      %get3A_132 = tpu.vector_load %arg8[%get3A_130, %get3A_131] {strides = array<i32>} : memref<32x768xf32, #tpu.memory_space<vmem>>, vector<1x16xf32>,
      %get3A_133 = vector.shape_cast %get3A_132 : vector<1x16xf32> to vector<16xf32>
      %mul3A_134 = arith.mulf %get3A_94, %get3A_133 : vector<16xf32>
      %get3A_135 = arith.index_cast %scan3A_90 : i32 to index
      %get3A_136 = arith.constant 32 : index
      %get3A_137 = tpu.vector_load %arg9[%get3A_135, %get3A_136] {strides = array<i32>} : memref<32x768xf32, #tpu.memory_space<vmem>>, vector<1x16xf32>,
      %get3A_138 = vector.shape_cast %get3A_137 : vector<1x16xf32> to vector<16xf32>
      %mul3A_139 = arith.mulf %get3A_98, %get3A_138 : vector<16xf32>
      %add3A_140 = arith.addf %mul3A_134, %mul3A_139 : vector<16xf32>
      %swap3A_141 = arith.index_cast %scan3A_90 : i32 to index
      %swap3A_142 = arith.constant 32 : index
      %swap3A_143 = tpu.vector_load %arg8[%swap3A_141, %swap3A_142] {strides = array<i32>} : memref<32x768xf32, #tpu.memory_space<vmem>>, vector<1x16xf32>,
      %swap3A_144 = vector.shape_cast %swap3A_143 : vector<1x16xf32> to vector<16xf32>
      %swap3A_145 = vector.shape_cast %add3A_140 : vector<16xf32> to vector<1x16xf32>
      tpu.vector_store %arg8[%swap3A_141, %swap3A_142], %swap3A_145 {strides = array<i32>} : memref<32x768xf32, #tpu.memory_space<vmem>>, vector<1x16xf32>,
      %get3A_146 = arith.index_cast %scan3A_90 : i32 to index
      %get3A_147 = arith.constant 48 : index
      %get3A_148 = tpu.vector_load %arg8[%get3A_146, %get3A_147] {strides = array<i32>} : memref<32x768xf32, #tpu.memory_space<vmem>>, vector<1x16xf32>,
      %get3A_149 = vector.shape_cast %get3A_148 : vector<1x16xf32> to vector<16xf32>
      %mul3A_150 = arith.mulf %get3A_94, %get3A_149 : vector<16xf32>
      %get3A_151 = arith.index_cast %scan3A_90 : i32 to index
      %get3A_152 = arith.constant 48 : index
      %get3A_153 = tpu.vector_load %arg9[%get3A_151, %get3A_152] {strides = array<i32>} : memref<32x768xf32, #tpu.memory_space<vmem>>, vector<1x16xf32>,
      %get3A_154 = vector.shape_cast %get3A_153 : vector<1x16xf32> to vector<16xf32>
      %mul3A_155 = arith.mulf %get3A_98, %get3A_154 : vector<16xf32>
      %add3A_156 = arith.addf %mul3A_150, %mul3A_155 : vector<16xf32>
      %swap3A_157 = arith.index_cast %scan3A_90 : i32 to index
      %swap3A_158 = arith.constant 48 : index
      %swap3A_159 = tpu.vector_load %arg8[%swap3A_157, %swap3A_158] {strides = array<i32>} : memref<32x768xf32, #tpu.memory_space<vmem>>, vector<1x16xf32>,
      %swap3A_160 = vector.shape_cast %swap3A_159 : vector<1x16xf32> to vector<16xf32>
      %swap3A_161 = vector.shape_cast %add3A_156 : vector<16xf32> to vector<1x16xf32>
      tpu.vector_store %arg8[%swap3A_157, %swap3A_158], %swap3A_161 {strides = array<i32>} : memref<32x768xf32, #tpu.memory_space<vmem>>, vector<1x16xf32>,
      %get3A_162 = arith.index_cast %scan3A_90 : i32 to index
      %get3A_163 = arith.constant 64 : index
      %get3A_164 = tpu.vector_load %arg8[%get3A_162, %get3A_163] {strides = array<i32>} : memref<32x768xf32, #tpu.memory_space<vmem>>, vector<1x16xf32>,
      %get3A_165 = vector.shape_cast %get3A_164 : vector<1x16xf32> to vector<16xf32>
      %mul3A_166 = arith.mulf %get3A_94, %get3A_165 : vector<16xf32>
      %get3A_167 = arith.index_cast %scan3A_90 : i32 to index
      %get3A_168 = arith.constant 64 : index
      %get3A_169 = tpu.vector_load %arg9[%get3A_167, %get3A_168] {strides = array<i32>} : memref<32x768xf32, #tpu.memory_space<vmem>>, vector<1x16xf32>,
      %get3A_170 = vector.shape_cast %get3A_169 : vector<1x16xf32> to vector<16xf32>
      %mul3A_171 = arith.mulf %get3A_98, %get3A_170 : vector<16xf32>
      %add3A_172 = arith.addf %mul3A_166, %mul3A_171 : vector<16xf32>
      %swap3A_173 = arith.index_cast %scan3A_90 : i32 to index
      %swap3A_174 = arith.constant 64 : index
      %swap3A_175 = tpu.vector_load %arg8[%swap3A_173, %swap3A_174] {strides = array<i32>} : memref<32x768xf32, #tpu.memory_space<vmem>>, vector<1x16xf32>,
      %swap3A_176 = vector.shape_cast %swap3A_175 : vector<1x16xf32> to vector<16xf32>
      %swap3A_177 = vector.shape_cast %add3A_172 : vector<16xf32> to vector<1x16xf32>
      tpu.vector_store %arg8[%swap3A_173, %swap3A_174], %swap3A_177 {strides = array<i32>} : memref<32x768xf32, #tpu.memory_space<vmem>>, vector<1x16xf32>,
      %get3A_178 = arith.index_cast %scan3A_90 : i32 to index
      %get3A_179 = arith.constant 80 : index
      %get3A_180 = tpu.vector_load %arg8[%get3A_178, %get3A_179] {strides = array<i32>} : memref<32x768xf32, #tpu.memory_space<vmem>>, vector<1x16xf32>,
      %get3A_181 = vector.shape_cast %get3A_180 : vector<1x16xf32> to vector<16xf32>
      %mul3A_182 = arith.mulf %get3A_94, %get3A_181 : vector<16xf32>
      %get3A_183 = arith.index_cast %scan3A_90 : i32 to index
      %get3A_184 = arith.constant 80 : index
      %get3A_185 = tpu.vector_load %arg9[%get3A_183, %get3A_184] {strides = array<i32>} : memref<32x768xf32, #tpu.memory_space<vmem>>, vector<1x16xf32>,
      %get3A_186 = vector.shape_cast %get3A_185 : vector<1x16xf32> to vector<16xf32>
      %mul3A_187 = arith.mulf %get3A_98, %get3A_186 : vector<16xf32>
      %add3A_188 = arith.addf %mul3A_182, %mul3A_187 : vector<16xf32>
      %swap3A_189 = arith.index_cast %scan3A_90 : i32 to index
      %swap3A_190 = arith.constant 80 : index
      %swap3A_191 = tpu.vector_load %arg8[%swap3A_189, %swap3A_190] {strides = array<i32>} : memref<32x768xf32, #tpu.memory_space<vmem>>, vector<1x16xf32>,
      %swap3A_192 = vector.shape_cast %swap3A_191 : vector<1x16xf32> to vector<16xf32>
      %swap3A_193 = vector.shape_cast %add3A_188 : vector<16xf32> to vector<1x16xf32>
      tpu.vector_store %arg8[%swap3A_189, %swap3A_190], %swap3A_193 {strides = array<i32>} : memref<32x768xf32, #tpu.memory_space<vmem>>, vector<1x16xf32>,
      %get3A_194 = arith.index_cast %scan3A_90 : i32 to index
      %get3A_195 = arith.constant 96 : index
      %get3A_196 = tpu.vector_load %arg8[%get3A_194, %get3A_195] {strides = array<i32>} : memref<32x768xf32, #tpu.memory_space<vmem>>, vector<1x16xf32>,
      %get3A_197 = vector.shape_cast %get3A_196 : vector<1x16xf32> to vector<16xf32>
      %mul3A_198 = arith.mulf %get3A_94, %get3A_197 : vector<16xf32>
      %get3A_199 = arith.index_cast %scan3A_90 : i32 to index
      %get3A_200 = arith.constant 96 : index
      %get3A_201 = tpu.vector_load %arg9[%get3A_199, %get3A_200] {strides = array<i32>} : memref<32x768xf32, #tpu.memory_space<vmem>>, vector<1x16xf32>,
      %get3A_202 = vector.shape_cast %get3A_201 : vector<1x16xf32> to vector<16xf32>
      %mul3A_203 = arith.mulf %get3A_98, %get3A_202 : vector<16xf32>
      %add3A_204 = arith.addf %mul3A_198, %mul3A_203 : vector<16xf32>
      %swap3A_205 = arith.index_cast %scan3A_90 : i32 to index
      %swap3A_206 = arith.constant 96 : index
      %swap3A_207 = tpu.vector_load %arg8[%swap3A_205, %swap3A_206] {strides = array<i32>} : memref<32x768xf32, #tpu.memory_space<vmem>>, vector<1x16xf32>,
      %swap3A_208 = vector.shape_cast %swap3A_207 : vector<1x16xf32> to vector<16xf32>
      %swap3A_209 = vector.shape_cast %add3A_204 : vector<16xf32> to vector<1x16xf32>
      tpu.vector_store %arg8[%swap3A_205, %swap3A_206], %swap3A_209 {strides = array<i32>} : memref<32x768xf32, #tpu.memory_space<vmem>>, vector<1x16xf32>,
      %get3A_210 = arith.index_cast %scan3A_90 : i32 to index
      %get3A_211 = arith.constant 112 : index
      %get3A_212 = tpu.vector_load %arg8[%get3A_210, %get3A_211] {strides = array<i32>} : memref<32x768xf32, #tpu.memory_space<vmem>>, vector<1x16xf32>,
      %get3A_213 = vector.shape_cast %get3A_212 : vector<1x16xf32> to vector<16xf32>
      %mul3A_214 = arith.mulf %get3A_94, %get3A_213 : vector<16xf32>
      %get3A_215 = arith.index_cast %scan3A_90 : i32 to index
      %get3A_216 = arith.constant 112 : index
      %get3A_217 = tpu.vector_load %arg9[%get3A_215, %get3A_216] {strides = array<i32>} : memref<32x768xf32, #tpu.memory_space<vmem>>, vector<1x16xf32>,
      %get3A_218 = vector.shape_cast %get3A_217 : vector<1x16xf32> to vector<16xf32>
      %mul3A_219 = arith.mulf %get3A_98, %get3A_218 : vector<16xf32>
      %add3A_220 = arith.addf %mul3A_214, %mul3A_219 : vector<16xf32>
      %swap3A_221 = arith.index_cast %scan3A_90 : i32 to index
      %swap3A_222 = arith.constant 112 : index
      %swap3A_223 = tpu.vector_load %arg8[%swap3A_221, %swap3A_222] {strides = array<i32>} : memref<32x768xf32, #tpu.memory_space<vmem>>, vector<1x16xf32>,
      %swap3A_224 = vector.shape_cast %swap3A_223 : vector<1x16xf32> to vector<16xf32>
      %swap3A_225 = vector.shape_cast %add3A_220 : vector<16xf32> to vector<1x16xf32>
      tpu.vector_store %arg8[%swap3A_221, %swap3A_222], %swap3A_225 {strides = array<i32>} : memref<32x768xf32, #tpu.memory_space<vmem>>, vector<1x16xf32>,
      %get3A_226 = arith.index_cast %scan3A_90 : i32 to index
      %get3A_227 = arith.constant 128 : index
      %get3A_228 = tpu.vector_load %arg8[%get3A_226, %get3A_227] {strides = array<i32>} : memref<32x768xf32, #tpu.memory_space<vmem>>, vector<1x16xf32>,
      %get3A_229 = vector.shape_cast %get3A_228 : vector<1x16xf32> to vector<16xf32>
      %mul3A_230 = arith.mulf %get3A_94, %get3A_229 : vector<16xf32>
      %get3A_231 = arith.index_cast %scan3A_90 : i32 to index
      %get3A_232 = arith.constant 128 : index
      %get3A_233 = tpu.vector_load %arg9[%get3A_231, %get3A_232] {strides = array<i32>} : memref<32x768xf32, #tpu.memory_space<vmem>>, vector<1x16xf32>,
      %get3A_234 = vector.shape_cast %get3A_233 : vector<1x16xf32> to vector<16xf32>
      %mul3A_235 = arith.mulf %get3A_98, %get3A_234 : vector<16xf32>
      %add3A_236 = arith.addf %mul3A_230, %mul3A_235 : vector<16xf32>
      %swap3A_237 = arith.index_cast %scan3A_90 : i32 to index
      %swap3A_238 = arith.constant 128 : index
      %swap3A_239 = tpu.vector_load %arg8[%swap3A_237, %swap3A_238] {strides = array<i32>} : memref<32x768xf32, #tpu.memory_space<vmem>>, vector<1x16xf32>,
      %swap3A_240 = vector.shape_cast %swap3A_239 : vector<1x16xf32> to vector<16xf32>
      %swap3A_241 = vector.shape_cast %add3A_236 : vector<16xf32> to vector<1x16xf32>
      tpu.vector_store %arg8[%swap3A_237, %swap3A_238], %swap3A_241 {strides = array<i32>} : memref<32x768xf32, #tpu.memory_space<vmem>>, vector<1x16xf32>,
      %get3A_242 = arith.index_cast %scan3A_90 : i32 to index
      %get3A_243 = arith.constant 144 : index
      %get3A_244 = tpu.vector_load %arg8[%get3A_242, %get3A_243] {strides = array<i32>} : memref<32x768xf32, #tpu.memory_space<vmem>>, vector<1x16xf32>,
      %get3A_245 = vector.shape_cast %get3A_244 : vector<1x16xf32> to vector<16xf32>
      %mul3A_246 = arith.mulf %get3A_94, %get3A_245 : vector<16xf32>
      %get3A_247 = arith.index_cast %scan3A_90 : i32 to index
      %get3A_248 = arith.constant 144 : index
      %get3A_249 = tpu.vector_load %arg9[%get3A_247, %get3A_248] {strides = array<i32>} : memref<32x768xf32, #tpu.memory_space<vmem>>, vector<1x16xf32>,
      %get3A_250 = vector.shape_cast %get3A_249 : vector<1x16xf32> to vector<16xf32>
      %mul3A_251 = arith.mulf %get3A_98, %get3A_250 : vector<16xf32>
      %add3A_252 = arith.addf %mul3A_246, %mul3A_251 : vector<16xf32>
      %swap3A_253 = arith.index_cast %scan3A_90 : i32 to index
      %swap3A_254 = arith.constant 144 : index
      %swap3A_255 = tpu.vector_load %arg8[%swap3A_253, %swap3A_254] {strides = array<i32>} : memref<32x768xf32, #tpu.memory_space<vmem>>, vector<1x16xf32>,
      %swap3A_256 = vector.shape_cast %swap3A_255 : vector<1x16xf32> to vector<16xf32>
      %swap3A_257 = vector.shape_cast %add3A_252 : vector<16xf32> to vector<1x16xf32>
      tpu.vector_store %arg8[%swap3A_253, %swap3A_254], %swap3A_257 {strides = array<i32>} : memref<32x768xf32, #tpu.memory_space<vmem>>, vector<1x16xf32>,
      %get3A_258 = arith.index_cast %scan3A_90 : i32 to index
      %get3A_259 = arith.constant 160 : index
      %get3A_260 = tpu.vector_load %arg8[%get3A_258, %get3A_259] {strides = array<i32>} : memref<32x768xf32, #tpu.memory_space<vmem>>, vector<1x16xf32>,
      %get3A_261 = vector.shape_cast %get3A_260 : vector<1x16xf32> to vector<16xf32>
      %mul3A_262 = arith.mulf %get3A_94, %get3A_261 : vector<16xf32>
      %get3A_263 = arith.index_cast %scan3A_90 : i32 to index
      %get3A_264 = arith.constant 160 : index
      %get3A_265 = tpu.vector_load %arg9[%get3A_263, %get3A_264] {strides = array<i32>} : memref<32x768xf32, #tpu.memory_space<vmem>>, vector<1x16xf32>,
      %get3A_266 = vector.shape_cast %get3A_265 : vector<1x16xf32> to vector<16xf32>
      %mul3A_267 = arith.mulf %get3A_98, %get3A_266 : vector<16xf32>
      %add3A_268 = arith.addf %mul3A_262, %mul3A_267 : vector<16xf32>
      %swap3A_269 = arith.index_cast %scan3A_90 : i32 to index
      %swap3A_270 = arith.constant 160 : index
      %swap3A_271 = tpu.vector_load %arg8[%swap3A_269, %swap3A_270] {strides = array<i32>} : memref<32x768xf32, #tpu.memory_space<vmem>>, vector<1x16xf32>,
      %swap3A_272 = vector.shape_cast %swap3A_271 : vector<1x16xf32> to vector<16xf32>
      %swap3A_273 = vector.shape_cast %add3A_268 : vector<16xf32> to vector<1x16xf32>
      tpu.vector_store %arg8[%swap3A_269, %swap3A_270], %swap3A_273 {strides = array<i32>} : memref<32x768xf32, #tpu.memory_space<vmem>>, vector<1x16xf32>,
      %get3A_274 = arith.index_cast %scan3A_90 : i32 to index
      %get3A_275 = arith.constant 176 : index
      %get3A_276 = tpu.vector_load %arg8[%get3A_274, %get3A_275] {strides = array<i32>} : memref<32x768xf32, #tpu.memory_space<vmem>>, vector<1x16xf32>,
      %get3A_277 = vector.shape_cast %get3A_276 : vector<1x16xf32> to vector<16xf32>
      %mul3A_278 = arith.mulf %get3A_94, %get3A_277 : vector<16xf32>
      %get3A_279 = arith.index_cast %scan3A_90 : i32 to index
      %get3A_280 = arith.constant 176 : index
      %get3A_281 = tpu.vector_load %arg9[%get3A_279, %get3A_280] {strides = array<i32>} : memref<32x768xf32, #tpu.memory_space<vmem>>, vector<1x16xf32>,
      %get3A_282 = vector.shape_cast %get3A_281 : vector<1x16xf32> to vector<16xf32>
      %mul3A_283 = arith.mulf %get3A_98, %get3A_282 : vector<16xf32>
      %add3A_284 = arith.addf %mul3A_278, %mul3A_283 : vector<16xf32>
      %swap3A_285 = arith.index_cast %scan3A_90 : i32 to index
      %swap3A_286 = arith.constant 176 : index
      %swap3A_287 = tpu.vector_load %arg8[%swap3A_285, %swap3A_286] {strides = array<i32>} : memref<32x768xf32, #tpu.memory_space<vmem>>, vector<1x16xf32>,
      %swap3A_288 = vector.shape_cast %swap3A_287 : vector<1x16xf32> to vector<16xf32>
      %swap3A_289 = vector.shape_cast %add3A_284 : vector<16xf32> to vector<1x16xf32>
      tpu.vector_store %arg8[%swap3A_285, %swap3A_286], %swap3A_289 {strides = array<i32>} : memref<32x768xf32, #tpu.memory_space<vmem>>, vector<1x16xf32>,
      %get3A_290 = arith.index_cast %scan3A_90 : i32 to index
      %get3A_291 = arith.constant 192 : index
      %get3A_292 = tpu.vector_load %arg8[%get3A_290, %get3A_291] {strides = array<i32>} : memref<32x768xf32, #tpu.memory_space<vmem>>, vector<1x16xf32>,
      %get3A_293 = vector.shape_cast %get3A_292 : vector<1x16xf32> to vector<16xf32>
      %mul3A_294 = arith.mulf %get3A_94, %get3A_293 : vector<16xf32>
      %get3A_295 = arith.index_cast %scan3A_90 : i32 to index
      %get3A_296 = arith.constant 192 : index
      %get3A_297 = tpu.vector_load %arg9[%get3A_295, %get3A_296] {strides = array<i32>} : memref<32x768xf32, #tpu.memory_space<vmem>>, vector<1x16xf32>,
      %get3A_298 = vector.shape_cast %get3A_297 : vector<1x16xf32> to vector<16xf32>
      %mul3A_299 = arith.mulf %get3A_98, %get3A_298 : vector<16xf32>
      %add3A_300 = arith.addf %mul3A_294, %mul3A_299 : vector<16xf32>
      %swap3A_301 = arith.index_cast %scan3A_90 : i32 to index
      %swap3A_302 = arith.constant 192 : index
      %swap3A_303 = tpu.vector_load %arg8[%swap3A_301, %swap3A_302] {strides = array<i32>} : memref<32x768xf32, #tpu.memory_space<vmem>>, vector<1x16xf32>,
      %swap3A_304 = vector.shape_cast %swap3A_303 : vector<1x16xf32> to vector<16xf32>
      %swap3A_305 = vector.shape_cast %add3A_300 : vector<16xf32> to vector<1x16xf32>
      tpu.vector_store %arg8[%swap3A_301, %swap3A_302], %swap3A_305 {strides = array<i32>} : memref<32x768xf32, #tpu.memory_space<vmem>>, vector<1x16xf32>,
      %get3A_306 = arith.index_cast %scan3A_90 : i32 to index
      %get3A_307 = arith.constant 208 : index
      %get3A_308 = tpu.vector_load %arg8[%get3A_306, %get3A_307] {strides = array<i32>} : memref<32x768xf32, #tpu.memory_space<vmem>>, vector<1x16xf32>,
      %get3A_309 = vector.shape_cast %get3A_308 : vector<1x16xf32> to vector<16xf32>
      %mul3A_310 = arith.mulf %get3A_94, %get3A_309 : vector<16xf32>
      %get3A_311 = arith.index_cast %scan3A_90 : i32 to index
      %get3A_312 = arith.constant 208 : index
      %get3A_313 = tpu.vector_load %arg9[%get3A_311, %get3A_312] {strides = array<i32>} : memref<32x768xf32, #tpu.memory_space<vmem>>, vector<1x16xf32>,
      %get3A_314 = vector.shape_cast %get3A_313 : vector<1x16xf32> to vector<16xf32>
      %mul3A_315 = arith.mulf %get3A_98, %get3A_314 : vector<16xf32>
      %add3A_316 = arith.addf %mul3A_310, %mul3A_315 : vector<16xf32>
      %swap3A_317 = arith.index_cast %scan3A_90 : i32 to index
      %swap3A_318 = arith.constant 208 : index
      %swap3A_319 = tpu.vector_load %arg8[%swap3A_317, %swap3A_318] {strides = array<i32>} : memref<32x768xf32, #tpu.memory_space<vmem>>, vector<1x16xf32>,
      %swap3A_320 = vector.shape_cast %swap3A_319 : vector<1x16xf32> to vector<16xf32>
      %swap3A_321 = vector.shape_cast %add3A_316 : vector<16xf32> to vector<1x16xf32>
      tpu.vector_store %arg8[%swap3A_317, %swap3A_318], %swap3A_321 {strides = array<i32>} : memref<32x768xf32, #tpu.memory_space<vmem>>, vector<1x16xf32>,
      %get3A_322 = arith.index_cast %scan3A_90 : i32 to index
      %get3A_323 = arith.constant 224 : index
      %get3A_324 = tpu.vector_load %arg8[%get3A_322, %get3A_323] {strides = array<i32>} : memref<32x768xf32, #tpu.memory_space<vmem>>, vector<1x16xf32>,
      %get3A_325 = vector.shape_cast %get3A_324 : vector<1x16xf32> to vector<16xf32>
      %mul3A_326 = arith.mulf %get3A_94, %get3A_325 : vector<16xf32>
      %get3A_327 = arith.index_cast %scan3A_90 : i32 to index
      %get3A_328 = arith.constant 224 : index
      %get3A_329 = tpu.vector_load %arg9[%get3A_327, %get3A_328] {strides = array<i32>} : memref<32x768xf32, #tpu.memory_space<vmem>>, vector<1x16xf32>,
      %get3A_330 = vector.shape_cast %get3A_329 : vector<1x16xf32> to vector<16xf32>
      %mul3A_331 = arith.mulf %get3A_98, %get3A_330 : vector<16xf32>
      %add3A_332 = arith.addf %mul3A_326, %mul3A_331 : vector<16xf32>
      %swap3A_333 = arith.index_cast %scan3A_90 : i32 to index
      %swap3A_334 = arith.constant 224 : index
      %swap3A_335 = tpu.vector_load %arg8[%swap3A_333, %swap3A_334] {strides = array<i32>} : memref<32x768xf32, #tpu.memory_space<vmem>>, vector<1x16xf32>,
      %swap3A_336 = vector.shape_cast %swap3A_335 : vector<1x16xf32> to vector<16xf32>
      %swap3A_337 = vector.shape_cast %add3A_332 : vector<16xf32> to vector<1x16xf32>
      tpu.vector_store %arg8[%swap3A_333, %swap3A_334], %swap3A_337 {strides = array<i32>} : memref<32x768xf32, #tpu.memory_space<vmem>>, vector<1x16xf32>,
      %get3A_338 = arith.index_cast %scan3A_90 : i32 to index
      %get3A_339 = arith.constant 240 : index
      %get3A_340 = tpu.vector_load %arg8[%get3A_338, %get3A_339] {strides = array<i32>} : memref<32x768xf32, #tpu.memory_space<vmem>>, vector<1x16xf32>,
      %get3A_341 = vector.shape_cast %get3A_340 : vector<1x16xf32> to vector<16xf32>
      %mul3A_342 = arith.mulf %get3A_94, %get3A_341 : vector<16xf32>
      %get3A_343 = arith.index_cast %scan3A_90 : i32 to index
      %get3A_344 = arith.constant 240 : index
      %get3A_345 = tpu.vector_load %arg9[%get3A_343, %get3A_344] {strides = array<i32>} : memref<32x768xf32, #tpu.memory_space<vmem>>, vector<1x16xf32>,
      %get3A_346 = vector.shape_cast %get3A_345 : vector<1x16xf32> to vector<16xf32>
      %mul3A_347 = arith.mulf %get3A_98, %get3A_346 : vector<16xf32>
      %add3A_348 = arith.addf %mul3A_342, %mul3A_347 : vector<16xf32>
      %swap3A_349 = arith.index_cast %scan3A_90 : i32 to index
      %swap3A_350 = arith.constant 240 : index
      %swap3A_351 = tpu.vector_load %arg8[%swap3A_349, %swap3A_350] {strides = array<i32>} : memref<32x768xf32, #tpu.memory_space<vmem>>, vector<1x16xf32>,
      %swap3A_352 = vector.shape_cast %swap3A_351 : vector<1x16xf32> to vector<16xf32>
      %swap3A_353 = vector.shape_cast %add3A_348 : vector<16xf32> to vector<1x16xf32>
      tpu.vector_store %arg8[%swap3A_349, %swap3A_350], %swap3A_353 {strides = array<i32>} : memref<32x768xf32, #tpu.memory_space<vmem>>, vector<1x16xf32>,
      %get3A_354 = arith.index_cast %scan3A_90 : i32 to index
      %get3A_355 = arith.constant 256 : index
      %get3A_356 = tpu.vector_load %arg8[%get3A_354, %get3A_355] {strides = array<i32>} : memref<32x768xf32, #tpu.memory_space<vmem>>, vector<1x16xf32>,
      %get3A_357 = vector.shape_cast %get3A_356 : vector<1x16xf32> to vector<16xf32>
      %mul3A_358 = arith.mulf %get3A_94, %get3A_357 : vector<16xf32>
      %get3A_359 = arith.index_cast %scan3A_90 : i32 to index
      %get3A_360 = arith.constant 256 : index
      %get3A_361 = tpu.vector_load %arg9[%get3A_359, %get3A_360] {strides = array<i32>} : memref<32x768xf32, #tpu.memory_space<vmem>>, vector<1x16xf32>,
      %get3A_362 = vector.shape_cast %get3A_361 : vector<1x16xf32> to vector<16xf32>
      %mul3A_363 = arith.mulf %get3A_98, %get3A_362 : vector<16xf32>
      %add3A_364 = arith.addf %mul3A_358, %mul3A_363 : vector<16xf32>
      %swap3A_365 = arith.index_cast %scan3A_90 : i32 to index
      %swap3A_366 = arith.constant 256 : index
      %swap3A_367 = tpu.vector_load %arg8[%swap3A_365, %swap3A_366] {strides = array<i32>} : memref<32x768xf32, #tpu.memory_space<vmem>>, vector<1x16xf32>,
      %swap3A_368 = vector.shape_cast %swap3A_367 : vector<1x16xf32> to vector<16xf32>
      %swap3A_369 = vector.shape_cast %add3A_364 : vector<16xf32> to vector<1x16xf32>
      tpu.vector_store %arg8[%swap3A_365, %swap3A_366], %swap3A_369 {strides = array<i32>} : memref<32x768xf32, #tpu.memory_space<vmem>>, vector<1x16xf32>,
      %get3A_370 = arith.index_cast %scan3A_90 : i32 to index
      %get3A_371 = arith.constant 272 : index
      %get3A_372 = tpu.vector_load %arg8[%get3A_370, %get3A_371] {strides = array<i32>} : memref<32x768xf32, #tpu.memory_space<vmem>>, vector<1x16xf32>,
      %get3A_373 = vector.shape_cast %get3A_372 : vector<1x16xf32> to vector<16xf32>
      %mul3A_374 = arith.mulf %get3A_94, %get3A_373 : vector<16xf32>
      %get3A_375 = arith.index_cast %scan3A_90 : i32 to index
      %get3A_376 = arith.constant 272 : index
      %get3A_377 = tpu.vector_load %arg9[%get3A_375, %get3A_376] {strides = array<i32>} : memref<32x768xf32, #tpu.memory_space<vmem>>, vector<1x16xf32>,
      %get3A_378 = vector.shape_cast %get3A_377 : vector<1x16xf32> to vector<16xf32>
      %mul3A_379 = arith.mulf %get3A_98, %get3A_378 : vector<16xf32>
      %add3A_380 = arith.addf %mul3A_374, %mul3A_379 : vector<16xf32>
      %swap3A_381 = arith.index_cast %scan3A_90 : i32 to index
      %swap3A_382 = arith.constant 272 : index
      %swap3A_383 = tpu.vector_load %arg8[%swap3A_381, %swap3A_382] {strides = array<i32>} : memref<32x768xf32, #tpu.memory_space<vmem>>, vector<1x16xf32>,
      %swap3A_384 = vector.shape_cast %swap3A_383 : vector<1x16xf32> to vector<16xf32>
      %swap3A_385 = vector.shape_cast %add3A_380 : vector<16xf32> to vector<1x16xf32>
      tpu.vector_store %arg8[%swap3A_381, %swap3A_382], %swap3A_385 {strides = array<i32>} : memref<32x768xf32, #tpu.memory_space<vmem>>, vector<1x16xf32>,
      %get3A_386 = arith.index_cast %scan3A_90 : i32 to index
      %get3A_387 = arith.constant 288 : index
      %get3A_388 = tpu.vector_load %arg8[%get3A_386, %get3A_387] {strides = array<i32>} : memref<32x768xf32, #tpu.memory_space<vmem>>, vector<1x16xf32>,
      %get3A_389 = vector.shape_cast %get3A_388 : vector<1x16xf32> to vector<16xf32>
      %mul3A_390 = arith.mulf %get3A_94, %get3A_389 : vector<16xf32>
      %get3A_391 = arith.index_cast %scan3A_90 : i32 to index
      %get3A_392 = arith.constant 288 : index
      %get3A_393 = tpu.vector_load %arg9[%get3A_391, %get3A_392] {strides = array<i32>} : memref<32x768xf32, #tpu.memory_space<vmem>>, vector<1x16xf32>,
      %get3A_394 = vector.shape_cast %get3A_393 : vector<1x16xf32> to vector<16xf32>
      %mul3A_395 = arith.mulf %get3A_98, %get3A_394 : vector<16xf32>
      %add3A_396 = arith.addf %mul3A_390, %mul3A_395 : vector<16xf32>
      %swap3A_397 = arith.index_cast %scan3A_90 : i32 to index
      %swap3A_398 = arith.constant 288 : index
      %swap3A_399 = tpu.vector_load %arg8[%swap3A_397, %swap3A_398] {strides = array<i32>} : memref<32x768xf32, #tpu.memory_space<vmem>>, vector<1x16xf32>,
      %swap3A_400 = vector.shape_cast %swap3A_399 : vector<1x16xf32> to vector<16xf32>
      %swap3A_401 = vector.shape_cast %add3A_396 : vector<16xf32> to vector<1x16xf32>
      tpu.vector_store %arg8[%swap3A_397, %swap3A_398], %swap3A_401 {strides = array<i32>} : memref<32x768xf32, #tpu.memory_space<vmem>>, vector<1x16xf32>,
      %get3A_402 = arith.index_cast %scan3A_90 : i32 to index
      %get3A_403 = arith.constant 304 : index
      %get3A_404 = tpu.vector_load %arg8[%get3A_402, %get3A_403] {strides = array<i32>} : memref<32x768xf32, #tpu.memory_space<vmem>>, vector<1x16xf32>,
      %get3A_405 = vector.shape_cast %get3A_404 : vector<1x16xf32> to vector<16xf32>
      %mul3A_406 = arith.mulf %get3A_94, %get3A_405 : vector<16xf32>
      %get3A_407 = arith.index_cast %scan3A_90 : i32 to index
      %get3A_408 = arith.constant 304 : index
      %get3A_409 = tpu.vector_load %arg9[%get3A_407, %get3A_408] {strides = array<i32>} : memref<32x768xf32, #tpu.memory_space<vmem>>, vector<1x16xf32>,
      %get3A_410 = vector.shape_cast %get3A_409 : vector<1x16xf32> to vector<16xf32>
      %mul3A_411 = arith.mulf %get3A_98, %get3A_410 : vector<16xf32>
      %add3A_412 = arith.addf %mul3A_406, %mul3A_411 : vector<16xf32>
      %swap3A_413 = arith.index_cast %scan3A_90 : i32 to index
      %swap3A_414 = arith.constant 304 : index
      %swap3A_415 = tpu.vector_load %arg8[%swap3A_413, %swap3A_414] {strides = array<i32>} : memref<32x768xf32, #tpu.memory_space<vmem>>, vector<1x16xf32>,
      %swap3A_416 = vector.shape_cast %swap3A_415 : vector<1x16xf32> to vector<16xf32>
      %swap3A_417 = vector.shape_cast %add3A_412 : vector<16xf32> to vector<1x16xf32>
      tpu.vector_store %arg8[%swap3A_413, %swap3A_414], %swap3A_417 {strides = array<i32>} : memref<32x768xf32, #tpu.memory_space<vmem>>, vector<1x16xf32>,
      %get3A_418 = arith.index_cast %scan3A_90 : i32 to index
      %get3A_419 = arith.constant 320 : index
      %get3A_420 = tpu.vector_load %arg8[%get3A_418, %get3A_419] {strides = array<i32>} : memref<32x768xf32, #tpu.memory_space<vmem>>, vector<1x16xf32>,
      %get3A_421 = vector.shape_cast %get3A_420 : vector<1x16xf32> to vector<16xf32>
      %mul3A_422 = arith.mulf %get3A_94, %get3A_421 : vector<16xf32>
      %get3A_423 = arith.index_cast %scan3A_90 : i32 to index
      %get3A_424 = arith.constant 320 : index
      %get3A_425 = tpu.vector_load %arg9[%get3A_423, %get3A_424] {strides = array<i32>} : memref<32x768xf32, #tpu.memory_space<vmem>>, vector<1x16xf32>,
      %get3A_426 = vector.shape_cast %get3A_425 : vector<1x16xf32> to vector<16xf32>
      %mul3A_427 = arith.mulf %get3A_98, %get3A_426 : vector<16xf32>
      %add3A_428 = arith.addf %mul3A_422, %mul3A_427 : vector<16xf32>
      %swap3A_429 = arith.index_cast %scan3A_90 : i32 to index
      %swap3A_430 = arith.constant 320 : index
      %swap3A_431 = tpu.vector_load %arg8[%swap3A_429, %swap3A_430] {strides = array<i32>} : memref<32x768xf32, #tpu.memory_space<vmem>>, vector<1x16xf32>,
      %swap3A_432 = vector.shape_cast %swap3A_431 : vector<1x16xf32> to vector<16xf32>
      %swap3A_433 = vector.shape_cast %add3A_428 : vector<16xf32> to vector<1x16xf32>
      tpu.vector_store %arg8[%swap3A_429, %swap3A_430], %swap3A_433 {strides = array<i32>} : memref<32x768xf32, #tpu.memory_space<vmem>>, vector<1x16xf32>,
      %get3A_434 = arith.index_cast %scan3A_90 : i32 to index
      %get3A_435 = arith.constant 336 : index
      %get3A_436 = tpu.vector_load %arg8[%get3A_434, %get3A_435] {strides = array<i32>} : memref<32x768xf32, #tpu.memory_space<vmem>>, vector<1x16xf32>,
      %get3A_437 = vector.shape_cast %get3A_436 : vector<1x16xf32> to vector<16xf32>
      %mul3A_438 = arith.mulf %get3A_94, %get3A_437 : vector<16xf32>
      %get3A_439 = arith.index_cast %scan3A_90 : i32 to index
      %get3A_440 = arith.constant 336 : index
      %get3A_441 = tpu.vector_load %arg9[%get3A_439, %get3A_440] {strides = array<i32>} : memref<32x768xf32, #tpu.memory_space<vmem>>, vector<1x16xf32>,
      %get3A_442 = vector.shape_cast %get3A_441 : vector<1x16xf32> to vector<16xf32>
      %mul3A_443 = arith.mulf %get3A_98, %get3A_442 : vector<16xf32>
      %add3A_444 = arith.addf %mul3A_438, %mul3A_443 : vector<16xf32>
      %swap3A_445 = arith.index_cast %scan3A_90 : i32 to index
      %swap3A_446 = arith.constant 336 : index
      %swap3A_447 = tpu.vector_load %arg8[%swap3A_445, %swap3A_446] {strides = array<i32>} : memref<32x768xf32, #tpu.memory_space<vmem>>, vector<1x16xf32>,
      %swap3A_448 = vector.shape_cast %swap3A_447 : vector<1x16xf32> to vector<16xf32>
      %swap3A_449 = vector.shape_cast %add3A_444 : vector<16xf32> to vector<1x16xf32>
      tpu.vector_store %arg8[%swap3A_445, %swap3A_446], %swap3A_449 {strides = array<i32>} : memref<32x768xf32, #tpu.memory_space<vmem>>, vector<1x16xf32>,
      %get3A_450 = arith.index_cast %scan3A_90 : i32 to index
      %get3A_451 = arith.constant 352 : index
      %get3A_452 = tpu.vector_load %arg8[%get3A_450, %get3A_451] {strides = array<i32>} : memref<32x768xf32, #tpu.memory_space<vmem>>, vector<1x16xf32>,
      %get3A_453 = vector.shape_cast %get3A_452 : vector<1x16xf32> to vector<16xf32>
      %mul3A_454 = arith.mulf %get3A_94, %get3A_453 : vector<16xf32>
      %get3A_455 = arith.index_cast %scan3A_90 : i32 to index
      %get3A_456 = arith.constant 352 : index
      %get3A_457 = tpu.vector_load %arg9[%get3A_455, %get3A_456] {strides = array<i32>} : memref<32x768xf32, #tpu.memory_space<vmem>>, vector<1x16xf32>,
      %get3A_458 = vector.shape_cast %get3A_457 : vector<1x16xf32> to vector<16xf32>
      %mul3A_459 = arith.mulf %get3A_98, %get3A_458 : vector<16xf32>
      %add3A_460 = arith.addf %mul3A_454, %mul3A_459 : vector<16xf32>
      %swap3A_461 = arith.index_cast %scan3A_90 : i32 to index
      %swap3A_462 = arith.constant 352 : index
      %swap3A_463 = tpu.vector_load %arg8[%swap3A_461, %swap3A_462] {strides = array<i32>} : memref<32x768xf32, #tpu.memory_space<vmem>>, vector<1x16xf32>,
      %swap3A_464 = vector.shape_cast %swap3A_463 : vector<1x16xf32> to vector<16xf32>
      %swap3A_465 = vector.shape_cast %add3A_460 : vector<16xf32> to vector<1x16xf32>
      tpu.vector_store %arg8[%swap3A_461, %swap3A_462], %swap3A_465 {strides = array<i32>} : memref<32x768xf32, #tpu.memory_space<vmem>>, vector<1x16xf32>,
      %get3A_466 = arith.index_cast %scan3A_90 : i32 to index
      %get3A_467 = arith.constant 368 : index
      %get3A_468 = tpu.vector_load %arg8[%get3A_466, %get3A_467] {strides = array<i32>} : memref<32x768xf32, #tpu.memory_space<vmem>>, vector<1x16xf32>,
      %get3A_469 = vector.shape_cast %get3A_468 : vector<1x16xf32> to vector<16xf32>
      %mul3A_470 = arith.mulf %get3A_94, %get3A_469 : vector<16xf32>
      %get3A_471 = arith.index_cast %scan3A_90 : i32 to index
      %get3A_472 = arith.constant 368 : index
      %get3A_473 = tpu.vector_load %arg9[%get3A_471, %get3A_472] {strides = array<i32>} : memref<32x768xf32, #tpu.memory_space<vmem>>, vector<1x16xf32>,
      %get3A_474 = vector.shape_cast %get3A_473 : vector<1x16xf32> to vector<16xf32>
      %mul3A_475 = arith.mulf %get3A_98, %get3A_474 : vector<16xf32>
      %add3A_476 = arith.addf %mul3A_470, %mul3A_475 : vector<16xf32>
      %swap3A_477 = arith.index_cast %scan3A_90 : i32 to index
      %swap3A_478 = arith.constant 368 : index
      %swap3A_479 = tpu.vector_load %arg8[%swap3A_477, %swap3A_478] {strides = array<i32>} : memref<32x768xf32, #tpu.memory_space<vmem>>, vector<1x16xf32>,
      %swap3A_480 = vector.shape_cast %swap3A_479 : vector<1x16xf32> to vector<16xf32>
      %swap3A_481 = vector.shape_cast %add3A_476 : vector<16xf32> to vector<1x16xf32>
      tpu.vector_store %arg8[%swap3A_477, %swap3A_478], %swap3A_481 {strides = array<i32>} : memref<32x768xf32, #tpu.memory_space<vmem>>, vector<1x16xf32>,
      %get3A_482 = arith.index_cast %scan3A_90 : i32 to index
      %get3A_483 = arith.constant 384 : index
      %get3A_484 = tpu.vector_load %arg8[%get3A_482, %get3A_483] {strides = array<i32>} : memref<32x768xf32, #tpu.memory_space<vmem>>, vector<1x16xf32>,
      %get3A_485 = vector.shape_cast %get3A_484 : vector<1x16xf32> to vector<16xf32>
      %mul3A_486 = arith.mulf %get3A_94, %get3A_485 : vector<16xf32>
      %get3A_487 = arith.index_cast %scan3A_90 : i32 to index
      %get3A_488 = arith.constant 384 : index
      %get3A_489 = tpu.vector_load %arg9[%get3A_487, %get3A_488] {strides = array<i32>} : memref<32x768xf32, #tpu.memory_space<vmem>>, vector<1x16xf32>,
      %get3A_490 = vector.shape_cast %get3A_489 : vector<1x16xf32> to vector<16xf32>
      %mul3A_491 = arith.mulf %get3A_98, %get3A_490 : vector<16xf32>
      %add3A_492 = arith.addf %mul3A_486, %mul3A_491 : vector<16xf32>
      %swap3A_493 = arith.index_cast %scan3A_90 : i32 to index
      %swap3A_494 = arith.constant 384 : index
      %swap3A_495 = tpu.vector_load %arg8[%swap3A_493, %swap3A_494] {strides = array<i32>} : memref<32x768xf32, #tpu.memory_space<vmem>>, vector<1x16xf32>,
      %swap3A_496 = vector.shape_cast %swap3A_495 : vector<1x16xf32> to vector<16xf32>
      %swap3A_497 = vector.shape_cast %add3A_492 : vector<16xf32> to vector<1x16xf32>
      tpu.vector_store %arg8[%swap3A_493, %swap3A_494], %swap3A_497 {strides = array<i32>} : memref<32x768xf32, #tpu.memory_space<vmem>>, vector<1x16xf32>,
      %get3A_498 = arith.index_cast %scan3A_90 : i32 to index
      %get3A_499 = arith.constant 400 : index
      %get3A_500 = tpu.vector_load %arg8[%get3A_498, %get3A_499] {strides = array<i32>} : memref<32x768xf32, #tpu.memory_space<vmem>>, vector<1x16xf32>,
      %get3A_501 = vector.shape_cast %get3A_500 : vector<1x16xf32> to vector<16xf32>
      %mul3A_502 = arith.mulf %get3A_94, %get3A_501 : vector<16xf32>
      %get3A_503 = arith.index_cast %scan3A_90 : i32 to index
      %get3A_504 = arith.constant 400 : index
      %get3A_505 = tpu.vector_load %arg9[%get3A_503, %get3A_504] {strides = array<i32>} : memref<32x768xf32, #tpu.memory_space<vmem>>, vector<1x16xf32>,
      %get3A_506 = vector.shape_cast %get3A_505 : vector<1x16xf32> to vector<16xf32>
      %mul3A_507 = arith.mulf %get3A_98, %get3A_506 : vector<16xf32>
      %add3A_508 = arith.addf %mul3A_502, %mul3A_507 : vector<16xf32>
      %swap3A_509 = arith.index_cast %scan3A_90 : i32 to index
      %swap3A_510 = arith.constant 400 : index
      %swap3A_511 = tpu.vector_load %arg8[%swap3A_509, %swap3A_510] {strides = array<i32>} : memref<32x768xf32, #tpu.memory_space<vmem>>, vector<1x16xf32>,
      %swap3A_512 = vector.shape_cast %swap3A_511 : vector<1x16xf32> to vector<16xf32>
      %swap3A_513 = vector.shape_cast %add3A_508 : vector<16xf32> to vector<1x16xf32>
      tpu.vector_store %arg8[%swap3A_509, %swap3A_510], %swap3A_513 {strides = array<i32>} : memref<32x768xf32, #tpu.memory_space<vmem>>, vector<1x16xf32>,
      %get3A_514 = arith.index_cast %scan3A_90 : i32 to index
      %get3A_515 = arith.constant 416 : index
      %get3A_516 = tpu.vector_load %arg8[%get3A_514, %get3A_515] {strides = array<i32>} : memref<32x768xf32, #tpu.memory_space<vmem>>, vector<1x16xf32>,
      %get3A_517 = vector.shape_cast %get3A_516 : vector<1x16xf32> to vector<16xf32>
      %mul3A_518 = arith.mulf %get3A_94, %get3A_517 : vector<16xf32>
      %get3A_519 = arith.index_cast %scan3A_90 : i32 to index
      %get3A_520 = arith.constant 416 : index
      %get3A_521 = tpu.vector_load %arg9[%get3A_519, %get3A_520] {strides = array<i32>} : memref<32x768xf32, #tpu.memory_space<vmem>>, vector<1x16xf32>,
      %get3A_522 = vector.shape_cast %get3A_521 : vector<1x16xf32> to vector<16xf32>
      %mul3A_523 = arith.mulf %get3A_98, %get3A_522 : vector<16xf32>
      %add3A_524 = arith.addf %mul3A_518, %mul3A_523 : vector<16xf32>
      %swap3A_525 = arith.index_cast %scan3A_90 : i32 to index
      %swap3A_526 = arith.constant 416 : index
      %swap3A_527 = tpu.vector_load %arg8[%swap3A_525, %swap3A_526] {strides = array<i32>} : memref<32x768xf32, #tpu.memory_space<vmem>>, vector<1x16xf32>,
      %swap3A_528 = vector.shape_cast %swap3A_527 : vector<1x16xf32> to vector<16xf32>
      %swap3A_529 = vector.shape_cast %add3A_524 : vector<16xf32> to vector<1x16xf32>
      tpu.vector_store %arg8[%swap3A_525, %swap3A_526], %swap3A_529 {strides = array<i32>} : memref<32x768xf32, #tpu.memory_space<vmem>>, vector<1x16xf32>,
      %get3A_530 = arith.index_cast %scan3A_90 : i32 to index
      %get3A_531 = arith.constant 432 : index
      %get3A_532 = tpu.vector_load %arg8[%get3A_530, %get3A_531] {strides = array<i32>} : memref<32x768xf32, #tpu.memory_space<vmem>>, vector<1x16xf32>,
      %get3A_533 = vector.shape_cast %get3A_532 : vector<1x16xf32> to vector<16xf32>
      %mul3A_534 = arith.mulf %get3A_94, %get3A_533 : vector<16xf32>
      %get3A_535 = arith.index_cast %scan3A_90 : i32 to index
      %get3A_536 = arith.constant 432 : index
      %get3A_537 = tpu.vector_load %arg9[%get3A_535, %get3A_536] {strides = array<i32>} : memref<32x768xf32, #tpu.memory_space<vmem>>, vector<1x16xf32>,
      %get3A_538 = vector.shape_cast %get3A_537 : vector<1x16xf32> to vector<16xf32>
      %mul3A_539 = arith.mulf %get3A_98, %get3A_538 : vector<16xf32>
      %add3A_540 = arith.addf %mul3A_534, %mul3A_539 : vector<16xf32>
      %swap3A_541 = arith.index_cast %scan3A_90 : i32 to index
      %swap3A_542 = arith.constant 432 : index
      %swap3A_543 = tpu.vector_load %arg8[%swap3A_541, %swap3A_542] {strides = array<i32>} : memref<32x768xf32, #tpu.memory_space<vmem>>, vector<1x16xf32>,
      %swap3A_544 = vector.shape_cast %swap3A_543 : vector<1x16xf32> to vector<16xf32>
      %swap3A_545 = vector.shape_cast %add3A_540 : vector<16xf32> to vector<1x16xf32>
      tpu.vector_store %arg8[%swap3A_541, %swap3A_542], %swap3A_545 {strides = array<i32>} : memref<32x768xf32, #tpu.memory_space<vmem>>, vector<1x16xf32>,
      %get3A_546 = arith.index_cast %scan3A_90 : i32 to index
      %get3A_547 = arith.constant 448 : index
      %get3A_548 = tpu.vector_load %arg8[%get3A_546, %get3A_547] {strides = array<i32>} : memref<32x768xf32, #tpu.memory_space<vmem>>, vector<1x16xf32>,
      %get3A_549 = vector.shape_cast %get3A_548 : vector<1x16xf32> to vector<16xf32>
      %mul3A_550 = arith.mulf %get3A_94, %get3A_549 : vector<16xf32>
      %get3A_551 = arith.index_cast %scan3A_90 : i32 to index
      %get3A_552 = arith.constant 448 : index
      %get3A_553 = tpu.vector_load %arg9[%get3A_551, %get3A_552] {strides = array<i32>} : memref<32x768xf32, #tpu.memory_space<vmem>>, vector<1x16xf32>,
      %get3A_554 = vector.shape_cast %get3A_553 : vector<1x16xf32> to vector<16xf32>
      %mul3A_555 = arith.mulf %get3A_98, %get3A_554 : vector<16xf32>
      %add3A_556 = arith.addf %mul3A_550, %mul3A_555 : vector<16xf32>
      %swap3A_557 = arith.index_cast %scan3A_90 : i32 to index
      %swap3A_558 = arith.constant 448 : index
      %swap3A_559 = tpu.vector_load %arg8[%swap3A_557, %swap3A_558] {strides = array<i32>} : memref<32x768xf32, #tpu.memory_space<vmem>>, vector<1x16xf32>,
      %swap3A_560 = vector.shape_cast %swap3A_559 : vector<1x16xf32> to vector<16xf32>
      %swap3A_561 = vector.shape_cast %add3A_556 : vector<16xf32> to vector<1x16xf32>
      tpu.vector_store %arg8[%swap3A_557, %swap3A_558], %swap3A_561 {strides = array<i32>} : memref<32x768xf32, #tpu.memory_space<vmem>>, vector<1x16xf32>,
      %get3A_562 = arith.index_cast %scan3A_90 : i32 to index
      %get3A_563 = arith.constant 464 : index
      %get3A_564 = tpu.vector_load %arg8[%get3A_562, %get3A_563] {strides = array<i32>} : memref<32x768xf32, #tpu.memory_space<vmem>>, vector<1x16xf32>,
      %get3A_565 = vector.shape_cast %get3A_564 : vector<1x16xf32> to vector<16xf32>
      %mul3A_566 = arith.mulf %get3A_94, %get3A_565 : vector<16xf32>
      %get3A_567 = arith.index_cast %scan3A_90 : i32 to index
      %get3A_568 = arith.constant 464 : index
      %get3A_569 = tpu.vector_load %arg9[%get3A_567, %get3A_568] {strides = array<i32>} : memref<32x768xf32, #tpu.memory_space<vmem>>, vector<1x16xf32>,
      %get3A_570 = vector.shape_cast %get3A_569 : vector<1x16xf32> to vector<16xf32>
      %mul3A_571 = arith.mulf %get3A_98, %get3A_570 : vector<16xf32>
      %add3A_572 = arith.addf %mul3A_566, %mul3A_571 : vector<16xf32>
      %swap3A_573 = arith.index_cast %scan3A_90 : i32 to index
      %swap3A_574 = arith.constant 464 : index
      %swap3A_575 = tpu.vector_load %arg8[%swap3A_573, %swap3A_574] {strides = array<i32>} : memref<32x768xf32, #tpu.memory_space<vmem>>, vector<1x16xf32>,
      %swap3A_576 = vector.shape_cast %swap3A_575 : vector<1x16xf32> to vector<16xf32>
      %swap3A_577 = vector.shape_cast %add3A_572 : vector<16xf32> to vector<1x16xf32>
      tpu.vector_store %arg8[%swap3A_573, %swap3A_574], %swap3A_577 {strides = array<i32>} : memref<32x768xf32, #tpu.memory_space<vmem>>, vector<1x16xf32>,
      %get3A_578 = arith.index_cast %scan3A_90 : i32 to index
      %get3A_579 = arith.constant 480 : index
      %get3A_580 = tpu.vector_load %arg8[%get3A_578, %get3A_579] {strides = array<i32>} : memref<32x768xf32, #tpu.memory_space<vmem>>, vector<1x16xf32>,
      %get3A_581 = vector.shape_cast %get3A_580 : vector<1x16xf32> to vector<16xf32>
      %mul3A_582 = arith.mulf %get3A_94, %get3A_581 : vector<16xf32>
      %get3A_583 = arith.index_cast %scan3A_90 : i32 to index
      %get3A_584 = arith.constant 480 : index
      %get3A_585 = tpu.vector_load %arg9[%get3A_583, %get3A_584] {strides = array<i32>} : memref<32x768xf32, #tpu.memory_space<vmem>>, vector<1x16xf32>,
      %get3A_586 = vector.shape_cast %get3A_585 : vector<1x16xf32> to vector<16xf32>
      %mul3A_587 = arith.mulf %get3A_98, %get3A_586 : vector<16xf32>
      %add3A_588 = arith.addf %mul3A_582, %mul3A_587 : vector<16xf32>
      %swap3A_589 = arith.index_cast %scan3A_90 : i32 to index
      %swap3A_590 = arith.constant 480 : index
      %swap3A_591 = tpu.vector_load %arg8[%swap3A_589, %swap3A_590] {strides = array<i32>} : memref<32x768xf32, #tpu.memory_space<vmem>>, vector<1x16xf32>,
      %swap3A_592 = vector.shape_cast %swap3A_591 : vector<1x16xf32> to vector<16xf32>
      %swap3A_593 = vector.shape_cast %add3A_588 : vector<16xf32> to vector<1x16xf32>
      tpu.vector_store %arg8[%swap3A_589, %swap3A_590], %swap3A_593 {strides = array<i32>} : memref<32x768xf32, #tpu.memory_space<vmem>>, vector<1x16xf32>,
      %get3A_594 = arith.index_cast %scan3A_90 : i32 to index
      %get3A_595 = arith.constant 496 : index
      %get3A_596 = tpu.vector_load %arg8[%get3A_594, %get3A_595] {strides = array<i32>} : memref<32x768xf32, #tpu.memory_space<vmem>>, vector<1x16xf32>,
      %get3A_597 = vector.shape_cast %get3A_596 : vector<1x16xf32> to vector<16xf32>
      %mul3A_598 = arith.mulf %get3A_94, %get3A_597 : vector<16xf32>
      %get3A_599 = arith.index_cast %scan3A_90 : i32 to index
      %get3A_600 = arith.constant 496 : index
      %get3A_601 = tpu.vector_load %arg9[%get3A_599, %get3A_600] {strides = array<i32>} : memref<32x768xf32, #tpu.memory_space<vmem>>, vector<1x16xf32>,
      %get3A_602 = vector.shape_cast %get3A_601 : vector<1x16xf32> to vector<16xf32>
      %mul3A_603 = arith.mulf %get3A_98, %get3A_602 : vector<16xf32>
      %add3A_604 = arith.addf %mul3A_598, %mul3A_603 : vector<16xf32>
      %swap3A_605 = arith.index_cast %scan3A_90 : i32 to index
      %swap3A_606 = arith.constant 496 : index
      %swap3A_607 = tpu.vector_load %arg8[%swap3A_605, %swap3A_606] {strides = array<i32>} : memref<32x768xf32, #tpu.memory_space<vmem>>, vector<1x16xf32>,
      %swap3A_608 = vector.shape_cast %swap3A_607 : vector<1x16xf32> to vector<16xf32>
      %swap3A_609 = vector.shape_cast %add3A_604 : vector<16xf32> to vector<1x16xf32>
      tpu.vector_store %arg8[%swap3A_605, %swap3A_606], %swap3A_609 {strides = array<i32>} : memref<32x768xf32, #tpu.memory_space<vmem>>, vector<1x16xf32>,
      %get3A_610 = arith.index_cast %scan3A_90 : i32 to index
      %get3A_611 = arith.constant 512 : index
      %get3A_612 = tpu.vector_load %arg8[%get3A_610, %get3A_611] {strides = array<i32>} : memref<32x768xf32, #tpu.memory_space<vmem>>, vector<1x16xf32>,
      %get3A_613 = vector.shape_cast %get3A_612 : vector<1x16xf32> to vector<16xf32>
      %mul3A_614 = arith.mulf %get3A_94, %get3A_613 : vector<16xf32>
      %get3A_615 = arith.index_cast %scan3A_90 : i32 to index
      %get3A_616 = arith.constant 512 : index
      %get3A_617 = tpu.vector_load %arg9[%get3A_615, %get3A_616] {strides = array<i32>} : memref<32x768xf32, #tpu.memory_space<vmem>>, vector<1x16xf32>,
      %get3A_618 = vector.shape_cast %get3A_617 : vector<1x16xf32> to vector<16xf32>
      %mul3A_619 = arith.mulf %get3A_98, %get3A_618 : vector<16xf32>
      %add3A_620 = arith.addf %mul3A_614, %mul3A_619 : vector<16xf32>
      %swap3A_621 = arith.index_cast %scan3A_90 : i32 to index
      %swap3A_622 = arith.constant 512 : index
      %swap3A_623 = tpu.vector_load %arg8[%swap3A_621, %swap3A_622] {strides = array<i32>} : memref<32x768xf32, #tpu.memory_space<vmem>>, vector<1x16xf32>,
      %swap3A_624 = vector.shape_cast %swap3A_623 : vector<1x16xf32> to vector<16xf32>
      %swap3A_625 = vector.shape_cast %add3A_620 : vector<16xf32> to vector<1x16xf32>
      tpu.vector_store %arg8[%swap3A_621, %swap3A_622], %swap3A_625 {strides = array<i32>} : memref<32x768xf32, #tpu.memory_space<vmem>>, vector<1x16xf32>,
      %get3A_626 = arith.index_cast %scan3A_90 : i32 to index
      %get3A_627 = arith.constant 528 : index
      %get3A_628 = tpu.vector_load %arg8[%get3A_626, %get3A_627] {strides = array<i32>} : memref<32x768xf32, #tpu.memory_space<vmem>>, vector<1x16xf32>,
      %get3A_629 = vector.shape_cast %get3A_628 : vector<1x16xf32> to vector<16xf32>
      %mul3A_630 = arith.mulf %get3A_94, %get3A_629 : vector<16xf32>
      %get3A_631 = arith.index_cast %scan3A_90 : i32 to index
      %get3A_632 = arith.constant 528 : index
      %get3A_633 = tpu.vector_load %arg9[%get3A_631, %get3A_632] {strides = array<i32>} : memref<32x768xf32, #tpu.memory_space<vmem>>, vector<1x16xf32>,
      %get3A_634 = vector.shape_cast %get3A_633 : vector<1x16xf32> to vector<16xf32>
      %mul3A_635 = arith.mulf %get3A_98, %get3A_634 : vector<16xf32>
      %add3A_636 = arith.addf %mul3A_630, %mul3A_635 : vector<16xf32>
      %swap3A_637 = arith.index_cast %scan3A_90 : i32 to index
      %swap3A_638 = arith.constant 528 : index
      %swap3A_639 = tpu.vector_load %arg8[%swap3A_637, %swap3A_638] {strides = array<i32>} : memref<32x768xf32, #tpu.memory_space<vmem>>, vector<1x16xf32>,
      %swap3A_640 = vector.shape_cast %swap3A_639 : vector<1x16xf32> to vector<16xf32>
      %swap3A_641 = vector.shape_cast %add3A_636 : vector<16xf32> to vector<1x16xf32>
      tpu.vector_store %arg8[%swap3A_637, %swap3A_638], %swap3A_641 {strides = array<i32>} : memref<32x768xf32, #tpu.memory_space<vmem>>, vector<1x16xf32>,
      %get3A_642 = arith.index_cast %scan3A_90 : i32 to index
      %get3A_643 = arith.constant 544 : index
      %get3A_644 = tpu.vector_load %arg8[%get3A_642, %get3A_643] {strides = array<i32>} : memref<32x768xf32, #tpu.memory_space<vmem>>, vector<1x16xf32>,
      %get3A_645 = vector.shape_cast %get3A_644 : vector<1x16xf32> to vector<16xf32>
      %mul3A_646 = arith.mulf %get3A_94, %get3A_645 : vector<16xf32>
      %get3A_647 = arith.index_cast %scan3A_90 : i32 to index
      %get3A_648 = arith.constant 544 : index
      %get3A_649 = tpu.vector_load %arg9[%get3A_647, %get3A_648] {strides = array<i32>} : memref<32x768xf32, #tpu.memory_space<vmem>>, vector<1x16xf32>,
      %get3A_650 = vector.shape_cast %get3A_649 : vector<1x16xf32> to vector<16xf32>
      %mul3A_651 = arith.mulf %get3A_98, %get3A_650 : vector<16xf32>
      %add3A_652 = arith.addf %mul3A_646, %mul3A_651 : vector<16xf32>
      %swap3A_653 = arith.index_cast %scan3A_90 : i32 to index
      %swap3A_654 = arith.constant 544 : index
      %swap3A_655 = tpu.vector_load %arg8[%swap3A_653, %swap3A_654] {strides = array<i32>} : memref<32x768xf32, #tpu.memory_space<vmem>>, vector<1x16xf32>,
      %swap3A_656 = vector.shape_cast %swap3A_655 : vector<1x16xf32> to vector<16xf32>
      %swap3A_657 = vector.shape_cast %add3A_652 : vector<16xf32> to vector<1x16xf32>
      tpu.vector_store %arg8[%swap3A_653, %swap3A_654], %swap3A_657 {strides = array<i32>} : memref<32x768xf32, #tpu.memory_space<vmem>>, vector<1x16xf32>,
      %get3A_658 = arith.index_cast %scan3A_90 : i32 to index
      %get3A_659 = arith.constant 560 : index
      %get3A_660 = tpu.vector_load %arg8[%get3A_658, %get3A_659] {strides = array<i32>} : memref<32x768xf32, #tpu.memory_space<vmem>>, vector<1x16xf32>,
      %get3A_661 = vector.shape_cast %get3A_660 : vector<1x16xf32> to vector<16xf32>
      %mul3A_662 = arith.mulf %get3A_94, %get3A_661 : vector<16xf32>
      %get3A_663 = arith.index_cast %scan3A_90 : i32 to index
      %get3A_664 = arith.constant 560 : index
      %get3A_665 = tpu.vector_load %arg9[%get3A_663, %get3A_664] {strides = array<i32>} : memref<32x768xf32, #tpu.memory_space<vmem>>, vector<1x16xf32>,
      %get3A_666 = vector.shape_cast %get3A_665 : vector<1x16xf32> to vector<16xf32>
      %mul3A_667 = arith.mulf %get3A_98, %get3A_666 : vector<16xf32>
      %add3A_668 = arith.addf %mul3A_662, %mul3A_667 : vector<16xf32>
      %swap3A_669 = arith.index_cast %scan3A_90 : i32 to index
      %swap3A_670 = arith.constant 560 : index
      %swap3A_671 = tpu.vector_load %arg8[%swap3A_669, %swap3A_670] {strides = array<i32>} : memref<32x768xf32, #tpu.memory_space<vmem>>, vector<1x16xf32>,
      %swap3A_672 = vector.shape_cast %swap3A_671 : vector<1x16xf32> to vector<16xf32>
      %swap3A_673 = vector.shape_cast %add3A_668 : vector<16xf32> to vector<1x16xf32>
      tpu.vector_store %arg8[%swap3A_669, %swap3A_670], %swap3A_673 {strides = array<i32>} : memref<32x768xf32, #tpu.memory_space<vmem>>, vector<1x16xf32>,
      %get3A_674 = arith.index_cast %scan3A_90 : i32 to index
      %get3A_675 = arith.constant 576 : index
      %get3A_676 = tpu.vector_load %arg8[%get3A_674, %get3A_675] {strides = array<i32>} : memref<32x768xf32, #tpu.memory_space<vmem>>, vector<1x16xf32>,
      %get3A_677 = vector.shape_cast %get3A_676 : vector<1x16xf32> to vector<16xf32>
      %mul3A_678 = arith.mulf %get3A_94, %get3A_677 : vector<16xf32>
      %get3A_679 = arith.index_cast %scan3A_90 : i32 to index
      %get3A_680 = arith.constant 576 : index
      %get3A_681 = tpu.vector_load %arg9[%get3A_679, %get3A_680] {strides = array<i32>} : memref<32x768xf32, #tpu.memory_space<vmem>>, vector<1x16xf32>,
      %get3A_682 = vector.shape_cast %get3A_681 : vector<1x16xf32> to vector<16xf32>
      %mul3A_683 = arith.mulf %get3A_98, %get3A_682 : vector<16xf32>
      %add3A_684 = arith.addf %mul3A_678, %mul3A_683 : vector<16xf32>
      %swap3A_685 = arith.index_cast %scan3A_90 : i32 to index
      %swap3A_686 = arith.constant 576 : index
      %swap3A_687 = tpu.vector_load %arg8[%swap3A_685, %swap3A_686] {strides = array<i32>} : memref<32x768xf32, #tpu.memory_space<vmem>>, vector<1x16xf32>,
      %swap3A_688 = vector.shape_cast %swap3A_687 : vector<1x16xf32> to vector<16xf32>
      %swap3A_689 = vector.shape_cast %add3A_684 : vector<16xf32> to vector<1x16xf32>
      tpu.vector_store %arg8[%swap3A_685, %swap3A_686], %swap3A_689 {strides = array<i32>} : memref<32x768xf32, #tpu.memory_space<vmem>>, vector<1x16xf32>,
      %get3A_690 = arith.index_cast %scan3A_90 : i32 to index
      %get3A_691 = arith.constant 592 : index
      %get3A_692 = tpu.vector_load %arg8[%get3A_690, %get3A_691] {strides = array<i32>} : memref<32x768xf32, #tpu.memory_space<vmem>>, vector<1x16xf32>,
      %get3A_693 = vector.shape_cast %get3A_692 : vector<1x16xf32> to vector<16xf32>
      %mul3A_694 = arith.mulf %get3A_94, %get3A_693 : vector<16xf32>
      %get3A_695 = arith.index_cast %scan3A_90 : i32 to index
      %get3A_696 = arith.constant 592 : index
      %get3A_697 = tpu.vector_load %arg9[%get3A_695, %get3A_696] {strides = array<i32>} : memref<32x768xf32, #tpu.memory_space<vmem>>, vector<1x16xf32>,
      %get3A_698 = vector.shape_cast %get3A_697 : vector<1x16xf32> to vector<16xf32>
      %mul3A_699 = arith.mulf %get3A_98, %get3A_698 : vector<16xf32>
      %add3A_700 = arith.addf %mul3A_694, %mul3A_699 : vector<16xf32>
      %swap3A_701 = arith.index_cast %scan3A_90 : i32 to index
      %swap3A_702 = arith.constant 592 : index
      %swap3A_703 = tpu.vector_load %arg8[%swap3A_701, %swap3A_702] {strides = array<i32>} : memref<32x768xf32, #tpu.memory_space<vmem>>, vector<1x16xf32>,
      %swap3A_704 = vector.shape_cast %swap3A_703 : vector<1x16xf32> to vector<16xf32>
      %swap3A_705 = vector.shape_cast %add3A_700 : vector<16xf32> to vector<1x16xf32>
      tpu.vector_store %arg8[%swap3A_701, %swap3A_702], %swap3A_705 {strides = array<i32>} : memref<32x768xf32, #tpu.memory_space<vmem>>, vector<1x16xf32>,
      %get3A_706 = arith.index_cast %scan3A_90 : i32 to index
      %get3A_707 = arith.constant 608 : index
      %get3A_708 = tpu.vector_load %arg8[%get3A_706, %get3A_707] {strides = array<i32>} : memref<32x768xf32, #tpu.memory_space<vmem>>, vector<1x16xf32>,
      %get3A_709 = vector.shape_cast %get3A_708 : vector<1x16xf32> to vector<16xf32>
      %mul3A_710 = arith.mulf %get3A_94, %get3A_709 : vector<16xf32>
      %get3A_711 = arith.index_cast %scan3A_90 : i32 to index
      %get3A_712 = arith.constant 608 : index
      %get3A_713 = tpu.vector_load %arg9[%get3A_711, %get3A_712] {strides = array<i32>} : memref<32x768xf32, #tpu.memory_space<vmem>>, vector<1x16xf32>,
      %get3A_714 = vector.shape_cast %get3A_713 : vector<1x16xf32> to vector<16xf32>
      %mul3A_715 = arith.mulf %get3A_98, %get3A_714 : vector<16xf32>
      %add3A_716 = arith.addf %mul3A_710, %mul3A_715 : vector<16xf32>
      %swap3A_717 = arith.index_cast %scan3A_90 : i32 to index
      %swap3A_718 = arith.constant 608 : index
      %swap3A_719 = tpu.vector_load %arg8[%swap3A_717, %swap3A_718] {strides = array<i32>} : memref<32x768xf32, #tpu.memory_space<vmem>>, vector<1x16xf32>,
      %swap3A_720 = vector.shape_cast %swap3A_719 : vector<1x16xf32> to vector<16xf32>
      %swap3A_721 = vector.shape_cast %add3A_716 : vector<16xf32> to vector<1x16xf32>
      tpu.vector_store %arg8[%swap3A_717, %swap3A_718], %swap3A_721 {strides = array<i32>} : memref<32x768xf32, #tpu.memory_space<vmem>>, vector<1x16xf32>,
      %get3A_722 = arith.index_cast %scan3A_90 : i32 to index
      %get3A_723 = arith.constant 624 : index
      %get3A_724 = tpu.vector_load %arg8[%get3A_722, %get3A_723] {strides = array<i32>} : memref<32x768xf32, #tpu.memory_space<vmem>>, vector<1x16xf32>,
      %get3A_725 = vector.shape_cast %get3A_724 : vector<1x16xf32> to vector<16xf32>
      %mul3A_726 = arith.mulf %get3A_94, %get3A_725 : vector<16xf32>
      %get3A_727 = arith.index_cast %scan3A_90 : i32 to index
      %get3A_728 = arith.constant 624 : index
      %get3A_729 = tpu.vector_load %arg9[%get3A_727, %get3A_728] {strides = array<i32>} : memref<32x768xf32, #tpu.memory_space<vmem>>, vector<1x16xf32>,
      %get3A_730 = vector.shape_cast %get3A_729 : vector<1x16xf32> to vector<16xf32>
      %mul3A_731 = arith.mulf %get3A_98, %get3A_730 : vector<16xf32>
      %add3A_732 = arith.addf %mul3A_726, %mul3A_731 : vector<16xf32>
      %swap3A_733 = arith.index_cast %scan3A_90 : i32 to index
      %swap3A_734 = arith.constant 624 : index
      %swap3A_735 = tpu.vector_load %arg8[%swap3A_733, %swap3A_734] {strides = array<i32>} : memref<32x768xf32, #tpu.memory_space<vmem>>, vector<1x16xf32>,
      %swap3A_736 = vector.shape_cast %swap3A_735 : vector<1x16xf32> to vector<16xf32>
      %swap3A_737 = vector.shape_cast %add3A_732 : vector<16xf32> to vector<1x16xf32>
      tpu.vector_store %arg8[%swap3A_733, %swap3A_734], %swap3A_737 {strides = array<i32>} : memref<32x768xf32, #tpu.memory_space<vmem>>, vector<1x16xf32>,
      %get3A_738 = arith.index_cast %scan3A_90 : i32 to index
      %get3A_739 = arith.constant 640 : index
      %get3A_740 = tpu.vector_load %arg8[%get3A_738, %get3A_739] {strides = array<i32>} : memref<32x768xf32, #tpu.memory_space<vmem>>, vector<1x16xf32>,
      %get3A_741 = vector.shape_cast %get3A_740 : vector<1x16xf32> to vector<16xf32>
      %mul3A_742 = arith.mulf %get3A_94, %get3A_741 : vector<16xf32>
      %get3A_743 = arith.index_cast %scan3A_90 : i32 to index
      %get3A_744 = arith.constant 640 : index
      %get3A_745 = tpu.vector_load %arg9[%get3A_743, %get3A_744] {strides = array<i32>} : memref<32x768xf32, #tpu.memory_space<vmem>>, vector<1x16xf32>,
      %get3A_746 = vector.shape_cast %get3A_745 : vector<1x16xf32> to vector<16xf32>
      %mul3A_747 = arith.mulf %get3A_98, %get3A_746 : vector<16xf32>
      %add3A_748 = arith.addf %mul3A_742, %mul3A_747 : vector<16xf32>
      %swap3A_749 = arith.index_cast %scan3A_90 : i32 to index
      %swap3A_750 = arith.constant 640 : index
      %swap3A_751 = tpu.vector_load %arg8[%swap3A_749, %swap3A_750] {strides = array<i32>} : memref<32x768xf32, #tpu.memory_space<vmem>>, vector<1x16xf32>,
      %swap3A_752 = vector.shape_cast %swap3A_751 : vector<1x16xf32> to vector<16xf32>
      %swap3A_753 = vector.shape_cast %add3A_748 : vector<16xf32> to vector<1x16xf32>
      tpu.vector_store %arg8[%swap3A_749, %swap3A_750], %swap3A_753 {strides = array<i32>} : memref<32x768xf32, #tpu.memory_space<vmem>>, vector<1x16xf32>,
      %get3A_754 = arith.index_cast %scan3A_90 : i32 to index
      %get3A_755 = arith.constant 656 : index
      %get3A_756 = tpu.vector_load %arg8[%get3A_754, %get3A_755] {strides = array<i32>} : memref<32x768xf32, #tpu.memory_space<vmem>>, vector<1x16xf32>,
      %get3A_757 = vector.shape_cast %get3A_756 : vector<1x16xf32> to vector<16xf32>
      %mul3A_758 = arith.mulf %get3A_94, %get3A_757 : vector<16xf32>
      %get3A_759 = arith.index_cast %scan3A_90 : i32 to index
      %get3A_760 = arith.constant 656 : index
      %get3A_761 = tpu.vector_load %arg9[%get3A_759, %get3A_760] {strides = array<i32>} : memref<32x768xf32, #tpu.memory_space<vmem>>, vector<1x16xf32>,
      %get3A_762 = vector.shape_cast %get3A_761 : vector<1x16xf32> to vector<16xf32>
      %mul3A_763 = arith.mulf %get3A_98, %get3A_762 : vector<16xf32>
      %add3A_764 = arith.addf %mul3A_758, %mul3A_763 : vector<16xf32>
      %swap3A_765 = arith.index_cast %scan3A_90 : i32 to index
      %swap3A_766 = arith.constant 656 : index
      %swap3A_767 = tpu.vector_load %arg8[%swap3A_765, %swap3A_766] {strides = array<i32>} : memref<32x768xf32, #tpu.memory_space<vmem>>, vector<1x16xf32>,
      %swap3A_768 = vector.shape_cast %swap3A_767 : vector<1x16xf32> to vector<16xf32>
      %swap3A_769 = vector.shape_cast %add3A_764 : vector<16xf32> to vector<1x16xf32>
      tpu.vector_store %arg8[%swap3A_765, %swap3A_766], %swap3A_769 {strides = array<i32>} : memref<32x768xf32, #tpu.memory_space<vmem>>, vector<1x16xf32>,
      %get3A_770 = arith.index_cast %scan3A_90 : i32 to index
      %get3A_771 = arith.constant 672 : index
      %get3A_772 = tpu.vector_load %arg8[%get3A_770, %get3A_771] {strides = array<i32>} : memref<32x768xf32, #tpu.memory_space<vmem>>, vector<1x16xf32>,
      %get3A_773 = vector.shape_cast %get3A_772 : vector<1x16xf32> to vector<16xf32>
      %mul3A_774 = arith.mulf %get3A_94, %get3A_773 : vector<16xf32>
      %get3A_775 = arith.index_cast %scan3A_90 : i32 to index
      %get3A_776 = arith.constant 672 : index
      %get3A_777 = tpu.vector_load %arg9[%get3A_775, %get3A_776] {strides = array<i32>} : memref<32x768xf32, #tpu.memory_space<vmem>>, vector<1x16xf32>,
      %get3A_778 = vector.shape_cast %get3A_777 : vector<1x16xf32> to vector<16xf32>
      %mul3A_779 = arith.mulf %get3A_98, %get3A_778 : vector<16xf32>
      %add3A_780 = arith.addf %mul3A_774, %mul3A_779 : vector<16xf32>
      %swap3A_781 = arith.index_cast %scan3A_90 : i32 to index
      %swap3A_782 = arith.constant 672 : index
      %swap3A_783 = tpu.vector_load %arg8[%swap3A_781, %swap3A_782] {strides = array<i32>} : memref<32x768xf32, #tpu.memory_space<vmem>>, vector<1x16xf32>,
      %swap3A_784 = vector.shape_cast %swap3A_783 : vector<1x16xf32> to vector<16xf32>
      %swap3A_785 = vector.shape_cast %add3A_780 : vector<16xf32> to vector<1x16xf32>
      tpu.vector_store %arg8[%swap3A_781, %swap3A_782], %swap3A_785 {strides = array<i32>} : memref<32x768xf32, #tpu.memory_space<vmem>>, vector<1x16xf32>,
      %get3A_786 = arith.index_cast %scan3A_90 : i32 to index
      %get3A_787 = arith.constant 688 : index
      %get3A_788 = tpu.vector_load %arg8[%get3A_786, %get3A_787] {strides = array<i32>} : memref<32x768xf32, #tpu.memory_space<vmem>>, vector<1x16xf32>,
      %get3A_789 = vector.shape_cast %get3A_788 : vector<1x16xf32> to vector<16xf32>
      %mul3A_790 = arith.mulf %get3A_94, %get3A_789 : vector<16xf32>
      %get3A_791 = arith.index_cast %scan3A_90 : i32 to index
      %get3A_792 = arith.constant 688 : index
      %get3A_793 = tpu.vector_load %arg9[%get3A_791, %get3A_792] {strides = array<i32>} : memref<32x768xf32, #tpu.memory_space<vmem>>, vector<1x16xf32>,
      %get3A_794 = vector.shape_cast %get3A_793 : vector<1x16xf32> to vector<16xf32>
      %mul3A_795 = arith.mulf %get3A_98, %get3A_794 : vector<16xf32>
      %add3A_796 = arith.addf %mul3A_790, %mul3A_795 : vector<16xf32>
      %swap3A_797 = arith.index_cast %scan3A_90 : i32 to index
      %swap3A_798 = arith.constant 688 : index
      %swap3A_799 = tpu.vector_load %arg8[%swap3A_797, %swap3A_798] {strides = array<i32>} : memref<32x768xf32, #tpu.memory_space<vmem>>, vector<1x16xf32>,
      %swap3A_800 = vector.shape_cast %swap3A_799 : vector<1x16xf32> to vector<16xf32>
      %swap3A_801 = vector.shape_cast %add3A_796 : vector<16xf32> to vector<1x16xf32>
      tpu.vector_store %arg8[%swap3A_797, %swap3A_798], %swap3A_801 {strides = array<i32>} : memref<32x768xf32, #tpu.memory_space<vmem>>, vector<1x16xf32>,
      %get3A_802 = arith.index_cast %scan3A_90 : i32 to index
      %get3A_803 = arith.constant 704 : index
      %get3A_804 = tpu.vector_load %arg8[%get3A_802, %get3A_803] {strides = array<i32>} : memref<32x768xf32, #tpu.memory_space<vmem>>, vector<1x16xf32>,
      %get3A_805 = vector.shape_cast %get3A_804 : vector<1x16xf32> to vector<16xf32>
      %mul3A_806 = arith.mulf %get3A_94, %get3A_805 : vector<16xf32>
      %get3A_807 = arith.index_cast %scan3A_90 : i32 to index
      %get3A_808 = arith.constant 704 : index
      %get3A_809 = tpu.vector_load %arg9[%get3A_807, %get3A_808] {strides = array<i32>} : memref<32x768xf32, #tpu.memory_space<vmem>>, vector<1x16xf32>,
      %get3A_810 = vector.shape_cast %get3A_809 : vector<1x16xf32> to vector<16xf32>
      %mul3A_811 = arith.mulf %get3A_98, %get3A_810 : vector<16xf32>
      %add3A_812 = arith.addf %mul3A_806, %mul3A_811 : vector<16xf32>
      %swap3A_813 = arith.index_cast %scan3A_90 : i32 to index
      %swap3A_814 = arith.constant 704 : index
      %swap3A_815 = tpu.vector_load %arg8[%swap3A_813, %swap3A_814] {strides = array<i32>} : memref<32x768xf32, #tpu.memory_space<vmem>>, vector<1x16xf32>,
      %swap3A_816 = vector.shape_cast %swap3A_815 : vector<1x16xf32> to vector<16xf32>
      %swap3A_817 = vector.shape_cast %add3A_812 : vector<16xf32> to vector<1x16xf32>
      tpu.vector_store %arg8[%swap3A_813, %swap3A_814], %swap3A_817 {strides = array<i32>} : memref<32x768xf32, #tpu.memory_space<vmem>>, vector<1x16xf32>,
      %get3A_818 = arith.index_cast %scan3A_90 : i32 to index
      %get3A_819 = arith.constant 720 : index
      %get3A_820 = tpu.vector_load %arg8[%get3A_818, %get3A_819] {strides = array<i32>} : memref<32x768xf32, #tpu.memory_space<vmem>>, vector<1x16xf32>,
      %get3A_821 = vector.shape_cast %get3A_820 : vector<1x16xf32> to vector<16xf32>
      %mul3A_822 = arith.mulf %get3A_94, %get3A_821 : vector<16xf32>
      %get3A_823 = arith.index_cast %scan3A_90 : i32 to index
      %get3A_824 = arith.constant 720 : index
      %get3A_825 = tpu.vector_load %arg9[%get3A_823, %get3A_824] {strides = array<i32>} : memref<32x768xf32, #tpu.memory_space<vmem>>, vector<1x16xf32>,
      %get3A_826 = vector.shape_cast %get3A_825 : vector<1x16xf32> to vector<16xf32>
      %mul3A_827 = arith.mulf %get3A_98, %get3A_826 : vector<16xf32>
      %add3A_828 = arith.addf %mul3A_822, %mul3A_827 : vector<16xf32>
      %swap3A_829 = arith.index_cast %scan3A_90 : i32 to index
      %swap3A_830 = arith.constant 720 : index
      %swap3A_831 = tpu.vector_load %arg8[%swap3A_829, %swap3A_830] {strides = array<i32>} : memref<32x768xf32, #tpu.memory_space<vmem>>, vector<1x16xf32>,
      %swap3A_832 = vector.shape_cast %swap3A_831 : vector<1x16xf32> to vector<16xf32>
      %swap3A_833 = vector.shape_cast %add3A_828 : vector<16xf32> to vector<1x16xf32>
      tpu.vector_store %arg8[%swap3A_829, %swap3A_830], %swap3A_833 {strides = array<i32>} : memref<32x768xf32, #tpu.memory_space<vmem>>, vector<1x16xf32>,
      %get3A_834 = arith.index_cast %scan3A_90 : i32 to index
      %get3A_835 = arith.constant 736 : index
      %get3A_836 = tpu.vector_load %arg8[%get3A_834, %get3A_835] {strides = array<i32>} : memref<32x768xf32, #tpu.memory_space<vmem>>, vector<1x16xf32>,
      %get3A_837 = vector.shape_cast %get3A_836 : vector<1x16xf32> to vector<16xf32>
      %mul3A_838 = arith.mulf %get3A_94, %get3A_837 : vector<16xf32>
      %get3A_839 = arith.index_cast %scan3A_90 : i32 to index
      %get3A_840 = arith.constant 736 : index
      %get3A_841 = tpu.vector_load %arg9[%get3A_839, %get3A_840] {strides = array<i32>} : memref<32x768xf32, #tpu.memory_space<vmem>>, vector<1x16xf32>,
      %get3A_842 = vector.shape_cast %get3A_841 : vector<1x16xf32> to vector<16xf32>
      %mul3A_843 = arith.mulf %get3A_98, %get3A_842 : vector<16xf32>
      %add3A_844 = arith.addf %mul3A_838, %mul3A_843 : vector<16xf32>
      %swap3A_845 = arith.index_cast %scan3A_90 : i32 to index
      %swap3A_846 = arith.constant 736 : index
      %swap3A_847 = tpu.vector_load %arg8[%swap3A_845, %swap3A_846] {strides = array<i32>} : memref<32x768xf32, #tpu.memory_space<vmem>>, vector<1x16xf32>,
      %swap3A_848 = vector.shape_cast %swap3A_847 : vector<1x16xf32> to vector<16xf32>
      %swap3A_849 = vector.shape_cast %add3A_844 : vector<16xf32> to vector<1x16xf32>
      tpu.vector_store %arg8[%swap3A_845, %swap3A_846], %swap3A_849 {strides = array<i32>} : memref<32x768xf32, #tpu.memory_space<vmem>>, vector<1x16xf32>,
      %get3A_850 = arith.index_cast %scan3A_90 : i32 to index
      %get3A_851 = arith.constant 752 : index
      %get3A_852 = tpu.vector_load %arg8[%get3A_850, %get3A_851] {strides = array<i32>} : memref<32x768xf32, #tpu.memory_space<vmem>>, vector<1x16xf32>,
      %get3A_853 = vector.shape_cast %get3A_852 : vector<1x16xf32> to vector<16xf32>
      %mul3A_854 = arith.mulf %get3A_94, %get3A_853 : vector<16xf32>
      %get3A_855 = arith.index_cast %scan3A_90 : i32 to index
      %get3A_856 = arith.constant 752 : index
      %get3A_857 = tpu.vector_load %arg9[%get3A_855, %get3A_856] {strides = array<i32>} : memref<32x768xf32, #tpu.memory_space<vmem>>, vector<1x16xf32>,
      %get3A_858 = vector.shape_cast %get3A_857 : vector<1x16xf32> to vector<16xf32>
      %mul3A_859 = arith.mulf %get3A_98, %get3A_858 : vector<16xf32>
      %add3A_860 = arith.addf %mul3A_854, %mul3A_859 : vector<16xf32>
      %swap3A_861 = arith.index_cast %scan3A_90 : i32 to index
      %swap3A_862 = arith.constant 752 : index
      %swap3A_863 = tpu.vector_load %arg8[%swap3A_861, %swap3A_862] {strides = array<i32>} : memref<32x768xf32, #tpu.memory_space<vmem>>, vector<1x16xf32>,
      %swap3A_864 = vector.shape_cast %swap3A_863 : vector<1x16xf32> to vector<16xf32>
      %swap3A_865 = vector.shape_cast %add3A_860 : vector<16xf32> to vector<1x16xf32>
      tpu.vector_store %arg8[%swap3A_861, %swap3A_862], %swap3A_865 {strides = array<i32>} : memref<32x768xf32, #tpu.memory_space<vmem>>, vector<1x16xf32>,
      %scan3A_866 = arith.constant 0 : i32
      scf.yield %scan3A_866 : i32
    }
    %scan3A_89 = arith.constant 32 : i32
    "tpu.region"() ({
      %run_scoped3A = tpu.sem_alloc : memref<!tpu.dma_semaphore, #tpu.memory_space<semaphore_mem>>
      %dma_start3A_90 = arith.constant 0 : i32
      %dma_start3A_91 = tpu.memref_slice %arg7[%add3A_46, %dma_start3A_90] : memref<2048x768xf32, #tpu.memory_space<hbm>> -> memref<32x768xf32, #tpu.memory_space<hbm>>
      %dma_start3A_92 = arith.constant 0 : i32
      %dma_start3A_93 = tpu.memref_slice %arg7[%add3A_46, %dma_start3A_92] : memref<2048x768xf32, #tpu.memory_space<hbm>> -> memref<32x768xf32, #tpu.memory_space<hbm>>
      tpu.enqueue_dma source(%arg8 : memref<32x768xf32, #tpu.memory_space<vmem>>) target(%dma_start3A_93 : memref<32x768xf32, #tpu.memory_space<hbm>>) target_semaphore(%run_scoped3A : memref<!tpu.dma_semaphore, #tpu.memory_space<semaphore_mem>>)
      %dma_wait3A_94 = arith.constant 0 : i32
      %dma_wait3A_95 = tpu.memref_slice %arg7[%add3A_46, %dma_wait3A_94] : memref<2048x768xf32, #tpu.memory_space<hbm>> -> memref<32x768xf32, #tpu.memory_space<hbm>>
      %dma_wait3A_96 = arith.constant 0 : i32
      %dma_wait3A_97 = tpu.memref_slice %arg7[%add3A_46, %dma_wait3A_96] : memref<2048x768xf32, #tpu.memory_space<hbm>> -> memref<32x768xf32, #tpu.memory_space<hbm>>
      tpu.wait_dma2 semaphore(%run_scoped3A : memref<!tpu.dma_semaphore, #tpu.memory_space<semaphore_mem>>) src(%arg8 : memref<32x768xf32, #tpu.memory_space<vmem>>) dst(%dma_wait3A_97 : memref<32x768xf32, #tpu.memory_space<hbm>>)
      tpu.yield
    }) : () -> ()
    return
  }
}

#map = affine_map<(d0, d1) -> (0, 0)>
#map1 = affine_map<(d0, d1) -> (0)>
module attributes {stable_mosaic.version = 14 : i64} {
  func.func @_dispatch_body(%arg0: i32, %arg1: i32, %arg2: memref<2048x768xf32, #tpu.memory_space<hbm>>, %arg3: memref<2048xi32, #tpu.memory_space<hbm>>, %arg4: memref<2048xi32, #tpu.memory_space<hbm>>, %arg5: memref<4480x768xf32, #tpu.memory_space<hbm>>, %arg6: memref<64x768xf32, #tpu.memory_space<vmem>>, %arg7: memref<64xi32, #tpu.memory_space<vmem>>, %arg8: memref<64xi32, #tpu.memory_space<vmem>>, %arg9: memref<!tpu.dma_semaphore, #tpu.memory_space<semaphore_mem>>) attributes {dimension_semantics = [#tpu.dimension_semantics<core_parallel>, #tpu.dimension_semantics<subcore_parallel>], iteration_bounds = array<i64: 2, 16>, scalar_prefetch = 0 : i64, scratch_operands = 4 : i64, tpu.core_type = #tpu.core_type<sc_vector_subcore>, window_params = [{transform_indices = #map}, {transform_indices = #map1}, {transform_indices = #map1}, {transform_indices = #map}]} {
    %mul3A = arith.constant 2 : i32
    %mul3A_0 = arith.muli %arg1, %mul3A : i32
    %add3A = arith.addi %mul3A_0, %arg0 : i32
    %mul3A_1 = arith.constant 64 : i32
    %mul3A_2 = arith.muli %add3A, %mul3A_1 : i32
    %dma_start3A = arith.constant 0 : i32
    %dma_start3A_3 = tpu.memref_slice %arg2[%mul3A_2, %dma_start3A] : memref<2048x768xf32, #tpu.memory_space<hbm>> -> memref<64x768xf32, #tpu.memory_space<hbm>>
    %dma_start3A_4 = arith.constant 0 : i32
    %dma_start3A_5 = tpu.memref_slice %arg2[%mul3A_2, %dma_start3A_4] : memref<2048x768xf32, #tpu.memory_space<hbm>> -> memref<64x768xf32, #tpu.memory_space<hbm>>
    tpu.enqueue_dma source(%dma_start3A_5 : memref<64x768xf32, #tpu.memory_space<hbm>>) target(%arg6 : memref<64x768xf32, #tpu.memory_space<vmem>>) target_semaphore(%arg9 : memref<!tpu.dma_semaphore, #tpu.memory_space<semaphore_mem>>)
    %dma_start3A_6 = tpu.memref_slice %arg3[%mul3A_2] : memref<2048xi32, #tpu.memory_space<hbm>> -> memref<64xi32, #tpu.memory_space<hbm>>
    %dma_start3A_7 = tpu.memref_slice %arg3[%mul3A_2] : memref<2048xi32, #tpu.memory_space<hbm>> -> memref<64xi32, #tpu.memory_space<hbm>>
    tpu.enqueue_dma source(%dma_start3A_7 : memref<64xi32, #tpu.memory_space<hbm>>) target(%arg7 : memref<64xi32, #tpu.memory_space<vmem>>) target_semaphore(%arg9 : memref<!tpu.dma_semaphore, #tpu.memory_space<semaphore_mem>>)
    %dma_start3A_8 = tpu.memref_slice %arg4[%mul3A_2] : memref<2048xi32, #tpu.memory_space<hbm>> -> memref<64xi32, #tpu.memory_space<hbm>>
    %dma_start3A_9 = tpu.memref_slice %arg4[%mul3A_2] : memref<2048xi32, #tpu.memory_space<hbm>> -> memref<64xi32, #tpu.memory_space<hbm>>
    tpu.enqueue_dma source(%dma_start3A_9 : memref<64xi32, #tpu.memory_space<hbm>>) target(%arg8 : memref<64xi32, #tpu.memory_space<vmem>>) target_semaphore(%arg9 : memref<!tpu.dma_semaphore, #tpu.memory_space<semaphore_mem>>)
    %dma_wait3A = arith.constant 0 : i32
    %dma_wait3A_10 = tpu.memref_slice %arg2[%mul3A_2, %dma_wait3A] : memref<2048x768xf32, #tpu.memory_space<hbm>> -> memref<64x768xf32, #tpu.memory_space<hbm>>
    %dma_wait3A_11 = arith.constant 0 : i32
    %dma_wait3A_12 = tpu.memref_slice %arg2[%mul3A_2, %dma_wait3A_11] : memref<2048x768xf32, #tpu.memory_space<hbm>> -> memref<64x768xf32, #tpu.memory_space<hbm>>
    tpu.wait_dma2 semaphore(%arg9 : memref<!tpu.dma_semaphore, #tpu.memory_space<semaphore_mem>>) src(%dma_wait3A_12 : memref<64x768xf32, #tpu.memory_space<hbm>>) dst(%arg6 : memref<64x768xf32, #tpu.memory_space<vmem>>)
    %dma_wait3A_13 = tpu.memref_slice %arg3[%mul3A_2] : memref<2048xi32, #tpu.memory_space<hbm>> -> memref<64xi32, #tpu.memory_space<hbm>>
    %dma_wait3A_14 = tpu.memref_slice %arg3[%mul3A_2] : memref<2048xi32, #tpu.memory_space<hbm>> -> memref<64xi32, #tpu.memory_space<hbm>>
    tpu.wait_dma2 semaphore(%arg9 : memref<!tpu.dma_semaphore, #tpu.memory_space<semaphore_mem>>) src(%dma_wait3A_14 : memref<64xi32, #tpu.memory_space<hbm>>) dst(%arg7 : memref<64xi32, #tpu.memory_space<vmem>>)
    %dma_wait3A_15 = tpu.memref_slice %arg4[%mul3A_2] : memref<2048xi32, #tpu.memory_space<hbm>> -> memref<64xi32, #tpu.memory_space<hbm>>
    %dma_wait3A_16 = tpu.memref_slice %arg4[%mul3A_2] : memref<2048xi32, #tpu.memory_space<hbm>> -> memref<64xi32, #tpu.memory_space<hbm>>
    tpu.wait_dma2 semaphore(%arg9 : memref<!tpu.dma_semaphore, #tpu.memory_space<semaphore_mem>>) src(%dma_wait3A_16 : memref<64xi32, #tpu.memory_space<hbm>>) dst(%arg8 : memref<64xi32, #tpu.memory_space<vmem>>)
    %dma_start3A_17 = arith.constant 0 : i32
    %dma_start3A_18 = arith.constant 0 : i32
    %dma_start3A_19 = tpu.memref_slice %arg5[%dma_start3A_17, %dma_start3A_18] : memref<4480x768xf32, #tpu.memory_space<hbm>> -> memref<4480x768xf32, #tpu.memory_space<hbm>>
    tpu.enqueue_indirect_dma source(%arg6 : memref<64x768xf32, #tpu.memory_space<vmem>>) target(%dma_start3A_19 : memref<4480x768xf32, #tpu.memory_space<hbm>>) offsets(%arg7 : memref<64xi32, #tpu.memory_space<vmem>>) semaphore(%arg9 : memref<!tpu.dma_semaphore, #tpu.memory_space<semaphore_mem>>)
    %dma_start3A_20 = arith.constant 0 : i32
    %dma_start3A_21 = arith.constant 0 : i32
    %dma_start3A_22 = tpu.memref_slice %arg5[%dma_start3A_20, %dma_start3A_21] : memref<4480x768xf32, #tpu.memory_space<hbm>> -> memref<4480x768xf32, #tpu.memory_space<hbm>>
    tpu.enqueue_indirect_dma source(%arg6 : memref<64x768xf32, #tpu.memory_space<vmem>>) target(%dma_start3A_22 : memref<4480x768xf32, #tpu.memory_space<hbm>>) offsets(%arg8 : memref<64xi32, #tpu.memory_space<vmem>>) semaphore(%arg9 : memref<!tpu.dma_semaphore, #tpu.memory_space<semaphore_mem>>)
    %dma_wait3A_23 = arith.constant 0 : i32
    %dma_wait3A_24 = arith.constant 0 : i32
    %dma_wait3A_25 = tpu.memref_slice %arg5[%dma_wait3A_23, %dma_wait3A_24] : memref<4480x768xf32, #tpu.memory_space<hbm>> -> memref<4480x768xf32, #tpu.memory_space<hbm>>
    tpu.wait_indirect_dma semaphore(%arg9 : memref<!tpu.dma_semaphore, #tpu.memory_space<semaphore_mem>>) src(%arg6 : memref<64x768xf32, #tpu.memory_space<vmem>>) dst(%dma_wait3A_25 : memref<4480x768xf32, #tpu.memory_space<hbm>>)
    %dma_wait3A_26 = arith.constant 0 : i32
    %dma_wait3A_27 = arith.constant 0 : i32
    %dma_wait3A_28 = tpu.memref_slice %arg5[%dma_wait3A_26, %dma_wait3A_27] : memref<4480x768xf32, #tpu.memory_space<hbm>> -> memref<4480x768xf32, #tpu.memory_space<hbm>>
    tpu.wait_indirect_dma semaphore(%arg9 : memref<!tpu.dma_semaphore, #tpu.memory_space<semaphore_mem>>) src(%arg6 : memref<64x768xf32, #tpu.memory_space<vmem>>) dst(%dma_wait3A_28 : memref<4480x768xf32, #tpu.memory_space<hbm>>)
    return
  }
}

module attributes {stable_mosaic.version = 14 : i64} {
  func.func @_route_kernel(%arg0: i32, %arg1: memref<2048x768xf32, #tpu.memory_space<vmem>>, %arg2: memref<768x16xf32, #tpu.memory_space<vmem>>, %arg3: memref<2048x1xi32, #tpu.memory_space<vmem>>, %arg4: memref<2048x1xi32, #tpu.memory_space<vmem>>, %arg5: memref<2048x16xf32, #tpu.memory_space<vmem>>, %arg6: memref<2048x16xf32, #tpu.memory_space<vmem>>, %arg7: memref<8x16xi32, #tpu.memory_space<vmem>>, %arg8: memref<2048x16xf32, #tpu.memory_space<vmem>>, %arg9: memref<2048x16xf32, #tpu.memory_space<vmem>>) attributes {dimension_semantics = [#tpu.dimension_semantics<arbitrary>], iteration_bounds = array<i64: 1>, scalar_prefetch = 0 : i64, scratch_operands = 2 : i64, tpu.core_type = #tpu.core_type<tc>, window_params = [{pipeline_mode = #tpu.pipeline_mode<synchronous>, transform_indices = @transform_0, window_bounds = array<i64: 2048, 768>}, {pipeline_mode = #tpu.pipeline_mode<synchronous>, transform_indices = @transform_1, window_bounds = array<i64: 768, 16>}, {pipeline_mode = #tpu.pipeline_mode<synchronous>, transform_indices = @transform_2, window_bounds = array<i64: 2048, 1>}, {pipeline_mode = #tpu.pipeline_mode<synchronous>, transform_indices = @transform_3, window_bounds = array<i64: 2048, 1>}, {pipeline_mode = #tpu.pipeline_mode<synchronous>, transform_indices = @transform_4, window_bounds = array<i64: 2048, 16>}, {pipeline_mode = #tpu.pipeline_mode<synchronous>, transform_indices = @transform_5, window_bounds = array<i64: 2048, 16>}, {pipeline_mode = #tpu.pipeline_mode<synchronous>, transform_indices = @transform_6, window_bounds = array<i64: 8, 16>}]} {
    %get3A = arith.constant 0 : index
    %get3A_0 = arith.constant 0 : index
    %get3A_1 = vector.load %arg1[%get3A, %get3A_0] : memref<2048x768xf32, #tpu.memory_space<vmem>>, vector<2048x768xf32>
    %get3A_2 = arith.constant 0 : index
    %get3A_3 = arith.constant 0 : index
    %get3A_4 = vector.load %arg2[%get3A_2, %get3A_3] : memref<768x16xf32, #tpu.memory_space<vmem>>, vector<768x16xf32>
    %dot_general3A = arith.constant dense<0.000000e+00> : vector<2048x16xf32>
    %dot_general3A_5 = tpu.matmul %get3A_1, %get3A_4, %dot_general3A {dimension_numbers = #tpu.dot_dimension_numbers<[1], [0], [0], [1], [0, 0, 1, 1], [], []>, transpose_lhs_hint = false} : vector<2048x768xf32>, vector<768x16xf32>, vector<2048x16xf32> -> vector<2048x16xf32>
    %iota3A = tpu.iota {dimensions = array<i32: 1>} : vector<2048x16xi32>
    %reduce_max3A = arith.constant dense<0xFF800000> : vector<2048xf32>
    %reduce_max3A_6 = vector.multi_reduction <maximumf>, %dot_general3A_5, %reduce_max3A [1] : vector<2048x16xf32> to vector<2048xf32>
    %broadcast_in_dim3A = vector.shape_cast %reduce_max3A_6 : vector<2048xf32> to vector<2048x1xf32>
    %eq3A = vector.broadcast %broadcast_in_dim3A : vector<2048x1xf32> to vector<2048x16xf32>
    %eq3A_7 = arith.cmpf oeq, %dot_general3A_5, %eq3A : vector<2048x16xf32>
    %jit3A = arith.constant 16 : i32
    %broadcast_in_dim3A_8 = vector.broadcast %jit3A : i32 to vector<2048x16xi32>
    %select_n3A = arith.select %eq3A_7, %iota3A, %broadcast_in_dim3A_8 : vector<2048x16xi1>, vector<2048x16xi32>
    %reduce_min3A = arith.constant dense<2147483647> : vector<2048xi32>
    %reduce_min3A_9 = vector.multi_reduction <minsi>, %select_n3A, %reduce_min3A [1] : vector<2048x16xi32> to vector<2048xi32>
    %broadcast_in_dim3A_10 = vector.shape_cast %reduce_min3A_9 : vector<2048xi32> to vector<2048x1xi32>
    %eq3A_11 = vector.broadcast %broadcast_in_dim3A_10 : vector<2048x1xi32> to vector<2048x16xi32>
    %eq3A_12 = arith.cmpi eq, %iota3A, %eq3A_11 : vector<2048x16xi32>
    %jit3A_13 = arith.constant 0xFF800000 : f32
    %broadcast_in_dim3A_14 = vector.broadcast %jit3A_13 : f32 to vector<2048x16xf32>
    %select_n3A_15 = arith.select %eq3A_12, %broadcast_in_dim3A_14, %dot_general3A_5 : vector<2048x16xi1>, vector<2048x16xf32>
    %reduce_max3A_16 = arith.constant dense<0xFF800000> : vector<2048xf32>
    %reduce_max3A_17 = vector.multi_reduction <maximumf>, %select_n3A_15, %reduce_max3A_16 [1] : vector<2048x16xf32> to vector<2048xf32>
    %broadcast_in_dim3A_18 = vector.shape_cast %reduce_max3A_17 : vector<2048xf32> to vector<2048x1xf32>
    %eq3A_19 = vector.broadcast %broadcast_in_dim3A_18 : vector<2048x1xf32> to vector<2048x16xf32>
    %eq3A_20 = arith.cmpf oeq, %select_n3A_15, %eq3A_19 : vector<2048x16xf32>
    %jit3A_21 = arith.constant 16 : i32
    %broadcast_in_dim3A_22 = vector.broadcast %jit3A_21 : i32 to vector<2048x16xi32>
    %select_n3A_23 = arith.select %eq3A_20, %iota3A, %broadcast_in_dim3A_22 : vector<2048x16xi1>, vector<2048x16xi32>
    %reduce_min3A_24 = arith.constant dense<2147483647> : vector<2048xi32>
    %reduce_min3A_25 = vector.multi_reduction <minsi>, %select_n3A_23, %reduce_min3A_24 [1] : vector<2048x16xi32> to vector<2048xi32>
    %broadcast_in_dim3A_26 = vector.shape_cast %reduce_min3A_25 : vector<2048xi32> to vector<2048x1xi32>
    %sub3A = arith.subf %broadcast_in_dim3A_18, %broadcast_in_dim3A : vector<2048x1xf32>
    %exp3A = math.exp %sub3A : vector<2048x1xf32>
    %add3A = arith.constant 1.000000e+00 : f32
    %add3A_27 = vector.broadcast %add3A : f32 to vector<2048x1xf32>
    %add3A_28 = arith.addf %add3A_27, %exp3A : vector<2048x1xf32>
    %div3A = arith.constant 1.000000e+00 : f32
    %div3A_29 = vector.broadcast %div3A : f32 to vector<2048x1xf32>
    %div3A_30 = arith.divf %div3A_29, %add3A_28 : vector<2048x1xf32>
    %sub3A_31 = arith.constant 1.000000e+00 : f32
    %sub3A_32 = vector.broadcast %sub3A_31 : f32 to vector<2048x1xf32>
    %sub3A_33 = arith.subf %sub3A_32, %div3A_30 : vector<2048x1xf32>
    %eq3A_34 = vector.broadcast %broadcast_in_dim3A_10 : vector<2048x1xi32> to vector<2048x16xi32>
    %eq3A_35 = arith.cmpi eq, %iota3A, %eq3A_34 : vector<2048x16xi32>
    %convert_element_type3A = arith.extui %eq3A_35 : vector<2048x16xi1> to vector<2048x16xi32>
    %convert_element_type3A_36 = arith.sitofp %convert_element_type3A : vector<2048x16xi32> to vector<2048x16xf32>
    %eq3A_37 = vector.broadcast %broadcast_in_dim3A_26 : vector<2048x1xi32> to vector<2048x16xi32>
    %eq3A_38 = arith.cmpi eq, %iota3A, %eq3A_37 : vector<2048x16xi32>
    %convert_element_type3A_39 = arith.extui %eq3A_38 : vector<2048x16xi1> to vector<2048x16xi32>
    %convert_element_type3A_40 = arith.sitofp %convert_element_type3A_39 : vector<2048x16xi32> to vector<2048x16xf32>
    %add3A_41 = arith.addf %convert_element_type3A_36, %convert_element_type3A_40 : vector<2048x16xf32>
    %swap3A = arith.constant 0 : index
    %swap3A_42 = arith.constant 0 : index
    %swap3A_43 = vector.load %arg8[%swap3A, %swap3A_42] : memref<2048x16xf32, #tpu.memory_space<vmem>>, vector<2048x16xf32>
    tpu.vector_store %arg8[%swap3A, %swap3A_42], %add3A_41 {strides = array<i32>} : memref<2048x16xf32, #tpu.memory_space<vmem>>, vector<2048x16xf32>,
    %iota3A_44 = tpu.iota {dimensions = array<i32: 0>} : vector<256x256xi32>
    %iota3A_45 = tpu.iota {dimensions = array<i32: 1>} : vector<256x256xi32>
    %lt3A = arith.cmpi slt, %iota3A_45, %iota3A_44 : vector<256x256xi32>
    %convert_element_type3A_46 = arith.extui %lt3A : vector<256x256xi1> to vector<256x256xi32>
    %convert_element_type3A_47 = arith.sitofp %convert_element_type3A_46 : vector<256x256xi32> to vector<256x256xf32>
    %broadcast_in_dim3A_48 = arith.constant 0.000000e+00 : f32
    %broadcast_in_dim3A_49 = vector.broadcast %broadcast_in_dim3A_48 : f32 to vector<1x16xf32>
    %get3A_50 = arith.constant 0 : index
    %get3A_51 = arith.constant 0 : index
    %get3A_52 = vector.load %arg8[%get3A_50, %get3A_51] : memref<2048x16xf32, #tpu.memory_space<vmem>>, vector<256x16xf32>
    %dot_general3A_53 = arith.constant dense<0.000000e+00> : vector<256x16xf32>
    %dot_general3A_54 = tpu.matmul %convert_element_type3A_47, %get3A_52, %dot_general3A_53 {dimension_numbers = #tpu.dot_dimension_numbers<[1], [0], [0], [1], [0, 0, 1, 1], [], []>, transpose_lhs_hint = false} : vector<256x256xf32>, vector<256x16xf32>, vector<256x16xf32> -> vector<256x16xf32>
    %add3A_55 = vector.broadcast %broadcast_in_dim3A_49 : vector<1x16xf32> to vector<256x16xf32>
    %add3A_56 = arith.addf %dot_general3A_54, %add3A_55 : vector<256x16xf32>
    %swap3A_57 = arith.constant 0 : index
    %swap3A_58 = arith.constant 0 : index
    %swap3A_59 = vector.load %arg9[%swap3A_57, %swap3A_58] : memref<2048x16xf32, #tpu.memory_space<vmem>>, vector<256x16xf32>
    tpu.vector_store %arg9[%swap3A_57, %swap3A_58], %add3A_56 {strides = array<i32>} : memref<2048x16xf32, #tpu.memory_space<vmem>>, vector<256x16xf32>,
    %reduce_sum3A = arith.constant dense<0.000000e+00> : vector<16xf32>
    %reduce_sum3A_60 = vector.multi_reduction <add>, %get3A_52, %reduce_sum3A [0] : vector<256x16xf32> to vector<16xf32>
    %broadcast_in_dim3A_61 = vector.shape_cast %reduce_sum3A_60 : vector<16xf32> to vector<1x16xf32>
    %add3A_62 = arith.addf %broadcast_in_dim3A_49, %broadcast_in_dim3A_61 : vector<1x16xf32>
    %get3A_63 = arith.constant 256 : index
    %get3A_64 = arith.constant 0 : index
    %get3A_65 = vector.load %arg8[%get3A_63, %get3A_64] : memref<2048x16xf32, #tpu.memory_space<vmem>>, vector<256x16xf32>
    %dot_general3A_66 = arith.constant dense<0.000000e+00> : vector<256x16xf32>
    %dot_general3A_67 = tpu.matmul %convert_element_type3A_47, %get3A_65, %dot_general3A_66 {dimension_numbers = #tpu.dot_dimension_numbers<[1], [0], [0], [1], [0, 0, 1, 1], [], []>, transpose_lhs_hint = false} : vector<256x256xf32>, vector<256x16xf32>, vector<256x16xf32> -> vector<256x16xf32>
    %add3A_68 = vector.broadcast %add3A_62 : vector<1x16xf32> to vector<256x16xf32>
    %add3A_69 = arith.addf %dot_general3A_67, %add3A_68 : vector<256x16xf32>
    %swap3A_70 = arith.constant 256 : index
    %swap3A_71 = arith.constant 0 : index
    %swap3A_72 = vector.load %arg9[%swap3A_70, %swap3A_71] : memref<2048x16xf32, #tpu.memory_space<vmem>>, vector<256x16xf32>
    tpu.vector_store %arg9[%swap3A_70, %swap3A_71], %add3A_69 {strides = array<i32>} : memref<2048x16xf32, #tpu.memory_space<vmem>>, vector<256x16xf32>,
    %reduce_sum3A_73 = arith.constant dense<0.000000e+00> : vector<16xf32>
    %reduce_sum3A_74 = vector.multi_reduction <add>, %get3A_65, %reduce_sum3A_73 [0] : vector<256x16xf32> to vector<16xf32>
    %broadcast_in_dim3A_75 = vector.shape_cast %reduce_sum3A_74 : vector<16xf32> to vector<1x16xf32>
    %add3A_76 = arith.addf %add3A_62, %broadcast_in_dim3A_75 : vector<1x16xf32>
    %get3A_77 = arith.constant 512 : index
    %get3A_78 = arith.constant 0 : index
    %get3A_79 = vector.load %arg8[%get3A_77, %get3A_78] : memref<2048x16xf32, #tpu.memory_space<vmem>>, vector<256x16xf32>
    %dot_general3A_80 = arith.constant dense<0.000000e+00> : vector<256x16xf32>
    %dot_general3A_81 = tpu.matmul %convert_element_type3A_47, %get3A_79, %dot_general3A_80 {dimension_numbers = #tpu.dot_dimension_numbers<[1], [0], [0], [1], [0, 0, 1, 1], [], []>, transpose_lhs_hint = false} : vector<256x256xf32>, vector<256x16xf32>, vector<256x16xf32> -> vector<256x16xf32>
    %add3A_82 = vector.broadcast %add3A_76 : vector<1x16xf32> to vector<256x16xf32>
    %add3A_83 = arith.addf %dot_general3A_81, %add3A_82 : vector<256x16xf32>
    %swap3A_84 = arith.constant 512 : index
    %swap3A_85 = arith.constant 0 : index
    %swap3A_86 = vector.load %arg9[%swap3A_84, %swap3A_85] : memref<2048x16xf32, #tpu.memory_space<vmem>>, vector<256x16xf32>
    tpu.vector_store %arg9[%swap3A_84, %swap3A_85], %add3A_83 {strides = array<i32>} : memref<2048x16xf32, #tpu.memory_space<vmem>>, vector<256x16xf32>,
    %reduce_sum3A_87 = arith.constant dense<0.000000e+00> : vector<16xf32>
    %reduce_sum3A_88 = vector.multi_reduction <add>, %get3A_79, %reduce_sum3A_87 [0] : vector<256x16xf32> to vector<16xf32>
    %broadcast_in_dim3A_89 = vector.shape_cast %reduce_sum3A_88 : vector<16xf32> to vector<1x16xf32>
    %add3A_90 = arith.addf %add3A_76, %broadcast_in_dim3A_89 : vector<1x16xf32>
    %get3A_91 = arith.constant 768 : index
    %get3A_92 = arith.constant 0 : index
    %get3A_93 = vector.load %arg8[%get3A_91, %get3A_92] : memref<2048x16xf32, #tpu.memory_space<vmem>>, vector<256x16xf32>
    %dot_general3A_94 = arith.constant dense<0.000000e+00> : vector<256x16xf32>
    %dot_general3A_95 = tpu.matmul %convert_element_type3A_47, %get3A_93, %dot_general3A_94 {dimension_numbers = #tpu.dot_dimension_numbers<[1], [0], [0], [1], [0, 0, 1, 1], [], []>, transpose_lhs_hint = false} : vector<256x256xf32>, vector<256x16xf32>, vector<256x16xf32> -> vector<256x16xf32>
    %add3A_96 = vector.broadcast %add3A_90 : vector<1x16xf32> to vector<256x16xf32>
    %add3A_97 = arith.addf %dot_general3A_95, %add3A_96 : vector<256x16xf32>
    %swap3A_98 = arith.constant 768 : index
    %swap3A_99 = arith.constant 0 : index
    %swap3A_100 = vector.load %arg9[%swap3A_98, %swap3A_99] : memref<2048x16xf32, #tpu.memory_space<vmem>>, vector<256x16xf32>
    tpu.vector_store %arg9[%swap3A_98, %swap3A_99], %add3A_97 {strides = array<i32>} : memref<2048x16xf32, #tpu.memory_space<vmem>>, vector<256x16xf32>,
    %reduce_sum3A_101 = arith.constant dense<0.000000e+00> : vector<16xf32>
    %reduce_sum3A_102 = vector.multi_reduction <add>, %get3A_93, %reduce_sum3A_101 [0] : vector<256x16xf32> to vector<16xf32>
    %broadcast_in_dim3A_103 = vector.shape_cast %reduce_sum3A_102 : vector<16xf32> to vector<1x16xf32>
    %add3A_104 = arith.addf %add3A_90, %broadcast_in_dim3A_103 : vector<1x16xf32>
    %get3A_105 = arith.constant 1024 : index
    %get3A_106 = arith.constant 0 : index
    %get3A_107 = vector.load %arg8[%get3A_105, %get3A_106] : memref<2048x16xf32, #tpu.memory_space<vmem>>, vector<256x16xf32>
    %dot_general3A_108 = arith.constant dense<0.000000e+00> : vector<256x16xf32>
    %dot_general3A_109 = tpu.matmul %convert_element_type3A_47, %get3A_107, %dot_general3A_108 {dimension_numbers = #tpu.dot_dimension_numbers<[1], [0], [0], [1], [0, 0, 1, 1], [], []>, transpose_lhs_hint = false} : vector<256x256xf32>, vector<256x16xf32>, vector<256x16xf32> -> vector<256x16xf32>
    %add3A_110 = vector.broadcast %add3A_104 : vector<1x16xf32> to vector<256x16xf32>
    %add3A_111 = arith.addf %dot_general3A_109, %add3A_110 : vector<256x16xf32>
    %swap3A_112 = arith.constant 1024 : index
    %swap3A_113 = arith.constant 0 : index
    %swap3A_114 = vector.load %arg9[%swap3A_112, %swap3A_113] : memref<2048x16xf32, #tpu.memory_space<vmem>>, vector<256x16xf32>
    tpu.vector_store %arg9[%swap3A_112, %swap3A_113], %add3A_111 {strides = array<i32>} : memref<2048x16xf32, #tpu.memory_space<vmem>>, vector<256x16xf32>,
    %reduce_sum3A_115 = arith.constant dense<0.000000e+00> : vector<16xf32>
    %reduce_sum3A_116 = vector.multi_reduction <add>, %get3A_107, %reduce_sum3A_115 [0] : vector<256x16xf32> to vector<16xf32>
    %broadcast_in_dim3A_117 = vector.shape_cast %reduce_sum3A_116 : vector<16xf32> to vector<1x16xf32>
    %add3A_118 = arith.addf %add3A_104, %broadcast_in_dim3A_117 : vector<1x16xf32>
    %get3A_119 = arith.constant 1280 : index
    %get3A_120 = arith.constant 0 : index
    %get3A_121 = vector.load %arg8[%get3A_119, %get3A_120] : memref<2048x16xf32, #tpu.memory_space<vmem>>, vector<256x16xf32>
    %dot_general3A_122 = arith.constant dense<0.000000e+00> : vector<256x16xf32>
    %dot_general3A_123 = tpu.matmul %convert_element_type3A_47, %get3A_121, %dot_general3A_122 {dimension_numbers = #tpu.dot_dimension_numbers<[1], [0], [0], [1], [0, 0, 1, 1], [], []>, transpose_lhs_hint = false} : vector<256x256xf32>, vector<256x16xf32>, vector<256x16xf32> -> vector<256x16xf32>
    %add3A_124 = vector.broadcast %add3A_118 : vector<1x16xf32> to vector<256x16xf32>
    %add3A_125 = arith.addf %dot_general3A_123, %add3A_124 : vector<256x16xf32>
    %swap3A_126 = arith.constant 1280 : index
    %swap3A_127 = arith.constant 0 : index
    %swap3A_128 = vector.load %arg9[%swap3A_126, %swap3A_127] : memref<2048x16xf32, #tpu.memory_space<vmem>>, vector<256x16xf32>
    tpu.vector_store %arg9[%swap3A_126, %swap3A_127], %add3A_125 {strides = array<i32>} : memref<2048x16xf32, #tpu.memory_space<vmem>>, vector<256x16xf32>,
    %reduce_sum3A_129 = arith.constant dense<0.000000e+00> : vector<16xf32>
    %reduce_sum3A_130 = vector.multi_reduction <add>, %get3A_121, %reduce_sum3A_129 [0] : vector<256x16xf32> to vector<16xf32>
    %broadcast_in_dim3A_131 = vector.shape_cast %reduce_sum3A_130 : vector<16xf32> to vector<1x16xf32>
    %add3A_132 = arith.addf %add3A_118, %broadcast_in_dim3A_131 : vector<1x16xf32>
    %get3A_133 = arith.constant 1536 : index
    %get3A_134 = arith.constant 0 : index
    %get3A_135 = vector.load %arg8[%get3A_133, %get3A_134] : memref<2048x16xf32, #tpu.memory_space<vmem>>, vector<256x16xf32>
    %dot_general3A_136 = arith.constant dense<0.000000e+00> : vector<256x16xf32>
    %dot_general3A_137 = tpu.matmul %convert_element_type3A_47, %get3A_135, %dot_general3A_136 {dimension_numbers = #tpu.dot_dimension_numbers<[1], [0], [0], [1], [0, 0, 1, 1], [], []>, transpose_lhs_hint = false} : vector<256x256xf32>, vector<256x16xf32>, vector<256x16xf32> -> vector<256x16xf32>
    %add3A_138 = vector.broadcast %add3A_132 : vector<1x16xf32> to vector<256x16xf32>
    %add3A_139 = arith.addf %dot_general3A_137, %add3A_138 : vector<256x16xf32>
    %swap3A_140 = arith.constant 1536 : index
    %swap3A_141 = arith.constant 0 : index
    %swap3A_142 = vector.load %arg9[%swap3A_140, %swap3A_141] : memref<2048x16xf32, #tpu.memory_space<vmem>>, vector<256x16xf32>
    tpu.vector_store %arg9[%swap3A_140, %swap3A_141], %add3A_139 {strides = array<i32>} : memref<2048x16xf32, #tpu.memory_space<vmem>>, vector<256x16xf32>,
    %reduce_sum3A_143 = arith.constant dense<0.000000e+00> : vector<16xf32>
    %reduce_sum3A_144 = vector.multi_reduction <add>, %get3A_135, %reduce_sum3A_143 [0] : vector<256x16xf32> to vector<16xf32>
    %broadcast_in_dim3A_145 = vector.shape_cast %reduce_sum3A_144 : vector<16xf32> to vector<1x16xf32>
    %add3A_146 = arith.addf %add3A_132, %broadcast_in_dim3A_145 : vector<1x16xf32>
    %get3A_147 = arith.constant 1792 : index
    %get3A_148 = arith.constant 0 : index
    %get3A_149 = vector.load %arg8[%get3A_147, %get3A_148] : memref<2048x16xf32, #tpu.memory_space<vmem>>, vector<256x16xf32>
    %dot_general3A_150 = arith.constant dense<0.000000e+00> : vector<256x16xf32>
    %dot_general3A_151 = tpu.matmul %convert_element_type3A_47, %get3A_149, %dot_general3A_150 {dimension_numbers = #tpu.dot_dimension_numbers<[1], [0], [0], [1], [0, 0, 1, 1], [], []>, transpose_lhs_hint = false} : vector<256x256xf32>, vector<256x16xf32>, vector<256x16xf32> -> vector<256x16xf32>
    %add3A_152 = vector.broadcast %add3A_146 : vector<1x16xf32> to vector<256x16xf32>
    %add3A_153 = arith.addf %dot_general3A_151, %add3A_152 : vector<256x16xf32>
    %swap3A_154 = arith.constant 1792 : index
    %swap3A_155 = arith.constant 0 : index
    %swap3A_156 = vector.load %arg9[%swap3A_154, %swap3A_155] : memref<2048x16xf32, #tpu.memory_space<vmem>>, vector<256x16xf32>
    tpu.vector_store %arg9[%swap3A_154, %swap3A_155], %add3A_153 {strides = array<i32>} : memref<2048x16xf32, #tpu.memory_space<vmem>>, vector<256x16xf32>,
    %reduce_sum3A_157 = arith.constant dense<0.000000e+00> : vector<16xf32>
    %reduce_sum3A_158 = vector.multi_reduction <add>, %get3A_149, %reduce_sum3A_157 [0] : vector<256x16xf32> to vector<16xf32>
    %broadcast_in_dim3A_159 = vector.shape_cast %reduce_sum3A_158 : vector<16xf32> to vector<1x16xf32>
    %add3A_160 = arith.addf %add3A_146, %broadcast_in_dim3A_159 : vector<1x16xf32>
    %convert_element_type3A_161 = arith.fptosi %add3A_160 : vector<1x16xf32> to vector<1x16xi32>
    %add3A_162 = arith.constant 7 : i32
    %add3A_163 = vector.broadcast %add3A_162 : i32 to vector<1x16xi32>
    %add3A_164 = arith.addi %convert_element_type3A_161, %add3A_163 : vector<1x16xi32>
    %jit3A_165 = arith.constant 8 : i32
    %div3A_166 = vector.broadcast %jit3A_165 : i32 to vector<1x16xi32>
    %div3A_167 = arith.divsi %add3A_164, %div3A_166 : vector<1x16xi32>
    %sign3A = arith.constant 0 : i32
    %sign3A_168 = vector.broadcast %sign3A : i32 to vector<1x16xi32>
    %sign3A_169 = arith.cmpi sgt, %add3A_164, %sign3A_168 : vector<1x16xi32>
    %sign3A_170 = arith.extui %sign3A_169 : vector<1x16xi1> to vector<1x16xi32>
    %sign3A_171 = arith.constant 0 : i32
    %sign3A_172 = vector.broadcast %sign3A_171 : i32 to vector<1x16xi32>
    %sign3A_173 = arith.cmpi slt, %add3A_164, %sign3A_172 : vector<1x16xi32>
    %sign3A_174 = arith.extui %sign3A_173 : vector<1x16xi1> to vector<1x16xi32>
    %sign3A_175 = arith.subi %sign3A_170, %sign3A_174 : vector<1x16xi32>
    %sign3A_176 = arith.constant 0 : i32
    %sign3A_177 = arith.cmpi sgt, %jit3A_165, %sign3A_176 : i32
    %sign3A_178 = arith.extui %sign3A_177 : i1 to i32
    %sign3A_179 = arith.constant 0 : i32
    %sign3A_180 = arith.cmpi slt, %jit3A_165, %sign3A_179 : i32
    %sign3A_181 = arith.extui %sign3A_180 : i1 to i32
    %sign3A_182 = arith.subi %sign3A_178, %sign3A_181 : i32
    %ne3A = vector.broadcast %sign3A_182 : i32 to vector<1x16xi32>
    %ne3A_183 = arith.cmpi ne, %sign3A_175, %ne3A : vector<1x16xi32>
    %rem3A = vector.broadcast %jit3A_165 : i32 to vector<1x16xi32>
    %rem3A_184 = arith.remsi %add3A_164, %rem3A : vector<1x16xi32>
    %ne3A_185 = arith.constant 0 : i32
    %ne3A_186 = vector.broadcast %ne3A_185 : i32 to vector<1x16xi32>
    %ne3A_187 = arith.cmpi ne, %rem3A_184, %ne3A_186 : vector<1x16xi32>
    %and3A = arith.andi %ne3A_183, %ne3A_187 : vector<1x16xi1>
    %sub3A_188 = arith.constant 1 : i32
    %sub3A_189 = vector.broadcast %sub3A_188 : i32 to vector<1x16xi32>
    %sub3A_190 = arith.subi %div3A_167, %sub3A_189 : vector<1x16xi32>
    %select_n3A_191 = arith.select %and3A, %sub3A_190, %div3A_167 : vector<1x16xi1>, vector<1x16xi32>
    %mul3A = arith.constant 8 : i32
    %mul3A_192 = vector.broadcast %mul3A : i32 to vector<1x16xi32>
    %mul3A_193 = arith.muli %select_n3A_191, %mul3A_192 : vector<1x16xi32>
    %iota3A_194 = tpu.iota {dimensions = array<i32: 0>} : vector<16x16xi32>
    %iota3A_195 = tpu.iota {dimensions = array<i32: 1>} : vector<16x16xi32>
    %lt3A_196 = arith.cmpi slt, %iota3A_194, %iota3A_195 : vector<16x16xi32>
    %convert_element_type3A_197 = arith.extui %lt3A_196 : vector<16x16xi1> to vector<16x16xi32>
    %convert_element_type3A_198 = arith.sitofp %convert_element_type3A_197 : vector<16x16xi32> to vector<16x16xf32>
    %convert_element_type3A_199 = arith.sitofp %mul3A_193 : vector<1x16xi32> to vector<1x16xf32>
    %dot_general3A_200 = arith.constant dense<0.000000e+00> : vector<1x16xf32>
    %dot_general3A_201 = tpu.matmul %convert_element_type3A_199, %convert_element_type3A_198, %dot_general3A_200 {dimension_numbers = #tpu.dot_dimension_numbers<[1], [0], [0], [1], [0, 0, 1, 1], [], []>, transpose_lhs_hint = false} : vector<1x16xf32>, vector<16x16xf32>, vector<1x16xf32> -> vector<1x16xf32>
    %get3A_202 = arith.constant 0 : index
    %get3A_203 = arith.constant 0 : index
    %get3A_204 = vector.load %arg9[%get3A_202, %get3A_203] : memref<2048x16xf32, #tpu.memory_space<vmem>>, vector<2048x16xf32>
    %mul3A_205 = arith.mulf %get3A_204, %convert_element_type3A_36 : vector<2048x16xf32>
    %reduce_sum3A_206 = arith.constant dense<0.000000e+00> : vector<2048xf32>
    %reduce_sum3A_207 = vector.multi_reduction <add>, %mul3A_205, %reduce_sum3A_206 [1] : vector<2048x16xf32> to vector<2048xf32>
    %broadcast_in_dim3A_208 = vector.shape_cast %reduce_sum3A_207 : vector<2048xf32> to vector<2048x1xf32>
    %mul3A_209 = arith.mulf %get3A_204, %convert_element_type3A_40 : vector<2048x16xf32>
    %reduce_sum3A_210 = arith.constant dense<0.000000e+00> : vector<2048xf32>
    %reduce_sum3A_211 = vector.multi_reduction <add>, %mul3A_209, %reduce_sum3A_210 [1] : vector<2048x16xf32> to vector<2048xf32>
    %broadcast_in_dim3A_212 = vector.shape_cast %reduce_sum3A_211 : vector<2048xf32> to vector<2048x1xf32>
    %mul3A_213 = vector.broadcast %dot_general3A_201 : vector<1x16xf32> to vector<2048x16xf32>
    %mul3A_214 = arith.mulf %mul3A_213, %convert_element_type3A_36 : vector<2048x16xf32>
    %reduce_sum3A_215 = arith.constant dense<0.000000e+00> : vector<2048xf32>
    %reduce_sum3A_216 = vector.multi_reduction <add>, %mul3A_214, %reduce_sum3A_215 [1] : vector<2048x16xf32> to vector<2048xf32>
    %broadcast_in_dim3A_217 = vector.shape_cast %reduce_sum3A_216 : vector<2048xf32> to vector<2048x1xf32>
    %mul3A_218 = vector.broadcast %dot_general3A_201 : vector<1x16xf32> to vector<2048x16xf32>
    %mul3A_219 = arith.mulf %mul3A_218, %convert_element_type3A_40 : vector<2048x16xf32>
    %reduce_sum3A_220 = arith.constant dense<0.000000e+00> : vector<2048xf32>
    %reduce_sum3A_221 = vector.multi_reduction <add>, %mul3A_219, %reduce_sum3A_220 [1] : vector<2048x16xf32> to vector<2048xf32>
    %broadcast_in_dim3A_222 = vector.shape_cast %reduce_sum3A_221 : vector<2048xf32> to vector<2048x1xf32>
    %add3A_223 = arith.addf %broadcast_in_dim3A_217, %broadcast_in_dim3A_208 : vector<2048x1xf32>
    %convert_element_type3A_224 = arith.fptosi %add3A_223 : vector<2048x1xf32> to vector<2048x1xi32>
    %swap3A_225 = arith.constant 0 : index
    %swap3A_226 = arith.constant 0 : index
    %swap3A_227 = vector.load %arg3[%swap3A_225, %swap3A_226] : memref<2048x1xi32, #tpu.memory_space<vmem>>, vector<2048x1xi32>
    tpu.vector_store %arg3[%swap3A_225, %swap3A_226], %convert_element_type3A_224 {strides = array<i32>} : memref<2048x1xi32, #tpu.memory_space<vmem>>, vector<2048x1xi32>,
    %add3A_228 = arith.addf %broadcast_in_dim3A_222, %broadcast_in_dim3A_212 : vector<2048x1xf32>
    %convert_element_type3A_229 = arith.fptosi %add3A_228 : vector<2048x1xf32> to vector<2048x1xi32>
    %swap3A_230 = arith.constant 0 : index
    %swap3A_231 = arith.constant 0 : index
    %swap3A_232 = vector.load %arg4[%swap3A_230, %swap3A_231] : memref<2048x1xi32, #tpu.memory_space<vmem>>, vector<2048x1xi32>
    tpu.vector_store %arg4[%swap3A_230, %swap3A_231], %convert_element_type3A_229 {strides = array<i32>} : memref<2048x1xi32, #tpu.memory_space<vmem>>, vector<2048x1xi32>,
    %broadcast_in_dim3A_233 = vector.shape_cast %div3A_30 : vector<2048x1xf32> to vector<2048x1xf32>
    %broadcast_in_dim3A_234 = vector.broadcast %broadcast_in_dim3A_233 : vector<2048x1xf32> to vector<2048x16xf32>
    %swap3A_235 = arith.constant 0 : index
    %swap3A_236 = arith.constant 0 : index
    %swap3A_237 = vector.load %arg5[%swap3A_235, %swap3A_236] : memref<2048x16xf32, #tpu.memory_space<vmem>>, vector<2048x16xf32>
    tpu.vector_store %arg5[%swap3A_235, %swap3A_236], %broadcast_in_dim3A_234 {strides = array<i32>} : memref<2048x16xf32, #tpu.memory_space<vmem>>, vector<2048x16xf32>,
    %broadcast_in_dim3A_238 = vector.shape_cast %sub3A_33 : vector<2048x1xf32> to vector<2048x1xf32>
    %broadcast_in_dim3A_239 = vector.broadcast %broadcast_in_dim3A_238 : vector<2048x1xf32> to vector<2048x16xf32>
    %swap3A_240 = arith.constant 0 : index
    %swap3A_241 = arith.constant 0 : index
    %swap3A_242 = vector.load %arg6[%swap3A_240, %swap3A_241] : memref<2048x16xf32, #tpu.memory_space<vmem>>, vector<2048x16xf32>
    tpu.vector_store %arg6[%swap3A_240, %swap3A_241], %broadcast_in_dim3A_239 {strides = array<i32>} : memref<2048x16xf32, #tpu.memory_space<vmem>>, vector<2048x16xf32>,
    %iota3A_243 = tpu.iota {dimensions = array<i32: 0>} : vector<8x16xi32>
    %convert_element_type3A_244 = arith.fptosi %dot_general3A_201 : vector<1x16xf32> to vector<1x16xi32>
    %eq3A_245 = arith.constant 0 : i32
    %eq3A_246 = vector.broadcast %eq3A_245 : i32 to vector<8x16xi32>
    %eq3A_247 = arith.cmpi eq, %iota3A_243, %eq3A_246 : vector<8x16xi32>
    %broadcast_in_dim3A_248 = vector.shape_cast %convert_element_type3A_244 : vector<1x16xi32> to vector<1x16xi32>
    %broadcast_in_dim3A_249 = vector.broadcast %broadcast_in_dim3A_248 : vector<1x16xi32> to vector<8x16xi32>
    %eq3A_250 = arith.constant 1 : i32
    %eq3A_251 = vector.broadcast %eq3A_250 : i32 to vector<8x16xi32>
    %eq3A_252 = arith.cmpi eq, %iota3A_243, %eq3A_251 : vector<8x16xi32>
    %broadcast_in_dim3A_253 = vector.shape_cast %convert_element_type3A_161 : vector<1x16xi32> to vector<1x16xi32>
    %broadcast_in_dim3A_254 = vector.broadcast %broadcast_in_dim3A_253 : vector<1x16xi32> to vector<8x16xi32>
    %jit3A_255 = arith.constant 0 : i32
    %broadcast_in_dim3A_256 = vector.broadcast %jit3A_255 : i32 to vector<8x16xi32>
    %select_n3A_257 = arith.select %eq3A_252, %broadcast_in_dim3A_254, %broadcast_in_dim3A_256 : vector<8x16xi1>, vector<8x16xi32>
    %select_n3A_258 = arith.select %eq3A_247, %broadcast_in_dim3A_249, %select_n3A_257 : vector<8x16xi1>, vector<8x16xi32>
    %swap3A_259 = arith.constant 0 : index
    %swap3A_260 = arith.constant 0 : index
    %swap3A_261 = vector.load %arg7[%swap3A_259, %swap3A_260] : memref<8x16xi32, #tpu.memory_space<vmem>>, vector<8x16xi32>
    tpu.vector_store %arg7[%swap3A_259, %swap3A_260], %select_n3A_258 {strides = array<i32>} : memref<8x16xi32, #tpu.memory_space<vmem>>, vector<8x16xi32>,
    return
  }
  func.func @transform_0(%arg0: i32) -> (i32, i32) {
    %c0_i32 = arith.constant 0 : i32
    %c0_i32_0 = arith.constant 0 : i32
    %c0_i32_1 = arith.constant 0 : i32
    return %c0_i32, %c0_i32_0 : i32, i32
  }
  func.func @transform_1(%arg0: i32) -> (i32, i32) {
    %c0_i32 = arith.constant 0 : i32
    %c0_i32_0 = arith.constant 0 : i32
    %c0_i32_1 = arith.constant 0 : i32
    return %c0_i32, %c0_i32_0 : i32, i32
  }
  func.func @transform_2(%arg0: i32) -> (i32, i32) {
    %c0_i32 = arith.constant 0 : i32
    %c0_i32_0 = arith.constant 0 : i32
    %c0_i32_1 = arith.constant 0 : i32
    return %c0_i32, %c0_i32_0 : i32, i32
  }
  func.func @transform_3(%arg0: i32) -> (i32, i32) {
    %c0_i32 = arith.constant 0 : i32
    %c0_i32_0 = arith.constant 0 : i32
    %c0_i32_1 = arith.constant 0 : i32
    return %c0_i32, %c0_i32_0 : i32, i32
  }
  func.func @transform_4(%arg0: i32) -> (i32, i32) {
    %c0_i32 = arith.constant 0 : i32
    %c0_i32_0 = arith.constant 0 : i32
    %c0_i32_1 = arith.constant 0 : i32
    return %c0_i32, %c0_i32_0 : i32, i32
  }
  func.func @transform_5(%arg0: i32) -> (i32, i32) {
    %c0_i32 = arith.constant 0 : i32
    %c0_i32_0 = arith.constant 0 : i32
    %c0_i32_1 = arith.constant 0 : i32
    return %c0_i32, %c0_i32_0 : i32, i32
  }
  func.func @transform_6(%arg0: i32) -> (i32, i32) {
    %c0_i32 = arith.constant 0 : i32
    %c0_i32_0 = arith.constant 0 : i32
    %c0_i32_1 = arith.constant 0 : i32
    return %c0_i32, %c0_i32_0 : i32, i32
  }
}

module attributes {stable_mosaic.version = 14 : i64} {
  func.func @_gmm_kernel(%arg0: i32, %arg1: memref<16xi32, #tpu.memory_space<smem>>, %arg2: memref<16xi32, #tpu.memory_space<smem>>, %arg3: memref<4480x768xf32, #tpu.memory_space<vmem>>, %arg4: memref<1x768x768xf32, #tpu.memory_space<vmem>>, %arg5: memref<1x768x768xf32, #tpu.memory_space<vmem>>, %arg6: memref<4480x768xf32, #tpu.memory_space<vmem>>, %arg7: memref<256x768xf32, #tpu.memory_space<vmem>>) attributes {dimension_semantics = [#tpu.dimension_semantics<arbitrary>], iteration_bounds = array<i64: 16>, scalar_prefetch = 2 : i64, scratch_operands = 1 : i64, tpu.core_type = #tpu.core_type<tc>, window_params = [{pipeline_mode = #tpu.pipeline_mode<synchronous>, transform_indices = @transform_0, window_bounds = array<i64: 4480, 768>}, {transform_indices = @transform_1, window_bounds = array<i64: 1, 768, 768>}, {transform_indices = @transform_2, window_bounds = array<i64: 1, 768, 768>}, {pipeline_mode = #tpu.pipeline_mode<synchronous>, transform_indices = @transform_3, window_bounds = array<i64: 4480, 768>}]} {
    %get3A = arith.index_cast %arg0 : i32 to index
    %get3A_0 = memref.load %arg1[%get3A] : memref<16xi32, #tpu.memory_space<smem>>
    %get3A_1 = arith.index_cast %arg0 : i32 to index
    %get3A_2 = memref.load %arg2[%get3A_1] : memref<16xi32, #tpu.memory_space<smem>>
    %get3A_3 = arith.constant 0 : index
    %get3A_4 = arith.constant 0 : index
    %get3A_5 = arith.constant 0 : index
    %get3A_6 = vector.load %arg4[%get3A_3, %get3A_4, %get3A_5] : memref<1x768x768xf32, #tpu.memory_space<vmem>>, vector<1x768x768xf32>
    %get3A_7 = vector.shape_cast %get3A_6 : vector<1x768x768xf32> to vector<768x768xf32>
    %get3A_8 = arith.constant 0 : index
    %get3A_9 = arith.constant 0 : index
    %get3A_10 = arith.constant 0 : index
    %get3A_11 = vector.load %arg5[%get3A_8, %get3A_9, %get3A_10] : memref<1x768x768xf32, #tpu.memory_space<vmem>>, vector<1x768x768xf32>
    %get3A_12 = vector.shape_cast %get3A_11 : vector<1x768x768xf32> to vector<768x768xf32>
    %add3A = arith.constant 256 : i32
    %add3A_13 = arith.addi %get3A_2, %add3A : i32
    %sub3A = arith.constant 1 : i32
    %sub3A_14 = arith.subi %add3A_13, %sub3A : i32
    %jit3A = arith.constant 256 : i32
    %div3A = arith.divsi %sub3A_14, %jit3A : i32
    %sign3A = arith.constant 0 : i32
    %sign3A_15 = arith.cmpi sgt, %sub3A_14, %sign3A : i32
    %sign3A_16 = arith.extui %sign3A_15 : i1 to i32
    %sign3A_17 = arith.constant 0 : i32
    %sign3A_18 = arith.cmpi slt, %sub3A_14, %sign3A_17 : i32
    %sign3A_19 = arith.extui %sign3A_18 : i1 to i32
    %sign3A_20 = arith.subi %sign3A_16, %sign3A_19 : i32
    %sign3A_21 = arith.constant 0 : i32
    %sign3A_22 = arith.cmpi sgt, %jit3A, %sign3A_21 : i32
    %sign3A_23 = arith.extui %sign3A_22 : i1 to i32
    %sign3A_24 = arith.constant 0 : i32
    %sign3A_25 = arith.cmpi slt, %jit3A, %sign3A_24 : i32
    %sign3A_26 = arith.extui %sign3A_25 : i1 to i32
    %sign3A_27 = arith.subi %sign3A_23, %sign3A_26 : i32
    %ne3A = arith.cmpi ne, %sign3A_20, %sign3A_27 : i32
    %rem3A = arith.remsi %sub3A_14, %jit3A : i32
    %ne3A_28 = arith.constant 0 : i32
    %ne3A_29 = arith.cmpi ne, %rem3A, %ne3A_28 : i32
    %and3A = arith.andi %ne3A, %ne3A_29 : i1
    %sub3A_30 = arith.constant 1 : i32
    %sub3A_31 = arith.subi %div3A, %sub3A_30 : i32
    %select_n3A = arith.select %and3A, %sub3A_31, %div3A : i32
    %while3A = arith.constant 0 : i32
    %while3A_32 = arith.constant 0 : i32
    %while3A_33 = arith.subi %select_n3A, %while3A : i32
    %while3A_34 = arith.addi %while3A, %while3A_33 : i32
    %while3A_35 = arith.constant 1 : i32
    %while3A_36 = arith.divsi %while3A_33, %while3A_35 : i32
    %while3A_37 = arith.muli %while3A_36, %while3A_35 : i32
    %while3A_38 = arith.addi %while3A, %while3A_37 : i32
    %while3A_39 = arith.constant 1 : i32
    %while3A_40 = scf.for %while3A_43 = %while3A to %while3A_38 step %while3A_39 iter_args(%while3A_44 = %while3A_32) -> (i32)  : i32 {
      %mul3A = arith.constant 256 : i32
      %mul3A_45 = arith.muli %while3A_43, %mul3A : i32
      %add3A_46 = arith.addi %get3A_0, %mul3A_45 : i32
      %multiple_of3A = tpu.assume_multiple %add3A_46, 8 : i32
      %get3A_47 = arith.index_cast %multiple_of3A : i32 to index
      %get3A_48 = arith.constant 0 : index
      %get3A_49 = vector.load %arg3[%get3A_47, %get3A_48] : memref<4480x768xf32, #tpu.memory_space<vmem>>, vector<256x768xf32>
      %dot_general3A = arith.constant dense<0.000000e+00> : vector<256x768xf32>
      %dot_general3A_50 = tpu.matmul %get3A_49, %get3A_7, %dot_general3A {dimension_numbers = #tpu.dot_dimension_numbers<[1], [0], [0], [1], [0, 0, 1, 1], [], []>, transpose_lhs_hint = false} : vector<256x768xf32>, vector<768x768xf32>, vector<256x768xf32> -> vector<256x768xf32>
      %logistic3A = arith.negf %dot_general3A_50 : vector<256x768xf32>
      %logistic3A_51 = math.exp %logistic3A : vector<256x768xf32>
      %logistic3A_52 = arith.constant 1.000000e+00 : f32
      %logistic3A_53 = vector.broadcast %logistic3A_52 : f32 to vector<256x768xf32>
      %logistic3A_54 = arith.addf %logistic3A_53, %logistic3A_51 : vector<256x768xf32>
      %logistic3A_55 = arith.divf %logistic3A_53, %logistic3A_54 : vector<256x768xf32>
      %mul3A_56 = arith.mulf %dot_general3A_50, %logistic3A_55 : vector<256x768xf32>
      %swap3A = arith.constant 0 : index
      %swap3A_57 = arith.constant 0 : index
      %swap3A_58 = vector.load %arg7[%swap3A, %swap3A_57] : memref<256x768xf32, #tpu.memory_space<vmem>>, vector<256x768xf32>
      tpu.vector_store %arg7[%swap3A, %swap3A_57], %mul3A_56 {strides = array<i32>} : memref<256x768xf32, #tpu.memory_space<vmem>>, vector<256x768xf32>,
      %get3A_59 = arith.constant 0 : index
      %get3A_60 = arith.constant 0 : index
      %get3A_61 = vector.load %arg7[%get3A_59, %get3A_60] : memref<256x768xf32, #tpu.memory_space<vmem>>, vector<256x768xf32>
      %dot_general3A_62 = arith.constant dense<0.000000e+00> : vector<256x768xf32>
      %dot_general3A_63 = tpu.matmul %get3A_61, %get3A_12, %dot_general3A_62 {dimension_numbers = #tpu.dot_dimension_numbers<[1], [0], [0], [1], [0, 0, 1, 1], [], []>, transpose_lhs_hint = false} : vector<256x768xf32>, vector<768x768xf32>, vector<256x768xf32> -> vector<256x768xf32>
      %swap3A_64 = arith.index_cast %multiple_of3A : i32 to index
      %swap3A_65 = arith.constant 0 : index
      %swap3A_66 = vector.load %arg6[%swap3A_64, %swap3A_65] : memref<4480x768xf32, #tpu.memory_space<vmem>>, vector<256x768xf32>
      tpu.vector_store %arg6[%swap3A_64, %swap3A_65], %dot_general3A_63 {strides = array<i32>} : memref<4480x768xf32, #tpu.memory_space<vmem>>, vector<256x768xf32>,
      %while3A_67 = arith.constant 0 : i32
      scf.yield %while3A_67 : i32
    }
    %while3A_41 = arith.constant 1 : i32
    %while3A_42 = scf.for %while3A_43 = %while3A_38 to %while3A_34 step %while3A_41 iter_args(%while3A_44 = %while3A_40) -> (i32)  : i32 {
      %mul3A = arith.constant 256 : i32
      %mul3A_45 = arith.muli %while3A_43, %mul3A : i32
      %add3A_46 = arith.addi %get3A_0, %mul3A_45 : i32
      %multiple_of3A = tpu.assume_multiple %add3A_46, 8 : i32
      %get3A_47 = arith.index_cast %multiple_of3A : i32 to index
      %get3A_48 = arith.constant 0 : index
      %get3A_49 = vector.load %arg3[%get3A_47, %get3A_48] : memref<4480x768xf32, #tpu.memory_space<vmem>>, vector<256x768xf32>
      %dot_general3A = arith.constant dense<0.000000e+00> : vector<256x768xf32>
      %dot_general3A_50 = tpu.matmul %get3A_49, %get3A_7, %dot_general3A {dimension_numbers = #tpu.dot_dimension_numbers<[1], [0], [0], [1], [0, 0, 1, 1], [], []>, transpose_lhs_hint = false} : vector<256x768xf32>, vector<768x768xf32>, vector<256x768xf32> -> vector<256x768xf32>
      %logistic3A = arith.negf %dot_general3A_50 : vector<256x768xf32>
      %logistic3A_51 = math.exp %logistic3A : vector<256x768xf32>
      %logistic3A_52 = arith.constant 1.000000e+00 : f32
      %logistic3A_53 = vector.broadcast %logistic3A_52 : f32 to vector<256x768xf32>
      %logistic3A_54 = arith.addf %logistic3A_53, %logistic3A_51 : vector<256x768xf32>
      %logistic3A_55 = arith.divf %logistic3A_53, %logistic3A_54 : vector<256x768xf32>
      %mul3A_56 = arith.mulf %dot_general3A_50, %logistic3A_55 : vector<256x768xf32>
      %swap3A = arith.constant 0 : index
      %swap3A_57 = arith.constant 0 : index
      %swap3A_58 = vector.load %arg7[%swap3A, %swap3A_57] : memref<256x768xf32, #tpu.memory_space<vmem>>, vector<256x768xf32>
      tpu.vector_store %arg7[%swap3A, %swap3A_57], %mul3A_56 {strides = array<i32>} : memref<256x768xf32, #tpu.memory_space<vmem>>, vector<256x768xf32>,
      %get3A_59 = arith.constant 0 : index
      %get3A_60 = arith.constant 0 : index
      %get3A_61 = vector.load %arg7[%get3A_59, %get3A_60] : memref<256x768xf32, #tpu.memory_space<vmem>>, vector<256x768xf32>
      %dot_general3A_62 = arith.constant dense<0.000000e+00> : vector<256x768xf32>
      %dot_general3A_63 = tpu.matmul %get3A_61, %get3A_12, %dot_general3A_62 {dimension_numbers = #tpu.dot_dimension_numbers<[1], [0], [0], [1], [0, 0, 1, 1], [], []>, transpose_lhs_hint = false} : vector<256x768xf32>, vector<768x768xf32>, vector<256x768xf32> -> vector<256x768xf32>
      %swap3A_64 = arith.index_cast %multiple_of3A : i32 to index
      %swap3A_65 = arith.constant 0 : index
      %swap3A_66 = vector.load %arg6[%swap3A_64, %swap3A_65] : memref<4480x768xf32, #tpu.memory_space<vmem>>, vector<256x768xf32>
      tpu.vector_store %arg6[%swap3A_64, %swap3A_65], %dot_general3A_63 {strides = array<i32>} : memref<4480x768xf32, #tpu.memory_space<vmem>>, vector<256x768xf32>,
      %while3A_67 = arith.constant 0 : i32
      scf.yield %while3A_67 : i32
    }
    return
  }
  func.func @transform_0(%arg0: i32, %arg1: memref<16xi32, #tpu.memory_space<smem>>, %arg2: memref<16xi32, #tpu.memory_space<smem>>) -> (i32, i32) {
    %c0_i32 = arith.constant 0 : i32
    %c0_i32_0 = arith.constant 0 : i32
    %c0_i32_1 = arith.constant 0 : i32
    return %c0_i32, %c0_i32_0 : i32, i32
  }
  func.func @transform_1(%arg0: i32, %arg1: memref<16xi32, #tpu.memory_space<smem>>, %arg2: memref<16xi32, #tpu.memory_space<smem>>) -> (i32, i32, i32) {
    %c0_i32 = arith.constant 0 : i32
    %c0_i32_0 = arith.constant 0 : i32
    %c0_i32_1 = arith.constant 0 : i32
    return %arg0, %c0_i32, %c0_i32_0 : i32, i32, i32
  }
  func.func @transform_2(%arg0: i32, %arg1: memref<16xi32, #tpu.memory_space<smem>>, %arg2: memref<16xi32, #tpu.memory_space<smem>>) -> (i32, i32, i32) {
    %c0_i32 = arith.constant 0 : i32
    %c0_i32_0 = arith.constant 0 : i32
    %c0_i32_1 = arith.constant 0 : i32
    return %arg0, %c0_i32, %c0_i32_0 : i32, i32, i32
  }
  func.func @transform_3(%arg0: i32, %arg1: memref<16xi32, #tpu.memory_space<smem>>, %arg2: memref<16xi32, #tpu.memory_space<smem>>) -> (i32, i32) {
    %c0_i32 = arith.constant 0 : i32
    %c0_i32_0 = arith.constant 0 : i32
    %c0_i32_1 = arith.constant 0 : i32
    return %c0_i32, %c0_i32_0 : i32, i32
  }
}

</mosaic_0001>

<sc_bundles>
// kernel: kernel.6.cloned.1.call-start
scs
__scs_entry_jumppad:
0x0: {  	(pc) =	sbr.rel $0x88, $3  }
0x1: {  	(tag) =	ssettag $0x0;
	lr =	simm.s32 $0x1  }
0x2: {  	[smem:$0x3F9D] =	sst lr;
	_ =	strace $0xD0000000  }
0x3: {  	_ = 	snop  }
0x4: {  	_ = 	snop  }
0x5: {  	_ = 	snop  }
0x6: {  	_ = 	snop  }
0x7: {  	_ = 	snop  }
__scs_overlays_trampoline_lowered:
0x8: {  	[smem:$0x3FAC] =	sst s0  }
0x9: {  	[smem:$0x3FAD] =	sst s1  }
0xa: {  	[smem:$0x3FAE] =	sst s2  }
0xb: {  	[smem:$0x3FAF] =	sst s3  }
0xc: {  	[smem:$0x3FB0] =	sst s4  }
0xd: {  	[smem:$0x3FB1] =	sst s5  }
0xe: {  	[smem:$0x3FB2] =	sst s6  }
0xf: {  	[smem:$0x3FB3] =	sst s7  }
0x10: {  	[smem:$0x3FB4] =	sst s8  }
0x11: {  	[smem:$0x3FB5] =	sst s9;
	s0 =	simm.s32 @!p0 $0x0  }
0x12: {  	s1 =	sld [smem:$0x3F9B];
	s0 =	simm.s32 @p0 $0x1  }
0x13: {  	[smem:$0x3FB6] =	sst s0;
	s0 =	simm.s32 @!p1 $0x0  }
0x14: {  	s2 =	sld [smem:$0x3F9A];
	s0 =	simm.s32 @p1 $0x1  }
0x15: {  	[smem:$0x3FB7] =	sst s0;
	s0 =	simm.s32 @!p2 $0x0  }
0x16: {  	s3 =	sld [smem:$0x3FDB];
	s0 =	simm.s32 @p2 $0x1  }
0x17: {  	s4 =	simm.s32 $0x1BF5;
	[smem:$0x3FB9] =	sst s0  }
0x18: {  	s0 =	sld [smem:$0x3F9C];
	_ =	swait.ge [sflag:s4], $0x0  }
0x19: {  	s7 =	sld [smem:$0x3F9D]  }
0x1a: {  	s8 =	sadd.s32 $0xFFFFE003, lr  }
0x1b: {  	s9 =	sadd.s32 $0xFFFFFEF7, lr;
	s5 =	simm.s32 $0xFFFFFFFF;
	p2 =	slt.u32 s8, $0xFFFFF086  }
0x1c: {  	p1 =	slt.u32 s9, $0xF7A;
	s5 =	simm.s32 @!p2 $0x0  }
0x1d: {  	s5 =	simm.s32 @p1 $0x1;
	p0 =	seq.s32 s7, s2  }
0x1e: {  	s7 =	smul.u32 @!p0 $0xF7A, s2;
	p2 =	seq.s32 @!p0 s5, $0x0  }
0x1f: {  	s9 =	smul.u32 $0xF7A, s1;
	s8 =	simm.s32 @!p0 $0x1BF5;
	p2 =	por !p2, p0  }
0x20: {  	[sflag:s8] =	ssyncset.s32 @!p0 $0xFFFFF086;
	s6 =	sadd.s32 @!p0 s3, s7;
	s7 =	simm.s32 @!p0 $0x108  }
0x21: {  	s3 =	sadd.s32 s3, s9;
	s6 =	sadd.s32 @!p0 $0x88, s6;
	s7 =	simm.s32 @p2 $0x1082  }
0x22: {  	[simem:s7], [sflag:s8] =	dma.local @!p0 [hbm:s6], $0xF7A  }
0x23: {  	s9 =	sor.u32 $0xD0000000, s2;
	s6 =	simm.s32 $0x108;
	_ =	swait.ge @!p0 [sflag:s8], $0x0  }
0x24: {  	s3 =	sadd.s32 $0x88, s3;
	s6 =	simm.s32 @!p1 $0x1082;
	[sflag:s4] =	ssyncset.s32 $0xFFFFF086  }
0x25: {  	[simem:s6], [sflag:s4] =	dma.local [hbm:s3], $0xF7A  }
0x26: {  	[smem:$0x3F9D] =	sst s1;
	(tag) =	ssettag s2;
	_ =	strace s9  }
0x27: {  	s1 =	sld [smem:$0x3FAD]  }
0x28: {  	s2 =	sld [smem:$0x3FAE]  }
0x29: {  	s4 =	sld [smem:$0x3FB0]  }
0x2a: {  	p0 =	seq.s32 s5, $0x0;
	s5 =	sld [smem:$0x3FB1]  }
0x2b: {  	s6 =	sld [smem:$0x3FB2]  }
0x2c: {  	s7 =	sld [smem:$0x3FB3]  }
0x2d: {  	s3 =	simm.s32 $0x108;
	s8 =	sld [smem:$0x3FB4]  }
0x2e: {  	s3 =	simm.s32 @!p0 $0x1082;
	s9 =	sld [smem:$0x3FB5]  }
0x2f: {  	lr =	sadd.s32 s0, s3;
	s0 =	sld [smem:$0x3FAC]  }
0x30: {  	s3 =	sld [smem:$0x3FAF]  }
0x31: {  	[smem:$0x3FB8] =	sst s10  }
0x32: {  	s10 =	sld [smem:$0x3FB6];
	_ =	sdelay $0x3  }
0x33: {  	p0 =	seq.s32 s10, $0x1;
	s10 =	sld [smem:$0x3FB8];
	_ =	sdelay $0x3  }
0x34: {  	[smem:$0x3FB8] =	sst s10  }
0x35: {  	s10 =	sld [smem:$0x3FB7];
	_ =	sdelay $0x3  }
0x36: {  	p1 =	seq.s32 s10, $0x1;
	s10 =	sld [smem:$0x3FB8];
	_ =	sdelay $0x3  }
0x37: {  	[smem:$0x3FB8] =	sst s10  }
0x38: {  	s10 =	sld [smem:$0x3FB9]  }
0x39: {  	_ = 	snop;
	(pc) =	sbr.ind lr, $3  }
0x3a: {  	_ = 	snop  }
0x3b: {  	_ = 	snop  }
0x3c: {  	p2 =	seq.s32 s10, $0x1;
	s10 =	sld [smem:$0x3FB8]  }
0x3d: {  	_ =	shalt  }
0x3e: {  	_ =	shalt  }
0x3f: {  	_ =	shalt  }
0x40: {  	_ =	shalt  }
0x41: {  	_ =	shalt  }
0x42: {  	_ =	shalt  }
0x43: {  	_ =	shalt  }
0x44: {  	_ =	shalt  }
0x45: {  	_ =	shalt  }
0x46: {  	_ =	shalt  }
0x47: {  	_ =	shalt  }
0x48: {  	_ =	shalt  }
0x49: {  	_ =	shalt  }
0x4a: {  	_ =	shalt  }
0x4b: {  	_ =	shalt  }
0x4c: {  	_ =	shalt  }
0x4d: {  	_ =	shalt  }
0x4e: {  	_ =	shalt  }
0x4f: {  	_ =	shalt  }
0x50: {  	_ =	shalt  }
0x51: {  	_ =	shalt  }
0x52: {  	_ =	shalt  }
0x53: {  	_ =	shalt  }
0x54: {  	_ =	shalt  }
0x55: {  	_ =	shalt  }
0x56: {  	_ =	shalt  }
0x57: {  	_ =	shalt  }
0x58: {  	_ =	shalt  }
0x59: {  	_ =	shalt  }
0x5a: {  	_ =	shalt  }
0x5b: {  	_ =	shalt  }
0x5c: {  	_ =	shalt  }
0x5d: {  	_ =	shalt  }
0x5e: {  	_ =	shalt  }
0x5f: {  	_ =	shalt  }
0x60: {  	_ =	shalt  }
0x61: {  	_ =	shalt  }
0x62: {  	_ =	shalt  }
0x63: {  	_ =	shalt  }
0x64: {  	_ =	shalt  }
0x65: {  	_ =	shalt  }
0x66: {  	_ =	shalt  }
0x67: {  	_ =	shalt  }
0x68: {  	_ =	shalt  }
0x69: {  	_ =	shalt  }
0x6a: {  	_ =	shalt  }
0x6b: {  	_ =	shalt  }
0x6c: {  	_ =	shalt  }
0x6d: {  	_ =	shalt  }
0x6e: {  	_ =	shalt  }
0x6f: {  	_ =	shalt  }
0x70: {  	_ =	shalt  }
0x71: {  	_ =	shalt  }
0x72: {  	_ =	shalt  }
0x73: {  	_ =	shalt  }
0x74: {  	_ =	shalt  }
0x75: {  	_ =	shalt  }
0x76: {  	_ =	shalt  }
0x77: {  	_ =	shalt  }
0x78: {  	_ =	shalt  }
0x79: {  	_ =	shalt  }
0x7a: {  	_ =	shalt  }
0x7b: {  	_ =	shalt  }
0x7c: {  	_ =	shalt  }
0x7d: {  	_ =	shalt  }
0x7e: {  	_ =	shalt  }
0x7f: {  	_ =	shalt  }
0x80: {  	_ =	shalt  }
0x81: {  	_ =	shalt  }
0x82: {  	_ =	shalt  }
0x83: {  	_ =	shalt  }
0x84: {  	_ =	shalt  }
0x85: {  	_ =	shalt  }
0x86: {  	_ =	shalt  }
0x87: {  	_ =	shalt  }
.Lfunc_end0:
.L_simem_size_0:
called_computation_lowered:
.L_overlay_start_0:
0x88: {  	s2 =	sld [smem:$0x3FD9]  }
0x89: {  	s3 =	sld [smem:$0x3FFE];
	_ =	sdelay $0x1  }
0x8a: {  	s1 =	srdreg.scid  }
0x8b: {  	s0 =	sand.u32 $0x1, s1  }
0x8c: {  	s17 =	sshll.u32 s0, $0xA;
	s2 =	sadd.s32 s3, s2  }
0x8d: {  	s2 =	sadd.s32 s2, s17  }
0x8e: {  	[smem:$0x3FC4] =	sst s2  }
0x8f: {  	_ = 	snop  }
0x90: {  	s2 =	sld [smem:$0x3FC9];
	(tm) =	ssettm $0x1  }
0x91: {  	s18 =	sld [smem:$0x3FFB];
	_ =	sdelay $0x3  }
0x92: {  	_ =	strace s18  }
0x93: {  	s3 =	sld [smem:$0x3FFC];
	_ =	sdelay $0x3  }
0x94: {  	_ =	strace s3  }
0x95: {  	s3 =	sld [smem:$0x3FFD];
	_ =	sdelay $0x3  }
0x96: {  	_ =	strace s3  }
0x97: {  	_ =	strace $0x8FFFFFFF  }
0x98: {  	s19 =	sld [smem:$0x3FDB];
	_ =	sdelay $0x1  }
0x99: {  	s4 =	simm.s32 $_scs_section_size  }
0x9a: {  	s5 =	simm.s32 $_size__tile_overlayer_lowered;
	s6 =	simm.s32 $_tile_overlayer_lowered  }
0x9b: {  	s22 =	simm.s32 $0x1BFF;
	s21 =	sshll.u32 s6, $0x1;
	s3 =	sadd.s32 s4, s19  }
0x9c: {  	s7 =	simm.s32 $0x0;
	s20 =	sshll.u32 s5, $0x1;
	s5 =	sadd.s32 s21, s3  }
0x9d: {  	[timem:s7], [sflag:s22] =	dma.local [hbm:s5], s20  }
0x9e: {  	_ =	swait.ge [sflag:s22], s20  }
0x9f: {  	s4 =	ssub.s32 $0x0, s20;
	[sflag:s22] =	ssyncset.done $0x0  }
0xa0: {  	[sflag:s22] =	ssyncadd.s32 s4;
	_ =	sdelay $0x1  }
0xa1: {  	s23 =	simm.s32 $0x1B8B  }
0xa2: {  	_ =	swait.ge [sflag:s23], $0x1  }
0xa3: {  	[sflag:s23] =	ssyncset.done $0x0  }
0xa4: {  	s25 =	simm.s32 $0x1B8E;
	s24 =	sld [smem:$0x3FFE];
	[sflag:s23] =	ssyncadd.s32 $0xFFFFFFFF  }
0xa5: {  	s26 =	simm.s32 $execute0_lowered;
	[smem:$0x3FD2] =	sst s25  }
0xa6: {  	s5 =	sshll.u32 s26, $0x1;
	_ =	strace $0x80000046;
	[dreg:$0x1] =	wrdreg $0xFFFFFFFF  }
0xa7: {  	s28 =	simm.s32 $_size_execute0_lowered;
	s3 =	sadd.s32 s3, s5;
	[dreg:$0x0] =	wrdreg $0x0  }
0xa8: {  	s5 =	sshll.u32 s28, $0x1;
	[dreg:$0x2] =	wrdreg s3  }
0xa9: {  	[dreg:$0x3] =	wrdreg s5  }
0xaa: {  	[dreg:$0x4] =	wrdreg $0xC0  }
0xab: {  	_ =	task [dreg:s7], $0x5FFFF  }
0xac: {  	[dreg:$0x1] =	wrdreg $0xFFFFFFFF  }
0xad: {  	[dreg:$0x0] =	wrdreg $0x60  }
0xae: {  	[dreg:$0x2] =	wrdreg s2  }
0xaf: {  	[dreg:$0x3] =	wrdreg s24  }
0xb0: {  	[dreg:$0x4] =	wrdreg $0x9  }
0xb1: {  	_ =	task.clear_ibuf [dreg:s7], $0x5FFFF;
	_ =	strace $0x90000046  }
0xb2: {  	s29 =	simm.s32 $0x9;
	_ =	strace $0x80000048  }
0xb3: {  	_ =	swait.ge [sflag:s29], $0x1  }
0xb4: {  	[sflag:s29] =	ssyncadd.s32 $0xFFFFFFFF  }
0xb5: {  	_ =	strace $0x90000048  }
0xb6: {  	_ =	sfence  }
0xb7: {  	s30 =	sld [smem:$0x0];
	_ =	sdelay $0x2  }
0xb8: {  	s31 =	sshll.u32 s1, $0xD;
	s1 =	sshrl.u32 s1, $0x2  }
0xb9: {  	s3 =	sand.u32 $0x4000, s31;
	s1 =	sadd.s32 s1, s30  }
0xba: {  	s0 =	sor.u32 s3, s0;
	s1 =	sshll.u32 s1, $0x11  }
0xbb: {  	s0 =	sor.u32 s1, s0  }
0xbc: {  	s0 =	sadd.s32 $0x8F2B, s0  }
0xbd: {  	[sflag:s0] =	ssyncadd.remote.s32 $0x1  }
0xbe: {  	_ =	sfence.sel $0xFFFF  }
0xbf: {  	[dreg:$0x0] =	wrdreg $0xFFFFFFFF;
	(pc) =	sbr.abs _section_cstart, $3  }
0xc0: {  	[dreg:$0x1] =	wrdreg $0xFFFFFFFF  }
0xc1: {  	_ =	task.clear_ibuf [dreg:s7], $0x2FFFF;
	_ =	strace $0x9FFFFFFF  }
0xc2: {  	(tm) =	ssettm $0x7FFFFFFF  }
0xc3: {  	_ =	shalt  }
tec
execute0_lowered:
.L_overlay_start_1:
0x0: {  	(tag) =	ssettag $0x1  }
0x1: {  	s1 =	srdreg.scid  }
0x2: {  	s0 =	stileid.u32;
	s3 =	rddreg [dreg:$0x0]  }
0x3: {  	s5 =	rddreg [dreg:$0x1];
	s7 =	simm.s32 $0xC000;
	s8 =	simm.s32 $0x1  }
0x4: {  	s10 =	simm.s32 $0x1000;
	s11 =	simm.s32 $0x1800;
	s12 =	simm.s32 $0x2000  }
0x5: {  	s13 =	simm.s32 $0x2800;
	s14 =	simm.s32 $0x3000;
	s15 =	simm.s32 $0x3800  }
0x6: {  	s16 =	simm.s32 $0x4000;
	s17 =	simm.s32 $0x4800;
	s18 =	simm.s32 $0x5000  }
0x7: {  	s19 =	simm.s32 $0x5800;
	s20 =	simm.s32 $0x6000;
	s21 =	simm.s32 $0x6800  }
0x8: {  	s22 =	simm.s32 $0x7000;
	s23 =	simm.s32 $0x7800;
	s24 =	simm.s32 $0x8000  }
0x9: {  	s28 =	simm.s32 $0x9800;
	s29 =	simm.s32 $0xA000;
	s1 =	sand.u32 $0x1, s1  }
0xa: {  	s30 =	simm.s32 $0xA800;
	s2 =	sshll.u32 s0, $0x4;
	s4 =	sshll.u32 s1, $0x3  }
0xb: {  	s31 =	simm.s32 $0xB000;
	s1 =	ssub.s32 $0x2, s1;
	s4 =	sor.u32 s4, s2  }
0xc: {  	s2 =	simm.s32 $0x0;
	s26 =	sshrl.u32 s1, $0x1;
	s6 =	smul.u32 $0x300, s4  }
0xd: {  	[smem:$0x7FF] =	sst s2;
	s4 =	sadd.s32 s4, s5;
	s1 =	ssub.s32 s1, s26  }
0xe: {  	_ =	strace $0x80000047;
	s25 =	sadd.s32 $0x10A00, s4;
	[dreg:$0x6] =	wrdreg s7  }
0xf: {  	s26 =	simm.s32 $0x9000;
	s4 =	sadd.s32 $0x10C00, s4;
	[dreg:$0x4] =	wrdreg s25  }
0x10: {  	v2 =	vlaneseq.u32;
	s3 =	sadd.s32 s3, s6;
	[dreg:$0x5] =	wrdreg s4;
	s4 =	sadd.s32 $0x10F00, s5  }
0x11: {  	vm0 =	vmmov $0xffff;
	v1 =	vshrl.u32 v2, $0x3;
	s6 =	smax.u32 s1, $0x1;
	s25 =	simm.s32 $0x8800;
	s1 =	simm.s32 $0xB800  }
0x12: {  	v0 =	vand.u32 $0x7, v2;
	v2 =	vor.u32 $0x8, v2;
	v1 =	vmul.u32 $0x8, v1;
	[dreg:$0x3] =	wrdreg s3;
	s3 =	sadd.s32 $0x10E00, s5;
	s5 =	sadd.s32 $0x11000, s5  }
.LBB2_1:
0x13: {  	s0 =	rddreg [dreg:$0x3]  }
0x14: {  	s7 =	rddreg [dreg:$0x4]  }
0x15: {  	[tilespmem:s2], [sflag:$0x1] =	stream.linear.gather [hbm4b:s0+s2], $0xC000, $0x38;
	[tilespmem:$0xC100] =	vst v63  }
0x16: {  	s9 =	rddreg [dreg:$0x6]  }
0x17: {  	[tilespmem:s9], [sflag:$0x1] =	stream.linear.gather [hbm4b:s7+s2], $0x40, $0x38;
	[tilespmem:$0xC100] =	vst v63  }
0x18: {  	s0 =	rddreg [dreg:$0x5];
	s9 =	simm.s32 $0xC080  }
0x19: {  	[tilespmem:s9], [sflag:$0x1] =	stream.linear.gather [hbm4b:s0+s2], $0x40, $0x38;
	[tilespmem:$0xC100] =	vst v63  }
0x1a: {  	_ =	swait.ge [sflag:s8], $0xC000  }
0x1b: {  	[sflag:s8] =	ssyncset.done $0x0  }
0x1c: {  	[sflag:s8] =	ssyncadd.s32 $0xFFFF4000  }
0x1d: {  	_ =	swait.ge [sflag:s8], $0x40  }
0x1e: {  	[sflag:s8] =	ssyncset.done $0x0  }
0x1f: {  	[sflag:s8] =	ssyncadd.s32 $0xFFFFFFC0  }
0x20: {  	_ =	swait.ge [sflag:s8], $0x40  }
0x21: {  	[sflag:s8] =	ssyncset.done $0x0  }
0x22: {  	[sflag:s8] =	ssyncadd.s32 $0xFFFFFFC0  }
0x23: {  	v3 =	vld [tilespmem:$0xC000];
	_ =	sdelay $0x4  }
0x24: {  	v4 =	vshrl.u32 v3, $0x3  }
0x25: {  	v4 =	vmul.u32 $0x30, v4  }
0x26: {  	v3 =	vand.u32 $0x7, v3  }
0x27: {  	v3 =	vor.u32 v3, v4  }
0x28: {  	v4 =	vperm.xlane v3, v0;
	_ =	sdelay $0x1  }
0x29: {  	v4 =	vadd.s32 v1, v4;
	_ =	sdelay $0x3  }
0x2a: {  	v3 =	vperm.xlane v3, v2  }
0x2b: {  	[hbm4b:s3+s2] =	stream.indirect_vreg.scatter [tilespmem:s2], [sflag:$0x1], $0x80, v4, vm0, $0xb8;
	[tilespmem:$0xC100] =	vst v63  }
0x2c: {  	s9 =	simm.s32 $0x800;
	v3 =	vadd.s32 v1, v3  }
0x2d: {  	[hbm4b:s4+s2] =	stream.indirect_vreg.scatter [tilespmem:s9], [sflag:$0x1], $0x80, v4, vm0, $0xb8;
	[tilespmem:$0xC100] =	vst v63  }
0x2e: {  	_ = 	snop  }
0x2f: {  	[hbm4b:s5+s2] =	stream.indirect_vreg.scatter [tilespmem:s10], [sflag:$0x1], $0x80, v4, vm0, $0xb8;
	[tilespmem:$0xC100] =	vst v63  }
0x30: {  	_ = 	snop  }
0x31: {  	[hbm4b:s3+s2] =	stream.indirect_vreg.scatter [tilespmem:s11], [sflag:$0x1], $0x80, v3, vm0, $0xb8;
	[tilespmem:$0xC100] =	vst v63  }
0x32: {  	_ = 	snop  }
0x33: {  	[hbm4b:s4+s2] =	stream.indirect_vreg.scatter [tilespmem:s12], [sflag:$0x1], $0x80, v3, vm0, $0xb8;
	[tilespmem:$0xC100] =	vst v63  }
0x34: {  	_ = 	snop  }
0x35: {  	[hbm4b:s5+s2] =	stream.indirect_vreg.scatter [tilespmem:s13], [sflag:$0x1], $0x80, v3, vm0, $0xb8;
	[tilespmem:$0xC100] =	vst v63  }
0x36: {  	v3 =	vld [tilespmem:$0xC010];
	_ =	sdelay $0x4  }
0x37: {  	v57 =	vshrl.u32 v3, $0x3  }
0x38: {  	v4 =	vmul.u32 $0x30, v57  }
0x39: {  	v3 =	vand.u32 $0x7, v3  }
0x3a: {  	v3 =	vor.u32 v3, v4  }
0x3b: {  	v4 =	vperm.xlane v3, v0;
	_ =	sdelay $0x1  }
0x3c: {  	v4 =	vadd.s32 v1, v4;
	_ =	sdelay $0x3  }
0x3d: {  	v3 =	vperm.xlane v3, v2  }
0x3e: {  	[hbm4b:s3+s2] =	stream.indirect_vreg.scatter [tilespmem:s14], [sflag:$0x1], $0x80, v4, vm0, $0xb8;
	[tilespmem:$0xC100] =	vst v63  }
0x3f: {  	v3 =	vadd.s32 v1, v3  }
0x40: {  	[hbm4b:s4+s2] =	stream.indirect_vreg.scatter [tilespmem:s15], [sflag:$0x1], $0x80, v4, vm0, $0xb8;
	[tilespmem:$0xC100] =	vst v63  }
0x41: {  	_ = 	snop  }
0x42: {  	[hbm4b:s5+s2] =	stream.indirect_vreg.scatter [tilespmem:s16], [sflag:$0x1], $0x80, v4, vm0, $0xb8;
	[tilespmem:$0xC100] =	vst v63  }
0x43: {  	_ = 	snop  }
0x44: {  	[hbm4b:s3+s2] =	stream.indirect_vreg.scatter [tilespmem:s17], [sflag:$0x1], $0x80, v3, vm0, $0xb8;
	[tilespmem:$0xC100] =	vst v63  }
0x45: {  	_ = 	snop  }
0x46: {  	[hbm4b:s4+s2] =	stream.indirect_vreg.scatter [tilespmem:s18], [sflag:$0x1], $0x80, v3, vm0, $0xb8;
	[tilespmem:$0xC100] =	vst v63  }
0x47: {  	_ = 	snop  }
0x48: {  	[hbm4b:s5+s2] =	stream.indirect_vreg.scatter [tilespmem:s19], [sflag:$0x1], $0x80, v3, vm0, $0xb8;
	[tilespmem:$0xC100] =	vst v63  }
0x49: {  	v3 =	vld [tilespmem:$0xC020];
	_ =	sdelay $0x4  }
0x4a: {  	v58 =	vshrl.u32 v3, $0x3  }
0x4b: {  	v4 =	vmul.u32 $0x30, v58  }
0x4c: {  	v3 =	vand.u32 $0x7, v3  }
0x4d: {  	v3 =	vor.u32 v3, v4  }
0x4e: {  	v4 =	vperm.xlane v3, v0;
	_ =	sdelay $0x1  }
0x4f: {  	v4 =	vadd.s32 v1, v4;
	_ =	sdelay $0x3  }
0x50: {  	v3 =	vperm.xlane v3, v2  }
0x51: {  	[hbm4b:s3+s2] =	stream.indirect_vreg.scatter [tilespmem:s20], [sflag:$0x1], $0x80, v4, vm0, $0xb8;
	[tilespmem:$0xC100] =	vst v63  }
0x52: {  	v3 =	vadd.s32 v1, v3  }
0x53: {  	[hbm4b:s4+s2] =	stream.indirect_vreg.scatter [tilespmem:s21], [sflag:$0x1], $0x80, v4, vm0, $0xb8;
	[tilespmem:$0xC100] =	vst v63  }
0x54: {  	_ = 	snop  }
0x55: {  	[hbm4b:s5+s2] =	stream.indirect_vreg.scatter [tilespmem:s22], [sflag:$0x1], $0x80, v4, vm0, $0xb8;
	[tilespmem:$0xC100] =	vst v63  }
0x56: {  	_ = 	snop  }
0x57: {  	[hbm4b:s3+s2] =	stream.indirect_vreg.scatter [tilespmem:s23], [sflag:$0x1], $0x80, v3, vm0, $0xb8;
	[tilespmem:$0xC100] =	vst v63  }
0x58: {  	_ = 	snop  }
0x59: {  	[hbm4b:s4+s2] =	stream.indirect_vreg.scatter [tilespmem:s24], [sflag:$0x1], $0x80, v3, vm0, $0xb8;
	[tilespmem:$0xC100] =	vst v63  }
0x5a: {  	_ = 	snop  }
0x5b: {  	[hbm4b:s5+s2] =	stream.indirect_vreg.scatter [tilespmem:s25], [sflag:$0x1], $0x80, v3, vm0, $0xb8;
	[tilespmem:$0xC100] =	vst v63  }
0x5c: {  	v3 =	vld [tilespmem:$0xC030];
	_ =	sdelay $0x4  }
0x5d: {  	v59 =	vshrl.u32 v3, $0x3  }
0x5e: {  	v4 =	vmul.u32 $0x30, v59  }
0x5f: {  	v3 =	vand.u32 $0x7, v3  }
0x60: {  	v3 =	vor.u32 v3, v4  }
0x61: {  	v4 =	vperm.xlane v3, v0;
	_ =	sdelay $0x1  }
0x62: {  	v4 =	vadd.s32 v1, v4;
	_ =	sdelay $0x3  }
0x63: {  	v3 =	vperm.xlane v3, v2  }
0x64: {  	[hbm4b:s3+s2] =	stream.indirect_vreg.scatter [tilespmem:s26], [sflag:$0x1], $0x80, v4, vm0, $0xb8;
	[tilespmem:$0xC100] =	vst v63  }
0x65: {  	v3 =	vadd.s32 v1, v3  }
0x66: {  	[hbm4b:s4+s2] =	stream.indirect_vreg.scatter [tilespmem:s28], [sflag:$0x1], $0x80, v4, vm0, $0xb8;
	[tilespmem:$0xC100] =	vst v63  }
0x67: {  	_ = 	snop  }
0x68: {  	[hbm4b:s5+s2] =	stream.indirect_vreg.scatter [tilespmem:s29], [sflag:$0x1], $0x80, v4, vm0, $0xb8;
	[tilespmem:$0xC100] =	vst v63  }
0x69: {  	_ = 	snop  }
0x6a: {  	[hbm4b:s3+s2] =	stream.indirect_vreg.scatter [tilespmem:s30], [sflag:$0x1], $0x80, v3, vm0, $0xb8;
	[tilespmem:$0xC100] =	vst v63  }
0x6b: {  	_ = 	snop  }
0x6c: {  	[hbm4b:s4+s2] =	stream.indirect_vreg.scatter [tilespmem:s31], [sflag:$0x1], $0x80, v3, vm0, $0xb8;
	[tilespmem:$0xC100] =	vst v63  }
0x6d: {  	_ = 	snop  }
0x6e: {  	[hbm4b:s5+s2] =	stream.indirect_vreg.scatter [tilespmem:s1], [sflag:$0x1], $0x80, v3, vm0, $0xb8;
	[tilespmem:$0xC100] =	vst v63  }
0x6f: {  	v3 =	vld [tilespmem:$0xC080];
	_ =	sdelay $0x4  }
0x70: {  	v60 =	vshrl.u32 v3, $0x3  }
0x71: {  	v4 =	vmul.u32 $0x30, v60  }
0x72: {  	v3 =	vand.u32 $0x7, v3  }
0x73: {  	v3 =	vor.u32 v3, v4  }
0x74: {  	v4 =	vperm.xlane v3, v0;
	_ =	sdelay $0x1  }
0x75: {  	v4 =	vadd.s32 v1, v4;
	_ =	sdelay $0x3  }
0x76: {  	v3 =	vperm.xlane v3, v2  }
0x77: {  	[hbm4b:s3+s2] =	stream.indirect_vreg.scatter [tilespmem:s2], [sflag:$0x1], $0x80, v4, vm0, $0xb8;
	[tilespmem:$0xC100] =	vst v63  }
0x78: {  	v3 =	vadd.s32 v1, v3  }
0x79: {  	[hbm4b:s4+s2] =	stream.indirect_vreg.scatter [tilespmem:s9], [sflag:$0x1], $0x80, v4, vm0, $0xb8;
	[tilespmem:$0xC100] =	vst v63  }
0x7a: {  	_ = 	snop  }
0x7b: {  	[hbm4b:s5+s2] =	stream.indirect_vreg.scatter [tilespmem:s10], [sflag:$0x1], $0x80, v4, vm0, $0xb8;
	[tilespmem:$0xC100] =	vst v63  }
0x7c: {  	_ = 	snop  }
0x7d: {  	[hbm4b:s3+s2] =	stream.indirect_vreg.scatter [tilespmem:s11], [sflag:$0x1], $0x80, v3, vm0, $0xb8;
	[tilespmem:$0xC100] =	vst v63  }
0x7e: {  	_ = 	snop  }
0x7f: {  	[hbm4b:s4+s2] =	stream.indirect_vreg.scatter [tilespmem:s12], [sflag:$0x1], $0x80, v3, vm0, $0xb8;
	[tilespmem:$0xC100] =	vst v63  }
0x80: {  	_ = 	snop  }
0x81: {  	[hbm4b:s5+s2] =	stream.indirect_vreg.scatter [tilespmem:s13], [sflag:$0x1], $0x80, v3, vm0, $0xb8;
	[tilespmem:$0xC100] =	vst v63  }
0x82: {  	v3 =	vld [tilespmem:$0xC090];
	_ =	sdelay $0x4  }
0x83: {  	v61 =	vshrl.u32 v3, $0x3  }
0x84: {  	v4 =	vmul.u32 $0x30, v61  }
0x85: {  	v3 =	vand.u32 $0x7, v3  }
0x86: {  	v3 =	vor.u32 v3, v4  }
0x87: {  	v4 =	vperm.xlane v3, v0;
	_ =	sdelay $0x1  }
0x88: {  	v4 =	vadd.s32 v1, v4;
	_ =	sdelay $0x3  }
0x89: {  	v3 =	vperm.xlane v3, v2  }
0x8a: {  	[hbm4b:s3+s2] =	stream.indirect_vreg.scatter [tilespmem:s14], [sflag:$0x1], $0x80, v4, vm0, $0xb8;
	[tilespmem:$0xC100] =	vst v63  }
0x8b: {  	v3 =	vadd.s32 v1, v3  }
0x8c: {  	[hbm4b:s4+s2] =	stream.indirect_vreg.scatter [tilespmem:s15], [sflag:$0x1], $0x80, v4, vm0, $0xb8;
	[tilespmem:$0xC100] =	vst v63  }
0x8d: {  	_ = 	snop  }
0x8e: {  	[hbm4b:s5+s2] =	stream.indirect_vreg.scatter [tilespmem:s16], [sflag:$0x1], $0x80, v4, vm0, $0xb8;
	[tilespmem:$0xC100] =	vst v63  }
0x8f: {  	_ = 	snop  }
0x90: {  	[hbm4b:s3+s2] =	stream.indirect_vreg.scatter [tilespmem:s17], [sflag:$0x1], $0x80, v3, vm0, $0xb8;
	[tilespmem:$0xC100] =	vst v63  }
0x91: {  	_ = 	snop  }
0x92: {  	[hbm4b:s4+s2] =	stream.indirect_vreg.scatter [tilespmem:s18], [sflag:$0x1], $0x80, v3, vm0, $0xb8;
	[tilespmem:$0xC100] =	vst v63  }
0x93: {  	_ = 	snop  }
0x94: {  	[hbm4b:s5+s2] =	stream.indirect_vreg.scatter [tilespmem:s19], [sflag:$0x1], $0x80, v3, vm0, $0xb8;
	[tilespmem:$0xC100] =	vst v63  }
0x95: {  	v3 =	vld [tilespmem:$0xC0A0];
	_ =	sdelay $0x4  }
0x96: {  	v62 =	vshrl.u32 v3, $0x3  }
0x97: {  	v4 =	vmul.u32 $0x30, v62  }
0x98: {  	v3 =	vand.u32 $0x7, v3  }
0x99: {  	v3 =	vor.u32 v3, v4  }
0x9a: {  	v4 =	vperm.xlane v3, v0;
	_ =	sdelay $0x1  }
0x9b: {  	v4 =	vadd.s32 v1, v4;
	_ =	sdelay $0x3  }
0x9c: {  	v3 =	vperm.xlane v3, v2  }
0x9d: {  	[hbm4b:s3+s2] =	stream.indirect_vreg.scatter [tilespmem:s20], [sflag:$0x1], $0x80, v4, vm0, $0xb8;
	[tilespmem:$0xC100] =	vst v63  }
0x9e: {  	v3 =	vadd.s32 v1, v3  }
0x9f: {  	[hbm4b:s4+s2] =	stream.indirect_vreg.scatter [tilespmem:s21], [sflag:$0x1], $0x80, v4, vm0, $0xb8;
	[tilespmem:$0xC100] =	vst v63  }
0xa0: {  	_ = 	snop  }
0xa1: {  	[hbm4b:s5+s2] =	stream.indirect_vreg.scatter [tilespmem:s22], [sflag:$0x1], $0x80, v4, vm0, $0xb8;
	[tilespmem:$0xC100] =	vst v63  }
0xa2: {  	_ = 	snop  }
0xa3: {  	[hbm4b:s3+s2] =	stream.indirect_vreg.scatter [tilespmem:s23], [sflag:$0x1], $0x80, v3, vm0, $0xb8;
	[tilespmem:$0xC100] =	vst v63  }
0xa4: {  	_ = 	snop  }
0xa5: {  	[hbm4b:s4+s2] =	stream.indirect_vreg.scatter [tilespmem:s24], [sflag:$0x1], $0x80, v3, vm0, $0xb8;
	[tilespmem:$0xC100] =	vst v63  }
0xa6: {  	_ = 	snop  }
0xa7: {  	[hbm4b:s5+s2] =	stream.indirect_vreg.scatter [tilespmem:s25], [sflag:$0x1], $0x80, v3, vm0, $0xb8;
	[tilespmem:$0xC100] =	vst v63  }
0xa8: {  	v3 =	vld [tilespmem:$0xC0B0];
	_ =	sdelay $0x4  }
0xa9: {  	v63 =	vshrl.u32 v3, $0x3  }
0xaa: {  	v4 =	vmul.u32 $0x30, v63  }
0xab: {  	v3 =	vand.u32 $0x7, v3  }
0xac: {  	v3 =	vor.u32 v3, v4  }
0xad: {  	v4 =	vperm.xlane v3, v0;
	_ =	sdelay $0x1  }
0xae: {  	v4 =	vadd.s32 v1, v4;
	_ =	sdelay $0x3  }
0xaf: {  	v3 =	vperm.xlane v3, v2  }
0xb0: {  	[hbm4b:s3+s2] =	stream.indirect_vreg.scatter [tilespmem:s26], [sflag:$0x1], $0x80, v4, vm0, $0xb8;
	[tilespmem:$0xC100] =	vst v63  }
0xb1: {  	v3 =	vadd.s32 v1, v3  }
0xb2: {  	[hbm4b:s4+s2] =	stream.indirect_vreg.scatter [tilespmem:s28], [sflag:$0x1], $0x80, v4, vm0, $0xb8;
	[tilespmem:$0xC100] =	vst v63  }
0xb3: {  	_ = 	snop  }
0xb4: {  	[hbm4b:s5+s2] =	stream.indirect_vreg.scatter [tilespmem:s29], [sflag:$0x1], $0x80, v4, vm0, $0xb8;
	[tilespmem:$0xC100] =	vst v63  }
0xb5: {  	_ = 	snop  }
0xb6: {  	[hbm4b:s3+s2] =	stream.indirect_vreg.scatter [tilespmem:s30], [sflag:$0x1], $0x80, v3, vm0, $0xb8;
	[tilespmem:$0xC100] =	vst v63  }
0xb7: {  	_ = 	snop  }
0xb8: {  	[hbm4b:s4+s2] =	stream.indirect_vreg.scatter [tilespmem:s31], [sflag:$0x1], $0x80, v3, vm0, $0xb8;
	[tilespmem:$0xC100] =	vst v63  }
0xb9: {  	_ = 	snop  }
0xba: {  	[hbm4b:s5+s2] =	stream.indirect_vreg.scatter [tilespmem:s1], [sflag:$0x1], $0x80, v3, vm0, $0xb8;
	[tilespmem:$0xC100] =	vst v63  }
0xbb: {  	p0 =	sne.s32 s6, $0x1;
	_ =	swait.ge [sflag:s8], $0xC000  }
.Ltmp0:
0xbc: {  	[sflag:s8] =	ssyncset.done $0x0;
	(pc) =	sbr.rel @p0 .LBB2_1-.Ltmp0, $4  }
0xbd: {  	[sflag:s8] =	ssyncadd.s32 $0xFFFF4000  }
0xbe: {  	_ =	swait.ge [sflag:s8], $0xC000  }
0xbf: {  	[sflag:s8] =	ssyncset.done $0x0  }
0xc0: {  	s6 =	sadd.s32 $0xFFFFFFFF, s6;
	[sflag:s8] =	ssyncadd.s32 $0xFFFF4000  }
0xc1: {  	_ =	sfence.sel $0x180000  }
0xc2: {  	[bflag:$0x0] =	sbarrier.arrive $0xFFFF  }
0xc3: {  	_ =	strace $0x90000047  }
0xc4: {  	s0 =	stileid.u32;
	[bflag:$0x2] =	sbarrier.arrive $0xFFFF  }
0xc5: {  	p0 =	sne.s32 s0, $0x0;
	s0 =	rddreg [dreg:$0x2]  }
0xc6: {  	s0 =	sadd.s32 @!p0 $0x100000, s0  }
0xc7: {  	[sflag:s0] =	ssyncadd.tile.s32 @!p0 $0x1;
	_ =	shalt  }
.Lfunc_end2:
_tile_overlayer_lowered:
.L_overlay_start_2:
0xc8: {  	(tag) =	ssettag $0x2  }
0xc9: {  	s0 =	rddreg [dreg:$0x0];
	s2 =	stileid.u32  }
0xca: {  	s1 =	rddreg [dreg:$0x1];
	p0 =	sne.s32 s2, $0x0  }
0xcb: {  	s3 =	rddreg [dreg:$0x2];
	[bflag:$0x3] =	sbarrier.arrive $0xFFFF;
	s2 =	simm.s32 @!p0 $0x1C02  }
0xcc: {  	[timem:s3], [sflag:s2] =	dma.local @!p0 [hbm:s0], s1  }
0xcd: {  	s0 =	simm.s32 @!p0 $0x2  }
0xce: {  	_ =	swait.ge @!p0 [sflag:s0], s1  }
0xcf: {  	s1 =	ssub.s32 @!p0 $0x0, s1;
	[sflag:s0] =	ssyncset.done @!p0 $0x0  }
0xd0: {  	[sflag:s0] =	ssyncadd.s32 @!p0 s1  }
0xd1: {  	[bflag:$0x3] =	sbarrier.arrive $0xFFFF  }
0xd2: {  	_ =	shalt  }

// kernel: kernel.9.cloned.1.call-start
scs
__scs_entry_jumppad:
0x0: {  	(pc) =	sbr.rel $0x88, $3  }
0x1: {  	(tag) =	ssettag $0x0;
	lr =	simm.s32 $0x1  }
0x2: {  	[smem:$0x3F9D] =	sst lr;
	_ =	strace $0xD0000000  }
0x3: {  	_ = 	snop  }
0x4: {  	_ = 	snop  }
0x5: {  	_ = 	snop  }
0x6: {  	_ = 	snop  }
0x7: {  	_ = 	snop  }
__scs_overlays_trampoline_lowered:
0x8: {  	[smem:$0x3FAC] =	sst s0  }
0x9: {  	[smem:$0x3FAD] =	sst s1  }
0xa: {  	[smem:$0x3FAE] =	sst s2  }
0xb: {  	[smem:$0x3FAF] =	sst s3  }
0xc: {  	[smem:$0x3FB0] =	sst s4  }
0xd: {  	[smem:$0x3FB1] =	sst s5  }
0xe: {  	[smem:$0x3FB2] =	sst s6  }
0xf: {  	[smem:$0x3FB3] =	sst s7  }
0x10: {  	[smem:$0x3FB4] =	sst s8  }
0x11: {  	[smem:$0x3FB5] =	sst s9;
	s0 =	simm.s32 @!p0 $0x0  }
0x12: {  	s1 =	sld [smem:$0x3F9B];
	s0 =	simm.s32 @p0 $0x1  }
0x13: {  	[smem:$0x3FB6] =	sst s0;
	s0 =	simm.s32 @!p1 $0x0  }
0x14: {  	s2 =	sld [smem:$0x3F9A];
	s0 =	simm.s32 @p1 $0x1  }
0x15: {  	[smem:$0x3FB7] =	sst s0;
	s0 =	simm.s32 @!p2 $0x0  }
0x16: {  	s3 =	sld [smem:$0x3FDB];
	s0 =	simm.s32 @p2 $0x1  }
0x17: {  	s4 =	simm.s32 $0x1BF5;
	[smem:$0x3FB9] =	sst s0  }
0x18: {  	s0 =	sld [smem:$0x3F9C];
	_ =	swait.ge [sflag:s4], $0x0  }
0x19: {  	s7 =	sld [smem:$0x3F9D]  }
0x1a: {  	s8 =	sadd.s32 $0xFFFFE003, lr  }
0x1b: {  	s9 =	sadd.s32 $0xFFFFFEF7, lr;
	s5 =	simm.s32 $0xFFFFFFFF;
	p2 =	slt.u32 s8, $0xFFFFF086  }
0x1c: {  	p1 =	slt.u32 s9, $0xF7A;
	s5 =	simm.s32 @!p2 $0x0  }
0x1d: {  	s5 =	simm.s32 @p1 $0x1;
	p0 =	seq.s32 s7, s2  }
0x1e: {  	s7 =	smul.u32 @!p0 $0xF7A, s2;
	p2 =	seq.s32 @!p0 s5, $0x0  }
0x1f: {  	s9 =	smul.u32 $0xF7A, s1;
	s8 =	simm.s32 @!p0 $0x1BF5;
	p2 =	por !p2, p0  }
0x20: {  	[sflag:s8] =	ssyncset.s32 @!p0 $0xFFFFF086;
	s6 =	sadd.s32 @!p0 s3, s7;
	s7 =	simm.s32 @!p0 $0x108  }
0x21: {  	s3 =	sadd.s32 s3, s9;
	s6 =	sadd.s32 @!p0 $0x88, s6;
	s7 =	simm.s32 @p2 $0x1082  }
0x22: {  	[simem:s7], [sflag:s8] =	dma.local @!p0 [hbm:s6], $0xF7A  }
0x23: {  	s9 =	sor.u32 $0xD0000000, s2;
	s6 =	simm.s32 $0x108;
	_ =	swait.ge @!p0 [sflag:s8], $0x0  }
0x24: {  	s3 =	sadd.s32 $0x88, s3;
	s6 =	simm.s32 @!p1 $0x1082;
	[sflag:s4] =	ssyncset.s32 $0xFFFFF086  }
0x25: {  	[simem:s6], [sflag:s4] =	dma.local [hbm:s3], $0xF7A  }
0x26: {  	[smem:$0x3F9D] =	sst s1;
	(tag) =	ssettag s2;
	_ =	strace s9  }
0x27: {  	s1 =	sld [smem:$0x3FAD]  }
0x28: {  	s2 =	sld [smem:$0x3FAE]  }
0x29: {  	s4 =	sld [smem:$0x3FB0]  }
0x2a: {  	p0 =	seq.s32 s5, $0x0;
	s5 =	sld [smem:$0x3FB1]  }
0x2b: {  	s6 =	sld [smem:$0x3FB2]  }
0x2c: {  	s7 =	sld [smem:$0x3FB3]  }
0x2d: {  	s3 =	simm.s32 $0x108;
	s8 =	sld [smem:$0x3FB4]  }
0x2e: {  	s3 =	simm.s32 @!p0 $0x1082;
	s9 =	sld [smem:$0x3FB5]  }
0x2f: {  	lr =	sadd.s32 s0, s3;
	s0 =	sld [smem:$0x3FAC]  }
0x30: {  	s3 =	sld [smem:$0x3FAF]  }
0x31: {  	[smem:$0x3FB8] =	sst s10  }
0x32: {  	s10 =	sld [smem:$0x3FB6];
	_ =	sdelay $0x3  }
0x33: {  	p0 =	seq.s32 s10, $0x1;
	s10 =	sld [smem:$0x3FB8];
	_ =	sdelay $0x3  }
0x34: {  	[smem:$0x3FB8] =	sst s10  }
0x35: {  	s10 =	sld [smem:$0x3FB7];
	_ =	sdelay $0x3  }
0x36: {  	p1 =	seq.s32 s10, $0x1;
	s10 =	sld [smem:$0x3FB8];
	_ =	sdelay $0x3  }
0x37: {  	[smem:$0x3FB8] =	sst s10  }
0x38: {  	s10 =	sld [smem:$0x3FB9]  }
0x39: {  	_ = 	snop;
	(pc) =	sbr.ind lr, $3  }
0x3a: {  	_ = 	snop  }
0x3b: {  	_ = 	snop  }
0x3c: {  	p2 =	seq.s32 s10, $0x1;
	s10 =	sld [smem:$0x3FB8]  }
0x3d: {  	_ =	shalt  }
0x3e: {  	_ =	shalt  }
0x3f: {  	_ =	shalt  }
0x40: {  	_ =	shalt  }
0x41: {  	_ =	shalt  }
0x42: {  	_ =	shalt  }
0x43: {  	_ =	shalt  }
0x44: {  	_ =	shalt  }
0x45: {  	_ =	shalt  }
0x46: {  	_ =	shalt  }
0x47: {  	_ =	shalt  }
0x48: {  	_ =	shalt  }
0x49: {  	_ =	shalt  }
0x4a: {  	_ =	shalt  }
0x4b: {  	_ =	shalt  }
0x4c: {  	_ =	shalt  }
0x4d: {  	_ =	shalt  }
0x4e: {  	_ =	shalt  }
0x4f: {  	_ =	shalt  }
0x50: {  	_ =	shalt  }
0x51: {  	_ =	shalt  }
0x52: {  	_ =	shalt  }
0x53: {  	_ =	shalt  }
0x54: {  	_ =	shalt  }
0x55: {  	_ =	shalt  }
0x56: {  	_ =	shalt  }
0x57: {  	_ =	shalt  }
0x58: {  	_ =	shalt  }
0x59: {  	_ =	shalt  }
0x5a: {  	_ =	shalt  }
0x5b: {  	_ =	shalt  }
0x5c: {  	_ =	shalt  }
0x5d: {  	_ =	shalt  }
0x5e: {  	_ =	shalt  }
0x5f: {  	_ =	shalt  }
0x60: {  	_ =	shalt  }
0x61: {  	_ =	shalt  }
0x62: {  	_ =	shalt  }
0x63: {  	_ =	shalt  }
0x64: {  	_ =	shalt  }
0x65: {  	_ =	shalt  }
0x66: {  	_ =	shalt  }
0x67: {  	_ =	shalt  }
0x68: {  	_ =	shalt  }
0x69: {  	_ =	shalt  }
0x6a: {  	_ =	shalt  }
0x6b: {  	_ =	shalt  }
0x6c: {  	_ =	shalt  }
0x6d: {  	_ =	shalt  }
0x6e: {  	_ =	shalt  }
0x6f: {  	_ =	shalt  }
0x70: {  	_ =	shalt  }
0x71: {  	_ =	shalt  }
0x72: {  	_ =	shalt  }
0x73: {  	_ =	shalt  }
0x74: {  	_ =	shalt  }
0x75: {  	_ =	shalt  }
0x76: {  	_ =	shalt  }
0x77: {  	_ =	shalt  }
0x78: {  	_ =	shalt  }
0x79: {  	_ =	shalt  }
0x7a: {  	_ =	shalt  }
0x7b: {  	_ =	shalt  }
0x7c: {  	_ =	shalt  }
0x7d: {  	_ =	shalt  }
0x7e: {  	_ =	shalt  }
0x7f: {  	_ =	shalt  }
0x80: {  	_ =	shalt  }
0x81: {  	_ =	shalt  }
0x82: {  	_ =	shalt  }
0x83: {  	_ =	shalt  }
0x84: {  	_ =	shalt  }
0x85: {  	_ =	shalt  }
0x86: {  	_ =	shalt  }
0x87: {  	_ =	shalt  }
.Lfunc_end0:
.L_simem_size_0:
called_computation.1_lowered:
.L_overlay_start_0:
0x88: {  	s2 =	sld [smem:$0x3FD9]  }
0x89: {  	s3 =	sld [smem:$0x3FFE];
	_ =	sdelay $0x1  }
0x8a: {  	s1 =	srdreg.scid  }
0x8b: {  	s0 =	sand.u32 $0x1, s1  }
0x8c: {  	s17 =	sshll.u32 s0, $0xA;
	s2 =	sadd.s32 s3, s2  }
0x8d: {  	s2 =	sadd.s32 s2, s17  }
0x8e: {  	[smem:$0x3FC4] =	sst s2  }
0x8f: {  	_ = 	snop  }
0x90: {  	s2 =	sld [smem:$0x3FD0];
	(tm) =	ssettm $0x1  }
0x91: {  	s18 =	sld [smem:$0x3FFB];
	_ =	sdelay $0x3  }
0x92: {  	_ =	strace s18  }
0x93: {  	s3 =	sld [smem:$0x3FFC];
	_ =	sdelay $0x3  }
0x94: {  	_ =	strace s3  }
0x95: {  	s3 =	sld [smem:$0x3FFD];
	_ =	sdelay $0x3  }
0x96: {  	_ =	strace s3  }
0x97: {  	_ =	strace $0x8FFFFFFF  }
0x98: {  	s19 =	sld [smem:$0x3FDB];
	_ =	sdelay $0x1  }
0x99: {  	s4 =	simm.s32 $_scs_section_size  }
0x9a: {  	s5 =	simm.s32 $_size__tile_overlayer_lowered;
	s6 =	simm.s32 $_tile_overlayer_lowered  }
0x9b: {  	s22 =	simm.s32 $0x1BFF;
	s21 =	sshll.u32 s6, $0x1;
	s3 =	sadd.s32 s4, s19  }
0x9c: {  	s7 =	simm.s32 $0x0;
	s20 =	sshll.u32 s5, $0x1;
	s5 =	sadd.s32 s21, s3  }
0x9d: {  	[timem:s7], [sflag:s22] =	dma.local [hbm:s5], s20  }
0x9e: {  	_ =	swait.ge [sflag:s22], s20  }
0x9f: {  	s4 =	ssub.s32 $0x0, s20;
	[sflag:s22] =	ssyncset.done $0x0  }
0xa0: {  	[sflag:s22] =	ssyncadd.s32 s4;
	_ =	sdelay $0x1  }
0xa1: {  	s23 =	simm.s32 $0x1B8B  }
0xa2: {  	_ =	swait.ge [sflag:s23], $0x1  }
0xa3: {  	[sflag:s23] =	ssyncset.done $0x0  }
0xa4: {  	s25 =	simm.s32 $0x1B8E;
	s24 =	sld [smem:$0x3FFE];
	[sflag:s23] =	ssyncadd.s32 $0xFFFFFFFF  }
0xa5: {  	s26 =	simm.s32 $execute0_lowered;
	[smem:$0x3FD2] =	sst s25  }
0xa6: {  	s5 =	sshll.u32 s26, $0x1;
	_ =	strace $0x80000049;
	[dreg:$0x1] =	wrdreg $0xFFFFFFFF  }
0xa7: {  	s28 =	simm.s32 $_size_execute0_lowered;
	s3 =	sadd.s32 s3, s5;
	[dreg:$0x0] =	wrdreg $0x0  }
0xa8: {  	s5 =	sshll.u32 s28, $0x1;
	[dreg:$0x2] =	wrdreg s3  }
0xa9: {  	[dreg:$0x3] =	wrdreg s5  }
0xaa: {  	[dreg:$0x4] =	wrdreg $0xC0  }
0xab: {  	_ =	task [dreg:s7], $0x5FFFF  }
0xac: {  	[dreg:$0x1] =	wrdreg $0xFFFFFFFF  }
0xad: {  	[dreg:$0x0] =	wrdreg $0x60  }
0xae: {  	[dreg:$0x2] =	wrdreg s24  }
0xaf: {  	[dreg:$0x3] =	wrdreg s2  }
0xb0: {  	[dreg:$0x4] =	wrdreg $0x9  }
0xb1: {  	_ =	task.clear_ibuf [dreg:s7], $0x5FFFF;
	_ =	strace $0x90000049  }
0xb2: {  	s29 =	simm.s32 $0x9;
	_ =	strace $0x8000004B  }
0xb3: {  	_ =	swait.ge [sflag:s29], $0x1  }
0xb4: {  	[sflag:s29] =	ssyncadd.s32 $0xFFFFFFFF  }
0xb5: {  	_ =	strace $0x9000004B  }
0xb6: {  	_ =	sfence  }
0xb7: {  	s30 =	sld [smem:$0x0];
	_ =	sdelay $0x2  }
0xb8: {  	s31 =	sshll.u32 s1, $0xD;
	s1 =	sshrl.u32 s1, $0x2  }
0xb9: {  	s3 =	sand.u32 $0x4000, s31;
	s1 =	sadd.s32 s1, s30  }
0xba: {  	s0 =	sor.u32 s3, s0;
	s1 =	sshll.u32 s1, $0x11  }
0xbb: {  	s0 =	sor.u32 s1, s0  }
0xbc: {  	s0 =	sadd.s32 $0x8F2B, s0  }
0xbd: {  	[sflag:s0] =	ssyncadd.remote.s32 $0x1  }
0xbe: {  	_ =	sfence.sel $0xFFFF  }
0xbf: {  	[dreg:$0x0] =	wrdreg $0xFFFFFFFF;
	(pc) =	sbr.abs _section_cstart, $3  }
0xc0: {  	[dreg:$0x1] =	wrdreg $0xFFFFFFFF  }
0xc1: {  	_ =	task.clear_ibuf [dreg:s7], $0x2FFFF;
	_ =	strace $0x9FFFFFFF  }
0xc2: {  	(tm) =	ssettm $0x7FFFFFFF  }
0xc3: {  	_ =	shalt  }
tec
execute0_lowered:
.L_overlay_start_1:
0x0: {  	(tag) =	ssettag $0x1  }
0x1: {  	s0 =	rddreg [dreg:$0x0]  }
0x2: {  	s2 =	rddreg [dreg:$0x1];
	s1 =	simm.s32 $0x0;
	s4 =	srdreg.scid  }
0x3: {  	s5 =	stileid.u32;
	s19 =	simm.s32 $0x1;
	s20 =	simm.s32 $0x8000  }
0x4: {  	s21 =	simm.s32 $0x8800;
	s22 =	simm.s32 $0x9000;
	s23 =	simm.s32 $0x9800  }
0x5: {  	s28 =	simm.s32 $0xB800;
	s29 =	simm.s32 $0x2;
	s30 =	simm.s32 $0x0  }
0x6: {  	[smem:$0x7FF] =	sst s1;
	s3 =	sadd.s32 $0x10E00, s0;
	s11 =	sadd.s32 $0x10A00, s0  }
0x7: {  	s4 =	sand.u32 $0x1, s4;
	s12 =	sadd.s32 $0x10C00, s0;
	s5 =	sshll.u32 s5, $0x7  }
0x8: {  	s13 =	sadd.s32 $0xA00, s0;
	s6 =	sshll.u32 s4, $0x6;
	s4 =	ssub.s32 $0x2, s4  }
0x9: {  	s14 =	sadd.s32 $0x8A00, s0;
	s9 =	sor.u32 s6, s5;
	s24 =	sshrl.u32 s4, $0x1  }
0xa: {  	_ =	strace $0x8000004A;
	s7 =	sshrl.u32 s9, $0x3;
	s4 =	ssub.s32 s4, s24  }
0xb: {  	s8 =	sshll.u32 s9, $0x4;
	s15 =	sor.u32 $0x20, s9;
	s9 =	sadd.s32 $0x11000, s0  }
0xc: {  	s24 =	simm.s32 $0xA000;
	s25 =	sadd.s32 s11, s7;
	s26 =	sadd.s32 s12, s7  }
0xd: {  	s6 =	sadd.s32 s13, s8;
	s10 =	smul.u32 $0x300, s7;
	s7 =	sadd.s32 s14, s8  }
0xe: {  	s8 =	sadd.s32 $0x10F00, s0;
	s31 =	sshrl.u32 s15, $0x3;
	[dreg:$0x3] =	wrdreg s25  }
0xf: {  	s15 =	sshll.u32 s15, $0x4;
	[dreg:$0x4] =	wrdreg s26;
	s11 =	sadd.s32 s11, s31  }
0x10: {  	v2 =	vlaneseq.u32;
	s16 =	smul.u32 $0x300, s31;
	s12 =	sadd.s32 s12, s31;
	s13 =	sadd.s32 s13, s15  }
0x11: {  	vm0 =	vmmov $0xffff;
	v1 =	vshrl.u32 v2, $0x3;
	s14 =	sadd.s32 s14, s15;
	s25 =	simm.s32 $0xA800;
	s26 =	simm.s32 $0xB000  }
0x12: {  	v0 =	vand.u32 $0x7, v2;
	v2 =	vor.u32 $0x8, v2;
	v1 =	vmul.u32 $0x8, v1;
	s10 =	sadd.s32 s2, s10;
	s15 =	sadd.s32 s2, s16;
	s16 =	smax.u32 s4, $0x1  }
.LBB2_1:
0x13: {  	s0 =	rddreg [dreg:$0x3];
	s2 =	simm.s32 $0xC000  }
0x14: {  	[tilespmem:s2], [sflag:$0x1] =	stream.linear.gather [hbm4b:s0+s1], $0x20, $0x38;
	[tilespmem:$0xE100] =	vst v63  }
0x15: {  	s5 =	rddreg [dreg:$0x4];
	s17 =	simm.s32 $0xC080  }
0x16: {  	[tilespmem:s17], [sflag:$0x1] =	stream.linear.gather [hbm4b:s5+s1], $0x20, $0x38;
	[tilespmem:$0xE100] =	vst v63  }
0x17: {  	s31 =	simm.s32 $0xC100  }
0x18: {  	[tilespmem:s31], [sflag:$0x1] =	stream.linear.gather [hbm4b:s6+s1], $0x1000, $0x38;
	[tilespmem:$0xE100] =	vst v63  }
0x19: {  	s0 =	simm.s32 $0xD100  }
0x1a: {  	[tilespmem:s0], [sflag:$0x1] =	stream.linear.gather [hbm4b:s7+s1], $0x1000, $0x38;
	[tilespmem:$0xE100] =	vst v63  }
0x1b: {  	_ =	swait.ge [sflag:s19], $0x20  }
0x1c: {  	[sflag:s19] =	ssyncset.done $0x0  }
0x1d: {  	[sflag:s19] =	ssyncadd.s32 $0xFFFFFFE0  }
0x1e: {  	_ =	swait.ge [sflag:s19], $0x20  }
0x1f: {  	[sflag:s19] =	ssyncset.done $0x0  }
0x20: {  	[sflag:s19] =	ssyncadd.s32 $0xFFFFFFE0  }
0x21: {  	_ =	swait.ge [sflag:s19], $0x1000  }
0x22: {  	[sflag:s19] =	ssyncset.done $0x0  }
0x23: {  	[sflag:s19] =	ssyncadd.s32 $0xFFFFF000  }
0x24: {  	_ =	swait.ge [sflag:s19], $0x1000  }
0x25: {  	[sflag:s19] =	ssyncset.done $0x0  }
0x26: {  	[sflag:s19] =	ssyncadd.s32 $0xFFFFF000  }
0x27: {  	v3 =	vld [tilespmem:$0xC000];
	_ =	sdelay $0x4  }
0x28: {  	v4 =	vshrl.u32 v3, $0x3  }
0x29: {  	v4 =	vmul.u32 $0x30, v4  }
0x2a: {  	v3 =	vand.u32 $0x7, v3  }
0x2b: {  	v3 =	vor.u32 v3, v4  }
0x2c: {  	v4 =	vperm.xlane v3, v0;
	_ =	sdelay $0x1  }
0x2d: {  	v4 =	vadd.s32 v1, v4;
	_ =	sdelay $0x3  }
0x2e: {  	v3 =	vperm.xlane v3, v2  }
0x2f: {  	[tilespmem:s1], [sflag:$0x1] =	stream.indirect_vreg.gather [hbm4b:s3+s1], $0x80, v4, vm0, $0xb8;
	[tilespmem:$0xE100] =	vst v63  }
0x30: {  	s18 =	simm.s32 $0x800;
	v3 =	vadd.s32 v1, v3  }
0x31: {  	[tilespmem:s18], [sflag:$0x1] =	stream.indirect_vreg.gather [hbm4b:s8+s1], $0x80, v4, vm0, $0xb8;
	[tilespmem:$0xE100] =	vst v63  }
0x32: {  	s4 =	simm.s32 $0x1000  }
0x33: {  	[tilespmem:s4], [sflag:$0x1] =	stream.indirect_vreg.gather [hbm4b:s9+s1], $0x80, v4, vm0, $0xb8;
	[tilespmem:$0xE100] =	vst v63  }
0x34: {  	s5 =	simm.s32 $0x1800  }
0x35: {  	[tilespmem:s5], [sflag:$0x1] =	stream.indirect_vreg.gather [hbm4b:s3+s1], $0x80, v3, vm0, $0xb8;
	[tilespmem:$0xE100] =	vst v63  }
0x36: {  	s17 =	simm.s32 $0x2000  }
0x37: {  	[tilespmem:s17], [sflag:$0x1] =	stream.indirect_vreg.gather [hbm4b:s8+s1], $0x80, v3, vm0, $0xb8;
	[tilespmem:$0xE100] =	vst v63  }
0x38: {  	s18 =	simm.s32 $0x2800  }
0x39: {  	[tilespmem:s18], [sflag:$0x1] =	stream.indirect_vreg.gather [hbm4b:s9+s1], $0x80, v3, vm0, $0xb8;
	[tilespmem:$0xE100] =	vst v63  }
0x3a: {  	v3 =	vld [tilespmem:$0xC010];
	_ =	sdelay $0x4  }
0x3b: {  	v4 =	vshrl.u32 v3, $0x3  }
0x3c: {  	v4 =	vmul.u32 $0x30, v4  }
0x3d: {  	v3 =	vand.u32 $0x7, v3  }
0x3e: {  	v3 =	vor.u32 v3, v4  }
0x3f: {  	v4 =	vperm.xlane v3, v0;
	_ =	sdelay $0x1  }
0x40: {  	v4 =	vadd.s32 v1, v4;
	_ =	sdelay $0x3  }
0x41: {  	s4 =	simm.s32 $0x3000;
	v3 =	vperm.xlane v3, v2  }
0x42: {  	[tilespmem:s4], [sflag:$0x1] =	stream.indirect_vreg.gather [hbm4b:s3+s1], $0x80, v4, vm0, $0xb8;
	[tilespmem:$0xE100] =	vst v63  }
0x43: {  	s5 =	simm.s32 $0x3800;
	v3 =	vadd.s32 v1, v3  }
0x44: {  	[tilespmem:s5], [sflag:$0x1] =	stream.indirect_vreg.gather [hbm4b:s8+s1], $0x80, v4, vm0, $0xb8;
	[tilespmem:$0xE100] =	vst v63  }
0x45: {  	s17 =	simm.s32 $0x4000  }
0x46: {  	[tilespmem:s17], [sflag:$0x1] =	stream.indirect_vreg.gather [hbm4b:s9+s1], $0x80, v4, vm0, $0xb8;
	[tilespmem:$0xE100] =	vst v63  }
0x47: {  	s18 =	simm.s32 $0x4800  }
0x48: {  	[tilespmem:s18], [sflag:$0x1] =	stream.indirect_vreg.gather [hbm4b:s3+s1], $0x80, v3, vm0, $0xb8;
	[tilespmem:$0xE100] =	vst v63  }
0x49: {  	s4 =	simm.s32 $0x5000  }
0x4a: {  	[tilespmem:s4], [sflag:$0x1] =	stream.indirect_vreg.gather [hbm4b:s8+s1], $0x80, v3, vm0, $0xb8;
	[tilespmem:$0xE100] =	vst v63  }
0x4b: {  	s5 =	simm.s32 $0x5800  }
0x4c: {  	[tilespmem:s5], [sflag:$0x1] =	stream.indirect_vreg.gather [hbm4b:s9+s1], $0x80, v3, vm0, $0xb8;
	[tilespmem:$0xE100] =	vst v63  }
0x4d: {  	v3 =	vld [tilespmem:$0xC080];
	_ =	sdelay $0x4  }
0x4e: {  	v4 =	vshrl.u32 v3, $0x3  }
0x4f: {  	v4 =	vmul.u32 $0x30, v4  }
0x50: {  	v3 =	vand.u32 $0x7, v3  }
0x51: {  	v3 =	vor.u32 v3, v4  }
0x52: {  	v4 =	vperm.xlane v3, v0;
	_ =	sdelay $0x1  }
0x53: {  	v4 =	vadd.s32 v1, v4;
	_ =	sdelay $0x3  }
0x54: {  	s17 =	simm.s32 $0x6000;
	v3 =	vperm.xlane v3, v2  }
0x55: {  	[tilespmem:s17], [sflag:$0x1] =	stream.indirect_vreg.gather [hbm4b:s3+s1], $0x80, v4, vm0, $0xb8;
	[tilespmem:$0xE100] =	vst v63  }
0x56: {  	s18 =	simm.s32 $0x6800;
	v3 =	vadd.s32 v1, v3  }
0x57: {  	[tilespmem:s18], [sflag:$0x1] =	stream.indirect_vreg.gather [hbm4b:s8+s1], $0x80, v4, vm0, $0xb8;
	[tilespmem:$0xE100] =	vst v63  }
0x58: {  	s4 =	simm.s32 $0x7000  }
0x59: {  	[tilespmem:s4], [sflag:$0x1] =	stream.indirect_vreg.gather [hbm4b:s9+s1], $0x80, v4, vm0, $0xb8;
	[tilespmem:$0xE100] =	vst v63  }
0x5a: {  	s5 =	simm.s32 $0x7800  }
0x5b: {  	[tilespmem:s5], [sflag:$0x1] =	stream.indirect_vreg.gather [hbm4b:s3+s1], $0x80, v3, vm0, $0xb8;
	[tilespmem:$0xE100] =	vst v63  }
0x5c: {  	_ = 	snop  }
0x5d: {  	[tilespmem:s20], [sflag:$0x1] =	stream.indirect_vreg.gather [hbm4b:s8+s1], $0x80, v3, vm0, $0xb8;
	[tilespmem:$0xE100] =	vst v63  }
0x5e: {  	_ = 	snop  }
0x5f: {  	[tilespmem:s21], [sflag:$0x1] =	stream.indirect_vreg.gather [hbm4b:s9+s1], $0x80, v3, vm0, $0xb8;
	[tilespmem:$0xE100] =	vst v63  }
0x60: {  	v3 =	vld [tilespmem:$0xC090];
	_ =	sdelay $0x4  }
0x61: {  	v4 =	vshrl.u32 v3, $0x3  }
0x62: {  	v4 =	vmul.u32 $0x30, v4  }
0x63: {  	v3 =	vand.u32 $0x7, v3  }
0x64: {  	v3 =	vor.u32 v3, v4  }
0x65: {  	v4 =	vperm.xlane v3, v0;
	_ =	sdelay $0x1  }
0x66: {  	v4 =	vadd.s32 v1, v4;
	_ =	sdelay $0x3  }
0x67: {  	v3 =	vperm.xlane v3, v2  }
0x68: {  	[tilespmem:s22], [sflag:$0x1] =	stream.indirect_vreg.gather [hbm4b:s3+s1], $0x80, v4, vm0, $0xb8;
	[tilespmem:$0xE100] =	vst v63  }
0x69: {  	v3 =	vadd.s32 v1, v3  }
0x6a: {  	[tilespmem:s23], [sflag:$0x1] =	stream.indirect_vreg.gather [hbm4b:s8+s1], $0x80, v4, vm0, $0xb8;
	[tilespmem:$0xE100] =	vst v63  }
0x6b: {  	_ = 	snop  }
0x6c: {  	[tilespmem:s24], [sflag:$0x1] =	stream.indirect_vreg.gather [hbm4b:s9+s1], $0x80, v4, vm0, $0xb8;
	[tilespmem:$0xE100] =	vst v63  }
0x6d: {  	_ = 	snop  }
0x6e: {  	[tilespmem:s25], [sflag:$0x1] =	stream.indirect_vreg.gather [hbm4b:s3+s1], $0x80, v3, vm0, $0xb8;
	[tilespmem:$0xE100] =	vst v63  }
0x6f: {  	_ = 	snop  }
0x70: {  	[tilespmem:s26], [sflag:$0x1] =	stream.indirect_vreg.gather [hbm4b:s8+s1], $0x80, v3, vm0, $0xb8;
	[tilespmem:$0xE100] =	vst v63  }
0x71: {  	_ = 	snop  }
0x72: {  	[tilespmem:s28], [sflag:$0x1] =	stream.indirect_vreg.gather [hbm4b:s9+s1], $0x80, v3, vm0, $0xb8;
	[tilespmem:$0xE100] =	vst v63  }
0x73: {  	_ =	swait.ge [sflag:s19], $0x6000  }
0x74: {  	[sflag:s19] =	ssyncset.done $0x0  }
0x75: {  	s17 =	simm.s32 $0x0;
	[sflag:s19] =	ssyncadd.s32 $0xFFFFA000  }
0x76: {  	s2 =	smul.u32 $0x1800, s17;
	_ =	swait.ge [sflag:s19], $0x6000  }
0x77: {  	s4 =	sand.u32 $0x380, s1;
	[sflag:s19] =	ssyncset.done $0x0  }
0x78: {  	s17 =	sor.u32 s4, s2;
	[sflag:s19] =	ssyncadd.s32 $0xFFFFA000  }
0x79: {  	v4 =	vld [tilespmem:s17+$0x10]  }
0x7a: {  	v3 =	vld [tilespmem:s17+$0x6010]  }
0x7b: {  	v6 =	vld [tilespmem:s17+$0x20]  }
0x7c: {  	v5 =	vld [tilespmem:s17+$0x6020]  }
0x7d: {  	v10 =	vld [tilespmem:s17+$0x30]  }
0x7e: {  	v9 =	vld [tilespmem:s17+$0x6030]  }
0x7f: {  	v12 =	vld [tilespmem:s17+$0x40]  }
0x80: {  	v11 =	vld [tilespmem:s17+$0x6040]  }
0x81: {  	v13 =	vld [tilespmem:s17+$0x60]  }
0x82: {  	v14 =	vld [tilespmem:s17+$0x70]  }
0x83: {  	v15 =	vld [tilespmem:s17+$0x400]  }
0x84: {  	v16 =	vld [tilespmem:s17+$0x410]  }
0x85: {  	v17 =	vld [tilespmem:s17+$0x420]  }
0x86: {  	v18 =	vld [tilespmem:s17+$0x430]  }
0x87: {  	v19 =	vld [tilespmem:s17+$0x440]  }
0x88: {  	v20 =	vld [tilespmem:s17+$0x450]  }
0x89: {  	v21 =	vld [tilespmem:s17+$0x460]  }
0x8a: {  	v22 =	vld [tilespmem:s17+$0x470]  }
0x8b: {  	v23 =	vld [tilespmem:s17+$0x800]  }
0x8c: {  	v24 =	vld [tilespmem:s17+$0x810]  }
0x8d: {  	v25 =	vld [tilespmem:s17+$0x820]  }
0x8e: {  	v26 =	vld [tilespmem:s17+$0x830]  }
0x8f: {  	v27 =	vld [tilespmem:s17+$0x840]  }
0x90: {  	v28 =	vld [tilespmem:s17+$0x850]  }
0x91: {  	v29 =	vld [tilespmem:s17+$0x860]  }
0x92: {  	v30 =	vld [tilespmem:s17+$0x870]  }
0x93: {  	v31 =	vld [tilespmem:s17+$0xC00]  }
0x94: {  	v32 =	vld [tilespmem:s17+$0xC10]  }
0x95: {  	v33 =	vld [tilespmem:s17+$0xC20]  }
0x96: {  	v34 =	vld [tilespmem:s17+$0xC30]  }
0x97: {  	v35 =	vld [tilespmem:s17+$0xC40]  }
0x98: {  	v36 =	vld [tilespmem:s17+$0xC50]  }
0x99: {  	v37 =	vld [tilespmem:s17+$0xC60]  }
0x9a: {  	v38 =	vld [tilespmem:s17+$0xC70]  }
0x9b: {  	v39 =	vld [tilespmem:s17+$0x1000]  }
0x9c: {  	v40 =	vld [tilespmem:s17+$0x1010]  }
0x9d: {  	v41 =	vld [tilespmem:s17+$0x1020]  }
0x9e: {  	v42 =	vld [tilespmem:s17+$0x1030]  }
0x9f: {  	v43 =	vld [tilespmem:s17+$0x1040]  }
0xa0: {  	v44 =	vld [tilespmem:s17+$0x1050]  }
0xa1: {  	v45 =	vld [tilespmem:s17+$0x1060]  }
0xa2: {  	v46 =	vld [tilespmem:s17+$0x1400]  }
0xa3: {  	v47 =	vld [tilespmem:s17+$0x1410]  }
0xa4: {  	v48 =	vld [tilespmem:s17+$0x7410]  }
0xa5: {  	v49 =	vld [tilespmem:s17+$0x7430]  }
0xa6: {  	v50 =	vld [tilespmem:s17+$0x1430]  }
0xa7: {  	v51 =	vld [tilespmem:s17+$0x1420]  }
0xa8: {  	v7 =	vld [tilespmem:s31+$0x0]  }
0xa9: {  	v8 =	vld [tilespmem:s0+$0x0]  }
0xaa: {  	v52 =	vld [tilespmem:s17+$0x7420]  }
0xab: {  	v53 =	vld [tilespmem:s17+$0x7400]  }
0xac: {  	v54 =	vld [tilespmem:s17+$0x1070]  }
0xad: {  	v55 =	vld [tilespmem:s17+$0x7070];
	v50 =	vmul.f32 v50, v7  }
0xae: {  	v56 =	vld [tilespmem:s17+$0x7060];
	v49 =	vmul.f32 v49, v8;
	v51 =	vmul.f32 v51, v7  }
0xaf: {  	v57 =	vld [tilespmem:s17+$0x7050];
	v52 =	vmul.f32 v52, v8;
	v47 =	vmul.f32 v47, v7  }
0xb0: {  	v61 =	vld [tilespmem:s17+$0x7000];
	v48 =	vmul.f32 v48, v8;
	v46 =	vmul.f32 v46, v7  }
0xb1: {  	v58 =	vld [tilespmem:s17+$0x7040];
	v62 =	vmul.f32 v53, v8;
	v63 =	vmul.f32 v54, v7;
	v49 =	vadd.f32 v49, v50  }
0xb2: {  	v53 =	vld [tilespmem:s17+$0x7030];
	v59 =	vmul.f32 v55, v8;
	v45 =	vmul.f32 v45, v7;
	v51 =	vadd.f32 v52, v51  }
0xb3: {  	v60 =	vmul.f32 v56, v8;
	v44 =	vmul.f32 v44, v7;
	v56 =	vld [tilespmem:s17+$0x6C60];
	v47 =	vadd.f32 v48, v47;
	[tilespmem:s17+$0x1430] =	vst v49  }
0xb4: {  	v43 =	vmul.f32 v43, v7;
	v39 =	vmul.f32 v39, v7;
	v55 =	vld [tilespmem:s17+$0x6870];
	v46 =	vadd.f32 v62, v46;
	[tilespmem:s17+$0x1420] =	vst v51  }
0xb5: {  	v61 =	vmul.f32 v61, v8;
	v12 =	vmul.f32 v12, v7;
	v48 =	vld [tilespmem:s17+$0x7020];
	v52 =	vadd.f32 v59, v63;
	[tilespmem:s17+$0x1410] =	vst v47  }
0xb6: {  	v11 =	vmul.f32 v11, v8;
	v63 =	vmul.f32 v58, v8;
	v45 =	vadd.f32 v60, v45;
	v58 =	vld [tilespmem:s17+$0x6C50];
	[tilespmem:s17+$0x1400] =	vst v46  }
0xb7: {  	v42 =	vmul.f32 v42, v7;
	v62 =	vmul.f32 v57, v8;
	v59 =	vld [tilespmem:s17+$0x6C40];
	v39 =	vadd.f32 v61, v39;
	[tilespmem:s17+$0x1070] =	vst v52  }
0xb8: {  	v41 =	vmul.f32 v41, v7;
	v40 =	vmul.f32 v40, v7;
	v60 =	vld [tilespmem:s17+$0x6C30];
	v11 =	vadd.f32 v11, v12;
	[tilespmem:s17+$0x1060] =	vst v45  }
0xb9: {  	v38 =	vmul.f32 v38, v7;
	v61 =	vld [tilespmem:s17+$0x6810];
	v44 =	vadd.f32 v62, v44;
	[tilespmem:s17+$0x1000] =	vst v39;
	v57 =	vmul.f32 v53, v8  }
0xba: {  	v37 =	vmul.f32 v37, v7;
	v49 =	vld [tilespmem:s17+$0x7010];
	v43 =	vadd.f32 v63, v43;
	[tilespmem:s17+$0x40] =	vst v11;
	v46 =	vmul.f32 v56, v8  }
0xbb: {  	v36 =	vmul.f32 v36, v7;
	v47 =	vld [tilespmem:s17+$0x6C70];
	[tilespmem:s17+$0x1050] =	vst v44;
	v48 =	vmul.f32 v48, v8;
	v42 =	vadd.f32 v57, v42  }
0xbc: {  	v35 =	vmul.f32 v35, v7;
	v62 =	vld [tilespmem:s17+$0x6C20];
	[tilespmem:s17+$0x1040] =	vst v43;
	v54 =	vmul.f32 v58, v8;
	v37 =	vadd.f32 v46, v37  }
0xbd: {  	v34 =	vmul.f32 v34, v7;
	v63 =	vld [tilespmem:s17+$0x6C10];
	v45 =	vmul.f32 v59, v8;
	v41 =	vadd.f32 v48, v41;
	[tilespmem:s17+$0x1030] =	vst v42  }
0xbe: {  	v33 =	vmul.f32 v33, v7;
	v56 =	vld [tilespmem:s17+$0x6860];
	v44 =	vmul.f32 v60, v8;
	v36 =	vadd.f32 v54, v36;
	[tilespmem:s17+$0xC60] =	vst v37  }
0xbf: {  	v32 =	vmul.f32 v32, v7;
	v53 =	vld [tilespmem:s17+$0x6C00];
	v49 =	vmul.f32 v49, v8;
	v35 =	vadd.f32 v45, v35;
	[tilespmem:s17+$0x1020] =	vst v41  }
0xc0: {  	v6 =	vmul.f32 v6, v7;
	v12 =	vld [tilespmem:s17+$0x1460];
	v47 =	vmul.f32 v47, v8;
	v34 =	vadd.f32 v44, v34;
	[tilespmem:s17+$0xC50] =	vst v36  }
0xc1: {  	v5 =	vmul.f32 v5, v8;
	v58 =	vld [tilespmem:s17+$0x6840];
	v43 =	vmul.f32 v62, v8;
	v40 =	vadd.f32 v49, v40;
	[tilespmem:s17+$0xC40] =	vst v35  }
0xc2: {  	v29 =	vmul.f32 v29, v7;
	v59 =	vld [tilespmem:s17+$0x6830];
	v42 =	vmul.f32 v63, v8;
	v38 =	vadd.f32 v47, v38;
	[tilespmem:s17+$0xC30] =	vst v34  }
0xc3: {  	v5 =	vadd.f32 v5, v6;
	v6 =	vld [tilespmem:s17+$0x0];
	v39 =	vmul.f32 v56, v8;
	v33 =	vadd.f32 v43, v33;
	[tilespmem:s17+$0x1010] =	vst v40  }
0xc4: {  	v31 =	vmul.f32 v31, v7;
	v60 =	vld [tilespmem:s17+$0x6820];
	v41 =	vmul.f32 v53, v8;
	v32 =	vadd.f32 v42, v32;
	[tilespmem:s17+$0xC70] =	vst v38  }
0xc5: {  	v24 =	vmul.f32 v24, v7;
	v57 =	vld [tilespmem:s17+$0x6850];
	v34 =	vmul.f32 v61, v8;
	v29 =	vadd.f32 v39, v29;
	[tilespmem:s17+$0xC20] =	vst v33  }
0xc6: {  	v27 =	vmul.f32 v27, v7;
	v62 =	vld [tilespmem:s17+$0x6800];
	v37 =	vmul.f32 v58, v8;
	v31 =	vadd.f32 v41, v31;
	[tilespmem:s17+$0xC10] =	vst v32  }
0xc7: {  	v26 =	vmul.f32 v26, v7;
	v63 =	vld [tilespmem:s17+$0x6470];
	v36 =	vmul.f32 v59, v8;
	v24 =	vadd.f32 v34, v24;
	[tilespmem:s17+$0x860] =	vst v29  }
0xc8: {  	v30 =	vmul.f32 v30, v7;
	v40 =	vmul.f32 v55, v8;
	v27 =	vadd.f32 v37, v27;
	v29 =	vld [tilespmem:s17+$0x6440];
	[tilespmem:s17+$0xC00] =	vst v31  }
0xc9: {  	v25 =	vmul.f32 v25, v7;
	v35 =	vmul.f32 v60, v8;
	v26 =	vadd.f32 v36, v26;
	v31 =	vld [tilespmem:s17+$0x6460];
	[tilespmem:s17+$0x810] =	vst v24  }
0xca: {  	v28 =	vmul.f32 v28, v7;
	v38 =	vmul.f32 v57, v8;
	v30 =	vadd.f32 v40, v30;
	v24 =	vld [tilespmem:s17+$0x6070];
	[tilespmem:s17+$0x840] =	vst v27  }
0xcb: {  	v23 =	vmul.f32 v23, v7;
	v33 =	vmul.f32 v62, v8;
	v25 =	vadd.f32 v35, v25;
	v27 =	vld [tilespmem:s17+$0x6420];
	[tilespmem:s17+$0x830] =	vst v26  }
0xcc: {  	v22 =	vmul.f32 v22, v7;
	v32 =	vmul.f32 v63, v8;
	v28 =	vadd.f32 v38, v28;
	[tilespmem:s17+$0x870] =	vst v30;
	v30 =	vld [tilespmem:s17+$0x6450]  }
0xcd: {  	v19 =	vmul.f32 v19, v7;
	v23 =	vadd.f32 v33, v23;
	[tilespmem:s17+$0x820] =	vst v25;
	v25 =	vld [tilespmem:s17+$0x6400];
	v29 =	vmul.f32 v29, v8  }
0xce: {  	v21 =	vmul.f32 v21, v7;
	v22 =	vadd.f32 v32, v22;
	[tilespmem:s17+$0x850] =	vst v28;
	v28 =	vld [tilespmem:s17+$0x6430];
	v31 =	vmul.f32 v31, v8  }
0xcf: {  	v14 =	vmul.f32 v14, v7;
	[tilespmem:s17+$0x800] =	vst v23;
	v23 =	vld [tilespmem:s17+$0x6060];
	v24 =	vmul.f32 v24, v8;
	v19 =	vadd.f32 v29, v19  }
0xd0: {  	v17 =	vmul.f32 v17, v7;
	v26 =	vld [tilespmem:s17+$0x6410];
	[tilespmem:s17+$0x470] =	vst v22;
	v27 =	vmul.f32 v27, v8;
	v21 =	vadd.f32 v31, v21  }
0xd1: {  	v20 =	vmul.f32 v20, v7;
	v22 =	vld [tilespmem:s17+$0x50];
	v30 =	vmul.f32 v30, v8;
	v14 =	vadd.f32 v24, v14;
	[tilespmem:s17+$0x440] =	vst v19  }
0xd2: {  	v15 =	vmul.f32 v15, v7;
	v25 =	vmul.f32 v25, v8;
	v17 =	vadd.f32 v27, v17;
	v19 =	vld [tilespmem:s17+$0x7450];
	[tilespmem:s17+$0x460] =	vst v21  }
0xd3: {  	v18 =	vmul.f32 v18, v7;
	v28 =	vmul.f32 v28, v8;
	v20 =	vadd.f32 v30, v20;
	v21 =	vld [tilespmem:s17+$0x6050];
	[tilespmem:s17+$0x70] =	vst v14  }
0xd4: {  	v13 =	vmul.f32 v13, v7;
	v23 =	vmul.f32 v23, v8;
	v15 =	vadd.f32 v25, v15;
	[tilespmem:s17+$0x420] =	vst v17;
	v17 =	vld [tilespmem:s17+$0x1440]  }
0xd5: {  	v16 =	vmul.f32 v16, v7;
	v26 =	vmul.f32 v26, v8;
	v18 =	vadd.f32 v28, v18;
	[tilespmem:s17+$0x450] =	vst v20;
	v20 =	vld [tilespmem:s17+$0x7440]  }
0xd6: {  	v10 =	vmul.f32 v10, v7;
	v9 =	vmul.f32 v9, v8;
	v13 =	vadd.f32 v23, v13;
	[tilespmem:s17+$0x400] =	vst v15;
	v15 =	vld [tilespmem:s17+$0x1450]  }
0xd7: {  	v4 =	vmul.f32 v4, v7;
	v3 =	vmul.f32 v3, v8;
	v16 =	vadd.f32 v26, v16;
	[tilespmem:s17+$0x430] =	vst v18;
	v18 =	vld [tilespmem:s17+$0x7460]  }
0xd8: {  	v9 =	vadd.f32 v9, v10;
	v10 =	vmul.f32 v22, v7;
	v14 =	vld [tilespmem:s17+$0x1470];
	[tilespmem:s17+$0x60] =	vst v13;
	v13 =	vmul.f32 v21, v8  }
0xd9: {  	v3 =	vadd.f32 v3, v4;
	[tilespmem:s17+$0x410] =	vst v16;
	v16 =	vld [tilespmem:s17+$0x7470]  }
0xda: {  	s18 =	simm.s32 $0x0;
	[tilespmem:s17+$0x30] =	vst v9;
	v9 =	vld [tilespmem:s17+$0x6000];
	v11 =	vmul.f32 v17, v7;
	v17 =	vmul.f32 v20, v8;
	v4 =	vadd.f32 v13, v10  }
0xdb: {  	s2 =	smul.u32 $0x1800, s18;
	s4 =	simm.s32 $0x80;
	[tilespmem:s17+$0x20] =	vst v5;
	v5 =	vmul.f32 v15, v7;
	v10 =	vmul.f32 v19, v8  }
0xdc: {  	s18 =	sand.u32 $0x380, s4;
	v11 =	vadd.f32 v17, v11;
	[tilespmem:s17+$0x50] =	vst v4;
	v4 =	vmul.f32 v12, v7;
	v12 =	vmul.f32 v18, v8  }
0xdd: {  	s2 =	sor.u32 s18, s2;
	[tilespmem:s17+$0x10] =	vst v3;
	v5 =	vadd.f32 v10, v5  }
0xde: {  	v3 =	vld [tilespmem:s2+$0x10];
	v10 =	vmul.f32 v14, v7;
	[tilespmem:s17+$0x1440] =	vst v11;
	v11 =	vmul.f32 v16, v8;
	v12 =	vadd.f32 v12, v4  }
0xdf: {  	v7 =	vmul.f32 v6, v7;
	v8 =	vmul.f32 v9, v8;
	v4 =	vld [tilespmem:s2+$0x6010];
	[tilespmem:s17+$0x1450] =	vst v5  }
0xe0: {  	v9 =	vadd.f32 v11, v10;
	v6 =	vld [tilespmem:s2+$0x20];
	[tilespmem:s17+$0x1460] =	vst v12  }
0xe1: {  	v7 =	vadd.f32 v8, v7;
	v5 =	vld [tilespmem:s2+$0x6020]  }
0xe2: {  	v8 =	vld [tilespmem:s2+$0x30];
	[tilespmem:s17+$0x1470] =	vst v9  }
0xe3: {  	v18 =	vld [tilespmem:s2+$0x430];
	[tilespmem:s17+$0x0] =	vst v7  }
0xe4: {  	v7 =	vld [tilespmem:s2+$0x6030]  }
0xe5: {  	v10 =	vld [tilespmem:s2+$0x40]  }
0xe6: {  	v9 =	vld [tilespmem:s2+$0x6040]  }
0xe7: {  	v12 =	vld [tilespmem:s2+$0x50]  }
0xe8: {  	v11 =	vld [tilespmem:s2+$0x6050]  }
0xe9: {  	v13 =	vld [tilespmem:s2+$0x60]  }
0xea: {  	v14 =	vld [tilespmem:s2+$0x70]  }
0xeb: {  	v15 =	vld [tilespmem:s2+$0x400]  }
0xec: {  	v16 =	vld [tilespmem:s2+$0x410]  }
0xed: {  	v17 =	vld [tilespmem:s2+$0x420]  }
0xee: {  	v19 =	vld [tilespmem:s2+$0x440]  }
0xef: {  	v20 =	vld [tilespmem:s2+$0x450]  }
0xf0: {  	v21 =	vld [tilespmem:s2+$0x460]  }
0xf1: {  	v22 =	vld [tilespmem:s2+$0x470]  }
0xf2: {  	v23 =	vld [tilespmem:s2+$0x800]  }
0xf3: {  	v24 =	vld [tilespmem:s2+$0x810]  }
0xf4: {  	v25 =	vld [tilespmem:s2+$0x820]  }
0xf5: {  	v26 =	vld [tilespmem:s2+$0x830]  }
0xf6: {  	v27 =	vld [tilespmem:s2+$0x840]  }
0xf7: {  	v28 =	vld [tilespmem:s2+$0x850]  }
0xf8: {  	v29 =	vld [tilespmem:s2+$0x860]  }
0xf9: {  	v30 =	vld [tilespmem:s2+$0x870]  }
0xfa: {  	v31 =	vld [tilespmem:s2+$0xC00]  }
0xfb: {  	v34 =	vld [tilespmem:s2+$0xC10]  }
0xfc: {  	v35 =	vld [tilespmem:s2+$0xC20]  }
0xfd: {  	v36 =	vld [tilespmem:s2+$0xC30]  }
0xfe: {  	v37 =	vld [tilespmem:s2+$0xC40]  }
0xff: {  	v38 =	vld [tilespmem:s2+$0xC50]  }
0x100: {  	v39 =	vld [tilespmem:s2+$0xC60]  }
0x101: {  	v40 =	vld [tilespmem:s2+$0xC70]  }
0x102: {  	v41 =	vld [tilespmem:s2+$0x1000]  }
0x103: {  	v42 =	vld [tilespmem:s2+$0x1010]  }
0x104: {  	v43 =	vld [tilespmem:s2+$0x1020]  }
0x105: {  	v44 =	vld [tilespmem:s2+$0x1030]  }
0x106: {  	v45 =	vld [tilespmem:s2+$0x1040]  }
0x107: {  	v46 =	vld [tilespmem:s2+$0x1050]  }
0x108: {  	v47 =	vld [tilespmem:s2+$0x1060]  }
0x109: {  	v48 =	vld [tilespmem:s2+$0x1400]  }
0x10a: {  	v50 =	vld [tilespmem:s2+$0x1410]  }
0x10b: {  	v49 =	vld [tilespmem:s2+$0x7410]  }
0x10c: {  	s17 =	simm.s32 $0x2;
	v51 =	vld [tilespmem:s2+$0x7430]  }
.LBB2_2:
0x10d: {  	p0 =	sne.s32 s17, $0x1F;
	v52 =	vld [tilespmem:s2+$0x1430]  }
0x10e: {  	s31 =	sadd.s32 $0x80, s31;
	v53 =	vld [tilespmem:s2+$0x1420]  }
0x10f: {  	s0 =	sadd.s32 $0x80, s0;
	v33 =	vld [tilespmem:s31+$0x0]  }
0x110: {  	v32 =	vld [tilespmem:s0+$0x0]  }
0x111: {  	v54 =	vld [tilespmem:s2+$0x7420]  }
0x112: {  	v55 =	vld [tilespmem:s2+$0x7400]  }
0x113: {  	v56 =	vld [tilespmem:s2+$0x1070]  }
0x114: {  	v57 =	vld [tilespmem:s2+$0x7070];
	v50 =	vmul.f32 v50, v33;
	v53 =	vmul.f32 v53, v33  }
0x115: {  	v52 =	vmul.f32 v52, v33;
	v58 =	vld [tilespmem:s2+$0x7060];
	v51 =	vmul.f32 v51, v32  }
0x116: {  	v49 =	vmul.f32 v49, v32;
	v59 =	vld [tilespmem:s2+$0x7050];
	v54 =	vmul.f32 v54, v32  }
0x117: {  	v48 =	vmul.f32 v48, v33;
	v60 =	vld [tilespmem:s2+$0x7040];
	v55 =	vmul.f32 v55, v32;
	v51 =	vadd.f32 v51, v52  }
0x118: {  	v49 =	vadd.f32 v49, v50;
	v52 =	vld [tilespmem:s2+$0x7030];
	v56 =	vmul.f32 v56, v33;
	v50 =	vadd.f32 v54, v53  }
0x119: {  	v47 =	vmul.f32 v47, v33;
	v53 =	vld [tilespmem:s2+$0x7020];
	v54 =	vmul.f32 v57, v32;
	v48 =	vadd.f32 v55, v48;
	[tilespmem:s2+$0x1430] =	vst v51  }
0x11a: {  	v46 =	vmul.f32 v46, v33;
	v51 =	vld [tilespmem:s2+$0x7010];
	v55 =	vmul.f32 v58, v32;
	[tilespmem:s2+$0x1420] =	vst v50  }
0x11b: {  	v45 =	vmul.f32 v45, v33;
	v50 =	vld [tilespmem:s2+$0x7000];
	v57 =	vmul.f32 v59, v32;
	v54 =	vadd.f32 v54, v56;
	[tilespmem:s2+$0x1410] =	vst v49  }
0x11c: {  	v44 =	vmul.f32 v44, v33;
	v49 =	vld [tilespmem:s2+$0x6C70];
	v56 =	vmul.f32 v60, v32;
	v47 =	vadd.f32 v55, v47;
	[tilespmem:s2+$0x1400] =	vst v48  }
0x11d: {  	v43 =	vmul.f32 v43, v33;
	v48 =	vld [tilespmem:s2+$0x6C60];
	v52 =	vmul.f32 v52, v32;
	v46 =	vadd.f32 v57, v46;
	[tilespmem:s2+$0x1070] =	vst v54  }
0x11e: {  	v42 =	vmul.f32 v42, v33;
	v54 =	vld [tilespmem:s2+$0x6C50];
	v53 =	vmul.f32 v53, v32;
	v45 =	vadd.f32 v56, v45;
	[tilespmem:s2+$0x1060] =	vst v47  }
0x11f: {  	v41 =	vmul.f32 v41, v33;
	v47 =	vld [tilespmem:s2+$0x6C40];
	v51 =	vmul.f32 v51, v32;
	v44 =	vadd.f32 v52, v44;
	[tilespmem:s2+$0x1050] =	vst v46  }
0x120: {  	v40 =	vmul.f32 v40, v33;
	v46 =	vld [tilespmem:s2+$0x6C30];
	v50 =	vmul.f32 v50, v32;
	v43 =	vadd.f32 v53, v43;
	[tilespmem:s2+$0x1040] =	vst v45  }
0x121: {  	v39 =	vmul.f32 v39, v33;
	v45 =	vld [tilespmem:s2+$0x6C20];
	v49 =	vmul.f32 v49, v32;
	v42 =	vadd.f32 v51, v42;
	[tilespmem:s2+$0x1030] =	vst v44  }
0x122: {  	v38 =	vmul.f32 v38, v33;
	v44 =	vld [tilespmem:s2+$0x6C10];
	v48 =	vmul.f32 v48, v32;
	v41 =	vadd.f32 v50, v41;
	[tilespmem:s2+$0x1020] =	vst v43  }
0x123: {  	v37 =	vmul.f32 v37, v33;
	v43 =	vld [tilespmem:s2+$0x6C00];
	v50 =	vmul.f32 v54, v32;
	v40 =	vadd.f32 v49, v40;
	[tilespmem:s2+$0x1010] =	vst v42  }
0x124: {  	v36 =	vmul.f32 v36, v33;
	v42 =	vld [tilespmem:s2+$0x6870];
	v47 =	vmul.f32 v47, v32;
	v39 =	vadd.f32 v48, v39;
	[tilespmem:s2+$0x1000] =	vst v41  }
0x125: {  	v35 =	vmul.f32 v35, v33;
	v41 =	vld [tilespmem:s2+$0x6860];
	v46 =	vmul.f32 v46, v32;
	v38 =	vadd.f32 v50, v38;
	[tilespmem:s2+$0xC70] =	vst v40  }
0x126: {  	v34 =	vmul.f32 v34, v33;
	v40 =	vld [tilespmem:s2+$0x6850];
	v45 =	vmul.f32 v45, v32;
	v37 =	vadd.f32 v47, v37;
	[tilespmem:s2+$0xC60] =	vst v39  }
0x127: {  	v31 =	vmul.f32 v31, v33;
	v39 =	vld [tilespmem:s2+$0x6840];
	v44 =	vmul.f32 v44, v32;
	v36 =	vadd.f32 v46, v36;
	[tilespmem:s2+$0xC50] =	vst v38  }
0x128: {  	v30 =	vmul.f32 v30, v33;
	v38 =	vld [tilespmem:s2+$0x6830];
	v43 =	vmul.f32 v43, v32;
	v35 =	vadd.f32 v45, v35;
	[tilespmem:s2+$0xC40] =	vst v37  }
0x129: {  	v29 =	vmul.f32 v29, v33;
	v37 =	vld [tilespmem:s2+$0x6820];
	v42 =	vmul.f32 v42, v32;
	v34 =	vadd.f32 v44, v34;
	[tilespmem:s2+$0xC30] =	vst v36  }
0x12a: {  	v28 =	vmul.f32 v28, v33;
	v36 =	vld [tilespmem:s2+$0x6810];
	v41 =	vmul.f32 v41, v32;
	v31 =	vadd.f32 v43, v31;
	[tilespmem:s2+$0xC20] =	vst v35  }
0x12b: {  	v27 =	vmul.f32 v27, v33;
	v35 =	vld [tilespmem:s2+$0x6800];
	v40 =	vmul.f32 v40, v32;
	v30 =	vadd.f32 v42, v30;
	[tilespmem:s2+$0xC10] =	vst v34  }
0x12c: {  	v26 =	vmul.f32 v26, v33;
	v34 =	vld [tilespmem:s2+$0x6470];
	v39 =	vmul.f32 v39, v32;
	v29 =	vadd.f32 v41, v29;
	[tilespmem:s2+$0xC00] =	vst v31  }
0x12d: {  	v25 =	vmul.f32 v25, v33;
	v31 =	vld [tilespmem:s2+$0x6460];
	v38 =	vmul.f32 v38, v32;
	v28 =	vadd.f32 v40, v28;
	[tilespmem:s2+$0x870] =	vst v30  }
0x12e: {  	v24 =	vmul.f32 v24, v33;
	v30 =	vld [tilespmem:s2+$0x6450];
	v37 =	vmul.f32 v37, v32;
	v27 =	vadd.f32 v39, v27;
	[tilespmem:s2+$0x860] =	vst v29  }
0x12f: {  	v23 =	vmul.f32 v23, v33;
	v29 =	vld [tilespmem:s2+$0x6440];
	v36 =	vmul.f32 v36, v32;
	v26 =	vadd.f32 v38, v26;
	[tilespmem:s2+$0x850] =	vst v28  }
0x130: {  	v22 =	vmul.f32 v22, v33;
	v28 =	vld [tilespmem:s2+$0x6430];
	v35 =	vmul.f32 v35, v32;
	v25 =	vadd.f32 v37, v25;
	[tilespmem:s2+$0x840] =	vst v27  }
0x131: {  	v21 =	vmul.f32 v21, v33;
	v27 =	vld [tilespmem:s2+$0x6420];
	v34 =	vmul.f32 v34, v32;
	v24 =	vadd.f32 v36, v24;
	[tilespmem:s2+$0x830] =	vst v26  }
0x132: {  	v20 =	vmul.f32 v20, v33;
	v26 =	vld [tilespmem:s2+$0x6410];
	v31 =	vmul.f32 v31, v32;
	v23 =	vadd.f32 v35, v23;
	[tilespmem:s2+$0x820] =	vst v25  }
0x133: {  	v19 =	vmul.f32 v19, v33;
	v25 =	vld [tilespmem:s2+$0x6400];
	v30 =	vmul.f32 v30, v32;
	v22 =	vadd.f32 v34, v22;
	[tilespmem:s2+$0x810] =	vst v24  }
0x134: {  	v18 =	vmul.f32 v18, v33;
	v24 =	vld [tilespmem:s2+$0x6070];
	v29 =	vmul.f32 v29, v32;
	v21 =	vadd.f32 v31, v21;
	[tilespmem:s2+$0x800] =	vst v23  }
0x135: {  	v17 =	vmul.f32 v17, v33;
	v23 =	vld [tilespmem:s2+$0x6060];
	v28 =	vmul.f32 v28, v32;
	v20 =	vadd.f32 v30, v20;
	[tilespmem:s2+$0x470] =	vst v22  }
0x136: {  	v16 =	vmul.f32 v16, v33;
	v22 =	vmul.f32 v27, v32;
	v19 =	vadd.f32 v29, v19;
	[tilespmem:s2+$0x460] =	vst v21;
	v21 =	vld [tilespmem:s2+$0x7440]  }
0x137: {  	v15 =	vmul.f32 v15, v33;
	v26 =	vmul.f32 v26, v32;
	v18 =	vadd.f32 v28, v18;
	[tilespmem:s2+$0x450] =	vst v20;
	v20 =	vld [tilespmem:s2+$0x7450]  }
0x138: {  	v14 =	vmul.f32 v14, v33;
	v25 =	vmul.f32 v25, v32;
	v17 =	vadd.f32 v22, v17;
	[tilespmem:s2+$0x440] =	vst v19;
	v19 =	vld [tilespmem:s2+$0x7460]  }
0x139: {  	v13 =	vmul.f32 v13, v33;
	v22 =	vmul.f32 v24, v32;
	v16 =	vadd.f32 v26, v16;
	[tilespmem:s2+$0x430] =	vst v18;
	v18 =	vld [tilespmem:s2+$0x7470]  }
0x13a: {  	v12 =	vmul.f32 v12, v33;
	v23 =	vmul.f32 v23, v32;
	v15 =	vadd.f32 v25, v15;
	[tilespmem:s2+$0x420] =	vst v17;
	v17 =	vld [tilespmem:s2+$0x1440]  }
0x13b: {  	v10 =	vmul.f32 v10, v33;
	v11 =	vmul.f32 v11, v32;
	v14 =	vadd.f32 v22, v14;
	[tilespmem:s2+$0x410] =	vst v16;
	v16 =	vld [tilespmem:s2+$0x1450]  }
0x13c: {  	v8 =	vmul.f32 v8, v33;
	v9 =	vmul.f32 v9, v32;
	v13 =	vadd.f32 v23, v13;
	[tilespmem:s2+$0x400] =	vst v15;
	v15 =	vld [tilespmem:s2+$0x1460]  }
0x13d: {  	v6 =	vmul.f32 v6, v33;
	v7 =	vmul.f32 v7, v32;
	v11 =	vadd.f32 v11, v12;
	[tilespmem:s2+$0x70] =	vst v14;
	v12 =	vld [tilespmem:s2+$0x1470]  }
0x13e: {  	v3 =	vmul.f32 v3, v33;
	v5 =	vmul.f32 v5, v32;
	v9 =	vadd.f32 v9, v10;
	v14 =	vld [tilespmem:s2+$0x0];
	[tilespmem:s2+$0x60] =	vst v13  }
0x13f: {  	v4 =	vmul.f32 v4, v32;
	v7 =	vadd.f32 v7, v8;
	v10 =	vld [tilespmem:s2+$0x6000];
	[tilespmem:s2+$0x50] =	vst v11;
	v8 =	vmul.f32 v17, v33  }
0x140: {  	s18 =	sshrl.u32 s17, $0x3;
	v5 =	vadd.f32 v5, v6;
	v6 =	vmul.f32 v21, v32;
	[tilespmem:s2+$0x40] =	vst v9;
	v9 =	vmul.f32 v16, v33  }
0x141: {  	s4 =	sadd.s32 $0x80, s4;
	s18 =	smul.u32 $0x1800, s18;
	v3 =	vadd.f32 v4, v3;
	v4 =	vmul.f32 v20, v32;
	[tilespmem:s2+$0x30] =	vst v7;
	v7 =	vmul.f32 v15, v33  }
0x142: {  	s5 =	sand.u32 $0x380, s4;
	[tilespmem:s2+$0x20] =	vst v5;
	v5 =	vadd.f32 v6, v8;
	v6 =	vmul.f32 v19, v32;
	v8 =	vmul.f32 v12, v33  }
0x143: {  	s5 =	sor.u32 s5, s18;
	v9 =	vadd.f32 v4, v9;
	v12 =	vmul.f32 v18, v32;
	v11 =	vmul.f32 v14, v33;
	[tilespmem:s2+$0x10] =	vst v3  }
0x144: {  	v3 =	vld [tilespmem:s5+$0x10];
	v10 =	vmul.f32 v10, v32;
	[tilespmem:s2+$0x1440] =	vst v5;
	v5 =	vadd.f32 v6, v7  }
0x145: {  	v7 =	vadd.f32 v12, v8;
	v4 =	vld [tilespmem:s5+$0x6010];
	[tilespmem:s2+$0x1450] =	vst v9  }
0x146: {  	v6 =	vld [tilespmem:s5+$0x20];
	v9 =	vadd.f32 v10, v11;
	[tilespmem:s2+$0x1460] =	vst v5  }
0x147: {  	v5 =	vld [tilespmem:s5+$0x6020];
	[tilespmem:s2+$0x1470] =	vst v7  }
0x148: {  	v8 =	vld [tilespmem:s5+$0x30];
	[tilespmem:s2+$0x0] =	vst v9;
	s2 =	smov.u32 s5  }
0x149: {  	v7 =	vld [tilespmem:s2+$0x6030]  }
0x14a: {  	v10 =	vld [tilespmem:s2+$0x40]  }
0x14b: {  	v9 =	vld [tilespmem:s2+$0x6040]  }
0x14c: {  	v12 =	vld [tilespmem:s2+$0x50]  }
0x14d: {  	v11 =	vld [tilespmem:s2+$0x6050]  }
0x14e: {  	v13 =	vld [tilespmem:s2+$0x60]  }
0x14f: {  	v14 =	vld [tilespmem:s2+$0x70]  }
0x150: {  	v15 =	vld [tilespmem:s2+$0x400]  }
0x151: {  	v16 =	vld [tilespmem:s2+$0x410]  }
0x152: {  	v17 =	vld [tilespmem:s2+$0x420]  }
0x153: {  	v18 =	vld [tilespmem:s2+$0x430]  }
0x154: {  	v19 =	vld [tilespmem:s2+$0x440]  }
0x155: {  	v20 =	vld [tilespmem:s2+$0x450]  }
0x156: {  	v21 =	vld [tilespmem:s2+$0x460]  }
0x157: {  	v22 =	vld [tilespmem:s2+$0x470]  }
0x158: {  	v23 =	vld [tilespmem:s2+$0x800]  }
0x159: {  	v24 =	vld [tilespmem:s2+$0x810]  }
0x15a: {  	v25 =	vld [tilespmem:s2+$0x820]  }
0x15b: {  	v26 =	vld [tilespmem:s2+$0x830]  }
0x15c: {  	v27 =	vld [tilespmem:s2+$0x840]  }
0x15d: {  	v28 =	vld [tilespmem:s2+$0x850]  }
0x15e: {  	v29 =	vld [tilespmem:s2+$0x860]  }
0x15f: {  	v30 =	vld [tilespmem:s2+$0x870]  }
0x160: {  	v31 =	vld [tilespmem:s2+$0xC00]  }
0x161: {  	v34 =	vld [tilespmem:s2+$0xC10]  }
0x162: {  	v35 =	vld [tilespmem:s2+$0xC20]  }
0x163: {  	v36 =	vld [tilespmem:s2+$0xC30]  }
0x164: {  	v37 =	vld [tilespmem:s2+$0xC40]  }
0x165: {  	v38 =	vld [tilespmem:s2+$0xC50]  }
0x166: {  	v39 =	vld [tilespmem:s2+$0xC60]  }
0x167: {  	v40 =	vld [tilespmem:s2+$0xC70]  }
0x168: {  	v41 =	vld [tilespmem:s2+$0x1000]  }
0x169: {  	v42 =	vld [tilespmem:s2+$0x1010]  }
0x16a: {  	v43 =	vld [tilespmem:s2+$0x1020]  }
0x16b: {  	v44 =	vld [tilespmem:s2+$0x1030]  }
0x16c: {  	v45 =	vld [tilespmem:s2+$0x1040]  }
0x16d: {  	v46 =	vld [tilespmem:s2+$0x1050]  }
.Ltmp0:
0x16e: {  	v47 =	vld [tilespmem:s2+$0x1060];
	(pc) =	sbr.rel @p0 .LBB2_2-.Ltmp0, $4  }
0x16f: {  	v48 =	vld [tilespmem:s2+$0x1400]  }
0x170: {  	v50 =	vld [tilespmem:s2+$0x1410]  }
0x171: {  	v49 =	vld [tilespmem:s2+$0x7410]  }
0x172: {  	s17 =	sadd.s32 $0x1, s17;
	v51 =	vld [tilespmem:s2+$0x7430]  }
0x173: {  	v52 =	vld [tilespmem:s2+$0x1430]  }
0x174: {  	v53 =	vld [tilespmem:s2+$0x1420];
	s4 =	sadd.s32 $0x80, s31  }
0x175: {  	s0 =	sadd.s32 $0x80, s0;
	v32 =	vld [tilespmem:s4+$0x0]  }
0x176: {  	v33 =	vld [tilespmem:s0+$0x0]  }
0x177: {  	v54 =	vld [tilespmem:s2+$0x7420]  }
0x178: {  	v55 =	vld [tilespmem:s2+$0x7400]  }
0x179: {  	v56 =	vld [tilespmem:s2+$0x1070]  }
0x17a: {  	v57 =	vld [tilespmem:s2+$0x7070]  }
0x17b: {  	v58 =	vld [tilespmem:s2+$0x7060];
	v52 =	vmul.f32 v52, v32;
	v51 =	vmul.f32 v51, v33  }
0x17c: {  	v53 =	vmul.f32 v53, v32;
	v54 =	vmul.f32 v54, v33  }
0x17d: {  	v59 =	vld [tilespmem:s2+$0x7050];
	v50 =	vmul.f32 v50, v32;
	v49 =	vmul.f32 v49, v33  }
0x17e: {  	v61 =	vld [tilespmem:s2+$0x7020];
	v48 =	vmul.f32 v48, v32;
	v62 =	vmul.f32 v55, v33;
	v51 =	vadd.f32 v51, v52  }
0x17f: {  	v60 =	vld [tilespmem:s2+$0x7040];
	v63 =	vmul.f32 v56, v32;
	v57 =	vmul.f32 v57, v33;
	v53 =	vadd.f32 v54, v53  }
0x180: {  	v47 =	vmul.f32 v47, v32;
	v58 =	vmul.f32 v58, v33;
	v52 =	vld [tilespmem:s2+$0x7030];
	v49 =	vadd.f32 v49, v50;
	[tilespmem:s2+$0x1430] =	vst v51  }
0x181: {  	v46 =	vmul.f32 v46, v32;
	v45 =	vmul.f32 v45, v32;
	v50 =	vld [tilespmem:s2+$0x7000];
	v48 =	vadd.f32 v62, v48;
	[tilespmem:s2+$0x1420] =	vst v53  }
0x182: {  	v44 =	vmul.f32 v44, v32;
	v62 =	vmul.f32 v59, v33;
	v47 =	vadd.f32 v58, v47;
	v58 =	vld [tilespmem:s2+$0x6C30];
	[tilespmem:s2+$0x1410] =	vst v49  }
0x183: {  	v43 =	vmul.f32 v43, v32;
	v59 =	vmul.f32 v61, v33;
	v51 =	vld [tilespmem:s2+$0x7010];
	v53 =	vadd.f32 v57, v63;
	[tilespmem:s2+$0x1400] =	vst v48  }
0x184: {  	v42 =	vmul.f32 v42, v32;
	v49 =	vld [tilespmem:s2+$0x6C70];
	v63 =	vmul.f32 v60, v33;
	v46 =	vadd.f32 v62, v46;
	[tilespmem:s2+$0x1060] =	vst v47  }
0x185: {  	v41 =	vmul.f32 v41, v32;
	v48 =	vld [tilespmem:s2+$0x6C60];
	v43 =	vadd.f32 v59, v43;
	[tilespmem:s2+$0x1070] =	vst v53;
	v52 =	vmul.f32 v52, v33  }
0x186: {  	v40 =	vmul.f32 v40, v32;
	v57 =	vld [tilespmem:s2+$0x6C40];
	v45 =	vadd.f32 v63, v45;
	[tilespmem:s2+$0x1050] =	vst v46;
	v50 =	vmul.f32 v50, v33  }
0x187: {  	v36 =	vmul.f32 v36, v32;
	v60 =	vld [tilespmem:s2+$0x6C20];
	[tilespmem:s2+$0x1020] =	vst v43;
	v46 =	vmul.f32 v58, v33;
	v44 =	vadd.f32 v52, v44  }
0x188: {  	v39 =	vmul.f32 v39, v32;
	v62 =	vld [tilespmem:s2+$0x6C00];
	[tilespmem:s2+$0x1040] =	vst v45;
	v51 =	vmul.f32 v51, v33;
	v41 =	vadd.f32 v50, v41  }
0x189: {  	v38 =	vmul.f32 v38, v32;
	v53 =	vld [tilespmem:s2+$0x6C50];
	v49 =	vmul.f32 v49, v33;
	v36 =	vadd.f32 v46, v36;
	[tilespmem:s2+$0x1030] =	vst v44  }
0x18a: {  	v37 =	vmul.f32 v37, v32;
	v61 =	vld [tilespmem:s2+$0x6C10];
	v48 =	vmul.f32 v48, v33;
	v42 =	vadd.f32 v51, v42;
	[tilespmem:s2+$0x1000] =	vst v41  }
0x18b: {  	v35 =	vmul.f32 v35, v32;
	v59 =	vld [tilespmem:s2+$0x6810];
	v47 =	vmul.f32 v57, v33;
	v40 =	vadd.f32 v49, v40;
	[tilespmem:s2+$0xC30] =	vst v36  }
0x18c: {  	v34 =	vmul.f32 v34, v32;
	v63 =	vld [tilespmem:s2+$0x6870];
	v45 =	vmul.f32 v60, v33;
	v39 =	vadd.f32 v48, v39;
	[tilespmem:s2+$0x1010] =	vst v42  }
0x18d: {  	v55 =	vld [tilespmem:s2+$0x6850];
	v31 =	vmul.f32 v31, v32;
	v43 =	vmul.f32 v62, v33;
	v37 =	vadd.f32 v47, v37;
	[tilespmem:s2+$0xC70] =	vst v40  }
0x18e: {  	v30 =	vmul.f32 v30, v32;
	v52 =	vld [tilespmem:s2+$0x6860];
	v54 =	vmul.f32 v53, v33;
	v35 =	vadd.f32 v45, v35;
	[tilespmem:s2+$0xC60] =	vst v39  }
0x18f: {  	v56 =	vld [tilespmem:s2+$0x6840];
	v29 =	vmul.f32 v29, v32;
	v44 =	vmul.f32 v61, v33;
	v31 =	vadd.f32 v43, v31;
	[tilespmem:s2+$0xC40] =	vst v37  }
0x190: {  	v24 =	vmul.f32 v24, v32;
	v58 =	vld [tilespmem:s2+$0x6820];
	v36 =	vmul.f32 v59, v33;
	v38 =	vadd.f32 v54, v38;
	[tilespmem:s2+$0xC20] =	vst v35  }
0x191: {  	v28 =	vmul.f32 v28, v32;
	v60 =	vld [tilespmem:s2+$0x6800];
	v34 =	vadd.f32 v44, v34;
	v42 =	vmul.f32 v63, v33;
	[tilespmem:s2+$0xC00] =	vst v31  }
0x192: {  	v27 =	vmul.f32 v27, v32;
	v57 =	vld [tilespmem:s2+$0x6830];
	v40 =	vmul.f32 v55, v33;
	v24 =	vadd.f32 v36, v24;
	[tilespmem:s2+$0xC50] =	vst v38  }
0x193: {  	v26 =	vmul.f32 v26, v32;
	v61 =	vld [tilespmem:s2+$0x6470];
	v41 =	vmul.f32 v52, v33;
	[tilespmem:s2+$0xC10] =	vst v34;
	v30 =	vadd.f32 v42, v30  }
0x194: {  	v25 =	vmul.f32 v25, v32;
	v39 =	vmul.f32 v56, v33;
	v28 =	vadd.f32 v40, v28;
	[tilespmem:s2+$0x810] =	vst v24  }
0x195: {  	v23 =	vmul.f32 v23, v32;
	v31 =	vld [tilespmem:s2+$0x6460];
	v37 =	vmul.f32 v58, v33;
	v29 =	vadd.f32 v41, v29;
	[tilespmem:s2+$0x870] =	vst v30  }
0x196: {  	v22 =	vmul.f32 v22, v32;
	v35 =	vmul.f32 v60, v33;
	v27 =	vadd.f32 v39, v27;
	v30 =	vld [tilespmem:s2+$0x6450];
	[tilespmem:s2+$0x850] =	vst v28  }
0x197: {  	v10 =	vmul.f32 v10, v32;
	v38 =	vmul.f32 v57, v33;
	v25 =	vadd.f32 v37, v25;
	[tilespmem:s2+$0x860] =	vst v29;
	v29 =	vld [tilespmem:s2+$0x6440]  }
0x198: {  	v9 =	vmul.f32 v9, v33;
	v34 =	vmul.f32 v61, v33;
	v23 =	vadd.f32 v35, v23;
	v28 =	vld [tilespmem:s2+$0x6430];
	[tilespmem:s2+$0x840] =	vst v27  }
0x199: {  	v21 =	vmul.f32 v21, v32;
	v26 =	vadd.f32 v38, v26;
	v27 =	vld [tilespmem:s2+$0x6420];
	[tilespmem:s2+$0x820] =	vst v25  }
0x19a: {  	v9 =	vadd.f32 v9, v10;
	v10 =	vld [tilespmem:s2+$0x6000];
	v24 =	vmul.f32 v31, v33;
	v22 =	vadd.f32 v34, v22;
	[tilespmem:s2+$0x800] =	vst v23  }
0x19b: {  	v20 =	vmul.f32 v20, v32;
	[tilespmem:s2+$0x830] =	vst v26;
	v26 =	vld [tilespmem:s2+$0x6410];
	v23 =	vmul.f32 v30, v33  }
0x19c: {  	v19 =	vmul.f32 v19, v32;
	v25 =	vld [tilespmem:s2+$0x6400];
	v21 =	vadd.f32 v24, v21;
	[tilespmem:s2+$0x470] =	vst v22;
	v22 =	vmul.f32 v29, v33  }
0x19d: {  	v18 =	vmul.f32 v18, v32;
	v31 =	vld [tilespmem:s2+$0x6070];
	v20 =	vadd.f32 v23, v20;
	v23 =	vmul.f32 v28, v33  }
0x19e: {  	v17 =	vmul.f32 v17, v32;
	v24 =	vld [tilespmem:s2+$0x6060];
	[tilespmem:s2+$0x460] =	vst v21;
	v19 =	vadd.f32 v22, v19;
	v22 =	vmul.f32 v27, v33  }
0x19f: {  	v12 =	vmul.f32 v12, v32;
	v11 =	vmul.f32 v11, v33;
	v21 =	vld [tilespmem:s2+$0x7440];
	[tilespmem:s2+$0x450] =	vst v20;
	v18 =	vadd.f32 v23, v18  }
0x1a0: {  	v16 =	vmul.f32 v16, v32;
	v20 =	vld [tilespmem:s2+$0x7450];
	v23 =	vmul.f32 v26, v33;
	[tilespmem:s2+$0x440] =	vst v19;
	v17 =	vadd.f32 v22, v17  }
0x1a1: {  	v15 =	vmul.f32 v15, v32;
	v11 =	vadd.f32 v11, v12;
	v19 =	vld [tilespmem:s2+$0x7460];
	[tilespmem:s2+$0x430] =	vst v18;
	v18 =	vmul.f32 v25, v33  }
0x1a2: {  	v14 =	vmul.f32 v14, v32;
	v22 =	vld [tilespmem:s2+$0x7470];
	v16 =	vadd.f32 v23, v16;
	[tilespmem:s2+$0x420] =	vst v17;
	v17 =	vmul.f32 v31, v33  }
0x1a3: {  	[tilespmem:s2+$0x50] =	vst v11;
	v15 =	vadd.f32 v18, v15;
	v18 =	vld [tilespmem:s2+$0x1440]  }
0x1a4: {  	v8 =	vmul.f32 v8, v32;
	v7 =	vmul.f32 v7, v33;
	[tilespmem:s2+$0x410] =	vst v16;
	v16 =	vld [tilespmem:s2+$0x1450];
	v14 =	vadd.f32 v17, v14  }
0x1a5: {  	v6 =	vmul.f32 v6, v32;
	v5 =	vmul.f32 v5, v33;
	[tilespmem:s2+$0x400] =	vst v15;
	v15 =	vld [tilespmem:s2+$0x1460]  }
0x1a6: {  	v3 =	vmul.f32 v3, v32;
	v4 =	vmul.f32 v4, v33;
	v7 =	vadd.f32 v7, v8;
	[tilespmem:s2+$0x70] =	vst v14;
	v14 =	vld [tilespmem:s2+$0x1470]  }
0x1a7: {  	v13 =	vmul.f32 v13, v32;
	v12 =	vld [tilespmem:s2+$0x0];
	v5 =	vadd.f32 v5, v6;
	[tilespmem:s2+$0x40] =	vst v9;
	v23 =	vmul.f32 v24, v33  }
0x1a8: {  	v3 =	vadd.f32 v4, v3;
	[tilespmem:s2+$0x30] =	vst v7;
	v6 =	vmul.f32 v21, v33;
	v8 =	vmul.f32 v18, v32  }
0x1a9: {  	[tilespmem:s2+$0x20] =	vst v5;
	v13 =	vadd.f32 v23, v13;
	v4 =	vmul.f32 v20, v33;
	v9 =	vmul.f32 v16, v32  }
0x1aa: {  	[tilespmem:s2+$0x10] =	vst v3;
	v7 =	vmul.f32 v15, v32;
	v5 =	vadd.f32 v6, v8;
	v6 =	vmul.f32 v19, v33  }
0x1ab: {  	[tilespmem:s2+$0x60] =	vst v13;
	v3 =	vadd.f32 v4, v9;
	v4 =	vmul.f32 v22, v33;
	v8 =	vmul.f32 v14, v32  }
0x1ac: {  	v10 =	vmul.f32 v10, v33;
	v9 =	vmul.f32 v12, v32;
	[tilespmem:s2+$0x1440] =	vst v5;
	v5 =	vadd.f32 v6, v7  }
0x1ad: {  	[tilespmem:s2+$0x1450] =	vst v3;
	v3 =	vadd.f32 v4, v8  }
0x1ae: {  	v4 =	vadd.f32 v10, v9;
	[tilespmem:s2+$0x1460] =	vst v5  }
0x1af: {  	[tilespmem:s2+$0x1470] =	vst v3  }
0x1b0: {  	[tilespmem:s2+$0x0] =	vst v4;
	s2 =	simm.s32 $0x0  }
0x1b1: {  	[hbm4b:s10+s2] =	stream.linear.scatter [tilespmem:s2], [sflag:$0x2], $0x6000, $0x38;
	[tilespmem:$0xE100] =	vst v63  }
0x1b2: {  	_ =	swait.ge [sflag:s29], $0x6000  }
0x1b3: {  	[sflag:s29] =	ssyncset.done $0x0  }
0x1b4: {  	s4 =	simm.s32 $0xC000;
	[sflag:s29] =	ssyncadd.s32 $0xFFFFA000  }
0x1b5: {  	[tilespmem:s4], [sflag:$0x1] =	stream.linear.gather [hbm4b:s11+s2], $0x20, $0x38;
	[tilespmem:$0xE100] =	vst v63  }
0x1b6: {  	s5 =	simm.s32 $0xC080  }
0x1b7: {  	[tilespmem:s5], [sflag:$0x1] =	stream.linear.gather [hbm4b:s12+s2], $0x20, $0x38;
	[tilespmem:$0xE100] =	vst v63  }
0x1b8: {  	s0 =	simm.s32 $0xC100  }
0x1b9: {  	[tilespmem:s0], [sflag:$0x1] =	stream.linear.gather [hbm4b:s13+s2], $0x1000, $0x38;
	[tilespmem:$0xE100] =	vst v63  }
0x1ba: {  	s31 =	simm.s32 $0xD100  }
0x1bb: {  	[tilespmem:s31], [sflag:$0x1] =	stream.linear.gather [hbm4b:s14+s2], $0x1000, $0x38;
	[tilespmem:$0xE100] =	vst v63  }
0x1bc: {  	_ =	swait.ge [sflag:s19], $0x20  }
0x1bd: {  	[sflag:s19] =	ssyncset.done $0x0  }
0x1be: {  	[sflag:s19] =	ssyncadd.s32 $0xFFFFFFE0  }
0x1bf: {  	_ =	swait.ge [sflag:s19], $0x20  }
0x1c0: {  	[sflag:s19] =	ssyncset.done $0x0  }
0x1c1: {  	[sflag:s19] =	ssyncadd.s32 $0xFFFFFFE0  }
0x1c2: {  	_ =	swait.ge [sflag:s19], $0x1000  }
0x1c3: {  	[sflag:s19] =	ssyncset.done $0x0  }
0x1c4: {  	[sflag:s19] =	ssyncadd.s32 $0xFFFFF000  }
0x1c5: {  	_ =	swait.ge [sflag:s19], $0x1000  }
0x1c6: {  	[sflag:s19] =	ssyncset.done $0x0  }
0x1c7: {  	[sflag:s19] =	ssyncadd.s32 $0xFFFFF000  }
0x1c8: {  	v3 =	vld [tilespmem:$0xC000];
	_ =	sdelay $0x4  }
0x1c9: {  	v4 =	vshrl.u32 v3, $0x3  }
0x1ca: {  	v4 =	vmul.u32 $0x30, v4  }
0x1cb: {  	v3 =	vand.u32 $0x7, v3  }
0x1cc: {  	v3 =	vor.u32 v3, v4  }
0x1cd: {  	v4 =	vperm.xlane v3, v0;
	_ =	sdelay $0x1  }
0x1ce: {  	v4 =	vadd.s32 v1, v4;
	_ =	sdelay $0x3  }
0x1cf: {  	v3 =	vperm.xlane v3, v2  }
0x1d0: {  	[tilespmem:s2], [sflag:$0x1] =	stream.indirect_vreg.gather [hbm4b:s3+s2], $0x80, v4, vm0, $0xb8;
	[tilespmem:$0xE100] =	vst v63  }
0x1d1: {  	s17 =	simm.s32 $0x800;
	v3 =	vadd.s32 v1, v3  }
0x1d2: {  	[tilespmem:s17], [sflag:$0x1] =	stream.indirect_vreg.gather [hbm4b:s8+s2], $0x80, v4, vm0, $0xb8;
	[tilespmem:$0xE100] =	vst v63  }
0x1d3: {  	s18 =	simm.s32 $0x1000  }
0x1d4: {  	[tilespmem:s18], [sflag:$0x1] =	stream.indirect_vreg.gather [hbm4b:s9+s2], $0x80, v4, vm0, $0xb8;
	[tilespmem:$0xE100] =	vst v63  }
0x1d5: {  	s5 =	simm.s32 $0x1800  }
0x1d6: {  	[tilespmem:s5], [sflag:$0x1] =	stream.indirect_vreg.gather [hbm4b:s3+s2], $0x80, v3, vm0, $0xb8;
	[tilespmem:$0xE100] =	vst v63  }
0x1d7: {  	s17 =	simm.s32 $0x2000  }
0x1d8: {  	[tilespmem:s17], [sflag:$0x1] =	stream.indirect_vreg.gather [hbm4b:s8+s2], $0x80, v3, vm0, $0xb8;
	[tilespmem:$0xE100] =	vst v63  }
0x1d9: {  	s18 =	simm.s32 $0x2800  }
0x1da: {  	[tilespmem:s18], [sflag:$0x1] =	stream.indirect_vreg.gather [hbm4b:s9+s2], $0x80, v3, vm0, $0xb8;
	[tilespmem:$0xE100] =	vst v63  }
0x1db: {  	v3 =	vld [tilespmem:$0xC010];
	_ =	sdelay $0x4  }
0x1dc: {  	v4 =	vshrl.u32 v3, $0x3  }
0x1dd: {  	v4 =	vmul.u32 $0x30, v4  }
0x1de: {  	v3 =	vand.u32 $0x7, v3  }
0x1df: {  	v3 =	vor.u32 v3, v4  }
0x1e0: {  	v4 =	vperm.xlane v3, v0;
	_ =	sdelay $0x1  }
0x1e1: {  	v4 =	vadd.s32 v1, v4;
	_ =	sdelay $0x3  }
0x1e2: {  	s5 =	simm.s32 $0x3000;
	v3 =	vperm.xlane v3, v2  }
0x1e3: {  	[tilespmem:s5], [sflag:$0x1] =	stream.indirect_vreg.gather [hbm4b:s3+s2], $0x80, v4, vm0, $0xb8;
	[tilespmem:$0xE100] =	vst v63  }
0x1e4: {  	s17 =	simm.s32 $0x3800;
	v3 =	vadd.s32 v1, v3  }
0x1e5: {  	[tilespmem:s17], [sflag:$0x1] =	stream.indirect_vreg.gather [hbm4b:s8+s2], $0x80, v4, vm0, $0xb8;
	[tilespmem:$0xE100] =	vst v63  }
0x1e6: {  	s18 =	simm.s32 $0x4000  }
0x1e7: {  	[tilespmem:s18], [sflag:$0x1] =	stream.indirect_vreg.gather [hbm4b:s9+s2], $0x80, v4, vm0, $0xb8;
	[tilespmem:$0xE100] =	vst v63  }
0x1e8: {  	s5 =	simm.s32 $0x4800  }
0x1e9: {  	[tilespmem:s5], [sflag:$0x1] =	stream.indirect_vreg.gather [hbm4b:s3+s2], $0x80, v3, vm0, $0xb8;
	[tilespmem:$0xE100] =	vst v63  }
0x1ea: {  	s17 =	simm.s32 $0x5000  }
0x1eb: {  	[tilespmem:s17], [sflag:$0x1] =	stream.indirect_vreg.gather [hbm4b:s8+s2], $0x80, v3, vm0, $0xb8;
	[tilespmem:$0xE100] =	vst v63  }
0x1ec: {  	s18 =	simm.s32 $0x5800  }
0x1ed: {  	[tilespmem:s18], [sflag:$0x1] =	stream.indirect_vreg.gather [hbm4b:s9+s2], $0x80, v3, vm0, $0xb8;
	[tilespmem:$0xE100] =	vst v63  }
0x1ee: {  	v3 =	vld [tilespmem:$0xC080];
	_ =	sdelay $0x4  }
0x1ef: {  	v4 =	vshrl.u32 v3, $0x3  }
0x1f0: {  	v4 =	vmul.u32 $0x30, v4  }
0x1f1: {  	v3 =	vand.u32 $0x7, v3  }
0x1f2: {  	v3 =	vor.u32 v3, v4  }
0x1f3: {  	v4 =	vperm.xlane v3, v0;
	_ =	sdelay $0x1  }
0x1f4: {  	v4 =	vadd.s32 v1, v4;
	_ =	sdelay $0x3  }
0x1f5: {  	s5 =	simm.s32 $0x6000;
	v3 =	vperm.xlane v3, v2  }
0x1f6: {  	[tilespmem:s5], [sflag:$0x1] =	stream.indirect_vreg.gather [hbm4b:s3+s2], $0x80, v4, vm0, $0xb8;
	[tilespmem:$0xE100] =	vst v63  }
0x1f7: {  	s17 =	simm.s32 $0x6800;
	v3 =	vadd.s32 v1, v3  }
0x1f8: {  	[tilespmem:s17], [sflag:$0x1] =	stream.indirect_vreg.gather [hbm4b:s8+s2], $0x80, v4, vm0, $0xb8;
	[tilespmem:$0xE100] =	vst v63  }
0x1f9: {  	s18 =	simm.s32 $0x7000  }
0x1fa: {  	[tilespmem:s18], [sflag:$0x1] =	stream.indirect_vreg.gather [hbm4b:s9+s2], $0x80, v4, vm0, $0xb8;
	[tilespmem:$0xE100] =	vst v63  }
0x1fb: {  	s5 =	simm.s32 $0x7800  }
0x1fc: {  	[tilespmem:s5], [sflag:$0x1] =	stream.indirect_vreg.gather [hbm4b:s3+s2], $0x80, v3, vm0, $0xb8;
	[tilespmem:$0xE100] =	vst v63  }
0x1fd: {  	_ = 	snop  }
0x1fe: {  	[tilespmem:s20], [sflag:$0x1] =	stream.indirect_vreg.gather [hbm4b:s8+s2], $0x80, v3, vm0, $0xb8;
	[tilespmem:$0xE100] =	vst v63  }
0x1ff: {  	_ = 	snop  }
0x200: {  	[tilespmem:s21], [sflag:$0x1] =	stream.indirect_vreg.gather [hbm4b:s9+s2], $0x80, v3, vm0, $0xb8;
	[tilespmem:$0xE100] =	vst v63  }
0x201: {  	v3 =	vld [tilespmem:$0xC090];
	_ =	sdelay $0x4  }
0x202: {  	v4 =	vshrl.u32 v3, $0x3  }
0x203: {  	v4 =	vmul.u32 $0x30, v4  }
0x204: {  	v3 =	vand.u32 $0x7, v3  }
0x205: {  	v3 =	vor.u32 v3, v4  }
0x206: {  	v4 =	vperm.xlane v3, v0;
	_ =	sdelay $0x1  }
0x207: {  	v4 =	vadd.s32 v1, v4;
	_ =	sdelay $0x3  }
0x208: {  	v3 =	vperm.xlane v3, v2  }
0x209: {  	[tilespmem:s22], [sflag:$0x1] =	stream.indirect_vreg.gather [hbm4b:s3+s2], $0x80, v4, vm0, $0xb8;
	[tilespmem:$0xE100] =	vst v63  }
0x20a: {  	v3 =	vadd.s32 v1, v3  }
0x20b: {  	[tilespmem:s23], [sflag:$0x1] =	stream.indirect_vreg.gather [hbm4b:s8+s2], $0x80, v4, vm0, $0xb8;
	[tilespmem:$0xE100] =	vst v63  }
0x20c: {  	_ = 	snop  }
0x20d: {  	[tilespmem:s24], [sflag:$0x1] =	stream.indirect_vreg.gather [hbm4b:s9+s2], $0x80, v4, vm0, $0xb8;
	[tilespmem:$0xE100] =	vst v63  }
0x20e: {  	_ = 	snop  }
0x20f: {  	[tilespmem:s25], [sflag:$0x1] =	stream.indirect_vreg.gather [hbm4b:s3+s2], $0x80, v3, vm0, $0xb8;
	[tilespmem:$0xE100] =	vst v63  }
0x210: {  	_ = 	snop  }
0x211: {  	[tilespmem:s26], [sflag:$0x1] =	stream.indirect_vreg.gather [hbm4b:s8+s2], $0x80, v3, vm0, $0xb8;
	[tilespmem:$0xE100] =	vst v63  }
0x212: {  	_ = 	snop  }
0x213: {  	[tilespmem:s28], [sflag:$0x1] =	stream.indirect_vreg.gather [hbm4b:s9+s2], $0x80, v3, vm0, $0xb8;
	[tilespmem:$0xE100] =	vst v63  }
0x214: {  	_ =	swait.ge [sflag:s19], $0x6000  }
0x215: {  	[sflag:s19] =	ssyncset.done $0x0  }
0x216: {  	s17 =	simm.s32 $0x0;
	[sflag:s19] =	ssyncadd.s32 $0xFFFFA000  }
0x217: {  	s4 =	smul.u32 $0x1800, s17;
	_ =	swait.ge [sflag:s19], $0x6000  }
0x218: {  	s2 =	sand.u32 $0x380, s2;
	[sflag:s19] =	ssyncset.done $0x0  }
0x219: {  	s17 =	sor.u32 s2, s4;
	[sflag:s19] =	ssyncadd.s32 $0xFFFFA000  }
0x21a: {  	v4 =	vld [tilespmem:s17+$0x10]  }
0x21b: {  	v3 =	vld [tilespmem:s17+$0x6010]  }
0x21c: {  	v6 =	vld [tilespmem:s17+$0x20]  }
0x21d: {  	v5 =	vld [tilespmem:s17+$0x6020]  }
0x21e: {  	v10 =	vld [tilespmem:s17+$0x30]  }
0x21f: {  	v9 =	vld [tilespmem:s17+$0x6030]  }
0x220: {  	v12 =	vld [tilespmem:s17+$0x40]  }
0x221: {  	v11 =	vld [tilespmem:s17+$0x6040]  }
0x222: {  	v13 =	vld [tilespmem:s17+$0x60]  }
0x223: {  	v14 =	vld [tilespmem:s17+$0x70]  }
0x224: {  	v15 =	vld [tilespmem:s17+$0x400]  }
0x225: {  	v16 =	vld [tilespmem:s17+$0x410]  }
0x226: {  	v17 =	vld [tilespmem:s17+$0x420]  }
0x227: {  	v18 =	vld [tilespmem:s17+$0x430]  }
0x228: {  	v19 =	vld [tilespmem:s17+$0x440]  }
0x229: {  	v20 =	vld [tilespmem:s17+$0x450]  }
0x22a: {  	v21 =	vld [tilespmem:s17+$0x460]  }
0x22b: {  	v22 =	vld [tilespmem:s17+$0x470]  }
0x22c: {  	v23 =	vld [tilespmem:s17+$0x800]  }
0x22d: {  	v24 =	vld [tilespmem:s17+$0x810]  }
0x22e: {  	v25 =	vld [tilespmem:s17+$0x820]  }
0x22f: {  	v26 =	vld [tilespmem:s17+$0x830]  }
0x230: {  	v27 =	vld [tilespmem:s17+$0x840]  }
0x231: {  	v28 =	vld [tilespmem:s17+$0x850]  }
0x232: {  	v29 =	vld [tilespmem:s17+$0x860]  }
0x233: {  	v30 =	vld [tilespmem:s17+$0x870]  }
0x234: {  	v31 =	vld [tilespmem:s17+$0xC00]  }
0x235: {  	v32 =	vld [tilespmem:s17+$0xC10]  }
0x236: {  	v33 =	vld [tilespmem:s17+$0xC20]  }
0x237: {  	v34 =	vld [tilespmem:s17+$0xC30]  }
0x238: {  	v35 =	vld [tilespmem:s17+$0xC40]  }
0x239: {  	v36 =	vld [tilespmem:s17+$0xC50]  }
0x23a: {  	v37 =	vld [tilespmem:s17+$0xC60]  }
0x23b: {  	v38 =	vld [tilespmem:s17+$0xC70]  }
0x23c: {  	v39 =	vld [tilespmem:s17+$0x1000]  }
0x23d: {  	v40 =	vld [tilespmem:s17+$0x1010]  }
0x23e: {  	v41 =	vld [tilespmem:s17+$0x1020]  }
0x23f: {  	v42 =	vld [tilespmem:s17+$0x1030]  }
0x240: {  	v43 =	vld [tilespmem:s17+$0x1040]  }
0x241: {  	v44 =	vld [tilespmem:s17+$0x1050]  }
0x242: {  	v45 =	vld [tilespmem:s17+$0x1060]  }
0x243: {  	v46 =	vld [tilespmem:s17+$0x1400]  }
0x244: {  	v47 =	vld [tilespmem:s17+$0x1410]  }
0x245: {  	v48 =	vld [tilespmem:s17+$0x7410]  }
0x246: {  	v49 =	vld [tilespmem:s17+$0x7430]  }
0x247: {  	v50 =	vld [tilespmem:s17+$0x1430]  }
0x248: {  	v51 =	vld [tilespmem:s17+$0x1420]  }
0x249: {  	v7 =	vld [tilespmem:s0+$0x0]  }
0x24a: {  	v8 =	vld [tilespmem:s31+$0x0]  }
0x24b: {  	v52 =	vld [tilespmem:s17+$0x7420]  }
0x24c: {  	v62 =	vld [tilespmem:s17+$0x7400]  }
0x24d: {  	v63 =	vld [tilespmem:s17+$0x1070]  }
0x24e: {  	v60 =	vld [tilespmem:s17+$0x7070];
	v50 =	vmul.f32 v50, v7  }
0x24f: {  	v61 =	vld [tilespmem:s17+$0x7060];
	v49 =	vmul.f32 v49, v8;
	v51 =	vmul.f32 v51, v7  }
0x250: {  	v57 =	vld [tilespmem:s17+$0x7050];
	v52 =	vmul.f32 v52, v8;
	v47 =	vmul.f32 v47, v7  }
0x251: {  	v58 =	vld [tilespmem:s17+$0x7040];
	v48 =	vmul.f32 v48, v8;
	v46 =	vmul.f32 v46, v7  }
0x252: {  	v53 =	vld [tilespmem:s17+$0x7030];
	v62 =	vmul.f32 v62, v8;
	v63 =	vmul.f32 v63, v7;
	v49 =	vadd.f32 v49, v50  }
0x253: {  	v56 =	vld [tilespmem:s17+$0x6C60];
	v59 =	vmul.f32 v60, v8;
	v45 =	vmul.f32 v45, v7;
	v51 =	vadd.f32 v52, v51  }
0x254: {  	v55 =	vld [tilespmem:s17+$0x6870];
	v60 =	vmul.f32 v61, v8;
	v44 =	vmul.f32 v44, v7;
	v47 =	vadd.f32 v48, v47;
	[tilespmem:s17+$0x1430] =	vst v49  }
0x255: {  	v61 =	vld [tilespmem:s17+$0x7000];
	v43 =	vmul.f32 v43, v7;
	v42 =	vmul.f32 v42, v7;
	v46 =	vadd.f32 v62, v46;
	[tilespmem:s17+$0x1420] =	vst v51  }
0x256: {  	v12 =	vmul.f32 v12, v7;
	v11 =	vmul.f32 v11, v8;
	v48 =	vld [tilespmem:s17+$0x7020];
	v52 =	vadd.f32 v59, v63;
	[tilespmem:s17+$0x1410] =	vst v47  }
0x257: {  	v62 =	vmul.f32 v57, v8;
	v63 =	vmul.f32 v58, v8;
	v45 =	vadd.f32 v60, v45;
	v58 =	vld [tilespmem:s17+$0x6C50];
	[tilespmem:s17+$0x1400] =	vst v46  }
0x258: {  	v41 =	vmul.f32 v41, v7;
	v40 =	vmul.f32 v40, v7;
	v59 =	vld [tilespmem:s17+$0x6C40];
	v11 =	vadd.f32 v11, v12;
	[tilespmem:s17+$0x1070] =	vst v52  }
0x259: {  	v39 =	vmul.f32 v39, v7;
	v57 =	vmul.f32 v53, v8;
	v60 =	vld [tilespmem:s17+$0x6C30];
	v44 =	vadd.f32 v62, v44;
	[tilespmem:s17+$0x1060] =	vst v45  }
0x25a: {  	v37 =	vmul.f32 v37, v7;
	v53 =	vld [tilespmem:s17+$0x6C00];
	v43 =	vadd.f32 v63, v43;
	v46 =	vmul.f32 v56, v8;
	[tilespmem:s17+$0x40] =	vst v11  }
0x25b: {  	v38 =	vmul.f32 v38, v7;
	v49 =	vld [tilespmem:s17+$0x7010];
	v42 =	vadd.f32 v57, v42;
	v61 =	vmul.f32 v61, v8;
	[tilespmem:s17+$0x1050] =	vst v44  }
0x25c: {  	v36 =	vmul.f32 v36, v7;
	v47 =	vld [tilespmem:s17+$0x6C70];
	[tilespmem:s17+$0x1040] =	vst v43;
	v37 =	vadd.f32 v46, v37;
	v48 =	vmul.f32 v48, v8  }
0x25d: {  	v35 =	vmul.f32 v35, v7;
	v62 =	vld [tilespmem:s17+$0x6C20];
	[tilespmem:s17+$0x1030] =	vst v42;
	v39 =	vadd.f32 v61, v39;
	v54 =	vmul.f32 v58, v8  }
0x25e: {  	v34 =	vmul.f32 v34, v7;
	v63 =	vld [tilespmem:s17+$0x6C10];
	v45 =	vmul.f32 v59, v8;
	[tilespmem:s17+$0xC60] =	vst v37;
	v41 =	vadd.f32 v48, v41  }
0x25f: {  	v33 =	vmul.f32 v33, v7;
	v56 =	vld [tilespmem:s17+$0x6860];
	v44 =	vmul.f32 v60, v8;
	[tilespmem:s17+$0x1000] =	vst v39;
	v36 =	vadd.f32 v54, v36  }
0x260: {  	v32 =	vmul.f32 v32, v7;
	v12 =	vld [tilespmem:s17+$0x1460];
	v49 =	vmul.f32 v49, v8;
	v35 =	vadd.f32 v45, v35;
	[tilespmem:s17+$0x1020] =	vst v41  }
0x261: {  	v6 =	vmul.f32 v6, v7;
	v58 =	vld [tilespmem:s17+$0x6840];
	v47 =	vmul.f32 v47, v8;
	v34 =	vadd.f32 v44, v34;
	[tilespmem:s17+$0xC50] =	vst v36  }
0x262: {  	v5 =	vmul.f32 v5, v8;
	v59 =	vld [tilespmem:s17+$0x6830];
	v43 =	vmul.f32 v62, v8;
	v40 =	vadd.f32 v49, v40;
	[tilespmem:s17+$0xC40] =	vst v35  }
0x263: {  	v29 =	vmul.f32 v29, v7;
	v60 =	vld [tilespmem:s17+$0x6820];
	v42 =	vmul.f32 v63, v8;
	v38 =	vadd.f32 v47, v38;
	[tilespmem:s17+$0xC30] =	vst v34  }
0x264: {  	v5 =	vadd.f32 v5, v6;
	v6 =	vld [tilespmem:s17+$0x0];
	v39 =	vmul.f32 v56, v8;
	v33 =	vadd.f32 v43, v33;
	[tilespmem:s17+$0x1010] =	vst v40  }
0x265: {  	v31 =	vmul.f32 v31, v7;
	v61 =	vld [tilespmem:s17+$0x6810];
	v41 =	vmul.f32 v53, v8;
	v32 =	vadd.f32 v42, v32;
	[tilespmem:s17+$0xC70] =	vst v38  }
0x266: {  	v27 =	vmul.f32 v27, v7;
	v57 =	vld [tilespmem:s17+$0x6850];
	v29 =	vadd.f32 v39, v29;
	v37 =	vmul.f32 v58, v8;
	[tilespmem:s17+$0xC20] =	vst v33  }
0x267: {  	v26 =	vmul.f32 v26, v7;
	v62 =	vld [tilespmem:s17+$0x6800];
	v36 =	vmul.f32 v59, v8;
	v31 =	vadd.f32 v41, v31;
	[tilespmem:s17+$0xC10] =	vst v32  }
0x268: {  	v25 =	vmul.f32 v25, v7;
	v63 =	vld [tilespmem:s17+$0x6470];
	v35 =	vmul.f32 v60, v8;
	[tilespmem:s17+$0x860] =	vst v29;
	v27 =	vadd.f32 v37, v27  }
0x269: {  	v30 =	vmul.f32 v30, v7;
	v40 =	vmul.f32 v55, v8;
	v29 =	vld [tilespmem:s17+$0x6440];
	v26 =	vadd.f32 v36, v26;
	[tilespmem:s17+$0xC00] =	vst v31  }
0x26a: {  	v24 =	vmul.f32 v24, v7;
	v34 =	vmul.f32 v61, v8;
	v25 =	vadd.f32 v35, v25;
	v31 =	vld [tilespmem:s17+$0x6460];
	[tilespmem:s17+$0x840] =	vst v27  }
0x26b: {  	v28 =	vmul.f32 v28, v7;
	v38 =	vmul.f32 v57, v8;
	v30 =	vadd.f32 v40, v30;
	v27 =	vld [tilespmem:s17+$0x6420];
	[tilespmem:s17+$0x830] =	vst v26  }
0x26c: {  	v23 =	vmul.f32 v23, v7;
	v33 =	vmul.f32 v62, v8;
	v24 =	vadd.f32 v34, v24;
	v26 =	vld [tilespmem:s17+$0x6410];
	[tilespmem:s17+$0x820] =	vst v25  }
0x26d: {  	v22 =	vmul.f32 v22, v7;
	v32 =	vmul.f32 v63, v8;
	v28 =	vadd.f32 v38, v28;
	[tilespmem:s17+$0x870] =	vst v30;
	v30 =	vld [tilespmem:s17+$0x6450]  }
0x26e: {  	v19 =	vmul.f32 v19, v7;
	v23 =	vadd.f32 v33, v23;
	v25 =	vld [tilespmem:s17+$0x6400];
	[tilespmem:s17+$0x810] =	vst v24;
	v29 =	vmul.f32 v29, v8  }
0x26f: {  	v21 =	vmul.f32 v21, v7;
	v22 =	vadd.f32 v32, v22;
	[tilespmem:s17+$0x850] =	vst v28;
	v28 =	vld [tilespmem:s17+$0x6430];
	v31 =	vmul.f32 v31, v8  }
0x270: {  	v17 =	vmul.f32 v17, v7;
	[tilespmem:s17+$0x800] =	vst v23;
	v23 =	vld [tilespmem:s17+$0x6060];
	v19 =	vadd.f32 v29, v19;
	v27 =	vmul.f32 v27, v8  }
0x271: {  	v16 =	vmul.f32 v16, v7;
	v24 =	vld [tilespmem:s17+$0x6070];
	[tilespmem:s17+$0x470] =	vst v22;
	v26 =	vmul.f32 v26, v8;
	v21 =	vadd.f32 v31, v21  }
0x272: {  	v20 =	vmul.f32 v20, v7;
	v22 =	vld [tilespmem:s17+$0x50];
	v30 =	vmul.f32 v30, v8;
	[tilespmem:s17+$0x440] =	vst v19;
	v17 =	vadd.f32 v27, v17  }
0x273: {  	v15 =	vmul.f32 v15, v7;
	v25 =	vmul.f32 v25, v8;
	v19 =	vld [tilespmem:s17+$0x7450];
	v16 =	vadd.f32 v26, v16;
	[tilespmem:s17+$0x460] =	vst v21  }
0x274: {  	v18 =	vmul.f32 v18, v7;
	v28 =	vmul.f32 v28, v8;
	v20 =	vadd.f32 v30, v20;
	v21 =	vld [tilespmem:s17+$0x6050];
	[tilespmem:s17+$0x420] =	vst v17  }
0x275: {  	v13 =	vmul.f32 v13, v7;
	v23 =	vmul.f32 v23, v8;
	v15 =	vadd.f32 v25, v15;
	v17 =	vld [tilespmem:s17+$0x1440];
	[tilespmem:s17+$0x410] =	vst v16  }
0x276: {  	v14 =	vmul.f32 v14, v7;
	v24 =	vmul.f32 v24, v8;
	v18 =	vadd.f32 v28, v18;
	[tilespmem:s17+$0x450] =	vst v20;
	v20 =	vld [tilespmem:s17+$0x7440]  }
0x277: {  	v10 =	vmul.f32 v10, v7;
	v9 =	vmul.f32 v9, v8;
	v13 =	vadd.f32 v23, v13;
	[tilespmem:s17+$0x400] =	vst v15;
	v15 =	vld [tilespmem:s17+$0x1450]  }
0x278: {  	v4 =	vmul.f32 v4, v7;
	v3 =	vmul.f32 v3, v8;
	v14 =	vadd.f32 v24, v14;
	[tilespmem:s17+$0x430] =	vst v18;
	v18 =	vld [tilespmem:s17+$0x7460]  }
0x279: {  	v9 =	vadd.f32 v9, v10;
	v10 =	vmul.f32 v22, v7;
	v16 =	vld [tilespmem:s17+$0x7470];
	[tilespmem:s17+$0x60] =	vst v13;
	v13 =	vmul.f32 v21, v8  }
0x27a: {  	v3 =	vadd.f32 v3, v4;
	[tilespmem:s17+$0x70] =	vst v14;
	v14 =	vld [tilespmem:s17+$0x1470]  }
0x27b: {  	s18 =	simm.s32 $0x0;
	[tilespmem:s17+$0x30] =	vst v9;
	v9 =	vld [tilespmem:s17+$0x6000];
	v11 =	vmul.f32 v17, v7;
	v17 =	vmul.f32 v20, v8;
	v4 =	vadd.f32 v13, v10  }
0x27c: {  	s2 =	smul.u32 $0x1800, s18;
	s4 =	simm.s32 $0x80;
	[tilespmem:s17+$0x20] =	vst v5;
	v5 =	vmul.f32 v15, v7;
	v10 =	vmul.f32 v19, v8  }
0x27d: {  	s5 =	sand.u32 $0x380, s4;
	v11 =	vadd.f32 v17, v11;
	[tilespmem:s17+$0x50] =	vst v4;
	v4 =	vmul.f32 v12, v7;
	v12 =	vmul.f32 v18, v8  }
0x27e: {  	s2 =	sor.u32 s5, s2;
	[tilespmem:s17+$0x10] =	vst v3;
	v5 =	vadd.f32 v10, v5  }
0x27f: {  	v3 =	vld [tilespmem:s2+$0x10];
	v10 =	vmul.f32 v14, v7;
	[tilespmem:s17+$0x1440] =	vst v11;
	v11 =	vmul.f32 v16, v8;
	v12 =	vadd.f32 v12, v4  }
0x280: {  	v7 =	vmul.f32 v6, v7;
	v8 =	vmul.f32 v9, v8;
	v4 =	vld [tilespmem:s2+$0x6010];
	[tilespmem:s17+$0x1450] =	vst v5  }
0x281: {  	v9 =	vadd.f32 v11, v10;
	v6 =	vld [tilespmem:s2+$0x20];
	[tilespmem:s17+$0x1460] =	vst v12  }
0x282: {  	v7 =	vadd.f32 v8, v7;
	v5 =	vld [tilespmem:s2+$0x6020]  }
0x283: {  	v8 =	vld [tilespmem:s2+$0x30];
	[tilespmem:s17+$0x1470] =	vst v9  }
0x284: {  	v18 =	vld [tilespmem:s2+$0x430];
	[tilespmem:s17+$0x0] =	vst v7  }
0x285: {  	v7 =	vld [tilespmem:s2+$0x6030]  }
0x286: {  	v10 =	vld [tilespmem:s2+$0x40]  }
0x287: {  	v9 =	vld [tilespmem:s2+$0x6040]  }
0x288: {  	v12 =	vld [tilespmem:s2+$0x50]  }
0x289: {  	v11 =	vld [tilespmem:s2+$0x6050]  }
0x28a: {  	v13 =	vld [tilespmem:s2+$0x60]  }
0x28b: {  	v14 =	vld [tilespmem:s2+$0x70]  }
0x28c: {  	v15 =	vld [tilespmem:s2+$0x400]  }
0x28d: {  	v16 =	vld [tilespmem:s2+$0x410]  }
0x28e: {  	v17 =	vld [tilespmem:s2+$0x420]  }
0x28f: {  	v19 =	vld [tilespmem:s2+$0x440]  }
0x290: {  	v20 =	vld [tilespmem:s2+$0x450]  }
0x291: {  	v21 =	vld [tilespmem:s2+$0x460]  }
0x292: {  	v22 =	vld [tilespmem:s2+$0x470]  }
0x293: {  	v23 =	vld [tilespmem:s2+$0x800]  }
0x294: {  	v24 =	vld [tilespmem:s2+$0x810]  }
0x295: {  	v25 =	vld [tilespmem:s2+$0x820]  }
0x296: {  	v26 =	vld [tilespmem:s2+$0x830]  }
0x297: {  	v27 =	vld [tilespmem:s2+$0x840]  }
0x298: {  	v28 =	vld [tilespmem:s2+$0x850]  }
0x299: {  	v29 =	vld [tilespmem:s2+$0x860]  }
0x29a: {  	v30 =	vld [tilespmem:s2+$0x870]  }
0x29b: {  	v31 =	vld [tilespmem:s2+$0xC00]  }
0x29c: {  	v34 =	vld [tilespmem:s2+$0xC10]  }
0x29d: {  	v35 =	vld [tilespmem:s2+$0xC20]  }
0x29e: {  	v36 =	vld [tilespmem:s2+$0xC30]  }
0x29f: {  	v37 =	vld [tilespmem:s2+$0xC40]  }
0x2a0: {  	v38 =	vld [tilespmem:s2+$0xC50]  }
0x2a1: {  	v39 =	vld [tilespmem:s2+$0xC60]  }
0x2a2: {  	v40 =	vld [tilespmem:s2+$0xC70]  }
0x2a3: {  	v41 =	vld [tilespmem:s2+$0x1000]  }
0x2a4: {  	v42 =	vld [tilespmem:s2+$0x1010]  }
0x2a5: {  	v43 =	vld [tilespmem:s2+$0x1020]  }
0x2a6: {  	v44 =	vld [tilespmem:s2+$0x1030]  }
0x2a7: {  	v45 =	vld [tilespmem:s2+$0x1040]  }
0x2a8: {  	v46 =	vld [tilespmem:s2+$0x1050]  }
0x2a9: {  	v47 =	vld [tilespmem:s2+$0x1060]  }
0x2aa: {  	v48 =	vld [tilespmem:s2+$0x1400]  }
0x2ab: {  	v50 =	vld [tilespmem:s2+$0x1410]  }
0x2ac: {  	v49 =	vld [tilespmem:s2+$0x7410]  }
0x2ad: {  	s17 =	simm.s32 $0x2;
	v51 =	vld [tilespmem:s2+$0x7430]  }
.LBB2_4:
0x2ae: {  	p0 =	sne.s32 s17, $0x1F;
	v52 =	vld [tilespmem:s2+$0x1430]  }
0x2af: {  	s0 =	sadd.s32 $0x80, s0;
	v53 =	vld [tilespmem:s2+$0x1420]  }
0x2b0: {  	s31 =	sadd.s32 $0x80, s31;
	v33 =	vld [tilespmem:s0+$0x0]  }
0x2b1: {  	v32 =	vld [tilespmem:s31+$0x0]  }
0x2b2: {  	v54 =	vld [tilespmem:s2+$0x7420]  }
0x2b3: {  	v55 =	vld [tilespmem:s2+$0x7400]  }
0x2b4: {  	v56 =	vld [tilespmem:s2+$0x1070]  }
0x2b5: {  	v57 =	vld [tilespmem:s2+$0x7070];
	v50 =	vmul.f32 v50, v33;
	v53 =	vmul.f32 v53, v33  }
0x2b6: {  	v52 =	vmul.f32 v52, v33;
	v58 =	vld [tilespmem:s2+$0x7060];
	v51 =	vmul.f32 v51, v32  }
0x2b7: {  	v49 =	vmul.f32 v49, v32;
	v59 =	vld [tilespmem:s2+$0x7050];
	v54 =	vmul.f32 v54, v32  }
0x2b8: {  	v48 =	vmul.f32 v48, v33;
	v60 =	vld [tilespmem:s2+$0x7040];
	v55 =	vmul.f32 v55, v32;
	v51 =	vadd.f32 v51, v52  }
0x2b9: {  	v49 =	vadd.f32 v49, v50;
	v52 =	vld [tilespmem:s2+$0x7030];
	v56 =	vmul.f32 v56, v33;
	v50 =	vadd.f32 v54, v53  }
0x2ba: {  	v47 =	vmul.f32 v47, v33;
	v53 =	vld [tilespmem:s2+$0x7020];
	v54 =	vmul.f32 v57, v32;
	v48 =	vadd.f32 v55, v48;
	[tilespmem:s2+$0x1430] =	vst v51  }
0x2bb: {  	v46 =	vmul.f32 v46, v33;
	v51 =	vld [tilespmem:s2+$0x7010];
	v55 =	vmul.f32 v58, v32;
	[tilespmem:s2+$0x1420] =	vst v50  }
0x2bc: {  	v45 =	vmul.f32 v45, v33;
	v50 =	vld [tilespmem:s2+$0x7000];
	v57 =	vmul.f32 v59, v32;
	v54 =	vadd.f32 v54, v56;
	[tilespmem:s2+$0x1410] =	vst v49  }
0x2bd: {  	v44 =	vmul.f32 v44, v33;
	v49 =	vld [tilespmem:s2+$0x6C70];
	v56 =	vmul.f32 v60, v32;
	v47 =	vadd.f32 v55, v47;
	[tilespmem:s2+$0x1400] =	vst v48  }
0x2be: {  	v43 =	vmul.f32 v43, v33;
	v48 =	vld [tilespmem:s2+$0x6C60];
	v52 =	vmul.f32 v52, v32;
	v46 =	vadd.f32 v57, v46;
	[tilespmem:s2+$0x1070] =	vst v54  }
0x2bf: {  	v42 =	vmul.f32 v42, v33;
	v54 =	vld [tilespmem:s2+$0x6C50];
	v53 =	vmul.f32 v53, v32;
	v45 =	vadd.f32 v56, v45;
	[tilespmem:s2+$0x1060] =	vst v47  }
0x2c0: {  	v41 =	vmul.f32 v41, v33;
	v47 =	vld [tilespmem:s2+$0x6C40];
	v51 =	vmul.f32 v51, v32;
	v44 =	vadd.f32 v52, v44;
	[tilespmem:s2+$0x1050] =	vst v46  }
0x2c1: {  	v40 =	vmul.f32 v40, v33;
	v46 =	vld [tilespmem:s2+$0x6C30];
	v50 =	vmul.f32 v50, v32;
	v43 =	vadd.f32 v53, v43;
	[tilespmem:s2+$0x1040] =	vst v45  }
0x2c2: {  	v39 =	vmul.f32 v39, v33;
	v45 =	vld [tilespmem:s2+$0x6C20];
	v49 =	vmul.f32 v49, v32;
	v42 =	vadd.f32 v51, v42;
	[tilespmem:s2+$0x1030] =	vst v44  }
0x2c3: {  	v38 =	vmul.f32 v38, v33;
	v44 =	vld [tilespmem:s2+$0x6C10];
	v48 =	vmul.f32 v48, v32;
	v41 =	vadd.f32 v50, v41;
	[tilespmem:s2+$0x1020] =	vst v43  }
0x2c4: {  	v37 =	vmul.f32 v37, v33;
	v43 =	vld [tilespmem:s2+$0x6C00];
	v50 =	vmul.f32 v54, v32;
	v40 =	vadd.f32 v49, v40;
	[tilespmem:s2+$0x1010] =	vst v42  }
0x2c5: {  	v36 =	vmul.f32 v36, v33;
	v42 =	vld [tilespmem:s2+$0x6870];
	v47 =	vmul.f32 v47, v32;
	v39 =	vadd.f32 v48, v39;
	[tilespmem:s2+$0x1000] =	vst v41  }
0x2c6: {  	v35 =	vmul.f32 v35, v33;
	v41 =	vld [tilespmem:s2+$0x6860];
	v46 =	vmul.f32 v46, v32;
	v38 =	vadd.f32 v50, v38;
	[tilespmem:s2+$0xC70] =	vst v40  }
0x2c7: {  	v34 =	vmul.f32 v34, v33;
	v40 =	vld [tilespmem:s2+$0x6850];
	v45 =	vmul.f32 v45, v32;
	v37 =	vadd.f32 v47, v37;
	[tilespmem:s2+$0xC60] =	vst v39  }
0x2c8: {  	v31 =	vmul.f32 v31, v33;
	v39 =	vld [tilespmem:s2+$0x6840];
	v44 =	vmul.f32 v44, v32;
	v36 =	vadd.f32 v46, v36;
	[tilespmem:s2+$0xC50] =	vst v38  }
0x2c9: {  	v30 =	vmul.f32 v30, v33;
	v38 =	vld [tilespmem:s2+$0x6830];
	v43 =	vmul.f32 v43, v32;
	v35 =	vadd.f32 v45, v35;
	[tilespmem:s2+$0xC40] =	vst v37  }
0x2ca: {  	v29 =	vmul.f32 v29, v33;
	v37 =	vld [tilespmem:s2+$0x6820];
	v42 =	vmul.f32 v42, v32;
	v34 =	vadd.f32 v44, v34;
	[tilespmem:s2+$0xC30] =	vst v36  }
0x2cb: {  	v28 =	vmul.f32 v28, v33;
	v36 =	vld [tilespmem:s2+$0x6810];
	v41 =	vmul.f32 v41, v32;
	v31 =	vadd.f32 v43, v31;
	[tilespmem:s2+$0xC20] =	vst v35  }
0x2cc: {  	v27 =	vmul.f32 v27, v33;
	v35 =	vld [tilespmem:s2+$0x6800];
	v40 =	vmul.f32 v40, v32;
	v30 =	vadd.f32 v42, v30;
	[tilespmem:s2+$0xC10] =	vst v34  }
0x2cd: {  	v26 =	vmul.f32 v26, v33;
	v34 =	vld [tilespmem:s2+$0x6470];
	v39 =	vmul.f32 v39, v32;
	v29 =	vadd.f32 v41, v29;
	[tilespmem:s2+$0xC00] =	vst v31  }
0x2ce: {  	v25 =	vmul.f32 v25, v33;
	v31 =	vld [tilespmem:s2+$0x6460];
	v38 =	vmul.f32 v38, v32;
	v28 =	vadd.f32 v40, v28;
	[tilespmem:s2+$0x870] =	vst v30  }
0x2cf: {  	v24 =	vmul.f32 v24, v33;
	v30 =	vld [tilespmem:s2+$0x6450];
	v37 =	vmul.f32 v37, v32;
	v27 =	vadd.f32 v39, v27;
	[tilespmem:s2+$0x860] =	vst v29  }
0x2d0: {  	v23 =	vmul.f32 v23, v33;
	v29 =	vld [tilespmem:s2+$0x6440];
	v36 =	vmul.f32 v36, v32;
	v26 =	vadd.f32 v38, v26;
	[tilespmem:s2+$0x850] =	vst v28  }
0x2d1: {  	v22 =	vmul.f32 v22, v33;
	v28 =	vld [tilespmem:s2+$0x6430];
	v35 =	vmul.f32 v35, v32;
	v25 =	vadd.f32 v37, v25;
	[tilespmem:s2+$0x840] =	vst v27  }
0x2d2: {  	v21 =	vmul.f32 v21, v33;
	v27 =	vld [tilespmem:s2+$0x6420];
	v34 =	vmul.f32 v34, v32;
	v24 =	vadd.f32 v36, v24;
	[tilespmem:s2+$0x830] =	vst v26  }
0x2d3: {  	v20 =	vmul.f32 v20, v33;
	v26 =	vld [tilespmem:s2+$0x6410];
	v31 =	vmul.f32 v31, v32;
	v23 =	vadd.f32 v35, v23;
	[tilespmem:s2+$0x820] =	vst v25  }
0x2d4: {  	v19 =	vmul.f32 v19, v33;
	v25 =	vld [tilespmem:s2+$0x6400];
	v30 =	vmul.f32 v30, v32;
	v22 =	vadd.f32 v34, v22;
	[tilespmem:s2+$0x810] =	vst v24  }
0x2d5: {  	v18 =	vmul.f32 v18, v33;
	v24 =	vld [tilespmem:s2+$0x6070];
	v29 =	vmul.f32 v29, v32;
	v21 =	vadd.f32 v31, v21;
	[tilespmem:s2+$0x800] =	vst v23  }
0x2d6: {  	v17 =	vmul.f32 v17, v33;
	v23 =	vld [tilespmem:s2+$0x6060];
	v28 =	vmul.f32 v28, v32;
	v20 =	vadd.f32 v30, v20;
	[tilespmem:s2+$0x470] =	vst v22  }
0x2d7: {  	v16 =	vmul.f32 v16, v33;
	v22 =	vmul.f32 v27, v32;
	v19 =	vadd.f32 v29, v19;
	[tilespmem:s2+$0x460] =	vst v21;
	v21 =	vld [tilespmem:s2+$0x7440]  }
0x2d8: {  	v15 =	vmul.f32 v15, v33;
	v26 =	vmul.f32 v26, v32;
	v18 =	vadd.f32 v28, v18;
	[tilespmem:s2+$0x450] =	vst v20;
	v20 =	vld [tilespmem:s2+$0x7450]  }
0x2d9: {  	v14 =	vmul.f32 v14, v33;
	v25 =	vmul.f32 v25, v32;
	v17 =	vadd.f32 v22, v17;
	[tilespmem:s2+$0x440] =	vst v19;
	v19 =	vld [tilespmem:s2+$0x7460]  }
0x2da: {  	v13 =	vmul.f32 v13, v33;
	v22 =	vmul.f32 v24, v32;
	v16 =	vadd.f32 v26, v16;
	[tilespmem:s2+$0x430] =	vst v18;
	v18 =	vld [tilespmem:s2+$0x7470]  }
0x2db: {  	v12 =	vmul.f32 v12, v33;
	v23 =	vmul.f32 v23, v32;
	v15 =	vadd.f32 v25, v15;
	[tilespmem:s2+$0x420] =	vst v17;
	v17 =	vld [tilespmem:s2+$0x1440]  }
0x2dc: {  	v10 =	vmul.f32 v10, v33;
	v11 =	vmul.f32 v11, v32;
	v14 =	vadd.f32 v22, v14;
	[tilespmem:s2+$0x410] =	vst v16;
	v16 =	vld [tilespmem:s2+$0x1450]  }
0x2dd: {  	v8 =	vmul.f32 v8, v33;
	v9 =	vmul.f32 v9, v32;
	v13 =	vadd.f32 v23, v13;
	[tilespmem:s2+$0x400] =	vst v15;
	v15 =	vld [tilespmem:s2+$0x1460]  }
0x2de: {  	v6 =	vmul.f32 v6, v33;
	v7 =	vmul.f32 v7, v32;
	v11 =	vadd.f32 v11, v12;
	[tilespmem:s2+$0x70] =	vst v14;
	v12 =	vld [tilespmem:s2+$0x1470]  }
0x2df: {  	v3 =	vmul.f32 v3, v33;
	v5 =	vmul.f32 v5, v32;
	v9 =	vadd.f32 v9, v10;
	v14 =	vld [tilespmem:s2+$0x0];
	[tilespmem:s2+$0x60] =	vst v13  }
0x2e0: {  	v4 =	vmul.f32 v4, v32;
	v7 =	vadd.f32 v7, v8;
	v10 =	vld [tilespmem:s2+$0x6000];
	[tilespmem:s2+$0x50] =	vst v11;
	v8 =	vmul.f32 v17, v33  }
0x2e1: {  	s5 =	sshrl.u32 s17, $0x3;
	v5 =	vadd.f32 v5, v6;
	v6 =	vmul.f32 v21, v32;
	[tilespmem:s2+$0x40] =	vst v9;
	v9 =	vmul.f32 v16, v33  }
0x2e2: {  	s4 =	sadd.s32 $0x80, s4;
	s5 =	smul.u32 $0x1800, s5;
	v3 =	vadd.f32 v4, v3;
	v4 =	vmul.f32 v20, v32;
	[tilespmem:s2+$0x30] =	vst v7;
	v7 =	vmul.f32 v15, v33  }
0x2e3: {  	s18 =	sand.u32 $0x380, s4;
	[tilespmem:s2+$0x20] =	vst v5;
	v5 =	vadd.f32 v6, v8;
	v6 =	vmul.f32 v19, v32;
	v8 =	vmul.f32 v12, v33  }
0x2e4: {  	s5 =	sor.u32 s18, s5;
	v9 =	vadd.f32 v4, v9;
	v12 =	vmul.f32 v18, v32;
	v11 =	vmul.f32 v14, v33;
	[tilespmem:s2+$0x10] =	vst v3  }
0x2e5: {  	v3 =	vld [tilespmem:s5+$0x10];
	v10 =	vmul.f32 v10, v32;
	[tilespmem:s2+$0x1440] =	vst v5;
	v5 =	vadd.f32 v6, v7  }
0x2e6: {  	v7 =	vadd.f32 v12, v8;
	v4 =	vld [tilespmem:s5+$0x6010];
	[tilespmem:s2+$0x1450] =	vst v9  }
0x2e7: {  	v6 =	vld [tilespmem:s5+$0x20];
	v9 =	vadd.f32 v10, v11;
	[tilespmem:s2+$0x1460] =	vst v5  }
0x2e8: {  	v5 =	vld [tilespmem:s5+$0x6020];
	[tilespmem:s2+$0x1470] =	vst v7  }
0x2e9: {  	v8 =	vld [tilespmem:s5+$0x30];
	[tilespmem:s2+$0x0] =	vst v9;
	s2 =	smov.u32 s5  }
0x2ea: {  	v7 =	vld [tilespmem:s2+$0x6030]  }
0x2eb: {  	v10 =	vld [tilespmem:s2+$0x40]  }
0x2ec: {  	v9 =	vld [tilespmem:s2+$0x6040]  }
0x2ed: {  	v12 =	vld [tilespmem:s2+$0x50]  }
0x2ee: {  	v11 =	vld [tilespmem:s2+$0x6050]  }
0x2ef: {  	v13 =	vld [tilespmem:s2+$0x60]  }
0x2f0: {  	v14 =	vld [tilespmem:s2+$0x70]  }
0x2f1: {  	v15 =	vld [tilespmem:s2+$0x400]  }
0x2f2: {  	v16 =	vld [tilespmem:s2+$0x410]  }
0x2f3: {  	v17 =	vld [tilespmem:s2+$0x420]  }
0x2f4: {  	v18 =	vld [tilespmem:s2+$0x430]  }
0x2f5: {  	v19 =	vld [tilespmem:s2+$0x440]  }
0x2f6: {  	v20 =	vld [tilespmem:s2+$0x450]  }
0x2f7: {  	v21 =	vld [tilespmem:s2+$0x460]  }
0x2f8: {  	v22 =	vld [tilespmem:s2+$0x470]  }
0x2f9: {  	v23 =	vld [tilespmem:s2+$0x800]  }
0x2fa: {  	v24 =	vld [tilespmem:s2+$0x810]  }
0x2fb: {  	v25 =	vld [tilespmem:s2+$0x820]  }
0x2fc: {  	v26 =	vld [tilespmem:s2+$0x830]  }
0x2fd: {  	v27 =	vld [tilespmem:s2+$0x840]  }
0x2fe: {  	v28 =	vld [tilespmem:s2+$0x850]  }
0x2ff: {  	v29 =	vld [tilespmem:s2+$0x860]  }
0x300: {  	v30 =	vld [tilespmem:s2+$0x870]  }
0x301: {  	v31 =	vld [tilespmem:s2+$0xC00]  }
0x302: {  	v34 =	vld [tilespmem:s2+$0xC10]  }
0x303: {  	v35 =	vld [tilespmem:s2+$0xC20]  }
0x304: {  	v36 =	vld [tilespmem:s2+$0xC30]  }
0x305: {  	v37 =	vld [tilespmem:s2+$0xC40]  }
0x306: {  	v38 =	vld [tilespmem:s2+$0xC50]  }
0x307: {  	v39 =	vld [tilespmem:s2+$0xC60]  }
0x308: {  	v40 =	vld [tilespmem:s2+$0xC70]  }
0x309: {  	v41 =	vld [tilespmem:s2+$0x1000]  }
0x30a: {  	v42 =	vld [tilespmem:s2+$0x1010]  }
0x30b: {  	v43 =	vld [tilespmem:s2+$0x1020]  }
0x30c: {  	v44 =	vld [tilespmem:s2+$0x1030]  }
0x30d: {  	v45 =	vld [tilespmem:s2+$0x1040]  }
0x30e: {  	v46 =	vld [tilespmem:s2+$0x1050]  }
.Ltmp1:
0x30f: {  	v47 =	vld [tilespmem:s2+$0x1060];
	(pc) =	sbr.rel @p0 .LBB2_4-.Ltmp1, $4  }
0x310: {  	v48 =	vld [tilespmem:s2+$0x1400]  }
0x311: {  	v50 =	vld [tilespmem:s2+$0x1410]  }
0x312: {  	v49 =	vld [tilespmem:s2+$0x7410]  }
0x313: {  	s17 =	sadd.s32 $0x1, s17;
	v51 =	vld [tilespmem:s2+$0x7430]  }
0x314: {  	v52 =	vld [tilespmem:s2+$0x1430]  }
0x315: {  	v53 =	vld [tilespmem:s2+$0x1420];
	s0 =	sadd.s32 $0x80, s0  }
0x316: {  	s31 =	sadd.s32 $0x80, s31;
	v32 =	vld [tilespmem:s0+$0x0]  }
0x317: {  	v33 =	vld [tilespmem:s31+$0x0]  }
0x318: {  	v54 =	vld [tilespmem:s2+$0x7420];
	_ =	sdelay $0x1  }
0x319: {  	v55 =	vld [tilespmem:s2+$0x7400]  }
0x31a: {  	v56 =	vld [tilespmem:s2+$0x1070]  }
0x31b: {  	v58 =	vld [tilespmem:s2+$0x7060];
	v52 =	vmul.f32 v52, v32;
	v51 =	vmul.f32 v51, v33  }
0x31c: {  	v57 =	vld [tilespmem:s2+$0x7070];
	v53 =	vmul.f32 v53, v32;
	v54 =	vmul.f32 v54, v33  }
0x31d: {  	v59 =	vld [tilespmem:s2+$0x7050];
	v50 =	vmul.f32 v50, v32;
	v49 =	vmul.f32 v49, v33  }
0x31e: {  	v60 =	vld [tilespmem:s2+$0x7040];
	v48 =	vmul.f32 v48, v32;
	v62 =	vmul.f32 v55, v33;
	v51 =	vadd.f32 v51, v52  }
0x31f: {  	v61 =	vld [tilespmem:s2+$0x7020];
	v63 =	vmul.f32 v56, v32;
	v47 =	vmul.f32 v47, v32;
	v53 =	vadd.f32 v54, v53  }
0x320: {  	v58 =	vmul.f32 v58, v33;
	v55 =	vld [tilespmem:s2+$0x6460];
	v12 =	vmul.f32 v12, v32;
	v49 =	vadd.f32 v49, v50;
	[tilespmem:s2+$0x1430] =	vst v51  }
0x321: {  	v56 =	vld [tilespmem:s2+$0x6450];
	v11 =	vmul.f32 v11, v33;
	v10 =	vmul.f32 v10, v32;
	v48 =	vadd.f32 v62, v48;
	[tilespmem:s2+$0x1420] =	vst v53  }
0x322: {  	v9 =	vmul.f32 v9, v33;
	v8 =	vmul.f32 v8, v32;
	v52 =	vld [tilespmem:s2+$0x7030];
	v47 =	vadd.f32 v58, v47;
	[tilespmem:s2+$0x1410] =	vst v49  }
0x323: {  	v7 =	vmul.f32 v7, v33;
	v6 =	vmul.f32 v6, v32;
	v50 =	vld [tilespmem:s2+$0x7000];
	v11 =	vadd.f32 v11, v12;
	[tilespmem:s2+$0x1400] =	vst v48  }
0x324: {  	v5 =	vmul.f32 v5, v33;
	v3 =	vmul.f32 v3, v32;
	v58 =	vld [tilespmem:s2+$0x6C20];
	v9 =	vadd.f32 v9, v10;
	[tilespmem:s2+$0x1060] =	vst v47  }
0x325: {  	v4 =	vmul.f32 v4, v33;
	v62 =	vmul.f32 v59, v33;
	v59 =	vld [tilespmem:s2+$0x6C10];
	v7 =	vadd.f32 v7, v8;
	[tilespmem:s2+$0x50] =	vst v11  }
0x326: {  	v57 =	vmul.f32 v57, v33;
	v54 =	vld [tilespmem:s2+$0x6470];
	v5 =	vadd.f32 v5, v6;
	[tilespmem:s2+$0x40] =	vst v9  }
0x327: {  	v46 =	vmul.f32 v46, v32;
	v3 =	vadd.f32 v4, v3;
	v51 =	vld [tilespmem:s2+$0x7010];
	[tilespmem:s2+$0x30] =	vst v7  }
0x328: {  	v45 =	vmul.f32 v45, v32;
	v49 =	vld [tilespmem:s2+$0x6C70];
	v53 =	vadd.f32 v57, v63;
	v63 =	vmul.f32 v60, v33;
	[tilespmem:s2+$0x20] =	vst v5  }
0x329: {  	v43 =	vmul.f32 v43, v32;
	v48 =	vld [tilespmem:s2+$0x6C60];
	v46 =	vadd.f32 v62, v46;
	v57 =	vmul.f32 v61, v33;
	[tilespmem:s2+$0x10] =	vst v3  }
0x32a: {  	v44 =	vmul.f32 v44, v32;
	v47 =	vld [tilespmem:s2+$0x6C40];
	[tilespmem:s2+$0x1070] =	vst v53;
	v45 =	vadd.f32 v63, v45;
	v52 =	vmul.f32 v52, v33  }
0x32b: {  	v41 =	vmul.f32 v41, v32;
	v60 =	vld [tilespmem:s2+$0x6C00];
	[tilespmem:s2+$0x1050] =	vst v46;
	v43 =	vadd.f32 v57, v43;
	v50 =	vmul.f32 v50, v33  }
0x32c: {  	v35 =	vmul.f32 v35, v32;
	v61 =	vld [tilespmem:s2+$0x6870];
	[tilespmem:s2+$0x1040] =	vst v45;
	v45 =	vmul.f32 v58, v33;
	v44 =	vadd.f32 v52, v44  }
0x32d: {  	v42 =	vmul.f32 v42, v32;
	v53 =	vld [tilespmem:s2+$0x6C50];
	[tilespmem:s2+$0x1020] =	vst v43;
	v51 =	vmul.f32 v51, v33;
	v41 =	vadd.f32 v50, v41  }
0x32e: {  	v40 =	vmul.f32 v40, v32;
	v46 =	vld [tilespmem:s2+$0x6C30];
	v49 =	vmul.f32 v49, v33;
	v35 =	vadd.f32 v45, v35;
	[tilespmem:s2+$0x1030] =	vst v44  }
0x32f: {  	v39 =	vmul.f32 v39, v32;
	v62 =	vld [tilespmem:s2+$0x6860];
	v48 =	vmul.f32 v48, v33;
	v42 =	vadd.f32 v51, v42;
	[tilespmem:s2+$0x1000] =	vst v41  }
0x330: {  	v37 =	vmul.f32 v37, v32;
	v57 =	vld [tilespmem:s2+$0x6440];
	v47 =	vmul.f32 v47, v33;
	v40 =	vadd.f32 v49, v40;
	[tilespmem:s2+$0xC20] =	vst v35  }
0x331: {  	v31 =	vmul.f32 v31, v32;
	v58 =	vld [tilespmem:s2+$0x6430];
	v43 =	vmul.f32 v60, v33;
	v39 =	vadd.f32 v48, v39;
	[tilespmem:s2+$0x1010] =	vst v42  }
0x332: {  	v38 =	vmul.f32 v38, v32;
	v50 =	vld [tilespmem:s2+$0x6830];
	v63 =	vmul.f32 v53, v33;
	v37 =	vadd.f32 v47, v37;
	[tilespmem:s2+$0xC70] =	vst v40  }
0x333: {  	v36 =	vmul.f32 v36, v32;
	v60 =	vld [tilespmem:s2+$0x6410];
	v46 =	vmul.f32 v46, v33;
	v31 =	vadd.f32 v43, v31;
	[tilespmem:s2+$0xC60] =	vst v39  }
0x334: {  	v34 =	vmul.f32 v34, v32;
	v52 =	vld [tilespmem:s2+$0x6810];
	v44 =	vmul.f32 v59, v33;
	v38 =	vadd.f32 v63, v38;
	[tilespmem:s2+$0xC40] =	vst v37  }
0x335: {  	v29 =	vmul.f32 v29, v32;
	v45 =	vld [tilespmem:s2+$0x1440];
	v41 =	vmul.f32 v62, v33;
	v36 =	vadd.f32 v46, v36;
	[tilespmem:s2+$0xC00] =	vst v31  }
0x336: {  	v21 =	vmul.f32 v21, v32;
	v48 =	vld [tilespmem:s2+$0x6850];
	v62 =	vmul.f32 v55, v33;
	v34 =	vadd.f32 v44, v34;
	[tilespmem:s2+$0xC50] =	vst v38  }
0x337: {  	v30 =	vmul.f32 v30, v32;
	v49 =	vld [tilespmem:s2+$0x6840];
	v42 =	vmul.f32 v61, v33;
	v29 =	vadd.f32 v41, v29;
	[tilespmem:s2+$0xC30] =	vst v36  }
0x338: {  	v16 =	vmul.f32 v16, v32;
	v51 =	vld [tilespmem:s2+$0x6820];
	v21 =	vadd.f32 v62, v21;
	v41 =	vmul.f32 v60, v33;
	[tilespmem:s2+$0xC10] =	vst v34  }
0x339: {  	v26 =	vmul.f32 v26, v32;
	v53 =	vld [tilespmem:s2+$0x6800];
	v30 =	vadd.f32 v42, v30;
	[tilespmem:s2+$0x860] =	vst v29;
	v38 =	vmul.f32 v50, v33  }
0x33a: {  	v24 =	vmul.f32 v24, v32;
	v59 =	vld [tilespmem:s2+$0x6420];
	v36 =	vmul.f32 v52, v33;
	[tilespmem:s2+$0x460] =	vst v21;
	v16 =	vadd.f32 v41, v16  }
0x33b: {  	v22 =	vmul.f32 v22, v32;
	v43 =	vld [tilespmem:s2+$0x7470];
	v34 =	vmul.f32 v54, v33;
	[tilespmem:s2+$0x870] =	vst v30;
	v26 =	vadd.f32 v38, v26  }
0x33c: {  	v28 =	vmul.f32 v28, v32;
	v61 =	vld [tilespmem:s2+$0x6400];
	v40 =	vmul.f32 v48, v33;
	v24 =	vadd.f32 v36, v24;
	[tilespmem:s2+$0x410] =	vst v16  }
0x33d: {  	v27 =	vmul.f32 v27, v32;
	v63 =	vld [tilespmem:s2+$0x6070];
	v39 =	vmul.f32 v49, v33;
	v22 =	vadd.f32 v34, v22;
	[tilespmem:s2+$0x830] =	vst v26  }
0x33e: {  	v25 =	vmul.f32 v25, v32;
	v46 =	vld [tilespmem:s2+$0x1450];
	v37 =	vmul.f32 v51, v33;
	v28 =	vadd.f32 v40, v28;
	[tilespmem:s2+$0x810] =	vst v24  }
0x33f: {  	v23 =	vmul.f32 v23, v32;
	v50 =	vld [tilespmem:s2+$0x6000];
	v35 =	vmul.f32 v53, v33;
	v27 =	vadd.f32 v39, v27;
	[tilespmem:s2+$0x470] =	vst v22  }
0x340: {  	v20 =	vmul.f32 v20, v32;
	v48 =	vld [tilespmem:s2+$0x1460];
	v30 =	vmul.f32 v56, v33;
	v25 =	vadd.f32 v37, v25;
	[tilespmem:s2+$0x850] =	vst v28  }
0x341: {  	v19 =	vmul.f32 v19, v32;
	v51 =	vld [tilespmem:s2+$0x0];
	v23 =	vadd.f32 v35, v23;
	v35 =	vmul.f32 v57, v33;
	[tilespmem:s2+$0x840] =	vst v27  }
0x342: {  	v18 =	vmul.f32 v18, v32;
	v34 =	vld [tilespmem:s2+$0x6060];
	v37 =	vmul.f32 v58, v33;
	v20 =	vadd.f32 v30, v20;
	[tilespmem:s2+$0x820] =	vst v25  }
0x343: {  	v17 =	vmul.f32 v17, v32;
	v36 =	vld [tilespmem:s2+$0x7440];
	v39 =	vmul.f32 v59, v33;
	[tilespmem:s2+$0x800] =	vst v23;
	v19 =	vadd.f32 v35, v19  }
0x344: {  	v15 =	vmul.f32 v15, v32;
	v38 =	vld [tilespmem:s2+$0x7450];
	v42 =	vmul.f32 v61, v33;
	v18 =	vadd.f32 v37, v18;
	[tilespmem:s2+$0x450] =	vst v20  }
0x345: {  	v14 =	vmul.f32 v14, v32;
	v40 =	vld [tilespmem:s2+$0x7460];
	v44 =	vmul.f32 v63, v33;
	v17 =	vadd.f32 v39, v17;
	[tilespmem:s2+$0x440] =	vst v19  }
0x346: {  	v49 =	vld [tilespmem:s2+$0x1470];
	v15 =	vadd.f32 v42, v15;
	v10 =	vmul.f32 v50, v33;
	v61 =	vmul.f32 v51, v32;
	[tilespmem:s2+$0x430] =	vst v18  }
0x347: {  	v13 =	vmul.f32 v13, v32;
	v14 =	vadd.f32 v44, v14;
	[tilespmem:s2+$0x420] =	vst v17;
	v47 =	vmul.f32 v34, v33  }
0x348: {  	v52 =	vmul.f32 v45, v32;
	[tilespmem:s2+$0x400] =	vst v15;
	v53 =	vmul.f32 v36, v33;
	v63 =	vadd.f32 v10, v61  }
0x349: {  	v54 =	vmul.f32 v46, v32;
	[tilespmem:s2+$0x70] =	vst v14;
	v55 =	vmul.f32 v38, v33;
	v13 =	vadd.f32 v47, v13  }
0x34a: {  	v56 =	vmul.f32 v48, v32;
	v58 =	vmul.f32 v40, v33;
	v57 =	vadd.f32 v53, v52;
	[tilespmem:s2+$0x0] =	vst v63  }
0x34b: {  	v60 =	vmul.f32 v43, v33;
	v59 =	vmul.f32 v49, v32;
	v3 =	vadd.f32 v55, v54;
	[tilespmem:s2+$0x60] =	vst v13  }
0x34c: {  	v62 =	vadd.f32 v58, v56;
	[tilespmem:s2+$0x1440] =	vst v57  }
0x34d: {  	s30 =	sadd.s32 $0x1, s30;
	[tilespmem:s2+$0x1450] =	vst v3;
	v3 =	vadd.f32 v60, v59  }
0x34e: {  	p0 =	sne.s32 s30, s16;
	[tilespmem:s2+$0x1460] =	vst v62  }
.Ltmp2:
0x34f: {  	[tilespmem:s2+$0x1470] =	vst v3;
	(pc) =	sbr.rel @p0 .LBB2_1-.Ltmp2, $4  }
0x350: {  	[hbm4b:s15+s1] =	stream.linear.scatter [tilespmem:s1], [sflag:$0x2], $0x6000, $0x38;
	[tilespmem:$0xE100] =	vst v63  }
0x351: {  	_ =	swait.ge [sflag:s29], $0x6000  }
0x352: {  	[sflag:s29] =	ssyncset.done $0x0  }
0x353: {  	[sflag:s29] =	ssyncadd.s32 $0xFFFFA000  }
0x354: {  	_ =	sfence.sel $0x180000  }
0x355: {  	[bflag:$0x0] =	sbarrier.arrive $0xFFFF  }
0x356: {  	_ =	strace $0x9000004A  }
0x357: {  	s0 =	stileid.u32;
	[bflag:$0x2] =	sbarrier.arrive $0xFFFF  }
0x358: {  	p0 =	sne.s32 s0, $0x0;
	s0 =	rddreg [dreg:$0x2]  }
0x359: {  	s0 =	sadd.s32 @!p0 $0x100000, s0  }
0x35a: {  	[sflag:s0] =	ssyncadd.tile.s32 @!p0 $0x1;
	_ =	shalt  }
.Lfunc_end2:
_tile_overlayer_lowered:
.L_overlay_start_2:
0x35b: {  	(tag) =	ssettag $0x2  }
0x35c: {  	s0 =	rddreg [dreg:$0x0];
	s2 =	stileid.u32  }
0x35d: {  	s1 =	rddreg [dreg:$0x1];
	p0 =	sne.s32 s2, $0x0  }
0x35e: {  	s3 =	rddreg [dreg:$0x2];
	[bflag:$0x3] =	sbarrier.arrive $0xFFFF;
	s2 =	simm.s32 @!p0 $0x1C02  }
0x35f: {  	[timem:s3], [sflag:s2] =	dma.local @!p0 [hbm:s0], s1  }
0x360: {  	s0 =	simm.s32 @!p0 $0x2  }
0x361: {  	_ =	swait.ge @!p0 [sflag:s0], s1  }
0x362: {  	s1 =	ssub.s32 @!p0 $0x0, s1;
	[sflag:s0] =	ssyncset.done @!p0 $0x0  }
0x363: {  	[sflag:s0] =	ssyncadd.s32 @!p0 s1  }
0x364: {  	[bflag:$0x3] =	sbarrier.arrive $0xFFFF  }
0x365: {  	_ =	shalt  }

</sc_bundles>
